<compile_context>
chip_gen: v7x
topology: tpu7x:2x2x1
jax: 0.10.2.dev20260603
libtpu: 0.0.44.dev20260713+nightly
codegen_flags: <defaults>
</compile_context>

<pallas_src>
import functools

import jax
import jax.numpy as jnp
from jax import lax
from jax.experimental import pallas as pl
from jax.experimental.pallas import tpu as pltpu
from jax.experimental.pallas import tpu_sc as plsc

NC = 2
NS = 16
NW = NC * NS
LANES = 16

SEQ = 200
EMB = 64
BCOL = 128
SB = 2
NSS = SEQ // SB


@jax.jit
def _fused_embed(xT, table, pe200):
    mesh = plsc.VectorSubcoreMesh(core_axis_name="c", subcore_axis_name="s")

    @functools.partial(
        pl.kernel,
        out_type=jax.ShapeDtypeStruct((SEQ, 8, NW, 8, BCOL), jnp.float32),
        mesh=mesh,
        scratch_types=[
            pltpu.VMEM((SEQ * BCOL,), jnp.int32),
            pltpu.VMEM((SEQ, EMB), jnp.float32),
            pltpu.VMEM((2, SB * BCOL, EMB), jnp.float32),
            pltpu.VMEM((2, SB, 8, 8, BCOL + 1), jnp.float32),
            pltpu.SemaphoreType.DMA,
            pltpu.SemaphoreType.DMA,
            pltpu.SemaphoreType.DMA,
            pltpu.SemaphoreType.DMA,
        ],
        compiler_params=pltpu.CompilerParams(
            needs_layout_passes=False, use_tc_tiling_on_sc=False),
    )
    def body(xr_hbm, tab_hbm, pe_hbm, out_hbm,
             idx_v, pe_v, rows_v, tout_v,
             gsem0, gsem1, wsem0, wsem1):
        wid = lax.axis_index("s") * NC + lax.axis_index("c")
        iota = lax.iota(jnp.int32, LANES)

        pltpu.sync_copy(xr_hbm.at[wid], idx_v)
        pltpu.sync_copy(pe_hbm, pe_v)

        gsems = (gsem0, gsem1)
        wsems = (wsem0, wsem1)

        def idx_slice(k):
            return idx_v.at[pl.ds(k * (SB * BCOL), SB * BCOL)]

        def out_slice(k):
            return out_hbm.at[
                pl.ds(k * SB, SB), slice(None), wid, slice(None), slice(None)]

        for p in range(2):
            pltpu.async_copy(tab_hbm.at[idx_slice(p)], rows_v.at[p], gsems[p])

        def do_step(k, q):
            rv, tv = rows_v.at[q], tout_v.at[q]
            gs, ws = gsems[q], wsems[q]
            pltpu.make_async_copy(tab_hbm.at[idx_slice(k)], rv, gs).wait()

            @pl.when(k >= 2)
            def _():
                pltpu.make_async_copy(
                    tv.at[slice(None), slice(None), slice(None), pl.ds(0, BCOL)],
                    out_slice(k - 2), ws).wait()

            for sl in range(SB):
                s = k * SB + sl
                rvs, tvs = rv.at[pl.ds(sl * BCOL, BCOL)], tv.at[sl]
                pec = [pe_v[s, pl.ds(c * LANES, LANES)] for c in range(4)]

                @plsc.parallel_loop(0, BCOL, unroll=16)
                def _(b):
                    bspl = jnp.full((LANES,), b, jnp.int32)
                    for c in range(4):
                        d16 = (c * LANES) + iota
                        vals = rvs[b, pl.ds(c * LANES, LANES)] + pec[c]
                        plsc.store_scatter(tvs, [d16 // 8, d16 % 8, bspl], vals)

            @pl.when(k + 2 < NSS)
            def _():
                pltpu.async_copy(tab_hbm.at[idx_slice(k + 2)], rv, gs)

            pltpu.async_copy(
                tv.at[slice(None), slice(None), slice(None), pl.ds(0, BCOL)],
                out_slice(k), ws)

        def step(i, carry):
            for q in range(2):
                do_step(i * 2 + q, q)
            return carry

        lax.fori_loop(0, NSS // 2, step, 0)
        for p in range(2):
            pltpu.make_async_copy(
                tout_v.at[p, slice(None), slice(None), slice(None), pl.ds(0, BCOL)],
                out_slice(NSS - 2 + p), wsems[p]).wait()

    return body(xT, table, pe200)


def kernel(x, table, pe):
    batch, seq = x.shape
    emb_dim = table.shape[1]
    xr = x.reshape(NW, BCOL, NSS, SB).transpose(0, 2, 3, 1).reshape(NW, seq * BCOL)
    out5 = _fused_embed(xr, table, pe[:seq])
    r = out5.transpose(0, 1, 3, 2, 4).reshape(seq, emb_dim, batch)
    return r.transpose(2, 0, 1)

# --- scband reference (transcript-rebuilt; emitter-appended) ---
"""Pipeline reference for scband-fused-embedding-8839042695268 (READ-ONLY COPY).

The authoritative reference and input builder live on the scoring server;
editing this copy changes nothing except your own understanding.
"""

import jax, jax.numpy as jnp
import numpy as np
import math

VOCAB = 1000000
EMB_DIM = 64
MAX_SEQ_LEN = 5000
BATCH = 4096
SEQ = 200


def _make_pe(max_seq_len, emb_dim):
    pe = np.zeros((max_seq_len, emb_dim), dtype=np.float32)
    position = np.arange(0, max_seq_len, dtype=np.float32)[:, None]
    div_term = np.exp(np.arange(0, emb_dim, 2).astype(np.float32) * (-math.log(10000.0) / emb_dim))
    pe[:, 0::2] = np.sin(position * div_term)
    pe[:, 1::2] = np.cos(position * div_term)
    return jnp.asarray(pe)


def setup_inputs(seed: int = 0) -> dict:
    key = jax.random.key(seed)
    k1, k2 = jax.random.split(key)
    x = jax.random.randint(k1, (BATCH, SEQ), 0, VOCAB, dtype=jnp.int32)
    table = jax.random.normal(k2, (VOCAB, EMB_DIM), dtype=jnp.float32) * 0.02
    pe = _make_pe(MAX_SEQ_LEN, EMB_DIM)
    return {"x": x, "table": table, "pe": pe}


def reference(x, table, pe):
    # Inference path: embedding lookup + positional encoding add (dropout inactive when not training)
    seq_len = x.shape[1]
    emb = jnp.take(table, x, axis=0)
    emb = emb + pe[:seq_len, :]
    return emb

if __name__ == "__main__":
    import jax
    _d = setup_inputs()
    print(jax.jit(kernel)(*tuple(_d.values())))

</pallas_src>

<mosaic_0001>
#map = affine_map<(d0, d1) -> (0, 0)>
#map1 = affine_map<(d0, d1) -> (0, 0, 0, 0, 0)>
module attributes {stable_mosaic.version = 14 : i64} {
  func.func @body(%arg0: i32, %arg1: i32, %arg2: memref<32x25600xi32, #tpu.memory_space<hbm>>, %arg3: memref<1000000x64xf32, #tpu.memory_space<hbm>>, %arg4: memref<200x64xf32, #tpu.memory_space<hbm>>, %arg5: memref<200x8x32x8x128xf32, #tpu.memory_space<hbm>>, %arg6: memref<25600xi32, #tpu.memory_space<vmem>>, %arg7: memref<200x64xf32, #tpu.memory_space<vmem>>, %arg8: memref<2x256x64xf32, #tpu.memory_space<vmem>>, %arg9: memref<2x2x8x8x129xf32, #tpu.memory_space<vmem>>, %arg10: memref<!tpu.dma_semaphore, #tpu.memory_space<semaphore_mem>>, %arg11: memref<!tpu.dma_semaphore, #tpu.memory_space<semaphore_mem>>, %arg12: memref<!tpu.dma_semaphore, #tpu.memory_space<semaphore_mem>>, %arg13: memref<!tpu.dma_semaphore, #tpu.memory_space<semaphore_mem>>) attributes {dimension_semantics = [#tpu.dimension_semantics<core_parallel>, #tpu.dimension_semantics<subcore_parallel>], iteration_bounds = array<i64: 2, 16>, scalar_prefetch = 0 : i64, scratch_operands = 8 : i64, tpu.core_type = #tpu.core_type<sc_vector_subcore>, window_params = [{transform_indices = #map}, {transform_indices = #map}, {transform_indices = #map}, {transform_indices = #map1}]} {
    %mul3A = arith.constant 2 : i32
    %mul3A_0 = arith.muli %arg1, %mul3A : i32
    %add3A = arith.addi %mul3A_0, %arg0 : i32
    %iota3A = tpu.iota {dimensions = array<i32: 0>} : vector<16xi32>
    "tpu.region"() ({
      %run_scoped3A = tpu.sem_alloc : memref<!tpu.dma_semaphore, #tpu.memory_space<semaphore_mem>>
      %dma_start3A_74 = arith.constant 0 : i32
      %dma_start3A_75 = tpu.memref_slice %arg2[%add3A, %dma_start3A_74] : memref<32x25600xi32, #tpu.memory_space<hbm>> -> memref<1x25600xi32, #tpu.memory_space<hbm>>
      %dma_start3A_76 = tpu.memref_squeeze %dma_start3A_75 : memref<1x25600xi32, #tpu.memory_space<hbm>> -> memref<25600xi32, #tpu.memory_space<hbm>>
      %dma_start3A_77 = arith.constant 0 : i32
      %dma_start3A_78 = tpu.memref_slice %arg2[%add3A, %dma_start3A_77] : memref<32x25600xi32, #tpu.memory_space<hbm>> -> memref<1x25600xi32, #tpu.memory_space<hbm>>
      %dma_start3A_79 = tpu.memref_squeeze %dma_start3A_78 : memref<1x25600xi32, #tpu.memory_space<hbm>> -> memref<25600xi32, #tpu.memory_space<hbm>>
      tpu.enqueue_dma source(%dma_start3A_79 : memref<25600xi32, #tpu.memory_space<hbm>>) target(%arg6 : memref<25600xi32, #tpu.memory_space<vmem>>) target_semaphore(%run_scoped3A : memref<!tpu.dma_semaphore, #tpu.memory_space<semaphore_mem>>)
      %dma_wait3A_80 = arith.constant 0 : i32
      %dma_wait3A_81 = tpu.memref_slice %arg2[%add3A, %dma_wait3A_80] : memref<32x25600xi32, #tpu.memory_space<hbm>> -> memref<1x25600xi32, #tpu.memory_space<hbm>>
      %dma_wait3A_82 = tpu.memref_squeeze %dma_wait3A_81 : memref<1x25600xi32, #tpu.memory_space<hbm>> -> memref<25600xi32, #tpu.memory_space<hbm>>
      %dma_wait3A_83 = arith.constant 0 : i32
      %dma_wait3A_84 = tpu.memref_slice %arg2[%add3A, %dma_wait3A_83] : memref<32x25600xi32, #tpu.memory_space<hbm>> -> memref<1x25600xi32, #tpu.memory_space<hbm>>
      %dma_wait3A_85 = tpu.memref_squeeze %dma_wait3A_84 : memref<1x25600xi32, #tpu.memory_space<hbm>> -> memref<25600xi32, #tpu.memory_space<hbm>>
      tpu.wait_dma2 semaphore(%run_scoped3A : memref<!tpu.dma_semaphore, #tpu.memory_space<semaphore_mem>>) src(%dma_wait3A_85 : memref<25600xi32, #tpu.memory_space<hbm>>) dst(%arg6 : memref<25600xi32, #tpu.memory_space<vmem>>)
      tpu.yield
    }) : () -> ()
    "tpu.region"() ({
      %run_scoped3A = tpu.sem_alloc : memref<!tpu.dma_semaphore, #tpu.memory_space<semaphore_mem>>
      tpu.enqueue_dma source(%arg4 : memref<200x64xf32, #tpu.memory_space<hbm>>) target(%arg7 : memref<200x64xf32, #tpu.memory_space<vmem>>) target_semaphore(%run_scoped3A : memref<!tpu.dma_semaphore, #tpu.memory_space<semaphore_mem>>)
      tpu.wait_dma2 semaphore(%run_scoped3A : memref<!tpu.dma_semaphore, #tpu.memory_space<semaphore_mem>>) src(%arg4 : memref<200x64xf32, #tpu.memory_space<hbm>>) dst(%arg7 : memref<200x64xf32, #tpu.memory_space<vmem>>)
      tpu.yield
    }) : () -> ()
    %dma_start3A = arith.constant 0 : i32
    %dma_start3A_1 = arith.constant 0 : i32
    %dma_start3A_2 = arith.constant 0 : i32
    %dma_start3A_3 = tpu.memref_slice %arg8[%dma_start3A, %dma_start3A_1, %dma_start3A_2] : memref<2x256x64xf32, #tpu.memory_space<vmem>> -> memref<1x256x64xf32, #tpu.memory_space<vmem>>
    %dma_start3A_4 = tpu.memref_squeeze %dma_start3A_3 : memref<1x256x64xf32, #tpu.memory_space<vmem>> -> memref<256x64xf32, #tpu.memory_space<vmem>>
    %dma_start3A_5 = arith.constant 0 : i32
    %dma_start3A_6 = tpu.memref_slice %arg6[%dma_start3A_5] : memref<25600xi32, #tpu.memory_space<vmem>> -> memref<256xi32, #tpu.memory_space<vmem>>
    %dma_start3A_7 = arith.constant 0 : i32
    %dma_start3A_8 = arith.constant 0 : i32
    %dma_start3A_9 = tpu.memref_slice %arg3[%dma_start3A_7, %dma_start3A_8] : memref<1000000x64xf32, #tpu.memory_space<hbm>> -> memref<1000000x64xf32, #tpu.memory_space<hbm>>
    tpu.enqueue_indirect_dma source(%dma_start3A_9 : memref<1000000x64xf32, #tpu.memory_space<hbm>>) target(%dma_start3A_4 : memref<256x64xf32, #tpu.memory_space<vmem>>) offsets(%dma_start3A_6 : memref<256xi32, #tpu.memory_space<vmem>>) semaphore(%arg10 : memref<!tpu.dma_semaphore, #tpu.memory_space<semaphore_mem>>)
    %dma_start3A_10 = arith.constant 1 : i32
    %dma_start3A_11 = arith.constant 0 : i32
    %dma_start3A_12 = arith.constant 0 : i32
    %dma_start3A_13 = tpu.memref_slice %arg8[%dma_start3A_10, %dma_start3A_11, %dma_start3A_12] : memref<2x256x64xf32, #tpu.memory_space<vmem>> -> memref<1x256x64xf32, #tpu.memory_space<vmem>>
    %dma_start3A_14 = tpu.memref_squeeze %dma_start3A_13 : memref<1x256x64xf32, #tpu.memory_space<vmem>> -> memref<256x64xf32, #tpu.memory_space<vmem>>
    %dma_start3A_15 = arith.constant 256 : i32
    %dma_start3A_16 = tpu.memref_slice %arg6[%dma_start3A_15] : memref<25600xi32, #tpu.memory_space<vmem>> -> memref<256xi32, #tpu.memory_space<vmem>>
    %dma_start3A_17 = arith.constant 0 : i32
    %dma_start3A_18 = arith.constant 0 : i32
    %dma_start3A_19 = tpu.memref_slice %arg3[%dma_start3A_17, %dma_start3A_18] : memref<1000000x64xf32, #tpu.memory_space<hbm>> -> memref<1000000x64xf32, #tpu.memory_space<hbm>>
    tpu.enqueue_indirect_dma source(%dma_start3A_19 : memref<1000000x64xf32, #tpu.memory_space<hbm>>) target(%dma_start3A_14 : memref<256x64xf32, #tpu.memory_space<vmem>>) offsets(%dma_start3A_16 : memref<256xi32, #tpu.memory_space<vmem>>) semaphore(%arg11 : memref<!tpu.dma_semaphore, #tpu.memory_space<semaphore_mem>>)
    %scan3A = arith.constant 0 : i32
    %scan3A_20 = arith.constant 0 : i32
    %scan3A_21 = arith.constant 50 : i32
    %scan3A_22 = arith.addi %scan3A_20, %scan3A_21 : i32
    %scan3A_23 = arith.constant 1 : i32
    scf.for %scan3A_74 = %scan3A_20 to %scan3A_22 step %scan3A_23  : i32 {
      %mul3A_75 = arith.constant 2 : i32
      %mul3A_76 = arith.muli %scan3A_74, %mul3A_75 : i32
      %add3A_77 = arith.constant 0 : i32
      %add3A_78 = arith.addi %mul3A_76, %add3A_77 : i32
      %mul3A_79 = arith.constant 256 : i32
      %mul3A_80 = arith.muli %add3A_78, %mul3A_79 : i32
      %dma_wait3A_81 = arith.constant 0 : i32
      %dma_wait3A_82 = arith.constant 0 : i32
      %dma_wait3A_83 = arith.constant 0 : i32
      %dma_wait3A_84 = tpu.memref_slice %arg8[%dma_wait3A_81, %dma_wait3A_82, %dma_wait3A_83] : memref<2x256x64xf32, #tpu.memory_space<vmem>> -> memref<1x256x64xf32, #tpu.memory_space<vmem>>
      %dma_wait3A_85 = tpu.memref_squeeze %dma_wait3A_84 : memref<1x256x64xf32, #tpu.memory_space<vmem>> -> memref<256x64xf32, #tpu.memory_space<vmem>>
      %dma_wait3A_86 = tpu.memref_slice %arg6[%mul3A_80] : memref<25600xi32, #tpu.memory_space<vmem>> -> memref<256xi32, #tpu.memory_space<vmem>>
      %dma_wait3A_87 = arith.constant 0 : i32
      %dma_wait3A_88 = arith.constant 0 : i32
      %dma_wait3A_89 = tpu.memref_slice %arg3[%dma_wait3A_87, %dma_wait3A_88] : memref<1000000x64xf32, #tpu.memory_space<hbm>> -> memref<1000000x64xf32, #tpu.memory_space<hbm>>
      tpu.wait_indirect_dma semaphore(%arg10 : memref<!tpu.dma_semaphore, #tpu.memory_space<semaphore_mem>>) src(%dma_wait3A_89 : memref<1000000x64xf32, #tpu.memory_space<hbm>>) dst(%dma_wait3A_85 : memref<256x64xf32, #tpu.memory_space<vmem>>)
      %ge3A = arith.constant 2 : i32
      %ge3A_90 = arith.cmpi sge, %add3A_78, %ge3A : i32
      %convert_element_type3A = arith.extui %ge3A_90 : i1 to i32
      %cond3A = arith.constant 0 : i32
      %cond3A_91 = arith.constant 0 : i32
      %cond3A_92 = arith.cmpi ne, %convert_element_type3A, %cond3A_91 : i32
      scf.if %cond3A_92 {
        %sub3A = arith.constant 2 : i32
        %sub3A_285 = arith.subi %add3A_78, %sub3A : i32
        %mul3A_286 = arith.constant 2 : i32
        %mul3A_287 = arith.muli %sub3A_285, %mul3A_286 : i32
        %dma_wait3A_288 = arith.constant 0 : i32
        %dma_wait3A_289 = arith.constant 0 : i32
        %dma_wait3A_290 = arith.constant 0 : i32
        %dma_wait3A_291 = arith.constant 0 : i32
        %dma_wait3A_292 = tpu.memref_slice %arg9[%cond3A, %dma_wait3A_288, %dma_wait3A_289, %dma_wait3A_290, %dma_wait3A_291] : memref<2x2x8x8x129xf32, #tpu.memory_space<vmem>> -> memref<1x2x8x8x129xf32, #tpu.memory_space<vmem>>
        %dma_wait3A_293 = tpu.memref_squeeze %dma_wait3A_292 : memref<1x2x8x8x129xf32, #tpu.memory_space<vmem>> -> memref<2x8x8x129xf32, #tpu.memory_space<vmem>>
        %dma_wait3A_294 = arith.constant 0 : i32
        %dma_wait3A_295 = arith.constant 0 : i32
        %dma_wait3A_296 = arith.constant 0 : i32
        %dma_wait3A_297 = arith.constant 0 : i32
        %dma_wait3A_298 = tpu.memref_slice %dma_wait3A_293[%dma_wait3A_294, %dma_wait3A_295, %dma_wait3A_296, %dma_wait3A_297] : memref<2x8x8x129xf32, #tpu.memory_space<vmem>> -> memref<2x8x8x128xf32, #tpu.memory_space<vmem>>
        %dma_wait3A_299 = arith.constant 0 : i32
        %dma_wait3A_300 = arith.constant 0 : i32
        %dma_wait3A_301 = arith.constant 0 : i32
        %dma_wait3A_302 = tpu.memref_slice %arg5[%mul3A_287, %dma_wait3A_299, %add3A, %dma_wait3A_300, %dma_wait3A_301] : memref<200x8x32x8x128xf32, #tpu.memory_space<hbm>> -> memref<2x8x1x8x128xf32, #tpu.memory_space<hbm>>
        %dma_wait3A_303 = tpu.memref_squeeze %dma_wait3A_302 : memref<2x8x1x8x128xf32, #tpu.memory_space<hbm>> -> memref<2x8x8x128xf32, #tpu.memory_space<hbm>>
        %dma_wait3A_304 = arith.constant 0 : i32
        %dma_wait3A_305 = arith.constant 0 : i32
        %dma_wait3A_306 = arith.constant 0 : i32
        %dma_wait3A_307 = tpu.memref_slice %arg5[%mul3A_287, %dma_wait3A_304, %add3A, %dma_wait3A_305, %dma_wait3A_306] : memref<200x8x32x8x128xf32, #tpu.memory_space<hbm>> -> memref<2x8x1x8x128xf32, #tpu.memory_space<hbm>>
        %dma_wait3A_308 = tpu.memref_squeeze %dma_wait3A_307 : memref<2x8x1x8x128xf32, #tpu.memory_space<hbm>> -> memref<2x8x8x128xf32, #tpu.memory_space<hbm>>
        %dma_wait3A_309 = arith.constant 0 : i32
        %dma_wait3A_310 = arith.constant 0 : i32
        %dma_wait3A_311 = arith.constant 0 : i32
        %dma_wait3A_312 = arith.constant 0 : i32
        %dma_wait3A_313 = tpu.memref_slice %arg9[%cond3A, %dma_wait3A_309, %dma_wait3A_310, %dma_wait3A_311, %dma_wait3A_312] : memref<2x2x8x8x129xf32, #tpu.memory_space<vmem>> -> memref<1x2x8x8x129xf32, #tpu.memory_space<vmem>>
        %dma_wait3A_314 = tpu.memref_squeeze %dma_wait3A_313 : memref<1x2x8x8x129xf32, #tpu.memory_space<vmem>> -> memref<2x8x8x129xf32, #tpu.memory_space<vmem>>
        %dma_wait3A_315 = arith.constant 0 : i32
        %dma_wait3A_316 = arith.constant 0 : i32
        %dma_wait3A_317 = arith.constant 0 : i32
        %dma_wait3A_318 = arith.constant 0 : i32
        %dma_wait3A_319 = tpu.memref_slice %dma_wait3A_314[%dma_wait3A_315, %dma_wait3A_316, %dma_wait3A_317, %dma_wait3A_318] : memref<2x8x8x129xf32, #tpu.memory_space<vmem>> -> memref<2x8x8x128xf32, #tpu.memory_space<vmem>>
        tpu.wait_dma2 semaphore(%arg12 : memref<!tpu.dma_semaphore, #tpu.memory_space<semaphore_mem>>) src(%dma_wait3A_319 : memref<2x8x8x128xf32, #tpu.memory_space<vmem>>) dst(%dma_wait3A_308 : memref<2x8x8x128xf32, #tpu.memory_space<hbm>>)
      } else {
      }
      %mul3A_93 = arith.constant 2 : i32
      %mul3A_94 = arith.muli %add3A_78, %mul3A_93 : i32
      %add3A_95 = arith.constant 0 : i32
      %add3A_96 = arith.addi %mul3A_94, %add3A_95 : i32
      %get3A = arith.index_cast %add3A_96 : i32 to index
      %get3A_97 = arith.constant 0 : index
      %get3A_98 = tpu.vector_load %arg7[%get3A, %get3A_97] {strides = array<i32>} : memref<200x64xf32, #tpu.memory_space<vmem>>, vector<16xf32>,
      %get3A_99 = arith.index_cast %add3A_96 : i32 to index
      %get3A_100 = arith.constant 16 : index
      %get3A_101 = tpu.vector_load %arg7[%get3A_99, %get3A_100] {strides = array<i32>} : memref<200x64xf32, #tpu.memory_space<vmem>>, vector<16xf32>,
      %get3A_102 = arith.index_cast %add3A_96 : i32 to index
      %get3A_103 = arith.constant 32 : index
      %get3A_104 = tpu.vector_load %arg7[%get3A_102, %get3A_103] {strides = array<i32>} : memref<200x64xf32, #tpu.memory_space<vmem>>, vector<16xf32>,
      %get3A_105 = arith.index_cast %add3A_96 : i32 to index
      %get3A_106 = arith.constant 48 : index
      %get3A_107 = tpu.vector_load %arg7[%get3A_105, %get3A_106] {strides = array<i32>} : memref<200x64xf32, #tpu.memory_space<vmem>>, vector<16xf32>,
      %parallel_loop3A = arith.constant 0 : i32
      %parallel_loop3A_108 = arith.constant 128 : i32
      %parallel_loop3A_109 = arith.constant 1 : i32
      %parallel_loop3A_110 = arith.constant 0 : i32
      %parallel_loop3A_111 = arith.constant 0 : i32
      %parallel_loop3A_112 = arith.constant 0 : i32
      scf.for %parallel_loop3A_285 = %parallel_loop3A to %parallel_loop3A_108 step %parallel_loop3A_109  : i32 {
        %parallel_loop3A_286 = vector.broadcast %parallel_loop3A_285 : i32 to vector<16xi32>
        %parallel_loop3A_287 = arith.constant 0 : i32
        %parallel_loop3A_288 = vector.broadcast %parallel_loop3A_287 : i32 to vector<16xi32>
        %parallel_loop3A_289 = arith.addi %parallel_loop3A_288, %iota3A : vector<16xi32>
        %parallel_loop3A_290 = arith.constant 0 : i32
        %parallel_loop3A_291 = arith.constant 0 : i32
        %parallel_loop3A_292 = tpu.memref_slice %arg8[%parallel_loop3A_110, %parallel_loop3A_290, %parallel_loop3A_291] : memref<2x256x64xf32, #tpu.memory_space<vmem>> -> memref<1x256x64xf32, #tpu.memory_space<vmem>>
        %parallel_loop3A_293 = tpu.memref_squeeze %parallel_loop3A_292 : memref<1x256x64xf32, #tpu.memory_space<vmem>> -> memref<256x64xf32, #tpu.memory_space<vmem>>
        %parallel_loop3A_294 = arith.constant 0 : i32
        %parallel_loop3A_295 = arith.constant 0 : i32
        %parallel_loop3A_296 = tpu.memref_slice %parallel_loop3A_293[%parallel_loop3A_294, %parallel_loop3A_295] : memref<256x64xf32, #tpu.memory_space<vmem>> -> memref<128x64xf32, #tpu.memory_space<vmem>>
        %parallel_loop3A_297 = arith.index_cast %parallel_loop3A_285 : i32 to index
        %parallel_loop3A_298 = arith.constant 0 : index
        %parallel_loop3A_299 = tpu.vector_load %parallel_loop3A_296[%parallel_loop3A_297, %parallel_loop3A_298] {strides = array<i32>} : memref<128x64xf32, #tpu.memory_space<vmem>>, vector<16xf32>,
        %parallel_loop3A_300 = arith.addf %parallel_loop3A_299, %get3A_98 : vector<16xf32>
        %parallel_loop3A_301 = arith.constant 8 : i32
        %parallel_loop3A_302 = vector.broadcast %parallel_loop3A_301 : i32 to vector<16xi32>
        %parallel_loop3A_303 = arith.divsi %parallel_loop3A_289, %parallel_loop3A_302 : vector<16xi32>
        %parallel_loop3A_304 = arith.constant 0 : i32
        %parallel_loop3A_305 = vector.broadcast %parallel_loop3A_304 : i32 to vector<16xi32>
        %parallel_loop3A_306 = arith.cmpi sgt, %parallel_loop3A_289, %parallel_loop3A_305 : vector<16xi32>
        %parallel_loop3A_307 = arith.extui %parallel_loop3A_306 : vector<16xi1> to vector<16xi32>
        %parallel_loop3A_308 = arith.constant 0 : i32
        %parallel_loop3A_309 = vector.broadcast %parallel_loop3A_308 : i32 to vector<16xi32>
        %parallel_loop3A_310 = arith.cmpi slt, %parallel_loop3A_289, %parallel_loop3A_309 : vector<16xi32>
        %parallel_loop3A_311 = arith.extui %parallel_loop3A_310 : vector<16xi1> to vector<16xi32>
        %parallel_loop3A_312 = arith.subi %parallel_loop3A_307, %parallel_loop3A_311 : vector<16xi32>
        %parallel_loop3A_313 = arith.constant 0 : i32
        %parallel_loop3A_314 = arith.cmpi sgt, %parallel_loop3A_301, %parallel_loop3A_313 : i32
        %parallel_loop3A_315 = arith.extui %parallel_loop3A_314 : i1 to i32
        %parallel_loop3A_316 = arith.constant 0 : i32
        %parallel_loop3A_317 = arith.cmpi slt, %parallel_loop3A_301, %parallel_loop3A_316 : i32
        %parallel_loop3A_318 = arith.extui %parallel_loop3A_317 : i1 to i32
        %parallel_loop3A_319 = arith.subi %parallel_loop3A_315, %parallel_loop3A_318 : i32
        %parallel_loop3A_320 = vector.broadcast %parallel_loop3A_319 : i32 to vector<16xi32>
        %parallel_loop3A_321 = arith.cmpi ne, %parallel_loop3A_312, %parallel_loop3A_320 : vector<16xi32>
        %parallel_loop3A_322 = vector.broadcast %parallel_loop3A_301 : i32 to vector<16xi32>
        %parallel_loop3A_323 = arith.remsi %parallel_loop3A_289, %parallel_loop3A_322 : vector<16xi32>
        %parallel_loop3A_324 = arith.constant 0 : i32
        %parallel_loop3A_325 = vector.broadcast %parallel_loop3A_324 : i32 to vector<16xi32>
        %parallel_loop3A_326 = arith.cmpi ne, %parallel_loop3A_323, %parallel_loop3A_325 : vector<16xi32>
        %parallel_loop3A_327 = arith.andi %parallel_loop3A_321, %parallel_loop3A_326 : vector<16xi1>
        %parallel_loop3A_328 = arith.constant 1 : i32
        %parallel_loop3A_329 = vector.broadcast %parallel_loop3A_328 : i32 to vector<16xi32>
        %parallel_loop3A_330 = arith.subi %parallel_loop3A_303, %parallel_loop3A_329 : vector<16xi32>
        %parallel_loop3A_331 = arith.select %parallel_loop3A_327, %parallel_loop3A_330, %parallel_loop3A_303 : vector<16xi1>, vector<16xi32>
        %parallel_loop3A_332 = arith.constant 8 : i32
        %parallel_loop3A_333 = arith.constant 0 : i32
        %parallel_loop3A_334 = arith.cmpi eq, %parallel_loop3A_332, %parallel_loop3A_333 : i32
        %parallel_loop3A_335 = arith.constant 1 : i32
        %parallel_loop3A_336 = arith.select %parallel_loop3A_334, %parallel_loop3A_335, %parallel_loop3A_332 : i32
        %parallel_loop3A_337 = vector.broadcast %parallel_loop3A_336 : i32 to vector<16xi32>
        %parallel_loop3A_338 = arith.remsi %parallel_loop3A_289, %parallel_loop3A_337 : vector<16xi32>
        %parallel_loop3A_339 = arith.constant 0 : i32
        %parallel_loop3A_340 = vector.broadcast %parallel_loop3A_339 : i32 to vector<16xi32>
        %parallel_loop3A_341 = arith.cmpi ne, %parallel_loop3A_338, %parallel_loop3A_340 : vector<16xi32>
        %parallel_loop3A_342 = arith.constant 0 : i32
        %parallel_loop3A_343 = vector.broadcast %parallel_loop3A_342 : i32 to vector<16xi32>
        %parallel_loop3A_344 = arith.cmpi slt, %parallel_loop3A_338, %parallel_loop3A_343 : vector<16xi32>
        %parallel_loop3A_345 = arith.constant 0 : i32
        %parallel_loop3A_346 = arith.cmpi slt, %parallel_loop3A_336, %parallel_loop3A_345 : i32
        %parallel_loop3A_347 = vector.broadcast %parallel_loop3A_346 : i1 to vector<16xi1>
        %parallel_loop3A_348 = vector.broadcast %parallel_loop3A_347 : vector<16xi1> to vector<16xi1>
        %parallel_loop3A_349 = arith.xori %parallel_loop3A_344, %parallel_loop3A_348 : vector<16xi1>
        %parallel_loop3A_350 = arith.andi %parallel_loop3A_349, %parallel_loop3A_341 : vector<16xi1>
        %parallel_loop3A_351 = vector.broadcast %parallel_loop3A_336 : i32 to vector<16xi32>
        %parallel_loop3A_352 = arith.addi %parallel_loop3A_338, %parallel_loop3A_351 : vector<16xi32>
        %parallel_loop3A_353 = arith.select %parallel_loop3A_350, %parallel_loop3A_352, %parallel_loop3A_338 : vector<16xi1>, vector<16xi32>
        %parallel_loop3A_354 = arith.constant 0 : i32
        %parallel_loop3A_355 = arith.constant 0 : i32
        %parallel_loop3A_356 = arith.constant 0 : i32
        %parallel_loop3A_357 = arith.constant 0 : i32
        %parallel_loop3A_358 = tpu.memref_slice %arg9[%parallel_loop3A_111, %parallel_loop3A_354, %parallel_loop3A_355, %parallel_loop3A_356, %parallel_loop3A_357] : memref<2x2x8x8x129xf32, #tpu.memory_space<vmem>> -> memref<1x2x8x8x129xf32, #tpu.memory_space<vmem>>
        %parallel_loop3A_359 = tpu.memref_squeeze %parallel_loop3A_358 : memref<1x2x8x8x129xf32, #tpu.memory_space<vmem>> -> memref<2x8x8x129xf32, #tpu.memory_space<vmem>>
        %parallel_loop3A_360 = arith.constant 0 : i32
        %parallel_loop3A_361 = arith.constant 0 : i32
        %parallel_loop3A_362 = arith.constant 0 : i32
        %parallel_loop3A_363 = tpu.memref_slice %parallel_loop3A_359[%parallel_loop3A_112, %parallel_loop3A_360, %parallel_loop3A_361, %parallel_loop3A_362] : memref<2x8x8x129xf32, #tpu.memory_space<vmem>> -> memref<1x8x8x129xf32, #tpu.memory_space<vmem>>
        %parallel_loop3A_364 = tpu.memref_squeeze %parallel_loop3A_363 : memref<1x8x8x129xf32, #tpu.memory_space<vmem>> -> memref<8x8x129xf32, #tpu.memory_space<vmem>>
        tpu.vector_store_idx %parallel_loop3A_364[%parallel_loop3A_331, %parallel_loop3A_353, %parallel_loop3A_286], %parallel_loop3A_300 : memref<8x8x129xf32, #tpu.memory_space<vmem>>[vector<16xi32>, vector<16xi32>, vector<16xi32>], vector<16xf32>,
        %parallel_loop3A_365 = arith.constant 16 : i32
        %parallel_loop3A_366 = vector.broadcast %parallel_loop3A_365 : i32 to vector<16xi32>
        %parallel_loop3A_367 = arith.addi %parallel_loop3A_366, %iota3A : vector<16xi32>
        %parallel_loop3A_368 = arith.constant 0 : i32
        %parallel_loop3A_369 = arith.constant 0 : i32
        %parallel_loop3A_370 = tpu.memref_slice %arg8[%parallel_loop3A_110, %parallel_loop3A_368, %parallel_loop3A_369] : memref<2x256x64xf32, #tpu.memory_space<vmem>> -> memref<1x256x64xf32, #tpu.memory_space<vmem>>
        %parallel_loop3A_371 = tpu.memref_squeeze %parallel_loop3A_370 : memref<1x256x64xf32, #tpu.memory_space<vmem>> -> memref<256x64xf32, #tpu.memory_space<vmem>>
        %parallel_loop3A_372 = arith.constant 0 : i32
        %parallel_loop3A_373 = arith.constant 0 : i32
        %parallel_loop3A_374 = tpu.memref_slice %parallel_loop3A_371[%parallel_loop3A_372, %parallel_loop3A_373] : memref<256x64xf32, #tpu.memory_space<vmem>> -> memref<128x64xf32, #tpu.memory_space<vmem>>
        %parallel_loop3A_375 = arith.index_cast %parallel_loop3A_285 : i32 to index
        %parallel_loop3A_376 = arith.constant 16 : index
        %parallel_loop3A_377 = tpu.vector_load %parallel_loop3A_374[%parallel_loop3A_375, %parallel_loop3A_376] {strides = array<i32>} : memref<128x64xf32, #tpu.memory_space<vmem>>, vector<16xf32>,
        %parallel_loop3A_378 = arith.addf %parallel_loop3A_377, %get3A_101 : vector<16xf32>
        %parallel_loop3A_379 = arith.constant 8 : i32
        %parallel_loop3A_380 = vector.broadcast %parallel_loop3A_379 : i32 to vector<16xi32>
        %parallel_loop3A_381 = arith.divsi %parallel_loop3A_367, %parallel_loop3A_380 : vector<16xi32>
        %parallel_loop3A_382 = arith.constant 0 : i32
        %parallel_loop3A_383 = vector.broadcast %parallel_loop3A_382 : i32 to vector<16xi32>
        %parallel_loop3A_384 = arith.cmpi sgt, %parallel_loop3A_367, %parallel_loop3A_383 : vector<16xi32>
        %parallel_loop3A_385 = arith.extui %parallel_loop3A_384 : vector<16xi1> to vector<16xi32>
        %parallel_loop3A_386 = arith.constant 0 : i32
        %parallel_loop3A_387 = vector.broadcast %parallel_loop3A_386 : i32 to vector<16xi32>
        %parallel_loop3A_388 = arith.cmpi slt, %parallel_loop3A_367, %parallel_loop3A_387 : vector<16xi32>
        %parallel_loop3A_389 = arith.extui %parallel_loop3A_388 : vector<16xi1> to vector<16xi32>
        %parallel_loop3A_390 = arith.subi %parallel_loop3A_385, %parallel_loop3A_389 : vector<16xi32>
        %parallel_loop3A_391 = arith.constant 0 : i32
        %parallel_loop3A_392 = arith.cmpi sgt, %parallel_loop3A_379, %parallel_loop3A_391 : i32
        %parallel_loop3A_393 = arith.extui %parallel_loop3A_392 : i1 to i32
        %parallel_loop3A_394 = arith.constant 0 : i32
        %parallel_loop3A_395 = arith.cmpi slt, %parallel_loop3A_379, %parallel_loop3A_394 : i32
        %parallel_loop3A_396 = arith.extui %parallel_loop3A_395 : i1 to i32
        %parallel_loop3A_397 = arith.subi %parallel_loop3A_393, %parallel_loop3A_396 : i32
        %parallel_loop3A_398 = vector.broadcast %parallel_loop3A_397 : i32 to vector<16xi32>
        %parallel_loop3A_399 = arith.cmpi ne, %parallel_loop3A_390, %parallel_loop3A_398 : vector<16xi32>
        %parallel_loop3A_400 = vector.broadcast %parallel_loop3A_379 : i32 to vector<16xi32>
        %parallel_loop3A_401 = arith.remsi %parallel_loop3A_367, %parallel_loop3A_400 : vector<16xi32>
        %parallel_loop3A_402 = arith.constant 0 : i32
        %parallel_loop3A_403 = vector.broadcast %parallel_loop3A_402 : i32 to vector<16xi32>
        %parallel_loop3A_404 = arith.cmpi ne, %parallel_loop3A_401, %parallel_loop3A_403 : vector<16xi32>
        %parallel_loop3A_405 = arith.andi %parallel_loop3A_399, %parallel_loop3A_404 : vector<16xi1>
        %parallel_loop3A_406 = arith.constant 1 : i32
        %parallel_loop3A_407 = vector.broadcast %parallel_loop3A_406 : i32 to vector<16xi32>
        %parallel_loop3A_408 = arith.subi %parallel_loop3A_381, %parallel_loop3A_407 : vector<16xi32>
        %parallel_loop3A_409 = arith.select %parallel_loop3A_405, %parallel_loop3A_408, %parallel_loop3A_381 : vector<16xi1>, vector<16xi32>
        %parallel_loop3A_410 = arith.constant 8 : i32
        %parallel_loop3A_411 = arith.constant 0 : i32
        %parallel_loop3A_412 = arith.cmpi eq, %parallel_loop3A_410, %parallel_loop3A_411 : i32
        %parallel_loop3A_413 = arith.constant 1 : i32
        %parallel_loop3A_414 = arith.select %parallel_loop3A_412, %parallel_loop3A_413, %parallel_loop3A_410 : i32
        %parallel_loop3A_415 = vector.broadcast %parallel_loop3A_414 : i32 to vector<16xi32>
        %parallel_loop3A_416 = arith.remsi %parallel_loop3A_367, %parallel_loop3A_415 : vector<16xi32>
        %parallel_loop3A_417 = arith.constant 0 : i32
        %parallel_loop3A_418 = vector.broadcast %parallel_loop3A_417 : i32 to vector<16xi32>
        %parallel_loop3A_419 = arith.cmpi ne, %parallel_loop3A_416, %parallel_loop3A_418 : vector<16xi32>
        %parallel_loop3A_420 = arith.constant 0 : i32
        %parallel_loop3A_421 = vector.broadcast %parallel_loop3A_420 : i32 to vector<16xi32>
        %parallel_loop3A_422 = arith.cmpi slt, %parallel_loop3A_416, %parallel_loop3A_421 : vector<16xi32>
        %parallel_loop3A_423 = arith.constant 0 : i32
        %parallel_loop3A_424 = arith.cmpi slt, %parallel_loop3A_414, %parallel_loop3A_423 : i32
        %parallel_loop3A_425 = vector.broadcast %parallel_loop3A_424 : i1 to vector<16xi1>
        %parallel_loop3A_426 = vector.broadcast %parallel_loop3A_425 : vector<16xi1> to vector<16xi1>
        %parallel_loop3A_427 = arith.xori %parallel_loop3A_422, %parallel_loop3A_426 : vector<16xi1>
        %parallel_loop3A_428 = arith.andi %parallel_loop3A_427, %parallel_loop3A_419 : vector<16xi1>
        %parallel_loop3A_429 = vector.broadcast %parallel_loop3A_414 : i32 to vector<16xi32>
        %parallel_loop3A_430 = arith.addi %parallel_loop3A_416, %parallel_loop3A_429 : vector<16xi32>
        %parallel_loop3A_431 = arith.select %parallel_loop3A_428, %parallel_loop3A_430, %parallel_loop3A_416 : vector<16xi1>, vector<16xi32>
        %parallel_loop3A_432 = arith.constant 0 : i32
        %parallel_loop3A_433 = arith.constant 0 : i32
        %parallel_loop3A_434 = arith.constant 0 : i32
        %parallel_loop3A_435 = arith.constant 0 : i32
        %parallel_loop3A_436 = tpu.memref_slice %arg9[%parallel_loop3A_111, %parallel_loop3A_432, %parallel_loop3A_433, %parallel_loop3A_434, %parallel_loop3A_435] : memref<2x2x8x8x129xf32, #tpu.memory_space<vmem>> -> memref<1x2x8x8x129xf32, #tpu.memory_space<vmem>>
        %parallel_loop3A_437 = tpu.memref_squeeze %parallel_loop3A_436 : memref<1x2x8x8x129xf32, #tpu.memory_space<vmem>> -> memref<2x8x8x129xf32, #tpu.memory_space<vmem>>
        %parallel_loop3A_438 = arith.constant 0 : i32
        %parallel_loop3A_439 = arith.constant 0 : i32
        %parallel_loop3A_440 = arith.constant 0 : i32
        %parallel_loop3A_441 = tpu.memref_slice %parallel_loop3A_437[%parallel_loop3A_112, %parallel_loop3A_438, %parallel_loop3A_439, %parallel_loop3A_440] : memref<2x8x8x129xf32, #tpu.memory_space<vmem>> -> memref<1x8x8x129xf32, #tpu.memory_space<vmem>>
        %parallel_loop3A_442 = tpu.memref_squeeze %parallel_loop3A_441 : memref<1x8x8x129xf32, #tpu.memory_space<vmem>> -> memref<8x8x129xf32, #tpu.memory_space<vmem>>
        tpu.vector_store_idx %parallel_loop3A_442[%parallel_loop3A_409, %parallel_loop3A_431, %parallel_loop3A_286], %parallel_loop3A_378 : memref<8x8x129xf32, #tpu.memory_space<vmem>>[vector<16xi32>, vector<16xi32>, vector<16xi32>], vector<16xf32>,
        %parallel_loop3A_443 = arith.constant 32 : i32
        %parallel_loop3A_444 = vector.broadcast %parallel_loop3A_443 : i32 to vector<16xi32>
        %parallel_loop3A_445 = arith.addi %parallel_loop3A_444, %iota3A : vector<16xi32>
        %parallel_loop3A_446 = arith.constant 0 : i32
        %parallel_loop3A_447 = arith.constant 0 : i32
        %parallel_loop3A_448 = tpu.memref_slice %arg8[%parallel_loop3A_110, %parallel_loop3A_446, %parallel_loop3A_447] : memref<2x256x64xf32, #tpu.memory_space<vmem>> -> memref<1x256x64xf32, #tpu.memory_space<vmem>>
        %parallel_loop3A_449 = tpu.memref_squeeze %parallel_loop3A_448 : memref<1x256x64xf32, #tpu.memory_space<vmem>> -> memref<256x64xf32, #tpu.memory_space<vmem>>
        %parallel_loop3A_450 = arith.constant 0 : i32
        %parallel_loop3A_451 = arith.constant 0 : i32
        %parallel_loop3A_452 = tpu.memref_slice %parallel_loop3A_449[%parallel_loop3A_450, %parallel_loop3A_451] : memref<256x64xf32, #tpu.memory_space<vmem>> -> memref<128x64xf32, #tpu.memory_space<vmem>>
        %parallel_loop3A_453 = arith.index_cast %parallel_loop3A_285 : i32 to index
        %parallel_loop3A_454 = arith.constant 32 : index
        %parallel_loop3A_455 = tpu.vector_load %parallel_loop3A_452[%parallel_loop3A_453, %parallel_loop3A_454] {strides = array<i32>} : memref<128x64xf32, #tpu.memory_space<vmem>>, vector<16xf32>,
        %parallel_loop3A_456 = arith.addf %parallel_loop3A_455, %get3A_104 : vector<16xf32>
        %parallel_loop3A_457 = arith.constant 8 : i32
        %parallel_loop3A_458 = vector.broadcast %parallel_loop3A_457 : i32 to vector<16xi32>
        %parallel_loop3A_459 = arith.divsi %parallel_loop3A_445, %parallel_loop3A_458 : vector<16xi32>
        %parallel_loop3A_460 = arith.constant 0 : i32
        %parallel_loop3A_461 = vector.broadcast %parallel_loop3A_460 : i32 to vector<16xi32>
        %parallel_loop3A_462 = arith.cmpi sgt, %parallel_loop3A_445, %parallel_loop3A_461 : vector<16xi32>
        %parallel_loop3A_463 = arith.extui %parallel_loop3A_462 : vector<16xi1> to vector<16xi32>
        %parallel_loop3A_464 = arith.constant 0 : i32
        %parallel_loop3A_465 = vector.broadcast %parallel_loop3A_464 : i32 to vector<16xi32>
        %parallel_loop3A_466 = arith.cmpi slt, %parallel_loop3A_445, %parallel_loop3A_465 : vector<16xi32>
        %parallel_loop3A_467 = arith.extui %parallel_loop3A_466 : vector<16xi1> to vector<16xi32>
        %parallel_loop3A_468 = arith.subi %parallel_loop3A_463, %parallel_loop3A_467 : vector<16xi32>
        %parallel_loop3A_469 = arith.constant 0 : i32
        %parallel_loop3A_470 = arith.cmpi sgt, %parallel_loop3A_457, %parallel_loop3A_469 : i32
        %parallel_loop3A_471 = arith.extui %parallel_loop3A_470 : i1 to i32
        %parallel_loop3A_472 = arith.constant 0 : i32
        %parallel_loop3A_473 = arith.cmpi slt, %parallel_loop3A_457, %parallel_loop3A_472 : i32
        %parallel_loop3A_474 = arith.extui %parallel_loop3A_473 : i1 to i32
        %parallel_loop3A_475 = arith.subi %parallel_loop3A_471, %parallel_loop3A_474 : i32
        %parallel_loop3A_476 = vector.broadcast %parallel_loop3A_475 : i32 to vector<16xi32>
        %parallel_loop3A_477 = arith.cmpi ne, %parallel_loop3A_468, %parallel_loop3A_476 : vector<16xi32>
        %parallel_loop3A_478 = vector.broadcast %parallel_loop3A_457 : i32 to vector<16xi32>
        %parallel_loop3A_479 = arith.remsi %parallel_loop3A_445, %parallel_loop3A_478 : vector<16xi32>
        %parallel_loop3A_480 = arith.constant 0 : i32
        %parallel_loop3A_481 = vector.broadcast %parallel_loop3A_480 : i32 to vector<16xi32>
        %parallel_loop3A_482 = arith.cmpi ne, %parallel_loop3A_479, %parallel_loop3A_481 : vector<16xi32>
        %parallel_loop3A_483 = arith.andi %parallel_loop3A_477, %parallel_loop3A_482 : vector<16xi1>
        %parallel_loop3A_484 = arith.constant 1 : i32
        %parallel_loop3A_485 = vector.broadcast %parallel_loop3A_484 : i32 to vector<16xi32>
        %parallel_loop3A_486 = arith.subi %parallel_loop3A_459, %parallel_loop3A_485 : vector<16xi32>
        %parallel_loop3A_487 = arith.select %parallel_loop3A_483, %parallel_loop3A_486, %parallel_loop3A_459 : vector<16xi1>, vector<16xi32>
        %parallel_loop3A_488 = arith.constant 8 : i32
        %parallel_loop3A_489 = arith.constant 0 : i32
        %parallel_loop3A_490 = arith.cmpi eq, %parallel_loop3A_488, %parallel_loop3A_489 : i32
        %parallel_loop3A_491 = arith.constant 1 : i32
        %parallel_loop3A_492 = arith.select %parallel_loop3A_490, %parallel_loop3A_491, %parallel_loop3A_488 : i32
        %parallel_loop3A_493 = vector.broadcast %parallel_loop3A_492 : i32 to vector<16xi32>
        %parallel_loop3A_494 = arith.remsi %parallel_loop3A_445, %parallel_loop3A_493 : vector<16xi32>
        %parallel_loop3A_495 = arith.constant 0 : i32
        %parallel_loop3A_496 = vector.broadcast %parallel_loop3A_495 : i32 to vector<16xi32>
        %parallel_loop3A_497 = arith.cmpi ne, %parallel_loop3A_494, %parallel_loop3A_496 : vector<16xi32>
        %parallel_loop3A_498 = arith.constant 0 : i32
        %parallel_loop3A_499 = vector.broadcast %parallel_loop3A_498 : i32 to vector<16xi32>
        %parallel_loop3A_500 = arith.cmpi slt, %parallel_loop3A_494, %parallel_loop3A_499 : vector<16xi32>
        %parallel_loop3A_501 = arith.constant 0 : i32
        %parallel_loop3A_502 = arith.cmpi slt, %parallel_loop3A_492, %parallel_loop3A_501 : i32
        %parallel_loop3A_503 = vector.broadcast %parallel_loop3A_502 : i1 to vector<16xi1>
        %parallel_loop3A_504 = vector.broadcast %parallel_loop3A_503 : vector<16xi1> to vector<16xi1>
        %parallel_loop3A_505 = arith.xori %parallel_loop3A_500, %parallel_loop3A_504 : vector<16xi1>
        %parallel_loop3A_506 = arith.andi %parallel_loop3A_505, %parallel_loop3A_497 : vector<16xi1>
        %parallel_loop3A_507 = vector.broadcast %parallel_loop3A_492 : i32 to vector<16xi32>
        %parallel_loop3A_508 = arith.addi %parallel_loop3A_494, %parallel_loop3A_507 : vector<16xi32>
        %parallel_loop3A_509 = arith.select %parallel_loop3A_506, %parallel_loop3A_508, %parallel_loop3A_494 : vector<16xi1>, vector<16xi32>
        %parallel_loop3A_510 = arith.constant 0 : i32
        %parallel_loop3A_511 = arith.constant 0 : i32
        %parallel_loop3A_512 = arith.constant 0 : i32
        %parallel_loop3A_513 = arith.constant 0 : i32
        %parallel_loop3A_514 = tpu.memref_slice %arg9[%parallel_loop3A_111, %parallel_loop3A_510, %parallel_loop3A_511, %parallel_loop3A_512, %parallel_loop3A_513] : memref<2x2x8x8x129xf32, #tpu.memory_space<vmem>> -> memref<1x2x8x8x129xf32, #tpu.memory_space<vmem>>
        %parallel_loop3A_515 = tpu.memref_squeeze %parallel_loop3A_514 : memref<1x2x8x8x129xf32, #tpu.memory_space<vmem>> -> memref<2x8x8x129xf32, #tpu.memory_space<vmem>>
        %parallel_loop3A_516 = arith.constant 0 : i32
        %parallel_loop3A_517 = arith.constant 0 : i32
        %parallel_loop3A_518 = arith.constant 0 : i32
        %parallel_loop3A_519 = tpu.memref_slice %parallel_loop3A_515[%parallel_loop3A_112, %parallel_loop3A_516, %parallel_loop3A_517, %parallel_loop3A_518] : memref<2x8x8x129xf32, #tpu.memory_space<vmem>> -> memref<1x8x8x129xf32, #tpu.memory_space<vmem>>
        %parallel_loop3A_520 = tpu.memref_squeeze %parallel_loop3A_519 : memref<1x8x8x129xf32, #tpu.memory_space<vmem>> -> memref<8x8x129xf32, #tpu.memory_space<vmem>>
        tpu.vector_store_idx %parallel_loop3A_520[%parallel_loop3A_487, %parallel_loop3A_509, %parallel_loop3A_286], %parallel_loop3A_456 : memref<8x8x129xf32, #tpu.memory_space<vmem>>[vector<16xi32>, vector<16xi32>, vector<16xi32>], vector<16xf32>,
        %parallel_loop3A_521 = arith.constant 48 : i32
        %parallel_loop3A_522 = vector.broadcast %parallel_loop3A_521 : i32 to vector<16xi32>
        %parallel_loop3A_523 = arith.addi %parallel_loop3A_522, %iota3A : vector<16xi32>
        %parallel_loop3A_524 = arith.constant 0 : i32
        %parallel_loop3A_525 = arith.constant 0 : i32
        %parallel_loop3A_526 = tpu.memref_slice %arg8[%parallel_loop3A_110, %parallel_loop3A_524, %parallel_loop3A_525] : memref<2x256x64xf32, #tpu.memory_space<vmem>> -> memref<1x256x64xf32, #tpu.memory_space<vmem>>
        %parallel_loop3A_527 = tpu.memref_squeeze %parallel_loop3A_526 : memref<1x256x64xf32, #tpu.memory_space<vmem>> -> memref<256x64xf32, #tpu.memory_space<vmem>>
        %parallel_loop3A_528 = arith.constant 0 : i32
        %parallel_loop3A_529 = arith.constant 0 : i32
        %parallel_loop3A_530 = tpu.memref_slice %parallel_loop3A_527[%parallel_loop3A_528, %parallel_loop3A_529] : memref<256x64xf32, #tpu.memory_space<vmem>> -> memref<128x64xf32, #tpu.memory_space<vmem>>
        %parallel_loop3A_531 = arith.index_cast %parallel_loop3A_285 : i32 to index
        %parallel_loop3A_532 = arith.constant 48 : index
        %parallel_loop3A_533 = tpu.vector_load %parallel_loop3A_530[%parallel_loop3A_531, %parallel_loop3A_532] {strides = array<i32>} : memref<128x64xf32, #tpu.memory_space<vmem>>, vector<16xf32>,
        %parallel_loop3A_534 = arith.addf %parallel_loop3A_533, %get3A_107 : vector<16xf32>
        %parallel_loop3A_535 = arith.constant 8 : i32
        %parallel_loop3A_536 = vector.broadcast %parallel_loop3A_535 : i32 to vector<16xi32>
        %parallel_loop3A_537 = arith.divsi %parallel_loop3A_523, %parallel_loop3A_536 : vector<16xi32>
        %parallel_loop3A_538 = arith.constant 0 : i32
        %parallel_loop3A_539 = vector.broadcast %parallel_loop3A_538 : i32 to vector<16xi32>
        %parallel_loop3A_540 = arith.cmpi sgt, %parallel_loop3A_523, %parallel_loop3A_539 : vector<16xi32>
        %parallel_loop3A_541 = arith.extui %parallel_loop3A_540 : vector<16xi1> to vector<16xi32>
        %parallel_loop3A_542 = arith.constant 0 : i32
        %parallel_loop3A_543 = vector.broadcast %parallel_loop3A_542 : i32 to vector<16xi32>
        %parallel_loop3A_544 = arith.cmpi slt, %parallel_loop3A_523, %parallel_loop3A_543 : vector<16xi32>
        %parallel_loop3A_545 = arith.extui %parallel_loop3A_544 : vector<16xi1> to vector<16xi32>
        %parallel_loop3A_546 = arith.subi %parallel_loop3A_541, %parallel_loop3A_545 : vector<16xi32>
        %parallel_loop3A_547 = arith.constant 0 : i32
        %parallel_loop3A_548 = arith.cmpi sgt, %parallel_loop3A_535, %parallel_loop3A_547 : i32
        %parallel_loop3A_549 = arith.extui %parallel_loop3A_548 : i1 to i32
        %parallel_loop3A_550 = arith.constant 0 : i32
        %parallel_loop3A_551 = arith.cmpi slt, %parallel_loop3A_535, %parallel_loop3A_550 : i32
        %parallel_loop3A_552 = arith.extui %parallel_loop3A_551 : i1 to i32
        %parallel_loop3A_553 = arith.subi %parallel_loop3A_549, %parallel_loop3A_552 : i32
        %parallel_loop3A_554 = vector.broadcast %parallel_loop3A_553 : i32 to vector<16xi32>
        %parallel_loop3A_555 = arith.cmpi ne, %parallel_loop3A_546, %parallel_loop3A_554 : vector<16xi32>
        %parallel_loop3A_556 = vector.broadcast %parallel_loop3A_535 : i32 to vector<16xi32>
        %parallel_loop3A_557 = arith.remsi %parallel_loop3A_523, %parallel_loop3A_556 : vector<16xi32>
        %parallel_loop3A_558 = arith.constant 0 : i32
        %parallel_loop3A_559 = vector.broadcast %parallel_loop3A_558 : i32 to vector<16xi32>
        %parallel_loop3A_560 = arith.cmpi ne, %parallel_loop3A_557, %parallel_loop3A_559 : vector<16xi32>
        %parallel_loop3A_561 = arith.andi %parallel_loop3A_555, %parallel_loop3A_560 : vector<16xi1>
        %parallel_loop3A_562 = arith.constant 1 : i32
        %parallel_loop3A_563 = vector.broadcast %parallel_loop3A_562 : i32 to vector<16xi32>
        %parallel_loop3A_564 = arith.subi %parallel_loop3A_537, %parallel_loop3A_563 : vector<16xi32>
        %parallel_loop3A_565 = arith.select %parallel_loop3A_561, %parallel_loop3A_564, %parallel_loop3A_537 : vector<16xi1>, vector<16xi32>
        %parallel_loop3A_566 = arith.constant 8 : i32
        %parallel_loop3A_567 = arith.constant 0 : i32
        %parallel_loop3A_568 = arith.cmpi eq, %parallel_loop3A_566, %parallel_loop3A_567 : i32
        %parallel_loop3A_569 = arith.constant 1 : i32
        %parallel_loop3A_570 = arith.select %parallel_loop3A_568, %parallel_loop3A_569, %parallel_loop3A_566 : i32
        %parallel_loop3A_571 = vector.broadcast %parallel_loop3A_570 : i32 to vector<16xi32>
        %parallel_loop3A_572 = arith.remsi %parallel_loop3A_523, %parallel_loop3A_571 : vector<16xi32>
        %parallel_loop3A_573 = arith.constant 0 : i32
        %parallel_loop3A_574 = vector.broadcast %parallel_loop3A_573 : i32 to vector<16xi32>
        %parallel_loop3A_575 = arith.cmpi ne, %parallel_loop3A_572, %parallel_loop3A_574 : vector<16xi32>
        %parallel_loop3A_576 = arith.constant 0 : i32
        %parallel_loop3A_577 = vector.broadcast %parallel_loop3A_576 : i32 to vector<16xi32>
        %parallel_loop3A_578 = arith.cmpi slt, %parallel_loop3A_572, %parallel_loop3A_577 : vector<16xi32>
        %parallel_loop3A_579 = arith.constant 0 : i32
        %parallel_loop3A_580 = arith.cmpi slt, %parallel_loop3A_570, %parallel_loop3A_579 : i32
        %parallel_loop3A_581 = vector.broadcast %parallel_loop3A_580 : i1 to vector<16xi1>
        %parallel_loop3A_582 = vector.broadcast %parallel_loop3A_581 : vector<16xi1> to vector<16xi1>
        %parallel_loop3A_583 = arith.xori %parallel_loop3A_578, %parallel_loop3A_582 : vector<16xi1>
        %parallel_loop3A_584 = arith.andi %parallel_loop3A_583, %parallel_loop3A_575 : vector<16xi1>
        %parallel_loop3A_585 = vector.broadcast %parallel_loop3A_570 : i32 to vector<16xi32>
        %parallel_loop3A_586 = arith.addi %parallel_loop3A_572, %parallel_loop3A_585 : vector<16xi32>
        %parallel_loop3A_587 = arith.select %parallel_loop3A_584, %parallel_loop3A_586, %parallel_loop3A_572 : vector<16xi1>, vector<16xi32>
        %parallel_loop3A_588 = arith.constant 0 : i32
        %parallel_loop3A_589 = arith.constant 0 : i32
        %parallel_loop3A_590 = arith.constant 0 : i32
        %parallel_loop3A_591 = arith.constant 0 : i32
        %parallel_loop3A_592 = tpu.memref_slice %arg9[%parallel_loop3A_111, %parallel_loop3A_588, %parallel_loop3A_589, %parallel_loop3A_590, %parallel_loop3A_591] : memref<2x2x8x8x129xf32, #tpu.memory_space<vmem>> -> memref<1x2x8x8x129xf32, #tpu.memory_space<vmem>>
        %parallel_loop3A_593 = tpu.memref_squeeze %parallel_loop3A_592 : memref<1x2x8x8x129xf32, #tpu.memory_space<vmem>> -> memref<2x8x8x129xf32, #tpu.memory_space<vmem>>
        %parallel_loop3A_594 = arith.constant 0 : i32
        %parallel_loop3A_595 = arith.constant 0 : i32
        %parallel_loop3A_596 = arith.constant 0 : i32
        %parallel_loop3A_597 = tpu.memref_slice %parallel_loop3A_593[%parallel_loop3A_112, %parallel_loop3A_594, %parallel_loop3A_595, %parallel_loop3A_596] : memref<2x8x8x129xf32, #tpu.memory_space<vmem>> -> memref<1x8x8x129xf32, #tpu.memory_space<vmem>>
        %parallel_loop3A_598 = tpu.memref_squeeze %parallel_loop3A_597 : memref<1x8x8x129xf32, #tpu.memory_space<vmem>> -> memref<8x8x129xf32, #tpu.memory_space<vmem>>
        tpu.vector_store_idx %parallel_loop3A_598[%parallel_loop3A_565, %parallel_loop3A_587, %parallel_loop3A_286], %parallel_loop3A_534 : memref<8x8x129xf32, #tpu.memory_space<vmem>>[vector<16xi32>, vector<16xi32>, vector<16xi32>], vector<16xf32>,
      } {sc.loop_unroll_factor = 16 : i64, sc.parallel_access}
      %mul3A_113 = arith.constant 2 : i32
      %mul3A_114 = arith.muli %add3A_78, %mul3A_113 : i32
      %add3A_115 = arith.constant 1 : i32
      %add3A_116 = arith.addi %mul3A_114, %add3A_115 : i32
      %get3A_117 = arith.index_cast %add3A_116 : i32 to index
      %get3A_118 = arith.constant 0 : index
      %get3A_119 = tpu.vector_load %arg7[%get3A_117, %get3A_118] {strides = array<i32>} : memref<200x64xf32, #tpu.memory_space<vmem>>, vector<16xf32>,
      %get3A_120 = arith.index_cast %add3A_116 : i32 to index
      %get3A_121 = arith.constant 16 : index
      %get3A_122 = tpu.vector_load %arg7[%get3A_120, %get3A_121] {strides = array<i32>} : memref<200x64xf32, #tpu.memory_space<vmem>>, vector<16xf32>,
      %get3A_123 = arith.index_cast %add3A_116 : i32 to index
      %get3A_124 = arith.constant 32 : index
      %get3A_125 = tpu.vector_load %arg7[%get3A_123, %get3A_124] {strides = array<i32>} : memref<200x64xf32, #tpu.memory_space<vmem>>, vector<16xf32>,
      %get3A_126 = arith.index_cast %add3A_116 : i32 to index
      %get3A_127 = arith.constant 48 : index
      %get3A_128 = tpu.vector_load %arg7[%get3A_126, %get3A_127] {strides = array<i32>} : memref<200x64xf32, #tpu.memory_space<vmem>>, vector<16xf32>,
      %parallel_loop3A_129 = arith.constant 0 : i32
      %parallel_loop3A_130 = arith.constant 128 : i32
      %parallel_loop3A_131 = arith.constant 1 : i32
      %parallel_loop3A_132 = arith.constant 0 : i32
      %parallel_loop3A_133 = arith.constant 0 : i32
      %parallel_loop3A_134 = arith.constant 1 : i32
      scf.for %parallel_loop3A_285 = %parallel_loop3A_129 to %parallel_loop3A_130 step %parallel_loop3A_131  : i32 {
        %parallel_loop3A_286 = vector.broadcast %parallel_loop3A_285 : i32 to vector<16xi32>
        %parallel_loop3A_287 = arith.constant 0 : i32
        %parallel_loop3A_288 = vector.broadcast %parallel_loop3A_287 : i32 to vector<16xi32>
        %parallel_loop3A_289 = arith.addi %parallel_loop3A_288, %iota3A : vector<16xi32>
        %parallel_loop3A_290 = arith.constant 0 : i32
        %parallel_loop3A_291 = arith.constant 0 : i32
        %parallel_loop3A_292 = tpu.memref_slice %arg8[%parallel_loop3A_132, %parallel_loop3A_290, %parallel_loop3A_291] : memref<2x256x64xf32, #tpu.memory_space<vmem>> -> memref<1x256x64xf32, #tpu.memory_space<vmem>>
        %parallel_loop3A_293 = tpu.memref_squeeze %parallel_loop3A_292 : memref<1x256x64xf32, #tpu.memory_space<vmem>> -> memref<256x64xf32, #tpu.memory_space<vmem>>
        %parallel_loop3A_294 = arith.constant 128 : i32
        %parallel_loop3A_295 = arith.constant 0 : i32
        %parallel_loop3A_296 = tpu.memref_slice %parallel_loop3A_293[%parallel_loop3A_294, %parallel_loop3A_295] : memref<256x64xf32, #tpu.memory_space<vmem>> -> memref<128x64xf32, #tpu.memory_space<vmem>>
        %parallel_loop3A_297 = arith.index_cast %parallel_loop3A_285 : i32 to index
        %parallel_loop3A_298 = arith.constant 0 : index
        %parallel_loop3A_299 = tpu.vector_load %parallel_loop3A_296[%parallel_loop3A_297, %parallel_loop3A_298] {strides = array<i32>} : memref<128x64xf32, #tpu.memory_space<vmem>>, vector<16xf32>,
        %parallel_loop3A_300 = arith.addf %parallel_loop3A_299, %get3A_119 : vector<16xf32>
        %parallel_loop3A_301 = arith.constant 8 : i32
        %parallel_loop3A_302 = vector.broadcast %parallel_loop3A_301 : i32 to vector<16xi32>
        %parallel_loop3A_303 = arith.divsi %parallel_loop3A_289, %parallel_loop3A_302 : vector<16xi32>
        %parallel_loop3A_304 = arith.constant 0 : i32
        %parallel_loop3A_305 = vector.broadcast %parallel_loop3A_304 : i32 to vector<16xi32>
        %parallel_loop3A_306 = arith.cmpi sgt, %parallel_loop3A_289, %parallel_loop3A_305 : vector<16xi32>
        %parallel_loop3A_307 = arith.extui %parallel_loop3A_306 : vector<16xi1> to vector<16xi32>
        %parallel_loop3A_308 = arith.constant 0 : i32
        %parallel_loop3A_309 = vector.broadcast %parallel_loop3A_308 : i32 to vector<16xi32>
        %parallel_loop3A_310 = arith.cmpi slt, %parallel_loop3A_289, %parallel_loop3A_309 : vector<16xi32>
        %parallel_loop3A_311 = arith.extui %parallel_loop3A_310 : vector<16xi1> to vector<16xi32>
        %parallel_loop3A_312 = arith.subi %parallel_loop3A_307, %parallel_loop3A_311 : vector<16xi32>
        %parallel_loop3A_313 = arith.constant 0 : i32
        %parallel_loop3A_314 = arith.cmpi sgt, %parallel_loop3A_301, %parallel_loop3A_313 : i32
        %parallel_loop3A_315 = arith.extui %parallel_loop3A_314 : i1 to i32
        %parallel_loop3A_316 = arith.constant 0 : i32
        %parallel_loop3A_317 = arith.cmpi slt, %parallel_loop3A_301, %parallel_loop3A_316 : i32
        %parallel_loop3A_318 = arith.extui %parallel_loop3A_317 : i1 to i32
        %parallel_loop3A_319 = arith.subi %parallel_loop3A_315, %parallel_loop3A_318 : i32
        %parallel_loop3A_320 = vector.broadcast %parallel_loop3A_319 : i32 to vector<16xi32>
        %parallel_loop3A_321 = arith.cmpi ne, %parallel_loop3A_312, %parallel_loop3A_320 : vector<16xi32>
        %parallel_loop3A_322 = vector.broadcast %parallel_loop3A_301 : i32 to vector<16xi32>
        %parallel_loop3A_323 = arith.remsi %parallel_loop3A_289, %parallel_loop3A_322 : vector<16xi32>
        %parallel_loop3A_324 = arith.constant 0 : i32
        %parallel_loop3A_325 = vector.broadcast %parallel_loop3A_324 : i32 to vector<16xi32>
        %parallel_loop3A_326 = arith.cmpi ne, %parallel_loop3A_323, %parallel_loop3A_325 : vector<16xi32>
        %parallel_loop3A_327 = arith.andi %parallel_loop3A_321, %parallel_loop3A_326 : vector<16xi1>
        %parallel_loop3A_328 = arith.constant 1 : i32
        %parallel_loop3A_329 = vector.broadcast %parallel_loop3A_328 : i32 to vector<16xi32>
        %parallel_loop3A_330 = arith.subi %parallel_loop3A_303, %parallel_loop3A_329 : vector<16xi32>
        %parallel_loop3A_331 = arith.select %parallel_loop3A_327, %parallel_loop3A_330, %parallel_loop3A_303 : vector<16xi1>, vector<16xi32>
        %parallel_loop3A_332 = arith.constant 8 : i32
        %parallel_loop3A_333 = arith.constant 0 : i32
        %parallel_loop3A_334 = arith.cmpi eq, %parallel_loop3A_332, %parallel_loop3A_333 : i32
        %parallel_loop3A_335 = arith.constant 1 : i32
        %parallel_loop3A_336 = arith.select %parallel_loop3A_334, %parallel_loop3A_335, %parallel_loop3A_332 : i32
        %parallel_loop3A_337 = vector.broadcast %parallel_loop3A_336 : i32 to vector<16xi32>
        %parallel_loop3A_338 = arith.remsi %parallel_loop3A_289, %parallel_loop3A_337 : vector<16xi32>
        %parallel_loop3A_339 = arith.constant 0 : i32
        %parallel_loop3A_340 = vector.broadcast %parallel_loop3A_339 : i32 to vector<16xi32>
        %parallel_loop3A_341 = arith.cmpi ne, %parallel_loop3A_338, %parallel_loop3A_340 : vector<16xi32>
        %parallel_loop3A_342 = arith.constant 0 : i32
        %parallel_loop3A_343 = vector.broadcast %parallel_loop3A_342 : i32 to vector<16xi32>
        %parallel_loop3A_344 = arith.cmpi slt, %parallel_loop3A_338, %parallel_loop3A_343 : vector<16xi32>
        %parallel_loop3A_345 = arith.constant 0 : i32
        %parallel_loop3A_346 = arith.cmpi slt, %parallel_loop3A_336, %parallel_loop3A_345 : i32
        %parallel_loop3A_347 = vector.broadcast %parallel_loop3A_346 : i1 to vector<16xi1>
        %parallel_loop3A_348 = vector.broadcast %parallel_loop3A_347 : vector<16xi1> to vector<16xi1>
        %parallel_loop3A_349 = arith.xori %parallel_loop3A_344, %parallel_loop3A_348 : vector<16xi1>
        %parallel_loop3A_350 = arith.andi %parallel_loop3A_349, %parallel_loop3A_341 : vector<16xi1>
        %parallel_loop3A_351 = vector.broadcast %parallel_loop3A_336 : i32 to vector<16xi32>
        %parallel_loop3A_352 = arith.addi %parallel_loop3A_338, %parallel_loop3A_351 : vector<16xi32>
        %parallel_loop3A_353 = arith.select %parallel_loop3A_350, %parallel_loop3A_352, %parallel_loop3A_338 : vector<16xi1>, vector<16xi32>
        %parallel_loop3A_354 = arith.constant 0 : i32
        %parallel_loop3A_355 = arith.constant 0 : i32
        %parallel_loop3A_356 = arith.constant 0 : i32
        %parallel_loop3A_357 = arith.constant 0 : i32
        %parallel_loop3A_358 = tpu.memref_slice %arg9[%parallel_loop3A_133, %parallel_loop3A_354, %parallel_loop3A_355, %parallel_loop3A_356, %parallel_loop3A_357] : memref<2x2x8x8x129xf32, #tpu.memory_space<vmem>> -> memref<1x2x8x8x129xf32, #tpu.memory_space<vmem>>
        %parallel_loop3A_359 = tpu.memref_squeeze %parallel_loop3A_358 : memref<1x2x8x8x129xf32, #tpu.memory_space<vmem>> -> memref<2x8x8x129xf32, #tpu.memory_space<vmem>>
        %parallel_loop3A_360 = arith.constant 0 : i32
        %parallel_loop3A_361 = arith.constant 0 : i32
        %parallel_loop3A_362 = arith.constant 0 : i32
        %parallel_loop3A_363 = tpu.memref_slice %parallel_loop3A_359[%parallel_loop3A_134, %parallel_loop3A_360, %parallel_loop3A_361, %parallel_loop3A_362] : memref<2x8x8x129xf32, #tpu.memory_space<vmem>> -> memref<1x8x8x129xf32, #tpu.memory_space<vmem>>
        %parallel_loop3A_364 = tpu.memref_squeeze %parallel_loop3A_363 : memref<1x8x8x129xf32, #tpu.memory_space<vmem>> -> memref<8x8x129xf32, #tpu.memory_space<vmem>>
        tpu.vector_store_idx %parallel_loop3A_364[%parallel_loop3A_331, %parallel_loop3A_353, %parallel_loop3A_286], %parallel_loop3A_300 : memref<8x8x129xf32, #tpu.memory_space<vmem>>[vector<16xi32>, vector<16xi32>, vector<16xi32>], vector<16xf32>,
        %parallel_loop3A_365 = arith.constant 16 : i32
        %parallel_loop3A_366 = vector.broadcast %parallel_loop3A_365 : i32 to vector<16xi32>
        %parallel_loop3A_367 = arith.addi %parallel_loop3A_366, %iota3A : vector<16xi32>
        %parallel_loop3A_368 = arith.constant 0 : i32
        %parallel_loop3A_369 = arith.constant 0 : i32
        %parallel_loop3A_370 = tpu.memref_slice %arg8[%parallel_loop3A_132, %parallel_loop3A_368, %parallel_loop3A_369] : memref<2x256x64xf32, #tpu.memory_space<vmem>> -> memref<1x256x64xf32, #tpu.memory_space<vmem>>
        %parallel_loop3A_371 = tpu.memref_squeeze %parallel_loop3A_370 : memref<1x256x64xf32, #tpu.memory_space<vmem>> -> memref<256x64xf32, #tpu.memory_space<vmem>>
        %parallel_loop3A_372 = arith.constant 128 : i32
        %parallel_loop3A_373 = arith.constant 0 : i32
        %parallel_loop3A_374 = tpu.memref_slice %parallel_loop3A_371[%parallel_loop3A_372, %parallel_loop3A_373] : memref<256x64xf32, #tpu.memory_space<vmem>> -> memref<128x64xf32, #tpu.memory_space<vmem>>
        %parallel_loop3A_375 = arith.index_cast %parallel_loop3A_285 : i32 to index
        %parallel_loop3A_376 = arith.constant 16 : index
        %parallel_loop3A_377 = tpu.vector_load %parallel_loop3A_374[%parallel_loop3A_375, %parallel_loop3A_376] {strides = array<i32>} : memref<128x64xf32, #tpu.memory_space<vmem>>, vector<16xf32>,
        %parallel_loop3A_378 = arith.addf %parallel_loop3A_377, %get3A_122 : vector<16xf32>
        %parallel_loop3A_379 = arith.constant 8 : i32
        %parallel_loop3A_380 = vector.broadcast %parallel_loop3A_379 : i32 to vector<16xi32>
        %parallel_loop3A_381 = arith.divsi %parallel_loop3A_367, %parallel_loop3A_380 : vector<16xi32>
        %parallel_loop3A_382 = arith.constant 0 : i32
        %parallel_loop3A_383 = vector.broadcast %parallel_loop3A_382 : i32 to vector<16xi32>
        %parallel_loop3A_384 = arith.cmpi sgt, %parallel_loop3A_367, %parallel_loop3A_383 : vector<16xi32>
        %parallel_loop3A_385 = arith.extui %parallel_loop3A_384 : vector<16xi1> to vector<16xi32>
        %parallel_loop3A_386 = arith.constant 0 : i32
        %parallel_loop3A_387 = vector.broadcast %parallel_loop3A_386 : i32 to vector<16xi32>
        %parallel_loop3A_388 = arith.cmpi slt, %parallel_loop3A_367, %parallel_loop3A_387 : vector<16xi32>
        %parallel_loop3A_389 = arith.extui %parallel_loop3A_388 : vector<16xi1> to vector<16xi32>
        %parallel_loop3A_390 = arith.subi %parallel_loop3A_385, %parallel_loop3A_389 : vector<16xi32>
        %parallel_loop3A_391 = arith.constant 0 : i32
        %parallel_loop3A_392 = arith.cmpi sgt, %parallel_loop3A_379, %parallel_loop3A_391 : i32
        %parallel_loop3A_393 = arith.extui %parallel_loop3A_392 : i1 to i32
        %parallel_loop3A_394 = arith.constant 0 : i32
        %parallel_loop3A_395 = arith.cmpi slt, %parallel_loop3A_379, %parallel_loop3A_394 : i32
        %parallel_loop3A_396 = arith.extui %parallel_loop3A_395 : i1 to i32
        %parallel_loop3A_397 = arith.subi %parallel_loop3A_393, %parallel_loop3A_396 : i32
        %parallel_loop3A_398 = vector.broadcast %parallel_loop3A_397 : i32 to vector<16xi32>
        %parallel_loop3A_399 = arith.cmpi ne, %parallel_loop3A_390, %parallel_loop3A_398 : vector<16xi32>
        %parallel_loop3A_400 = vector.broadcast %parallel_loop3A_379 : i32 to vector<16xi32>
        %parallel_loop3A_401 = arith.remsi %parallel_loop3A_367, %parallel_loop3A_400 : vector<16xi32>
        %parallel_loop3A_402 = arith.constant 0 : i32
        %parallel_loop3A_403 = vector.broadcast %parallel_loop3A_402 : i32 to vector<16xi32>
        %parallel_loop3A_404 = arith.cmpi ne, %parallel_loop3A_401, %parallel_loop3A_403 : vector<16xi32>
        %parallel_loop3A_405 = arith.andi %parallel_loop3A_399, %parallel_loop3A_404 : vector<16xi1>
        %parallel_loop3A_406 = arith.constant 1 : i32
        %parallel_loop3A_407 = vector.broadcast %parallel_loop3A_406 : i32 to vector<16xi32>
        %parallel_loop3A_408 = arith.subi %parallel_loop3A_381, %parallel_loop3A_407 : vector<16xi32>
        %parallel_loop3A_409 = arith.select %parallel_loop3A_405, %parallel_loop3A_408, %parallel_loop3A_381 : vector<16xi1>, vector<16xi32>
        %parallel_loop3A_410 = arith.constant 8 : i32
        %parallel_loop3A_411 = arith.constant 0 : i32
        %parallel_loop3A_412 = arith.cmpi eq, %parallel_loop3A_410, %parallel_loop3A_411 : i32
        %parallel_loop3A_413 = arith.constant 1 : i32
        %parallel_loop3A_414 = arith.select %parallel_loop3A_412, %parallel_loop3A_413, %parallel_loop3A_410 : i32
        %parallel_loop3A_415 = vector.broadcast %parallel_loop3A_414 : i32 to vector<16xi32>
        %parallel_loop3A_416 = arith.remsi %parallel_loop3A_367, %parallel_loop3A_415 : vector<16xi32>
        %parallel_loop3A_417 = arith.constant 0 : i32
        %parallel_loop3A_418 = vector.broadcast %parallel_loop3A_417 : i32 to vector<16xi32>
        %parallel_loop3A_419 = arith.cmpi ne, %parallel_loop3A_416, %parallel_loop3A_418 : vector<16xi32>
        %parallel_loop3A_420 = arith.constant 0 : i32
        %parallel_loop3A_421 = vector.broadcast %parallel_loop3A_420 : i32 to vector<16xi32>
        %parallel_loop3A_422 = arith.cmpi slt, %parallel_loop3A_416, %parallel_loop3A_421 : vector<16xi32>
        %parallel_loop3A_423 = arith.constant 0 : i32
        %parallel_loop3A_424 = arith.cmpi slt, %parallel_loop3A_414, %parallel_loop3A_423 : i32
        %parallel_loop3A_425 = vector.broadcast %parallel_loop3A_424 : i1 to vector<16xi1>
        %parallel_loop3A_426 = vector.broadcast %parallel_loop3A_425 : vector<16xi1> to vector<16xi1>
        %parallel_loop3A_427 = arith.xori %parallel_loop3A_422, %parallel_loop3A_426 : vector<16xi1>
        %parallel_loop3A_428 = arith.andi %parallel_loop3A_427, %parallel_loop3A_419 : vector<16xi1>
        %parallel_loop3A_429 = vector.broadcast %parallel_loop3A_414 : i32 to vector<16xi32>
        %parallel_loop3A_430 = arith.addi %parallel_loop3A_416, %parallel_loop3A_429 : vector<16xi32>
        %parallel_loop3A_431 = arith.select %parallel_loop3A_428, %parallel_loop3A_430, %parallel_loop3A_416 : vector<16xi1>, vector<16xi32>
        %parallel_loop3A_432 = arith.constant 0 : i32
        %parallel_loop3A_433 = arith.constant 0 : i32
        %parallel_loop3A_434 = arith.constant 0 : i32
        %parallel_loop3A_435 = arith.constant 0 : i32
        %parallel_loop3A_436 = tpu.memref_slice %arg9[%parallel_loop3A_133, %parallel_loop3A_432, %parallel_loop3A_433, %parallel_loop3A_434, %parallel_loop3A_435] : memref<2x2x8x8x129xf32, #tpu.memory_space<vmem>> -> memref<1x2x8x8x129xf32, #tpu.memory_space<vmem>>
        %parallel_loop3A_437 = tpu.memref_squeeze %parallel_loop3A_436 : memref<1x2x8x8x129xf32, #tpu.memory_space<vmem>> -> memref<2x8x8x129xf32, #tpu.memory_space<vmem>>
        %parallel_loop3A_438 = arith.constant 0 : i32
        %parallel_loop3A_439 = arith.constant 0 : i32
        %parallel_loop3A_440 = arith.constant 0 : i32
        %parallel_loop3A_441 = tpu.memref_slice %parallel_loop3A_437[%parallel_loop3A_134, %parallel_loop3A_438, %parallel_loop3A_439, %parallel_loop3A_440] : memref<2x8x8x129xf32, #tpu.memory_space<vmem>> -> memref<1x8x8x129xf32, #tpu.memory_space<vmem>>
        %parallel_loop3A_442 = tpu.memref_squeeze %parallel_loop3A_441 : memref<1x8x8x129xf32, #tpu.memory_space<vmem>> -> memref<8x8x129xf32, #tpu.memory_space<vmem>>
        tpu.vector_store_idx %parallel_loop3A_442[%parallel_loop3A_409, %parallel_loop3A_431, %parallel_loop3A_286], %parallel_loop3A_378 : memref<8x8x129xf32, #tpu.memory_space<vmem>>[vector<16xi32>, vector<16xi32>, vector<16xi32>], vector<16xf32>,
        %parallel_loop3A_443 = arith.constant 32 : i32
        %parallel_loop3A_444 = vector.broadcast %parallel_loop3A_443 : i32 to vector<16xi32>
        %parallel_loop3A_445 = arith.addi %parallel_loop3A_444, %iota3A : vector<16xi32>
        %parallel_loop3A_446 = arith.constant 0 : i32
        %parallel_loop3A_447 = arith.constant 0 : i32
        %parallel_loop3A_448 = tpu.memref_slice %arg8[%parallel_loop3A_132, %parallel_loop3A_446, %parallel_loop3A_447] : memref<2x256x64xf32, #tpu.memory_space<vmem>> -> memref<1x256x64xf32, #tpu.memory_space<vmem>>
        %parallel_loop3A_449 = tpu.memref_squeeze %parallel_loop3A_448 : memref<1x256x64xf32, #tpu.memory_space<vmem>> -> memref<256x64xf32, #tpu.memory_space<vmem>>
        %parallel_loop3A_450 = arith.constant 128 : i32
        %parallel_loop3A_451 = arith.constant 0 : i32
        %parallel_loop3A_452 = tpu.memref_slice %parallel_loop3A_449[%parallel_loop3A_450, %parallel_loop3A_451] : memref<256x64xf32, #tpu.memory_space<vmem>> -> memref<128x64xf32, #tpu.memory_space<vmem>>
        %parallel_loop3A_453 = arith.index_cast %parallel_loop3A_285 : i32 to index
        %parallel_loop3A_454 = arith.constant 32 : index
        %parallel_loop3A_455 = tpu.vector_load %parallel_loop3A_452[%parallel_loop3A_453, %parallel_loop3A_454] {strides = array<i32>} : memref<128x64xf32, #tpu.memory_space<vmem>>, vector<16xf32>,
        %parallel_loop3A_456 = arith.addf %parallel_loop3A_455, %get3A_125 : vector<16xf32>
        %parallel_loop3A_457 = arith.constant 8 : i32
        %parallel_loop3A_458 = vector.broadcast %parallel_loop3A_457 : i32 to vector<16xi32>
        %parallel_loop3A_459 = arith.divsi %parallel_loop3A_445, %parallel_loop3A_458 : vector<16xi32>
        %parallel_loop3A_460 = arith.constant 0 : i32
        %parallel_loop3A_461 = vector.broadcast %parallel_loop3A_460 : i32 to vector<16xi32>
        %parallel_loop3A_462 = arith.cmpi sgt, %parallel_loop3A_445, %parallel_loop3A_461 : vector<16xi32>
        %parallel_loop3A_463 = arith.extui %parallel_loop3A_462 : vector<16xi1> to vector<16xi32>
        %parallel_loop3A_464 = arith.constant 0 : i32
        %parallel_loop3A_465 = vector.broadcast %parallel_loop3A_464 : i32 to vector<16xi32>
        %parallel_loop3A_466 = arith.cmpi slt, %parallel_loop3A_445, %parallel_loop3A_465 : vector<16xi32>
        %parallel_loop3A_467 = arith.extui %parallel_loop3A_466 : vector<16xi1> to vector<16xi32>
        %parallel_loop3A_468 = arith.subi %parallel_loop3A_463, %parallel_loop3A_467 : vector<16xi32>
        %parallel_loop3A_469 = arith.constant 0 : i32
        %parallel_loop3A_470 = arith.cmpi sgt, %parallel_loop3A_457, %parallel_loop3A_469 : i32
        %parallel_loop3A_471 = arith.extui %parallel_loop3A_470 : i1 to i32
        %parallel_loop3A_472 = arith.constant 0 : i32
        %parallel_loop3A_473 = arith.cmpi slt, %parallel_loop3A_457, %parallel_loop3A_472 : i32
        %parallel_loop3A_474 = arith.extui %parallel_loop3A_473 : i1 to i32
        %parallel_loop3A_475 = arith.subi %parallel_loop3A_471, %parallel_loop3A_474 : i32
        %parallel_loop3A_476 = vector.broadcast %parallel_loop3A_475 : i32 to vector<16xi32>
        %parallel_loop3A_477 = arith.cmpi ne, %parallel_loop3A_468, %parallel_loop3A_476 : vector<16xi32>
        %parallel_loop3A_478 = vector.broadcast %parallel_loop3A_457 : i32 to vector<16xi32>
        %parallel_loop3A_479 = arith.remsi %parallel_loop3A_445, %parallel_loop3A_478 : vector<16xi32>
        %parallel_loop3A_480 = arith.constant 0 : i32
        %parallel_loop3A_481 = vector.broadcast %parallel_loop3A_480 : i32 to vector<16xi32>
        %parallel_loop3A_482 = arith.cmpi ne, %parallel_loop3A_479, %parallel_loop3A_481 : vector<16xi32>
        %parallel_loop3A_483 = arith.andi %parallel_loop3A_477, %parallel_loop3A_482 : vector<16xi1>
        %parallel_loop3A_484 = arith.constant 1 : i32
        %parallel_loop3A_485 = vector.broadcast %parallel_loop3A_484 : i32 to vector<16xi32>
        %parallel_loop3A_486 = arith.subi %parallel_loop3A_459, %parallel_loop3A_485 : vector<16xi32>
        %parallel_loop3A_487 = arith.select %parallel_loop3A_483, %parallel_loop3A_486, %parallel_loop3A_459 : vector<16xi1>, vector<16xi32>
        %parallel_loop3A_488 = arith.constant 8 : i32
        %parallel_loop3A_489 = arith.constant 0 : i32
        %parallel_loop3A_490 = arith.cmpi eq, %parallel_loop3A_488, %parallel_loop3A_489 : i32
        %parallel_loop3A_491 = arith.constant 1 : i32
        %parallel_loop3A_492 = arith.select %parallel_loop3A_490, %parallel_loop3A_491, %parallel_loop3A_488 : i32
        %parallel_loop3A_493 = vector.broadcast %parallel_loop3A_492 : i32 to vector<16xi32>
        %parallel_loop3A_494 = arith.remsi %parallel_loop3A_445, %parallel_loop3A_493 : vector<16xi32>
        %parallel_loop3A_495 = arith.constant 0 : i32
        %parallel_loop3A_496 = vector.broadcast %parallel_loop3A_495 : i32 to vector<16xi32>
        %parallel_loop3A_497 = arith.cmpi ne, %parallel_loop3A_494, %parallel_loop3A_496 : vector<16xi32>
        %parallel_loop3A_498 = arith.constant 0 : i32
        %parallel_loop3A_499 = vector.broadcast %parallel_loop3A_498 : i32 to vector<16xi32>
        %parallel_loop3A_500 = arith.cmpi slt, %parallel_loop3A_494, %parallel_loop3A_499 : vector<16xi32>
        %parallel_loop3A_501 = arith.constant 0 : i32
        %parallel_loop3A_502 = arith.cmpi slt, %parallel_loop3A_492, %parallel_loop3A_501 : i32
        %parallel_loop3A_503 = vector.broadcast %parallel_loop3A_502 : i1 to vector<16xi1>
        %parallel_loop3A_504 = vector.broadcast %parallel_loop3A_503 : vector<16xi1> to vector<16xi1>
        %parallel_loop3A_505 = arith.xori %parallel_loop3A_500, %parallel_loop3A_504 : vector<16xi1>
        %parallel_loop3A_506 = arith.andi %parallel_loop3A_505, %parallel_loop3A_497 : vector<16xi1>
        %parallel_loop3A_507 = vector.broadcast %parallel_loop3A_492 : i32 to vector<16xi32>
        %parallel_loop3A_508 = arith.addi %parallel_loop3A_494, %parallel_loop3A_507 : vector<16xi32>
        %parallel_loop3A_509 = arith.select %parallel_loop3A_506, %parallel_loop3A_508, %parallel_loop3A_494 : vector<16xi1>, vector<16xi32>
        %parallel_loop3A_510 = arith.constant 0 : i32
        %parallel_loop3A_511 = arith.constant 0 : i32
        %parallel_loop3A_512 = arith.constant 0 : i32
        %parallel_loop3A_513 = arith.constant 0 : i32
        %parallel_loop3A_514 = tpu.memref_slice %arg9[%parallel_loop3A_133, %parallel_loop3A_510, %parallel_loop3A_511, %parallel_loop3A_512, %parallel_loop3A_513] : memref<2x2x8x8x129xf32, #tpu.memory_space<vmem>> -> memref<1x2x8x8x129xf32, #tpu.memory_space<vmem>>
        %parallel_loop3A_515 = tpu.memref_squeeze %parallel_loop3A_514 : memref<1x2x8x8x129xf32, #tpu.memory_space<vmem>> -> memref<2x8x8x129xf32, #tpu.memory_space<vmem>>
        %parallel_loop3A_516 = arith.constant 0 : i32
        %parallel_loop3A_517 = arith.constant 0 : i32
        %parallel_loop3A_518 = arith.constant 0 : i32
        %parallel_loop3A_519 = tpu.memref_slice %parallel_loop3A_515[%parallel_loop3A_134, %parallel_loop3A_516, %parallel_loop3A_517, %parallel_loop3A_518] : memref<2x8x8x129xf32, #tpu.memory_space<vmem>> -> memref<1x8x8x129xf32, #tpu.memory_space<vmem>>
        %parallel_loop3A_520 = tpu.memref_squeeze %parallel_loop3A_519 : memref<1x8x8x129xf32, #tpu.memory_space<vmem>> -> memref<8x8x129xf32, #tpu.memory_space<vmem>>
        tpu.vector_store_idx %parallel_loop3A_520[%parallel_loop3A_487, %parallel_loop3A_509, %parallel_loop3A_286], %parallel_loop3A_456 : memref<8x8x129xf32, #tpu.memory_space<vmem>>[vector<16xi32>, vector<16xi32>, vector<16xi32>], vector<16xf32>,
        %parallel_loop3A_521 = arith.constant 48 : i32
        %parallel_loop3A_522 = vector.broadcast %parallel_loop3A_521 : i32 to vector<16xi32>
        %parallel_loop3A_523 = arith.addi %parallel_loop3A_522, %iota3A : vector<16xi32>
        %parallel_loop3A_524 = arith.constant 0 : i32
        %parallel_loop3A_525 = arith.constant 0 : i32
        %parallel_loop3A_526 = tpu.memref_slice %arg8[%parallel_loop3A_132, %parallel_loop3A_524, %parallel_loop3A_525] : memref<2x256x64xf32, #tpu.memory_space<vmem>> -> memref<1x256x64xf32, #tpu.memory_space<vmem>>
        %parallel_loop3A_527 = tpu.memref_squeeze %parallel_loop3A_526 : memref<1x256x64xf32, #tpu.memory_space<vmem>> -> memref<256x64xf32, #tpu.memory_space<vmem>>
        %parallel_loop3A_528 = arith.constant 128 : i32
        %parallel_loop3A_529 = arith.constant 0 : i32
        %parallel_loop3A_530 = tpu.memref_slice %parallel_loop3A_527[%parallel_loop3A_528, %parallel_loop3A_529] : memref<256x64xf32, #tpu.memory_space<vmem>> -> memref<128x64xf32, #tpu.memory_space<vmem>>
        %parallel_loop3A_531 = arith.index_cast %parallel_loop3A_285 : i32 to index
        %parallel_loop3A_532 = arith.constant 48 : index
        %parallel_loop3A_533 = tpu.vector_load %parallel_loop3A_530[%parallel_loop3A_531, %parallel_loop3A_532] {strides = array<i32>} : memref<128x64xf32, #tpu.memory_space<vmem>>, vector<16xf32>,
        %parallel_loop3A_534 = arith.addf %parallel_loop3A_533, %get3A_128 : vector<16xf32>
        %parallel_loop3A_535 = arith.constant 8 : i32
        %parallel_loop3A_536 = vector.broadcast %parallel_loop3A_535 : i32 to vector<16xi32>
        %parallel_loop3A_537 = arith.divsi %parallel_loop3A_523, %parallel_loop3A_536 : vector<16xi32>
        %parallel_loop3A_538 = arith.constant 0 : i32
        %parallel_loop3A_539 = vector.broadcast %parallel_loop3A_538 : i32 to vector<16xi32>
        %parallel_loop3A_540 = arith.cmpi sgt, %parallel_loop3A_523, %parallel_loop3A_539 : vector<16xi32>
        %parallel_loop3A_541 = arith.extui %parallel_loop3A_540 : vector<16xi1> to vector<16xi32>
        %parallel_loop3A_542 = arith.constant 0 : i32
        %parallel_loop3A_543 = vector.broadcast %parallel_loop3A_542 : i32 to vector<16xi32>
        %parallel_loop3A_544 = arith.cmpi slt, %parallel_loop3A_523, %parallel_loop3A_543 : vector<16xi32>
        %parallel_loop3A_545 = arith.extui %parallel_loop3A_544 : vector<16xi1> to vector<16xi32>
        %parallel_loop3A_546 = arith.subi %parallel_loop3A_541, %parallel_loop3A_545 : vector<16xi32>
        %parallel_loop3A_547 = arith.constant 0 : i32
        %parallel_loop3A_548 = arith.cmpi sgt, %parallel_loop3A_535, %parallel_loop3A_547 : i32
        %parallel_loop3A_549 = arith.extui %parallel_loop3A_548 : i1 to i32
        %parallel_loop3A_550 = arith.constant 0 : i32
        %parallel_loop3A_551 = arith.cmpi slt, %parallel_loop3A_535, %parallel_loop3A_550 : i32
        %parallel_loop3A_552 = arith.extui %parallel_loop3A_551 : i1 to i32
        %parallel_loop3A_553 = arith.subi %parallel_loop3A_549, %parallel_loop3A_552 : i32
        %parallel_loop3A_554 = vector.broadcast %parallel_loop3A_553 : i32 to vector<16xi32>
        %parallel_loop3A_555 = arith.cmpi ne, %parallel_loop3A_546, %parallel_loop3A_554 : vector<16xi32>
        %parallel_loop3A_556 = vector.broadcast %parallel_loop3A_535 : i32 to vector<16xi32>
        %parallel_loop3A_557 = arith.remsi %parallel_loop3A_523, %parallel_loop3A_556 : vector<16xi32>
        %parallel_loop3A_558 = arith.constant 0 : i32
        %parallel_loop3A_559 = vector.broadcast %parallel_loop3A_558 : i32 to vector<16xi32>
        %parallel_loop3A_560 = arith.cmpi ne, %parallel_loop3A_557, %parallel_loop3A_559 : vector<16xi32>
        %parallel_loop3A_561 = arith.andi %parallel_loop3A_555, %parallel_loop3A_560 : vector<16xi1>
        %parallel_loop3A_562 = arith.constant 1 : i32
        %parallel_loop3A_563 = vector.broadcast %parallel_loop3A_562 : i32 to vector<16xi32>
        %parallel_loop3A_564 = arith.subi %parallel_loop3A_537, %parallel_loop3A_563 : vector<16xi32>
        %parallel_loop3A_565 = arith.select %parallel_loop3A_561, %parallel_loop3A_564, %parallel_loop3A_537 : vector<16xi1>, vector<16xi32>
        %parallel_loop3A_566 = arith.constant 8 : i32
        %parallel_loop3A_567 = arith.constant 0 : i32
        %parallel_loop3A_568 = arith.cmpi eq, %parallel_loop3A_566, %parallel_loop3A_567 : i32
        %parallel_loop3A_569 = arith.constant 1 : i32
        %parallel_loop3A_570 = arith.select %parallel_loop3A_568, %parallel_loop3A_569, %parallel_loop3A_566 : i32
        %parallel_loop3A_571 = vector.broadcast %parallel_loop3A_570 : i32 to vector<16xi32>
        %parallel_loop3A_572 = arith.remsi %parallel_loop3A_523, %parallel_loop3A_571 : vector<16xi32>
        %parallel_loop3A_573 = arith.constant 0 : i32
        %parallel_loop3A_574 = vector.broadcast %parallel_loop3A_573 : i32 to vector<16xi32>
        %parallel_loop3A_575 = arith.cmpi ne, %parallel_loop3A_572, %parallel_loop3A_574 : vector<16xi32>
        %parallel_loop3A_576 = arith.constant 0 : i32
        %parallel_loop3A_577 = vector.broadcast %parallel_loop3A_576 : i32 to vector<16xi32>
        %parallel_loop3A_578 = arith.cmpi slt, %parallel_loop3A_572, %parallel_loop3A_577 : vector<16xi32>
        %parallel_loop3A_579 = arith.constant 0 : i32
        %parallel_loop3A_580 = arith.cmpi slt, %parallel_loop3A_570, %parallel_loop3A_579 : i32
        %parallel_loop3A_581 = vector.broadcast %parallel_loop3A_580 : i1 to vector<16xi1>
        %parallel_loop3A_582 = vector.broadcast %parallel_loop3A_581 : vector<16xi1> to vector<16xi1>
        %parallel_loop3A_583 = arith.xori %parallel_loop3A_578, %parallel_loop3A_582 : vector<16xi1>
        %parallel_loop3A_584 = arith.andi %parallel_loop3A_583, %parallel_loop3A_575 : vector<16xi1>
        %parallel_loop3A_585 = vector.broadcast %parallel_loop3A_570 : i32 to vector<16xi32>
        %parallel_loop3A_586 = arith.addi %parallel_loop3A_572, %parallel_loop3A_585 : vector<16xi32>
        %parallel_loop3A_587 = arith.select %parallel_loop3A_584, %parallel_loop3A_586, %parallel_loop3A_572 : vector<16xi1>, vector<16xi32>
        %parallel_loop3A_588 = arith.constant 0 : i32
        %parallel_loop3A_589 = arith.constant 0 : i32
        %parallel_loop3A_590 = arith.constant 0 : i32
        %parallel_loop3A_591 = arith.constant 0 : i32
        %parallel_loop3A_592 = tpu.memref_slice %arg9[%parallel_loop3A_133, %parallel_loop3A_588, %parallel_loop3A_589, %parallel_loop3A_590, %parallel_loop3A_591] : memref<2x2x8x8x129xf32, #tpu.memory_space<vmem>> -> memref<1x2x8x8x129xf32, #tpu.memory_space<vmem>>
        %parallel_loop3A_593 = tpu.memref_squeeze %parallel_loop3A_592 : memref<1x2x8x8x129xf32, #tpu.memory_space<vmem>> -> memref<2x8x8x129xf32, #tpu.memory_space<vmem>>
        %parallel_loop3A_594 = arith.constant 0 : i32
        %parallel_loop3A_595 = arith.constant 0 : i32
        %parallel_loop3A_596 = arith.constant 0 : i32
        %parallel_loop3A_597 = tpu.memref_slice %parallel_loop3A_593[%parallel_loop3A_134, %parallel_loop3A_594, %parallel_loop3A_595, %parallel_loop3A_596] : memref<2x8x8x129xf32, #tpu.memory_space<vmem>> -> memref<1x8x8x129xf32, #tpu.memory_space<vmem>>
        %parallel_loop3A_598 = tpu.memref_squeeze %parallel_loop3A_597 : memref<1x8x8x129xf32, #tpu.memory_space<vmem>> -> memref<8x8x129xf32, #tpu.memory_space<vmem>>
        tpu.vector_store_idx %parallel_loop3A_598[%parallel_loop3A_565, %parallel_loop3A_587, %parallel_loop3A_286], %parallel_loop3A_534 : memref<8x8x129xf32, #tpu.memory_space<vmem>>[vector<16xi32>, vector<16xi32>, vector<16xi32>], vector<16xf32>,
      } {sc.loop_unroll_factor = 16 : i64, sc.parallel_access}
      %add3A_135 = arith.constant 2 : i32
      %add3A_136 = arith.addi %add3A_78, %add3A_135 : i32
      %lt3A = arith.constant 100 : i32
      %lt3A_137 = arith.cmpi slt, %add3A_136, %lt3A : i32
      %convert_element_type3A_138 = arith.extui %lt3A_137 : i1 to i32
      %cond3A_139 = arith.constant 0 : i32
      %cond3A_140 = arith.constant 0 : i32
      %cond3A_141 = arith.cmpi ne, %convert_element_type3A_138, %cond3A_140 : i32
      scf.if %cond3A_141 {
        %add3A_285 = arith.constant 2 : i32
        %add3A_286 = arith.addi %add3A_78, %add3A_285 : i32
        %mul3A_287 = arith.constant 256 : i32
        %mul3A_288 = arith.muli %add3A_286, %mul3A_287 : i32
        %dma_start3A_289 = arith.constant 0 : i32
        %dma_start3A_290 = arith.constant 0 : i32
        %dma_start3A_291 = tpu.memref_slice %arg8[%cond3A_139, %dma_start3A_289, %dma_start3A_290] : memref<2x256x64xf32, #tpu.memory_space<vmem>> -> memref<1x256x64xf32, #tpu.memory_space<vmem>>
        %dma_start3A_292 = tpu.memref_squeeze %dma_start3A_291 : memref<1x256x64xf32, #tpu.memory_space<vmem>> -> memref<256x64xf32, #tpu.memory_space<vmem>>
        %dma_start3A_293 = tpu.memref_slice %arg6[%mul3A_288] : memref<25600xi32, #tpu.memory_space<vmem>> -> memref<256xi32, #tpu.memory_space<vmem>>
        %dma_start3A_294 = arith.constant 0 : i32
        %dma_start3A_295 = arith.constant 0 : i32
        %dma_start3A_296 = tpu.memref_slice %arg3[%dma_start3A_294, %dma_start3A_295] : memref<1000000x64xf32, #tpu.memory_space<hbm>> -> memref<1000000x64xf32, #tpu.memory_space<hbm>>
        tpu.enqueue_indirect_dma source(%dma_start3A_296 : memref<1000000x64xf32, #tpu.memory_space<hbm>>) target(%dma_start3A_292 : memref<256x64xf32, #tpu.memory_space<vmem>>) offsets(%dma_start3A_293 : memref<256xi32, #tpu.memory_space<vmem>>) semaphore(%arg10 : memref<!tpu.dma_semaphore, #tpu.memory_space<semaphore_mem>>)
      } else {
      }
      %mul3A_142 = arith.constant 2 : i32
      %mul3A_143 = arith.muli %add3A_78, %mul3A_142 : i32
      %dma_start3A_144 = arith.constant 0 : i32
      %dma_start3A_145 = arith.constant 0 : i32
      %dma_start3A_146 = arith.constant 0 : i32
      %dma_start3A_147 = arith.constant 0 : i32
      %dma_start3A_148 = arith.constant 0 : i32
      %dma_start3A_149 = tpu.memref_slice %arg9[%dma_start3A_144, %dma_start3A_145, %dma_start3A_146, %dma_start3A_147, %dma_start3A_148] : memref<2x2x8x8x129xf32, #tpu.memory_space<vmem>> -> memref<1x2x8x8x129xf32, #tpu.memory_space<vmem>>
      %dma_start3A_150 = tpu.memref_squeeze %dma_start3A_149 : memref<1x2x8x8x129xf32, #tpu.memory_space<vmem>> -> memref<2x8x8x129xf32, #tpu.memory_space<vmem>>
      %dma_start3A_151 = arith.constant 0 : i32
      %dma_start3A_152 = arith.constant 0 : i32
      %dma_start3A_153 = arith.constant 0 : i32
      %dma_start3A_154 = arith.constant 0 : i32
      %dma_start3A_155 = tpu.memref_slice %dma_start3A_150[%dma_start3A_151, %dma_start3A_152, %dma_start3A_153, %dma_start3A_154] : memref<2x8x8x129xf32, #tpu.memory_space<vmem>> -> memref<2x8x8x128xf32, #tpu.memory_space<vmem>>
      %dma_start3A_156 = arith.constant 0 : i32
      %dma_start3A_157 = arith.constant 0 : i32
      %dma_start3A_158 = arith.constant 0 : i32
      %dma_start3A_159 = tpu.memref_slice %arg5[%mul3A_143, %dma_start3A_156, %add3A, %dma_start3A_157, %dma_start3A_158] : memref<200x8x32x8x128xf32, #tpu.memory_space<hbm>> -> memref<2x8x1x8x128xf32, #tpu.memory_space<hbm>>
      %dma_start3A_160 = tpu.memref_squeeze %dma_start3A_159 : memref<2x8x1x8x128xf32, #tpu.memory_space<hbm>> -> memref<2x8x8x128xf32, #tpu.memory_space<hbm>>
      %dma_start3A_161 = arith.constant 0 : i32
      %dma_start3A_162 = arith.constant 0 : i32
      %dma_start3A_163 = arith.constant 0 : i32
      %dma_start3A_164 = tpu.memref_slice %arg5[%mul3A_143, %dma_start3A_161, %add3A, %dma_start3A_162, %dma_start3A_163] : memref<200x8x32x8x128xf32, #tpu.memory_space<hbm>> -> memref<2x8x1x8x128xf32, #tpu.memory_space<hbm>>
      %dma_start3A_165 = tpu.memref_squeeze %dma_start3A_164 : memref<2x8x1x8x128xf32, #tpu.memory_space<hbm>> -> memref<2x8x8x128xf32, #tpu.memory_space<hbm>>
      %dma_start3A_166 = arith.constant 0 : i32
      %dma_start3A_167 = arith.constant 0 : i32
      %dma_start3A_168 = arith.constant 0 : i32
      %dma_start3A_169 = arith.constant 0 : i32
      %dma_start3A_170 = tpu.memref_slice %arg9[%dma_start3A_144, %dma_start3A_166, %dma_start3A_167, %dma_start3A_168, %dma_start3A_169] : memref<2x2x8x8x129xf32, #tpu.memory_space<vmem>> -> memref<1x2x8x8x129xf32, #tpu.memory_space<vmem>>
      %dma_start3A_171 = tpu.memref_squeeze %dma_start3A_170 : memref<1x2x8x8x129xf32, #tpu.memory_space<vmem>> -> memref<2x8x8x129xf32, #tpu.memory_space<vmem>>
      %dma_start3A_172 = arith.constant 0 : i32
      %dma_start3A_173 = arith.constant 0 : i32
      %dma_start3A_174 = arith.constant 0 : i32
      %dma_start3A_175 = arith.constant 0 : i32
      %dma_start3A_176 = tpu.memref_slice %dma_start3A_171[%dma_start3A_172, %dma_start3A_173, %dma_start3A_174, %dma_start3A_175] : memref<2x8x8x129xf32, #tpu.memory_space<vmem>> -> memref<2x8x8x128xf32, #tpu.memory_space<vmem>>
      tpu.enqueue_dma source(%dma_start3A_176 : memref<2x8x8x128xf32, #tpu.memory_space<vmem>>) target(%dma_start3A_165 : memref<2x8x8x128xf32, #tpu.memory_space<hbm>>) target_semaphore(%arg12 : memref<!tpu.dma_semaphore, #tpu.memory_space<semaphore_mem>>)
      %mul3A_177 = arith.constant 2 : i32
      %mul3A_178 = arith.muli %scan3A_74, %mul3A_177 : i32
      %add3A_179 = arith.constant 1 : i32
      %add3A_180 = arith.addi %mul3A_178, %add3A_179 : i32
      %mul3A_181 = arith.constant 256 : i32
      %mul3A_182 = arith.muli %add3A_180, %mul3A_181 : i32
      %dma_wait3A_183 = arith.constant 1 : i32
      %dma_wait3A_184 = arith.constant 0 : i32
      %dma_wait3A_185 = arith.constant 0 : i32
      %dma_wait3A_186 = tpu.memref_slice %arg8[%dma_wait3A_183, %dma_wait3A_184, %dma_wait3A_185] : memref<2x256x64xf32, #tpu.memory_space<vmem>> -> memref<1x256x64xf32, #tpu.memory_space<vmem>>
      %dma_wait3A_187 = tpu.memref_squeeze %dma_wait3A_186 : memref<1x256x64xf32, #tpu.memory_space<vmem>> -> memref<256x64xf32, #tpu.memory_space<vmem>>
      %dma_wait3A_188 = tpu.memref_slice %arg6[%mul3A_182] : memref<25600xi32, #tpu.memory_space<vmem>> -> memref<256xi32, #tpu.memory_space<vmem>>
      %dma_wait3A_189 = arith.constant 0 : i32
      %dma_wait3A_190 = arith.constant 0 : i32
      %dma_wait3A_191 = tpu.memref_slice %arg3[%dma_wait3A_189, %dma_wait3A_190] : memref<1000000x64xf32, #tpu.memory_space<hbm>> -> memref<1000000x64xf32, #tpu.memory_space<hbm>>
      tpu.wait_indirect_dma semaphore(%arg11 : memref<!tpu.dma_semaphore, #tpu.memory_space<semaphore_mem>>) src(%dma_wait3A_191 : memref<1000000x64xf32, #tpu.memory_space<hbm>>) dst(%dma_wait3A_187 : memref<256x64xf32, #tpu.memory_space<vmem>>)
      %ge3A_192 = arith.constant 2 : i32
      %ge3A_193 = arith.cmpi sge, %add3A_180, %ge3A_192 : i32
      %convert_element_type3A_194 = arith.extui %ge3A_193 : i1 to i32
      %cond3A_195 = arith.constant 1 : i32
      %cond3A_196 = arith.constant 0 : i32
      %cond3A_197 = arith.cmpi ne, %convert_element_type3A_194, %cond3A_196 : i32
      scf.if %cond3A_197 {
        %sub3A = arith.constant 2 : i32
        %sub3A_285 = arith.subi %add3A_180, %sub3A : i32
        %mul3A_286 = arith.constant 2 : i32
        %mul3A_287 = arith.muli %sub3A_285, %mul3A_286 : i32
        %dma_wait3A_288 = arith.constant 0 : i32
        %dma_wait3A_289 = arith.constant 0 : i32
        %dma_wait3A_290 = arith.constant 0 : i32
        %dma_wait3A_291 = arith.constant 0 : i32
        %dma_wait3A_292 = tpu.memref_slice %arg9[%cond3A_195, %dma_wait3A_288, %dma_wait3A_289, %dma_wait3A_290, %dma_wait3A_291] : memref<2x2x8x8x129xf32, #tpu.memory_space<vmem>> -> memref<1x2x8x8x129xf32, #tpu.memory_space<vmem>>
        %dma_wait3A_293 = tpu.memref_squeeze %dma_wait3A_292 : memref<1x2x8x8x129xf32, #tpu.memory_space<vmem>> -> memref<2x8x8x129xf32, #tpu.memory_space<vmem>>
        %dma_wait3A_294 = arith.constant 0 : i32
        %dma_wait3A_295 = arith.constant 0 : i32
        %dma_wait3A_296 = arith.constant 0 : i32
        %dma_wait3A_297 = arith.constant 0 : i32
        %dma_wait3A_298 = tpu.memref_slice %dma_wait3A_293[%dma_wait3A_294, %dma_wait3A_295, %dma_wait3A_296, %dma_wait3A_297] : memref<2x8x8x129xf32, #tpu.memory_space<vmem>> -> memref<2x8x8x128xf32, #tpu.memory_space<vmem>>
        %dma_wait3A_299 = arith.constant 0 : i32
        %dma_wait3A_300 = arith.constant 0 : i32
        %dma_wait3A_301 = arith.constant 0 : i32
        %dma_wait3A_302 = tpu.memref_slice %arg5[%mul3A_287, %dma_wait3A_299, %add3A, %dma_wait3A_300, %dma_wait3A_301] : memref<200x8x32x8x128xf32, #tpu.memory_space<hbm>> -> memref<2x8x1x8x128xf32, #tpu.memory_space<hbm>>
        %dma_wait3A_303 = tpu.memref_squeeze %dma_wait3A_302 : memref<2x8x1x8x128xf32, #tpu.memory_space<hbm>> -> memref<2x8x8x128xf32, #tpu.memory_space<hbm>>
        %dma_wait3A_304 = arith.constant 0 : i32
        %dma_wait3A_305 = arith.constant 0 : i32
        %dma_wait3A_306 = arith.constant 0 : i32
        %dma_wait3A_307 = tpu.memref_slice %arg5[%mul3A_287, %dma_wait3A_304, %add3A, %dma_wait3A_305, %dma_wait3A_306] : memref<200x8x32x8x128xf32, #tpu.memory_space<hbm>> -> memref<2x8x1x8x128xf32, #tpu.memory_space<hbm>>
        %dma_wait3A_308 = tpu.memref_squeeze %dma_wait3A_307 : memref<2x8x1x8x128xf32, #tpu.memory_space<hbm>> -> memref<2x8x8x128xf32, #tpu.memory_space<hbm>>
        %dma_wait3A_309 = arith.constant 0 : i32
        %dma_wait3A_310 = arith.constant 0 : i32
        %dma_wait3A_311 = arith.constant 0 : i32
        %dma_wait3A_312 = arith.constant 0 : i32
        %dma_wait3A_313 = tpu.memref_slice %arg9[%cond3A_195, %dma_wait3A_309, %dma_wait3A_310, %dma_wait3A_311, %dma_wait3A_312] : memref<2x2x8x8x129xf32, #tpu.memory_space<vmem>> -> memref<1x2x8x8x129xf32, #tpu.memory_space<vmem>>
        %dma_wait3A_314 = tpu.memref_squeeze %dma_wait3A_313 : memref<1x2x8x8x129xf32, #tpu.memory_space<vmem>> -> memref<2x8x8x129xf32, #tpu.memory_space<vmem>>
        %dma_wait3A_315 = arith.constant 0 : i32
        %dma_wait3A_316 = arith.constant 0 : i32
        %dma_wait3A_317 = arith.constant 0 : i32
        %dma_wait3A_318 = arith.constant 0 : i32
        %dma_wait3A_319 = tpu.memref_slice %dma_wait3A_314[%dma_wait3A_315, %dma_wait3A_316, %dma_wait3A_317, %dma_wait3A_318] : memref<2x8x8x129xf32, #tpu.memory_space<vmem>> -> memref<2x8x8x128xf32, #tpu.memory_space<vmem>>
        tpu.wait_dma2 semaphore(%arg13 : memref<!tpu.dma_semaphore, #tpu.memory_space<semaphore_mem>>) src(%dma_wait3A_319 : memref<2x8x8x128xf32, #tpu.memory_space<vmem>>) dst(%dma_wait3A_308 : memref<2x8x8x128xf32, #tpu.memory_space<hbm>>)
      } else {
      }
      %mul3A_198 = arith.constant 2 : i32
      %mul3A_199 = arith.muli %add3A_180, %mul3A_198 : i32
      %add3A_200 = arith.constant 0 : i32
      %add3A_201 = arith.addi %mul3A_199, %add3A_200 : i32
      %get3A_202 = arith.index_cast %add3A_201 : i32 to index
      %get3A_203 = arith.constant 0 : index
      %get3A_204 = tpu.vector_load %arg7[%get3A_202, %get3A_203] {strides = array<i32>} : memref<200x64xf32, #tpu.memory_space<vmem>>, vector<16xf32>,
      %get3A_205 = arith.index_cast %add3A_201 : i32 to index
      %get3A_206 = arith.constant 16 : index
      %get3A_207 = tpu.vector_load %arg7[%get3A_205, %get3A_206] {strides = array<i32>} : memref<200x64xf32, #tpu.memory_space<vmem>>, vector<16xf32>,
      %get3A_208 = arith.index_cast %add3A_201 : i32 to index
      %get3A_209 = arith.constant 32 : index
      %get3A_210 = tpu.vector_load %arg7[%get3A_208, %get3A_209] {strides = array<i32>} : memref<200x64xf32, #tpu.memory_space<vmem>>, vector<16xf32>,
      %get3A_211 = arith.index_cast %add3A_201 : i32 to index
      %get3A_212 = arith.constant 48 : index
      %get3A_213 = tpu.vector_load %arg7[%get3A_211, %get3A_212] {strides = array<i32>} : memref<200x64xf32, #tpu.memory_space<vmem>>, vector<16xf32>,
      %parallel_loop3A_214 = arith.constant 0 : i32
      %parallel_loop3A_215 = arith.constant 128 : i32
      %parallel_loop3A_216 = arith.constant 1 : i32
      %parallel_loop3A_217 = arith.constant 1 : i32
      %parallel_loop3A_218 = arith.constant 1 : i32
      %parallel_loop3A_219 = arith.constant 0 : i32
      scf.for %parallel_loop3A_285 = %parallel_loop3A_214 to %parallel_loop3A_215 step %parallel_loop3A_216  : i32 {
        %parallel_loop3A_286 = vector.broadcast %parallel_loop3A_285 : i32 to vector<16xi32>
        %parallel_loop3A_287 = arith.constant 0 : i32
        %parallel_loop3A_288 = vector.broadcast %parallel_loop3A_287 : i32 to vector<16xi32>
        %parallel_loop3A_289 = arith.addi %parallel_loop3A_288, %iota3A : vector<16xi32>
        %parallel_loop3A_290 = arith.constant 0 : i32
        %parallel_loop3A_291 = arith.constant 0 : i32
        %parallel_loop3A_292 = tpu.memref_slice %arg8[%parallel_loop3A_217, %parallel_loop3A_290, %parallel_loop3A_291] : memref<2x256x64xf32, #tpu.memory_space<vmem>> -> memref<1x256x64xf32, #tpu.memory_space<vmem>>
        %parallel_loop3A_293 = tpu.memref_squeeze %parallel_loop3A_292 : memref<1x256x64xf32, #tpu.memory_space<vmem>> -> memref<256x64xf32, #tpu.memory_space<vmem>>
        %parallel_loop3A_294 = arith.constant 0 : i32
        %parallel_loop3A_295 = arith.constant 0 : i32
        %parallel_loop3A_296 = tpu.memref_slice %parallel_loop3A_293[%parallel_loop3A_294, %parallel_loop3A_295] : memref<256x64xf32, #tpu.memory_space<vmem>> -> memref<128x64xf32, #tpu.memory_space<vmem>>
        %parallel_loop3A_297 = arith.index_cast %parallel_loop3A_285 : i32 to index
        %parallel_loop3A_298 = arith.constant 0 : index
        %parallel_loop3A_299 = tpu.vector_load %parallel_loop3A_296[%parallel_loop3A_297, %parallel_loop3A_298] {strides = array<i32>} : memref<128x64xf32, #tpu.memory_space<vmem>>, vector<16xf32>,
        %parallel_loop3A_300 = arith.addf %parallel_loop3A_299, %get3A_204 : vector<16xf32>
        %parallel_loop3A_301 = arith.constant 8 : i32
        %parallel_loop3A_302 = vector.broadcast %parallel_loop3A_301 : i32 to vector<16xi32>
        %parallel_loop3A_303 = arith.divsi %parallel_loop3A_289, %parallel_loop3A_302 : vector<16xi32>
        %parallel_loop3A_304 = arith.constant 0 : i32
        %parallel_loop3A_305 = vector.broadcast %parallel_loop3A_304 : i32 to vector<16xi32>
        %parallel_loop3A_306 = arith.cmpi sgt, %parallel_loop3A_289, %parallel_loop3A_305 : vector<16xi32>
        %parallel_loop3A_307 = arith.extui %parallel_loop3A_306 : vector<16xi1> to vector<16xi32>
        %parallel_loop3A_308 = arith.constant 0 : i32
        %parallel_loop3A_309 = vector.broadcast %parallel_loop3A_308 : i32 to vector<16xi32>
        %parallel_loop3A_310 = arith.cmpi slt, %parallel_loop3A_289, %parallel_loop3A_309 : vector<16xi32>
        %parallel_loop3A_311 = arith.extui %parallel_loop3A_310 : vector<16xi1> to vector<16xi32>
        %parallel_loop3A_312 = arith.subi %parallel_loop3A_307, %parallel_loop3A_311 : vector<16xi32>
        %parallel_loop3A_313 = arith.constant 0 : i32
        %parallel_loop3A_314 = arith.cmpi sgt, %parallel_loop3A_301, %parallel_loop3A_313 : i32
        %parallel_loop3A_315 = arith.extui %parallel_loop3A_314 : i1 to i32
        %parallel_loop3A_316 = arith.constant 0 : i32
        %parallel_loop3A_317 = arith.cmpi slt, %parallel_loop3A_301, %parallel_loop3A_316 : i32
        %parallel_loop3A_318 = arith.extui %parallel_loop3A_317 : i1 to i32
        %parallel_loop3A_319 = arith.subi %parallel_loop3A_315, %parallel_loop3A_318 : i32
        %parallel_loop3A_320 = vector.broadcast %parallel_loop3A_319 : i32 to vector<16xi32>
        %parallel_loop3A_321 = arith.cmpi ne, %parallel_loop3A_312, %parallel_loop3A_320 : vector<16xi32>
        %parallel_loop3A_322 = vector.broadcast %parallel_loop3A_301 : i32 to vector<16xi32>
        %parallel_loop3A_323 = arith.remsi %parallel_loop3A_289, %parallel_loop3A_322 : vector<16xi32>
        %parallel_loop3A_324 = arith.constant 0 : i32
        %parallel_loop3A_325 = vector.broadcast %parallel_loop3A_324 : i32 to vector<16xi32>
        %parallel_loop3A_326 = arith.cmpi ne, %parallel_loop3A_323, %parallel_loop3A_325 : vector<16xi32>
        %parallel_loop3A_327 = arith.andi %parallel_loop3A_321, %parallel_loop3A_326 : vector<16xi1>
        %parallel_loop3A_328 = arith.constant 1 : i32
        %parallel_loop3A_329 = vector.broadcast %parallel_loop3A_328 : i32 to vector<16xi32>
        %parallel_loop3A_330 = arith.subi %parallel_loop3A_303, %parallel_loop3A_329 : vector<16xi32>
        %parallel_loop3A_331 = arith.select %parallel_loop3A_327, %parallel_loop3A_330, %parallel_loop3A_303 : vector<16xi1>, vector<16xi32>
        %parallel_loop3A_332 = arith.constant 8 : i32
        %parallel_loop3A_333 = arith.constant 0 : i32
        %parallel_loop3A_334 = arith.cmpi eq, %parallel_loop3A_332, %parallel_loop3A_333 : i32
        %parallel_loop3A_335 = arith.constant 1 : i32
        %parallel_loop3A_336 = arith.select %parallel_loop3A_334, %parallel_loop3A_335, %parallel_loop3A_332 : i32
        %parallel_loop3A_337 = vector.broadcast %parallel_loop3A_336 : i32 to vector<16xi32>
        %parallel_loop3A_338 = arith.remsi %parallel_loop3A_289, %parallel_loop3A_337 : vector<16xi32>
        %parallel_loop3A_339 = arith.constant 0 : i32
        %parallel_loop3A_340 = vector.broadcast %parallel_loop3A_339 : i32 to vector<16xi32>
        %parallel_loop3A_341 = arith.cmpi ne, %parallel_loop3A_338, %parallel_loop3A_340 : vector<16xi32>
        %parallel_loop3A_342 = arith.constant 0 : i32
        %parallel_loop3A_343 = vector.broadcast %parallel_loop3A_342 : i32 to vector<16xi32>
        %parallel_loop3A_344 = arith.cmpi slt, %parallel_loop3A_338, %parallel_loop3A_343 : vector<16xi32>
        %parallel_loop3A_345 = arith.constant 0 : i32
        %parallel_loop3A_346 = arith.cmpi slt, %parallel_loop3A_336, %parallel_loop3A_345 : i32
        %parallel_loop3A_347 = vector.broadcast %parallel_loop3A_346 : i1 to vector<16xi1>
        %parallel_loop3A_348 = vector.broadcast %parallel_loop3A_347 : vector<16xi1> to vector<16xi1>
        %parallel_loop3A_349 = arith.xori %parallel_loop3A_344, %parallel_loop3A_348 : vector<16xi1>
        %parallel_loop3A_350 = arith.andi %parallel_loop3A_349, %parallel_loop3A_341 : vector<16xi1>
        %parallel_loop3A_351 = vector.broadcast %parallel_loop3A_336 : i32 to vector<16xi32>
        %parallel_loop3A_352 = arith.addi %parallel_loop3A_338, %parallel_loop3A_351 : vector<16xi32>
        %parallel_loop3A_353 = arith.select %parallel_loop3A_350, %parallel_loop3A_352, %parallel_loop3A_338 : vector<16xi1>, vector<16xi32>
        %parallel_loop3A_354 = arith.constant 0 : i32
        %parallel_loop3A_355 = arith.constant 0 : i32
        %parallel_loop3A_356 = arith.constant 0 : i32
        %parallel_loop3A_357 = arith.constant 0 : i32
        %parallel_loop3A_358 = tpu.memref_slice %arg9[%parallel_loop3A_218, %parallel_loop3A_354, %parallel_loop3A_355, %parallel_loop3A_356, %parallel_loop3A_357] : memref<2x2x8x8x129xf32, #tpu.memory_space<vmem>> -> memref<1x2x8x8x129xf32, #tpu.memory_space<vmem>>
        %parallel_loop3A_359 = tpu.memref_squeeze %parallel_loop3A_358 : memref<1x2x8x8x129xf32, #tpu.memory_space<vmem>> -> memref<2x8x8x129xf32, #tpu.memory_space<vmem>>
        %parallel_loop3A_360 = arith.constant 0 : i32
        %parallel_loop3A_361 = arith.constant 0 : i32
        %parallel_loop3A_362 = arith.constant 0 : i32
        %parallel_loop3A_363 = tpu.memref_slice %parallel_loop3A_359[%parallel_loop3A_219, %parallel_loop3A_360, %parallel_loop3A_361, %parallel_loop3A_362] : memref<2x8x8x129xf32, #tpu.memory_space<vmem>> -> memref<1x8x8x129xf32, #tpu.memory_space<vmem>>
        %parallel_loop3A_364 = tpu.memref_squeeze %parallel_loop3A_363 : memref<1x8x8x129xf32, #tpu.memory_space<vmem>> -> memref<8x8x129xf32, #tpu.memory_space<vmem>>
        tpu.vector_store_idx %parallel_loop3A_364[%parallel_loop3A_331, %parallel_loop3A_353, %parallel_loop3A_286], %parallel_loop3A_300 : memref<8x8x129xf32, #tpu.memory_space<vmem>>[vector<16xi32>, vector<16xi32>, vector<16xi32>], vector<16xf32>,
        %parallel_loop3A_365 = arith.constant 16 : i32
        %parallel_loop3A_366 = vector.broadcast %parallel_loop3A_365 : i32 to vector<16xi32>
        %parallel_loop3A_367 = arith.addi %parallel_loop3A_366, %iota3A : vector<16xi32>
        %parallel_loop3A_368 = arith.constant 0 : i32
        %parallel_loop3A_369 = arith.constant 0 : i32
        %parallel_loop3A_370 = tpu.memref_slice %arg8[%parallel_loop3A_217, %parallel_loop3A_368, %parallel_loop3A_369] : memref<2x256x64xf32, #tpu.memory_space<vmem>> -> memref<1x256x64xf32, #tpu.memory_space<vmem>>
        %parallel_loop3A_371 = tpu.memref_squeeze %parallel_loop3A_370 : memref<1x256x64xf32, #tpu.memory_space<vmem>> -> memref<256x64xf32, #tpu.memory_space<vmem>>
        %parallel_loop3A_372 = arith.constant 0 : i32
        %parallel_loop3A_373 = arith.constant 0 : i32
        %parallel_loop3A_374 = tpu.memref_slice %parallel_loop3A_371[%parallel_loop3A_372, %parallel_loop3A_373] : memref<256x64xf32, #tpu.memory_space<vmem>> -> memref<128x64xf32, #tpu.memory_space<vmem>>
        %parallel_loop3A_375 = arith.index_cast %parallel_loop3A_285 : i32 to index
        %parallel_loop3A_376 = arith.constant 16 : index
        %parallel_loop3A_377 = tpu.vector_load %parallel_loop3A_374[%parallel_loop3A_375, %parallel_loop3A_376] {strides = array<i32>} : memref<128x64xf32, #tpu.memory_space<vmem>>, vector<16xf32>,
        %parallel_loop3A_378 = arith.addf %parallel_loop3A_377, %get3A_207 : vector<16xf32>
        %parallel_loop3A_379 = arith.constant 8 : i32
        %parallel_loop3A_380 = vector.broadcast %parallel_loop3A_379 : i32 to vector<16xi32>
        %parallel_loop3A_381 = arith.divsi %parallel_loop3A_367, %parallel_loop3A_380 : vector<16xi32>
        %parallel_loop3A_382 = arith.constant 0 : i32
        %parallel_loop3A_383 = vector.broadcast %parallel_loop3A_382 : i32 to vector<16xi32>
        %parallel_loop3A_384 = arith.cmpi sgt, %parallel_loop3A_367, %parallel_loop3A_383 : vector<16xi32>
        %parallel_loop3A_385 = arith.extui %parallel_loop3A_384 : vector<16xi1> to vector<16xi32>
        %parallel_loop3A_386 = arith.constant 0 : i32
        %parallel_loop3A_387 = vector.broadcast %parallel_loop3A_386 : i32 to vector<16xi32>
        %parallel_loop3A_388 = arith.cmpi slt, %parallel_loop3A_367, %parallel_loop3A_387 : vector<16xi32>
        %parallel_loop3A_389 = arith.extui %parallel_loop3A_388 : vector<16xi1> to vector<16xi32>
        %parallel_loop3A_390 = arith.subi %parallel_loop3A_385, %parallel_loop3A_389 : vector<16xi32>
        %parallel_loop3A_391 = arith.constant 0 : i32
        %parallel_loop3A_392 = arith.cmpi sgt, %parallel_loop3A_379, %parallel_loop3A_391 : i32
        %parallel_loop3A_393 = arith.extui %parallel_loop3A_392 : i1 to i32
        %parallel_loop3A_394 = arith.constant 0 : i32
        %parallel_loop3A_395 = arith.cmpi slt, %parallel_loop3A_379, %parallel_loop3A_394 : i32
        %parallel_loop3A_396 = arith.extui %parallel_loop3A_395 : i1 to i32
        %parallel_loop3A_397 = arith.subi %parallel_loop3A_393, %parallel_loop3A_396 : i32
        %parallel_loop3A_398 = vector.broadcast %parallel_loop3A_397 : i32 to vector<16xi32>
        %parallel_loop3A_399 = arith.cmpi ne, %parallel_loop3A_390, %parallel_loop3A_398 : vector<16xi32>
        %parallel_loop3A_400 = vector.broadcast %parallel_loop3A_379 : i32 to vector<16xi32>
        %parallel_loop3A_401 = arith.remsi %parallel_loop3A_367, %parallel_loop3A_400 : vector<16xi32>
        %parallel_loop3A_402 = arith.constant 0 : i32
        %parallel_loop3A_403 = vector.broadcast %parallel_loop3A_402 : i32 to vector<16xi32>
        %parallel_loop3A_404 = arith.cmpi ne, %parallel_loop3A_401, %parallel_loop3A_403 : vector<16xi32>
        %parallel_loop3A_405 = arith.andi %parallel_loop3A_399, %parallel_loop3A_404 : vector<16xi1>
        %parallel_loop3A_406 = arith.constant 1 : i32
        %parallel_loop3A_407 = vector.broadcast %parallel_loop3A_406 : i32 to vector<16xi32>
        %parallel_loop3A_408 = arith.subi %parallel_loop3A_381, %parallel_loop3A_407 : vector<16xi32>
        %parallel_loop3A_409 = arith.select %parallel_loop3A_405, %parallel_loop3A_408, %parallel_loop3A_381 : vector<16xi1>, vector<16xi32>
        %parallel_loop3A_410 = arith.constant 8 : i32
        %parallel_loop3A_411 = arith.constant 0 : i32
        %parallel_loop3A_412 = arith.cmpi eq, %parallel_loop3A_410, %parallel_loop3A_411 : i32
        %parallel_loop3A_413 = arith.constant 1 : i32
        %parallel_loop3A_414 = arith.select %parallel_loop3A_412, %parallel_loop3A_413, %parallel_loop3A_410 : i32
        %parallel_loop3A_415 = vector.broadcast %parallel_loop3A_414 : i32 to vector<16xi32>
        %parallel_loop3A_416 = arith.remsi %parallel_loop3A_367, %parallel_loop3A_415 : vector<16xi32>
        %parallel_loop3A_417 = arith.constant 0 : i32
        %parallel_loop3A_418 = vector.broadcast %parallel_loop3A_417 : i32 to vector<16xi32>
        %parallel_loop3A_419 = arith.cmpi ne, %parallel_loop3A_416, %parallel_loop3A_418 : vector<16xi32>
        %parallel_loop3A_420 = arith.constant 0 : i32
        %parallel_loop3A_421 = vector.broadcast %parallel_loop3A_420 : i32 to vector<16xi32>
        %parallel_loop3A_422 = arith.cmpi slt, %parallel_loop3A_416, %parallel_loop3A_421 : vector<16xi32>
        %parallel_loop3A_423 = arith.constant 0 : i32
        %parallel_loop3A_424 = arith.cmpi slt, %parallel_loop3A_414, %parallel_loop3A_423 : i32
        %parallel_loop3A_425 = vector.broadcast %parallel_loop3A_424 : i1 to vector<16xi1>
        %parallel_loop3A_426 = vector.broadcast %parallel_loop3A_425 : vector<16xi1> to vector<16xi1>
        %parallel_loop3A_427 = arith.xori %parallel_loop3A_422, %parallel_loop3A_426 : vector<16xi1>
        %parallel_loop3A_428 = arith.andi %parallel_loop3A_427, %parallel_loop3A_419 : vector<16xi1>
        %parallel_loop3A_429 = vector.broadcast %parallel_loop3A_414 : i32 to vector<16xi32>
        %parallel_loop3A_430 = arith.addi %parallel_loop3A_416, %parallel_loop3A_429 : vector<16xi32>
        %parallel_loop3A_431 = arith.select %parallel_loop3A_428, %parallel_loop3A_430, %parallel_loop3A_416 : vector<16xi1>, vector<16xi32>
        %parallel_loop3A_432 = arith.constant 0 : i32
        %parallel_loop3A_433 = arith.constant 0 : i32
        %parallel_loop3A_434 = arith.constant 0 : i32
        %parallel_loop3A_435 = arith.constant 0 : i32
        %parallel_loop3A_436 = tpu.memref_slice %arg9[%parallel_loop3A_218, %parallel_loop3A_432, %parallel_loop3A_433, %parallel_loop3A_434, %parallel_loop3A_435] : memref<2x2x8x8x129xf32, #tpu.memory_space<vmem>> -> memref<1x2x8x8x129xf32, #tpu.memory_space<vmem>>
        %parallel_loop3A_437 = tpu.memref_squeeze %parallel_loop3A_436 : memref<1x2x8x8x129xf32, #tpu.memory_space<vmem>> -> memref<2x8x8x129xf32, #tpu.memory_space<vmem>>
        %parallel_loop3A_438 = arith.constant 0 : i32
        %parallel_loop3A_439 = arith.constant 0 : i32
        %parallel_loop3A_440 = arith.constant 0 : i32
        %parallel_loop3A_441 = tpu.memref_slice %parallel_loop3A_437[%parallel_loop3A_219, %parallel_loop3A_438, %parallel_loop3A_439, %parallel_loop3A_440] : memref<2x8x8x129xf32, #tpu.memory_space<vmem>> -> memref<1x8x8x129xf32, #tpu.memory_space<vmem>>
        %parallel_loop3A_442 = tpu.memref_squeeze %parallel_loop3A_441 : memref<1x8x8x129xf32, #tpu.memory_space<vmem>> -> memref<8x8x129xf32, #tpu.memory_space<vmem>>
        tpu.vector_store_idx %parallel_loop3A_442[%parallel_loop3A_409, %parallel_loop3A_431, %parallel_loop3A_286], %parallel_loop3A_378 : memref<8x8x129xf32, #tpu.memory_space<vmem>>[vector<16xi32>, vector<16xi32>, vector<16xi32>], vector<16xf32>,
        %parallel_loop3A_443 = arith.constant 32 : i32
        %parallel_loop3A_444 = vector.broadcast %parallel_loop3A_443 : i32 to vector<16xi32>
        %parallel_loop3A_445 = arith.addi %parallel_loop3A_444, %iota3A : vector<16xi32>
        %parallel_loop3A_446 = arith.constant 0 : i32
        %parallel_loop3A_447 = arith.constant 0 : i32
        %parallel_loop3A_448 = tpu.memref_slice %arg8[%parallel_loop3A_217, %parallel_loop3A_446, %parallel_loop3A_447] : memref<2x256x64xf32, #tpu.memory_space<vmem>> -> memref<1x256x64xf32, #tpu.memory_space<vmem>>
        %parallel_loop3A_449 = tpu.memref_squeeze %parallel_loop3A_448 : memref<1x256x64xf32, #tpu.memory_space<vmem>> -> memref<256x64xf32, #tpu.memory_space<vmem>>
        %parallel_loop3A_450 = arith.constant 0 : i32
        %parallel_loop3A_451 = arith.constant 0 : i32
        %parallel_loop3A_452 = tpu.memref_slice %parallel_loop3A_449[%parallel_loop3A_450, %parallel_loop3A_451] : memref<256x64xf32, #tpu.memory_space<vmem>> -> memref<128x64xf32, #tpu.memory_space<vmem>>
        %parallel_loop3A_453 = arith.index_cast %parallel_loop3A_285 : i32 to index
        %parallel_loop3A_454 = arith.constant 32 : index
        %parallel_loop3A_455 = tpu.vector_load %parallel_loop3A_452[%parallel_loop3A_453, %parallel_loop3A_454] {strides = array<i32>} : memref<128x64xf32, #tpu.memory_space<vmem>>, vector<16xf32>,
        %parallel_loop3A_456 = arith.addf %parallel_loop3A_455, %get3A_210 : vector<16xf32>
        %parallel_loop3A_457 = arith.constant 8 : i32
        %parallel_loop3A_458 = vector.broadcast %parallel_loop3A_457 : i32 to vector<16xi32>
        %parallel_loop3A_459 = arith.divsi %parallel_loop3A_445, %parallel_loop3A_458 : vector<16xi32>
        %parallel_loop3A_460 = arith.constant 0 : i32
        %parallel_loop3A_461 = vector.broadcast %parallel_loop3A_460 : i32 to vector<16xi32>
        %parallel_loop3A_462 = arith.cmpi sgt, %parallel_loop3A_445, %parallel_loop3A_461 : vector<16xi32>
        %parallel_loop3A_463 = arith.extui %parallel_loop3A_462 : vector<16xi1> to vector<16xi32>
        %parallel_loop3A_464 = arith.constant 0 : i32
        %parallel_loop3A_465 = vector.broadcast %parallel_loop3A_464 : i32 to vector<16xi32>
        %parallel_loop3A_466 = arith.cmpi slt, %parallel_loop3A_445, %parallel_loop3A_465 : vector<16xi32>
        %parallel_loop3A_467 = arith.extui %parallel_loop3A_466 : vector<16xi1> to vector<16xi32>
        %parallel_loop3A_468 = arith.subi %parallel_loop3A_463, %parallel_loop3A_467 : vector<16xi32>
        %parallel_loop3A_469 = arith.constant 0 : i32
        %parallel_loop3A_470 = arith.cmpi sgt, %parallel_loop3A_457, %parallel_loop3A_469 : i32
        %parallel_loop3A_471 = arith.extui %parallel_loop3A_470 : i1 to i32
        %parallel_loop3A_472 = arith.constant 0 : i32
        %parallel_loop3A_473 = arith.cmpi slt, %parallel_loop3A_457, %parallel_loop3A_472 : i32
        %parallel_loop3A_474 = arith.extui %parallel_loop3A_473 : i1 to i32
        %parallel_loop3A_475 = arith.subi %parallel_loop3A_471, %parallel_loop3A_474 : i32
        %parallel_loop3A_476 = vector.broadcast %parallel_loop3A_475 : i32 to vector<16xi32>
        %parallel_loop3A_477 = arith.cmpi ne, %parallel_loop3A_468, %parallel_loop3A_476 : vector<16xi32>
        %parallel_loop3A_478 = vector.broadcast %parallel_loop3A_457 : i32 to vector<16xi32>
        %parallel_loop3A_479 = arith.remsi %parallel_loop3A_445, %parallel_loop3A_478 : vector<16xi32>
        %parallel_loop3A_480 = arith.constant 0 : i32
        %parallel_loop3A_481 = vector.broadcast %parallel_loop3A_480 : i32 to vector<16xi32>
        %parallel_loop3A_482 = arith.cmpi ne, %parallel_loop3A_479, %parallel_loop3A_481 : vector<16xi32>
        %parallel_loop3A_483 = arith.andi %parallel_loop3A_477, %parallel_loop3A_482 : vector<16xi1>
        %parallel_loop3A_484 = arith.constant 1 : i32
        %parallel_loop3A_485 = vector.broadcast %parallel_loop3A_484 : i32 to vector<16xi32>
        %parallel_loop3A_486 = arith.subi %parallel_loop3A_459, %parallel_loop3A_485 : vector<16xi32>
        %parallel_loop3A_487 = arith.select %parallel_loop3A_483, %parallel_loop3A_486, %parallel_loop3A_459 : vector<16xi1>, vector<16xi32>
        %parallel_loop3A_488 = arith.constant 8 : i32
        %parallel_loop3A_489 = arith.constant 0 : i32
        %parallel_loop3A_490 = arith.cmpi eq, %parallel_loop3A_488, %parallel_loop3A_489 : i32
        %parallel_loop3A_491 = arith.constant 1 : i32
        %parallel_loop3A_492 = arith.select %parallel_loop3A_490, %parallel_loop3A_491, %parallel_loop3A_488 : i32
        %parallel_loop3A_493 = vector.broadcast %parallel_loop3A_492 : i32 to vector<16xi32>
        %parallel_loop3A_494 = arith.remsi %parallel_loop3A_445, %parallel_loop3A_493 : vector<16xi32>
        %parallel_loop3A_495 = arith.constant 0 : i32
        %parallel_loop3A_496 = vector.broadcast %parallel_loop3A_495 : i32 to vector<16xi32>
        %parallel_loop3A_497 = arith.cmpi ne, %parallel_loop3A_494, %parallel_loop3A_496 : vector<16xi32>
        %parallel_loop3A_498 = arith.constant 0 : i32
        %parallel_loop3A_499 = vector.broadcast %parallel_loop3A_498 : i32 to vector<16xi32>
        %parallel_loop3A_500 = arith.cmpi slt, %parallel_loop3A_494, %parallel_loop3A_499 : vector<16xi32>
        %parallel_loop3A_501 = arith.constant 0 : i32
        %parallel_loop3A_502 = arith.cmpi slt, %parallel_loop3A_492, %parallel_loop3A_501 : i32
        %parallel_loop3A_503 = vector.broadcast %parallel_loop3A_502 : i1 to vector<16xi1>
        %parallel_loop3A_504 = vector.broadcast %parallel_loop3A_503 : vector<16xi1> to vector<16xi1>
        %parallel_loop3A_505 = arith.xori %parallel_loop3A_500, %parallel_loop3A_504 : vector<16xi1>
        %parallel_loop3A_506 = arith.andi %parallel_loop3A_505, %parallel_loop3A_497 : vector<16xi1>
        %parallel_loop3A_507 = vector.broadcast %parallel_loop3A_492 : i32 to vector<16xi32>
        %parallel_loop3A_508 = arith.addi %parallel_loop3A_494, %parallel_loop3A_507 : vector<16xi32>
        %parallel_loop3A_509 = arith.select %parallel_loop3A_506, %parallel_loop3A_508, %parallel_loop3A_494 : vector<16xi1>, vector<16xi32>
        %parallel_loop3A_510 = arith.constant 0 : i32
        %parallel_loop3A_511 = arith.constant 0 : i32
        %parallel_loop3A_512 = arith.constant 0 : i32
        %parallel_loop3A_513 = arith.constant 0 : i32
        %parallel_loop3A_514 = tpu.memref_slice %arg9[%parallel_loop3A_218, %parallel_loop3A_510, %parallel_loop3A_511, %parallel_loop3A_512, %parallel_loop3A_513] : memref<2x2x8x8x129xf32, #tpu.memory_space<vmem>> -> memref<1x2x8x8x129xf32, #tpu.memory_space<vmem>>
        %parallel_loop3A_515 = tpu.memref_squeeze %parallel_loop3A_514 : memref<1x2x8x8x129xf32, #tpu.memory_space<vmem>> -> memref<2x8x8x129xf32, #tpu.memory_space<vmem>>
        %parallel_loop3A_516 = arith.constant 0 : i32
        %parallel_loop3A_517 = arith.constant 0 : i32
        %parallel_loop3A_518 = arith.constant 0 : i32
        %parallel_loop3A_519 = tpu.memref_slice %parallel_loop3A_515[%parallel_loop3A_219, %parallel_loop3A_516, %parallel_loop3A_517, %parallel_loop3A_518] : memref<2x8x8x129xf32, #tpu.memory_space<vmem>> -> memref<1x8x8x129xf32, #tpu.memory_space<vmem>>
        %parallel_loop3A_520 = tpu.memref_squeeze %parallel_loop3A_519 : memref<1x8x8x129xf32, #tpu.memory_space<vmem>> -> memref<8x8x129xf32, #tpu.memory_space<vmem>>
        tpu.vector_store_idx %parallel_loop3A_520[%parallel_loop3A_487, %parallel_loop3A_509, %parallel_loop3A_286], %parallel_loop3A_456 : memref<8x8x129xf32, #tpu.memory_space<vmem>>[vector<16xi32>, vector<16xi32>, vector<16xi32>], vector<16xf32>,
        %parallel_loop3A_521 = arith.constant 48 : i32
        %parallel_loop3A_522 = vector.broadcast %parallel_loop3A_521 : i32 to vector<16xi32>
        %parallel_loop3A_523 = arith.addi %parallel_loop3A_522, %iota3A : vector<16xi32>
        %parallel_loop3A_524 = arith.constant 0 : i32
        %parallel_loop3A_525 = arith.constant 0 : i32
        %parallel_loop3A_526 = tpu.memref_slice %arg8[%parallel_loop3A_217, %parallel_loop3A_524, %parallel_loop3A_525] : memref<2x256x64xf32, #tpu.memory_space<vmem>> -> memref<1x256x64xf32, #tpu.memory_space<vmem>>
        %parallel_loop3A_527 = tpu.memref_squeeze %parallel_loop3A_526 : memref<1x256x64xf32, #tpu.memory_space<vmem>> -> memref<256x64xf32, #tpu.memory_space<vmem>>
        %parallel_loop3A_528 = arith.constant 0 : i32
        %parallel_loop3A_529 = arith.constant 0 : i32
        %parallel_loop3A_530 = tpu.memref_slice %parallel_loop3A_527[%parallel_loop3A_528, %parallel_loop3A_529] : memref<256x64xf32, #tpu.memory_space<vmem>> -> memref<128x64xf32, #tpu.memory_space<vmem>>
        %parallel_loop3A_531 = arith.index_cast %parallel_loop3A_285 : i32 to index
        %parallel_loop3A_532 = arith.constant 48 : index
        %parallel_loop3A_533 = tpu.vector_load %parallel_loop3A_530[%parallel_loop3A_531, %parallel_loop3A_532] {strides = array<i32>} : memref<128x64xf32, #tpu.memory_space<vmem>>, vector<16xf32>,
        %parallel_loop3A_534 = arith.addf %parallel_loop3A_533, %get3A_213 : vector<16xf32>
        %parallel_loop3A_535 = arith.constant 8 : i32
        %parallel_loop3A_536 = vector.broadcast %parallel_loop3A_535 : i32 to vector<16xi32>
        %parallel_loop3A_537 = arith.divsi %parallel_loop3A_523, %parallel_loop3A_536 : vector<16xi32>
        %parallel_loop3A_538 = arith.constant 0 : i32
        %parallel_loop3A_539 = vector.broadcast %parallel_loop3A_538 : i32 to vector<16xi32>
        %parallel_loop3A_540 = arith.cmpi sgt, %parallel_loop3A_523, %parallel_loop3A_539 : vector<16xi32>
        %parallel_loop3A_541 = arith.extui %parallel_loop3A_540 : vector<16xi1> to vector<16xi32>
        %parallel_loop3A_542 = arith.constant 0 : i32
        %parallel_loop3A_543 = vector.broadcast %parallel_loop3A_542 : i32 to vector<16xi32>
        %parallel_loop3A_544 = arith.cmpi slt, %parallel_loop3A_523, %parallel_loop3A_543 : vector<16xi32>
        %parallel_loop3A_545 = arith.extui %parallel_loop3A_544 : vector<16xi1> to vector<16xi32>
        %parallel_loop3A_546 = arith.subi %parallel_loop3A_541, %parallel_loop3A_545 : vector<16xi32>
        %parallel_loop3A_547 = arith.constant 0 : i32
        %parallel_loop3A_548 = arith.cmpi sgt, %parallel_loop3A_535, %parallel_loop3A_547 : i32
        %parallel_loop3A_549 = arith.extui %parallel_loop3A_548 : i1 to i32
        %parallel_loop3A_550 = arith.constant 0 : i32
        %parallel_loop3A_551 = arith.cmpi slt, %parallel_loop3A_535, %parallel_loop3A_550 : i32
        %parallel_loop3A_552 = arith.extui %parallel_loop3A_551 : i1 to i32
        %parallel_loop3A_553 = arith.subi %parallel_loop3A_549, %parallel_loop3A_552 : i32
        %parallel_loop3A_554 = vector.broadcast %parallel_loop3A_553 : i32 to vector<16xi32>
        %parallel_loop3A_555 = arith.cmpi ne, %parallel_loop3A_546, %parallel_loop3A_554 : vector<16xi32>
        %parallel_loop3A_556 = vector.broadcast %parallel_loop3A_535 : i32 to vector<16xi32>
        %parallel_loop3A_557 = arith.remsi %parallel_loop3A_523, %parallel_loop3A_556 : vector<16xi32>
        %parallel_loop3A_558 = arith.constant 0 : i32
        %parallel_loop3A_559 = vector.broadcast %parallel_loop3A_558 : i32 to vector<16xi32>
        %parallel_loop3A_560 = arith.cmpi ne, %parallel_loop3A_557, %parallel_loop3A_559 : vector<16xi32>
        %parallel_loop3A_561 = arith.andi %parallel_loop3A_555, %parallel_loop3A_560 : vector<16xi1>
        %parallel_loop3A_562 = arith.constant 1 : i32
        %parallel_loop3A_563 = vector.broadcast %parallel_loop3A_562 : i32 to vector<16xi32>
        %parallel_loop3A_564 = arith.subi %parallel_loop3A_537, %parallel_loop3A_563 : vector<16xi32>
        %parallel_loop3A_565 = arith.select %parallel_loop3A_561, %parallel_loop3A_564, %parallel_loop3A_537 : vector<16xi1>, vector<16xi32>
        %parallel_loop3A_566 = arith.constant 8 : i32
        %parallel_loop3A_567 = arith.constant 0 : i32
        %parallel_loop3A_568 = arith.cmpi eq, %parallel_loop3A_566, %parallel_loop3A_567 : i32
        %parallel_loop3A_569 = arith.constant 1 : i32
        %parallel_loop3A_570 = arith.select %parallel_loop3A_568, %parallel_loop3A_569, %parallel_loop3A_566 : i32
        %parallel_loop3A_571 = vector.broadcast %parallel_loop3A_570 : i32 to vector<16xi32>
        %parallel_loop3A_572 = arith.remsi %parallel_loop3A_523, %parallel_loop3A_571 : vector<16xi32>
        %parallel_loop3A_573 = arith.constant 0 : i32
        %parallel_loop3A_574 = vector.broadcast %parallel_loop3A_573 : i32 to vector<16xi32>
        %parallel_loop3A_575 = arith.cmpi ne, %parallel_loop3A_572, %parallel_loop3A_574 : vector<16xi32>
        %parallel_loop3A_576 = arith.constant 0 : i32
        %parallel_loop3A_577 = vector.broadcast %parallel_loop3A_576 : i32 to vector<16xi32>
        %parallel_loop3A_578 = arith.cmpi slt, %parallel_loop3A_572, %parallel_loop3A_577 : vector<16xi32>
        %parallel_loop3A_579 = arith.constant 0 : i32
        %parallel_loop3A_580 = arith.cmpi slt, %parallel_loop3A_570, %parallel_loop3A_579 : i32
        %parallel_loop3A_581 = vector.broadcast %parallel_loop3A_580 : i1 to vector<16xi1>
        %parallel_loop3A_582 = vector.broadcast %parallel_loop3A_581 : vector<16xi1> to vector<16xi1>
        %parallel_loop3A_583 = arith.xori %parallel_loop3A_578, %parallel_loop3A_582 : vector<16xi1>
        %parallel_loop3A_584 = arith.andi %parallel_loop3A_583, %parallel_loop3A_575 : vector<16xi1>
        %parallel_loop3A_585 = vector.broadcast %parallel_loop3A_570 : i32 to vector<16xi32>
        %parallel_loop3A_586 = arith.addi %parallel_loop3A_572, %parallel_loop3A_585 : vector<16xi32>
        %parallel_loop3A_587 = arith.select %parallel_loop3A_584, %parallel_loop3A_586, %parallel_loop3A_572 : vector<16xi1>, vector<16xi32>
        %parallel_loop3A_588 = arith.constant 0 : i32
        %parallel_loop3A_589 = arith.constant 0 : i32
        %parallel_loop3A_590 = arith.constant 0 : i32
        %parallel_loop3A_591 = arith.constant 0 : i32
        %parallel_loop3A_592 = tpu.memref_slice %arg9[%parallel_loop3A_218, %parallel_loop3A_588, %parallel_loop3A_589, %parallel_loop3A_590, %parallel_loop3A_591] : memref<2x2x8x8x129xf32, #tpu.memory_space<vmem>> -> memref<1x2x8x8x129xf32, #tpu.memory_space<vmem>>
        %parallel_loop3A_593 = tpu.memref_squeeze %parallel_loop3A_592 : memref<1x2x8x8x129xf32, #tpu.memory_space<vmem>> -> memref<2x8x8x129xf32, #tpu.memory_space<vmem>>
        %parallel_loop3A_594 = arith.constant 0 : i32
        %parallel_loop3A_595 = arith.constant 0 : i32
        %parallel_loop3A_596 = arith.constant 0 : i32
        %parallel_loop3A_597 = tpu.memref_slice %parallel_loop3A_593[%parallel_loop3A_219, %parallel_loop3A_594, %parallel_loop3A_595, %parallel_loop3A_596] : memref<2x8x8x129xf32, #tpu.memory_space<vmem>> -> memref<1x8x8x129xf32, #tpu.memory_space<vmem>>
        %parallel_loop3A_598 = tpu.memref_squeeze %parallel_loop3A_597 : memref<1x8x8x129xf32, #tpu.memory_space<vmem>> -> memref<8x8x129xf32, #tpu.memory_space<vmem>>
        tpu.vector_store_idx %parallel_loop3A_598[%parallel_loop3A_565, %parallel_loop3A_587, %parallel_loop3A_286], %parallel_loop3A_534 : memref<8x8x129xf32, #tpu.memory_space<vmem>>[vector<16xi32>, vector<16xi32>, vector<16xi32>], vector<16xf32>,
      } {sc.loop_unroll_factor = 16 : i64, sc.parallel_access}
      %mul3A_220 = arith.constant 2 : i32
      %mul3A_221 = arith.muli %add3A_180, %mul3A_220 : i32
      %add3A_222 = arith.constant 1 : i32
      %add3A_223 = arith.addi %mul3A_221, %add3A_222 : i32
      %get3A_224 = arith.index_cast %add3A_223 : i32 to index
      %get3A_225 = arith.constant 0 : index
      %get3A_226 = tpu.vector_load %arg7[%get3A_224, %get3A_225] {strides = array<i32>} : memref<200x64xf32, #tpu.memory_space<vmem>>, vector<16xf32>,
      %get3A_227 = arith.index_cast %add3A_223 : i32 to index
      %get3A_228 = arith.constant 16 : index
      %get3A_229 = tpu.vector_load %arg7[%get3A_227, %get3A_228] {strides = array<i32>} : memref<200x64xf32, #tpu.memory_space<vmem>>, vector<16xf32>,
      %get3A_230 = arith.index_cast %add3A_223 : i32 to index
      %get3A_231 = arith.constant 32 : index
      %get3A_232 = tpu.vector_load %arg7[%get3A_230, %get3A_231] {strides = array<i32>} : memref<200x64xf32, #tpu.memory_space<vmem>>, vector<16xf32>,
      %get3A_233 = arith.index_cast %add3A_223 : i32 to index
      %get3A_234 = arith.constant 48 : index
      %get3A_235 = tpu.vector_load %arg7[%get3A_233, %get3A_234] {strides = array<i32>} : memref<200x64xf32, #tpu.memory_space<vmem>>, vector<16xf32>,
      %parallel_loop3A_236 = arith.constant 0 : i32
      %parallel_loop3A_237 = arith.constant 128 : i32
      %parallel_loop3A_238 = arith.constant 1 : i32
      %parallel_loop3A_239 = arith.constant 1 : i32
      %parallel_loop3A_240 = arith.constant 1 : i32
      %parallel_loop3A_241 = arith.constant 1 : i32
      scf.for %parallel_loop3A_285 = %parallel_loop3A_236 to %parallel_loop3A_237 step %parallel_loop3A_238  : i32 {
        %parallel_loop3A_286 = vector.broadcast %parallel_loop3A_285 : i32 to vector<16xi32>
        %parallel_loop3A_287 = arith.constant 0 : i32
        %parallel_loop3A_288 = vector.broadcast %parallel_loop3A_287 : i32 to vector<16xi32>
        %parallel_loop3A_289 = arith.addi %parallel_loop3A_288, %iota3A : vector<16xi32>
        %parallel_loop3A_290 = arith.constant 0 : i32
        %parallel_loop3A_291 = arith.constant 0 : i32
        %parallel_loop3A_292 = tpu.memref_slice %arg8[%parallel_loop3A_239, %parallel_loop3A_290, %parallel_loop3A_291] : memref<2x256x64xf32, #tpu.memory_space<vmem>> -> memref<1x256x64xf32, #tpu.memory_space<vmem>>
        %parallel_loop3A_293 = tpu.memref_squeeze %parallel_loop3A_292 : memref<1x256x64xf32, #tpu.memory_space<vmem>> -> memref<256x64xf32, #tpu.memory_space<vmem>>
        %parallel_loop3A_294 = arith.constant 128 : i32
        %parallel_loop3A_295 = arith.constant 0 : i32
        %parallel_loop3A_296 = tpu.memref_slice %parallel_loop3A_293[%parallel_loop3A_294, %parallel_loop3A_295] : memref<256x64xf32, #tpu.memory_space<vmem>> -> memref<128x64xf32, #tpu.memory_space<vmem>>
        %parallel_loop3A_297 = arith.index_cast %parallel_loop3A_285 : i32 to index
        %parallel_loop3A_298 = arith.constant 0 : index
        %parallel_loop3A_299 = tpu.vector_load %parallel_loop3A_296[%parallel_loop3A_297, %parallel_loop3A_298] {strides = array<i32>} : memref<128x64xf32, #tpu.memory_space<vmem>>, vector<16xf32>,
        %parallel_loop3A_300 = arith.addf %parallel_loop3A_299, %get3A_226 : vector<16xf32>
        %parallel_loop3A_301 = arith.constant 8 : i32
        %parallel_loop3A_302 = vector.broadcast %parallel_loop3A_301 : i32 to vector<16xi32>
        %parallel_loop3A_303 = arith.divsi %parallel_loop3A_289, %parallel_loop3A_302 : vector<16xi32>
        %parallel_loop3A_304 = arith.constant 0 : i32
        %parallel_loop3A_305 = vector.broadcast %parallel_loop3A_304 : i32 to vector<16xi32>
        %parallel_loop3A_306 = arith.cmpi sgt, %parallel_loop3A_289, %parallel_loop3A_305 : vector<16xi32>
        %parallel_loop3A_307 = arith.extui %parallel_loop3A_306 : vector<16xi1> to vector<16xi32>
        %parallel_loop3A_308 = arith.constant 0 : i32
        %parallel_loop3A_309 = vector.broadcast %parallel_loop3A_308 : i32 to vector<16xi32>
        %parallel_loop3A_310 = arith.cmpi slt, %parallel_loop3A_289, %parallel_loop3A_309 : vector<16xi32>
        %parallel_loop3A_311 = arith.extui %parallel_loop3A_310 : vector<16xi1> to vector<16xi32>
        %parallel_loop3A_312 = arith.subi %parallel_loop3A_307, %parallel_loop3A_311 : vector<16xi32>
        %parallel_loop3A_313 = arith.constant 0 : i32
        %parallel_loop3A_314 = arith.cmpi sgt, %parallel_loop3A_301, %parallel_loop3A_313 : i32
        %parallel_loop3A_315 = arith.extui %parallel_loop3A_314 : i1 to i32
        %parallel_loop3A_316 = arith.constant 0 : i32
        %parallel_loop3A_317 = arith.cmpi slt, %parallel_loop3A_301, %parallel_loop3A_316 : i32
        %parallel_loop3A_318 = arith.extui %parallel_loop3A_317 : i1 to i32
        %parallel_loop3A_319 = arith.subi %parallel_loop3A_315, %parallel_loop3A_318 : i32
        %parallel_loop3A_320 = vector.broadcast %parallel_loop3A_319 : i32 to vector<16xi32>
        %parallel_loop3A_321 = arith.cmpi ne, %parallel_loop3A_312, %parallel_loop3A_320 : vector<16xi32>
        %parallel_loop3A_322 = vector.broadcast %parallel_loop3A_301 : i32 to vector<16xi32>
        %parallel_loop3A_323 = arith.remsi %parallel_loop3A_289, %parallel_loop3A_322 : vector<16xi32>
        %parallel_loop3A_324 = arith.constant 0 : i32
        %parallel_loop3A_325 = vector.broadcast %parallel_loop3A_324 : i32 to vector<16xi32>
        %parallel_loop3A_326 = arith.cmpi ne, %parallel_loop3A_323, %parallel_loop3A_325 : vector<16xi32>
        %parallel_loop3A_327 = arith.andi %parallel_loop3A_321, %parallel_loop3A_326 : vector<16xi1>
        %parallel_loop3A_328 = arith.constant 1 : i32
        %parallel_loop3A_329 = vector.broadcast %parallel_loop3A_328 : i32 to vector<16xi32>
        %parallel_loop3A_330 = arith.subi %parallel_loop3A_303, %parallel_loop3A_329 : vector<16xi32>
        %parallel_loop3A_331 = arith.select %parallel_loop3A_327, %parallel_loop3A_330, %parallel_loop3A_303 : vector<16xi1>, vector<16xi32>
        %parallel_loop3A_332 = arith.constant 8 : i32
        %parallel_loop3A_333 = arith.constant 0 : i32
        %parallel_loop3A_334 = arith.cmpi eq, %parallel_loop3A_332, %parallel_loop3A_333 : i32
        %parallel_loop3A_335 = arith.constant 1 : i32
        %parallel_loop3A_336 = arith.select %parallel_loop3A_334, %parallel_loop3A_335, %parallel_loop3A_332 : i32
        %parallel_loop3A_337 = vector.broadcast %parallel_loop3A_336 : i32 to vector<16xi32>
        %parallel_loop3A_338 = arith.remsi %parallel_loop3A_289, %parallel_loop3A_337 : vector<16xi32>
        %parallel_loop3A_339 = arith.constant 0 : i32
        %parallel_loop3A_340 = vector.broadcast %parallel_loop3A_339 : i32 to vector<16xi32>
        %parallel_loop3A_341 = arith.cmpi ne, %parallel_loop3A_338, %parallel_loop3A_340 : vector<16xi32>
        %parallel_loop3A_342 = arith.constant 0 : i32
        %parallel_loop3A_343 = vector.broadcast %parallel_loop3A_342 : i32 to vector<16xi32>
        %parallel_loop3A_344 = arith.cmpi slt, %parallel_loop3A_338, %parallel_loop3A_343 : vector<16xi32>
        %parallel_loop3A_345 = arith.constant 0 : i32
        %parallel_loop3A_346 = arith.cmpi slt, %parallel_loop3A_336, %parallel_loop3A_345 : i32
        %parallel_loop3A_347 = vector.broadcast %parallel_loop3A_346 : i1 to vector<16xi1>
        %parallel_loop3A_348 = vector.broadcast %parallel_loop3A_347 : vector<16xi1> to vector<16xi1>
        %parallel_loop3A_349 = arith.xori %parallel_loop3A_344, %parallel_loop3A_348 : vector<16xi1>
        %parallel_loop3A_350 = arith.andi %parallel_loop3A_349, %parallel_loop3A_341 : vector<16xi1>
        %parallel_loop3A_351 = vector.broadcast %parallel_loop3A_336 : i32 to vector<16xi32>
        %parallel_loop3A_352 = arith.addi %parallel_loop3A_338, %parallel_loop3A_351 : vector<16xi32>
        %parallel_loop3A_353 = arith.select %parallel_loop3A_350, %parallel_loop3A_352, %parallel_loop3A_338 : vector<16xi1>, vector<16xi32>
        %parallel_loop3A_354 = arith.constant 0 : i32
        %parallel_loop3A_355 = arith.constant 0 : i32
        %parallel_loop3A_356 = arith.constant 0 : i32
        %parallel_loop3A_357 = arith.constant 0 : i32
        %parallel_loop3A_358 = tpu.memref_slice %arg9[%parallel_loop3A_240, %parallel_loop3A_354, %parallel_loop3A_355, %parallel_loop3A_356, %parallel_loop3A_357] : memref<2x2x8x8x129xf32, #tpu.memory_space<vmem>> -> memref<1x2x8x8x129xf32, #tpu.memory_space<vmem>>
        %parallel_loop3A_359 = tpu.memref_squeeze %parallel_loop3A_358 : memref<1x2x8x8x129xf32, #tpu.memory_space<vmem>> -> memref<2x8x8x129xf32, #tpu.memory_space<vmem>>
        %parallel_loop3A_360 = arith.constant 0 : i32
        %parallel_loop3A_361 = arith.constant 0 : i32
        %parallel_loop3A_362 = arith.constant 0 : i32
        %parallel_loop3A_363 = tpu.memref_slice %parallel_loop3A_359[%parallel_loop3A_241, %parallel_loop3A_360, %parallel_loop3A_361, %parallel_loop3A_362] : memref<2x8x8x129xf32, #tpu.memory_space<vmem>> -> memref<1x8x8x129xf32, #tpu.memory_space<vmem>>
        %parallel_loop3A_364 = tpu.memref_squeeze %parallel_loop3A_363 : memref<1x8x8x129xf32, #tpu.memory_space<vmem>> -> memref<8x8x129xf32, #tpu.memory_space<vmem>>
        tpu.vector_store_idx %parallel_loop3A_364[%parallel_loop3A_331, %parallel_loop3A_353, %parallel_loop3A_286], %parallel_loop3A_300 : memref<8x8x129xf32, #tpu.memory_space<vmem>>[vector<16xi32>, vector<16xi32>, vector<16xi32>], vector<16xf32>,
        %parallel_loop3A_365 = arith.constant 16 : i32
        %parallel_loop3A_366 = vector.broadcast %parallel_loop3A_365 : i32 to vector<16xi32>
        %parallel_loop3A_367 = arith.addi %parallel_loop3A_366, %iota3A : vector<16xi32>
        %parallel_loop3A_368 = arith.constant 0 : i32
        %parallel_loop3A_369 = arith.constant 0 : i32
        %parallel_loop3A_370 = tpu.memref_slice %arg8[%parallel_loop3A_239, %parallel_loop3A_368, %parallel_loop3A_369] : memref<2x256x64xf32, #tpu.memory_space<vmem>> -> memref<1x256x64xf32, #tpu.memory_space<vmem>>
        %parallel_loop3A_371 = tpu.memref_squeeze %parallel_loop3A_370 : memref<1x256x64xf32, #tpu.memory_space<vmem>> -> memref<256x64xf32, #tpu.memory_space<vmem>>
        %parallel_loop3A_372 = arith.constant 128 : i32
        %parallel_loop3A_373 = arith.constant 0 : i32
        %parallel_loop3A_374 = tpu.memref_slice %parallel_loop3A_371[%parallel_loop3A_372, %parallel_loop3A_373] : memref<256x64xf32, #tpu.memory_space<vmem>> -> memref<128x64xf32, #tpu.memory_space<vmem>>
        %parallel_loop3A_375 = arith.index_cast %parallel_loop3A_285 : i32 to index
        %parallel_loop3A_376 = arith.constant 16 : index
        %parallel_loop3A_377 = tpu.vector_load %parallel_loop3A_374[%parallel_loop3A_375, %parallel_loop3A_376] {strides = array<i32>} : memref<128x64xf32, #tpu.memory_space<vmem>>, vector<16xf32>,
        %parallel_loop3A_378 = arith.addf %parallel_loop3A_377, %get3A_229 : vector<16xf32>
        %parallel_loop3A_379 = arith.constant 8 : i32
        %parallel_loop3A_380 = vector.broadcast %parallel_loop3A_379 : i32 to vector<16xi32>
        %parallel_loop3A_381 = arith.divsi %parallel_loop3A_367, %parallel_loop3A_380 : vector<16xi32>
        %parallel_loop3A_382 = arith.constant 0 : i32
        %parallel_loop3A_383 = vector.broadcast %parallel_loop3A_382 : i32 to vector<16xi32>
        %parallel_loop3A_384 = arith.cmpi sgt, %parallel_loop3A_367, %parallel_loop3A_383 : vector<16xi32>
        %parallel_loop3A_385 = arith.extui %parallel_loop3A_384 : vector<16xi1> to vector<16xi32>
        %parallel_loop3A_386 = arith.constant 0 : i32
        %parallel_loop3A_387 = vector.broadcast %parallel_loop3A_386 : i32 to vector<16xi32>
        %parallel_loop3A_388 = arith.cmpi slt, %parallel_loop3A_367, %parallel_loop3A_387 : vector<16xi32>
        %parallel_loop3A_389 = arith.extui %parallel_loop3A_388 : vector<16xi1> to vector<16xi32>
        %parallel_loop3A_390 = arith.subi %parallel_loop3A_385, %parallel_loop3A_389 : vector<16xi32>
        %parallel_loop3A_391 = arith.constant 0 : i32
        %parallel_loop3A_392 = arith.cmpi sgt, %parallel_loop3A_379, %parallel_loop3A_391 : i32
        %parallel_loop3A_393 = arith.extui %parallel_loop3A_392 : i1 to i32
        %parallel_loop3A_394 = arith.constant 0 : i32
        %parallel_loop3A_395 = arith.cmpi slt, %parallel_loop3A_379, %parallel_loop3A_394 : i32
        %parallel_loop3A_396 = arith.extui %parallel_loop3A_395 : i1 to i32
        %parallel_loop3A_397 = arith.subi %parallel_loop3A_393, %parallel_loop3A_396 : i32
        %parallel_loop3A_398 = vector.broadcast %parallel_loop3A_397 : i32 to vector<16xi32>
        %parallel_loop3A_399 = arith.cmpi ne, %parallel_loop3A_390, %parallel_loop3A_398 : vector<16xi32>
        %parallel_loop3A_400 = vector.broadcast %parallel_loop3A_379 : i32 to vector<16xi32>
        %parallel_loop3A_401 = arith.remsi %parallel_loop3A_367, %parallel_loop3A_400 : vector<16xi32>
        %parallel_loop3A_402 = arith.constant 0 : i32
        %parallel_loop3A_403 = vector.broadcast %parallel_loop3A_402 : i32 to vector<16xi32>
        %parallel_loop3A_404 = arith.cmpi ne, %parallel_loop3A_401, %parallel_loop3A_403 : vector<16xi32>
        %parallel_loop3A_405 = arith.andi %parallel_loop3A_399, %parallel_loop3A_404 : vector<16xi1>
        %parallel_loop3A_406 = arith.constant 1 : i32
        %parallel_loop3A_407 = vector.broadcast %parallel_loop3A_406 : i32 to vector<16xi32>
        %parallel_loop3A_408 = arith.subi %parallel_loop3A_381, %parallel_loop3A_407 : vector<16xi32>
        %parallel_loop3A_409 = arith.select %parallel_loop3A_405, %parallel_loop3A_408, %parallel_loop3A_381 : vector<16xi1>, vector<16xi32>
        %parallel_loop3A_410 = arith.constant 8 : i32
        %parallel_loop3A_411 = arith.constant 0 : i32
        %parallel_loop3A_412 = arith.cmpi eq, %parallel_loop3A_410, %parallel_loop3A_411 : i32
        %parallel_loop3A_413 = arith.constant 1 : i32
        %parallel_loop3A_414 = arith.select %parallel_loop3A_412, %parallel_loop3A_413, %parallel_loop3A_410 : i32
        %parallel_loop3A_415 = vector.broadcast %parallel_loop3A_414 : i32 to vector<16xi32>
        %parallel_loop3A_416 = arith.remsi %parallel_loop3A_367, %parallel_loop3A_415 : vector<16xi32>
        %parallel_loop3A_417 = arith.constant 0 : i32
        %parallel_loop3A_418 = vector.broadcast %parallel_loop3A_417 : i32 to vector<16xi32>
        %parallel_loop3A_419 = arith.cmpi ne, %parallel_loop3A_416, %parallel_loop3A_418 : vector<16xi32>
        %parallel_loop3A_420 = arith.constant 0 : i32
        %parallel_loop3A_421 = vector.broadcast %parallel_loop3A_420 : i32 to vector<16xi32>
        %parallel_loop3A_422 = arith.cmpi slt, %parallel_loop3A_416, %parallel_loop3A_421 : vector<16xi32>
        %parallel_loop3A_423 = arith.constant 0 : i32
        %parallel_loop3A_424 = arith.cmpi slt, %parallel_loop3A_414, %parallel_loop3A_423 : i32
        %parallel_loop3A_425 = vector.broadcast %parallel_loop3A_424 : i1 to vector<16xi1>
        %parallel_loop3A_426 = vector.broadcast %parallel_loop3A_425 : vector<16xi1> to vector<16xi1>
        %parallel_loop3A_427 = arith.xori %parallel_loop3A_422, %parallel_loop3A_426 : vector<16xi1>
        %parallel_loop3A_428 = arith.andi %parallel_loop3A_427, %parallel_loop3A_419 : vector<16xi1>
        %parallel_loop3A_429 = vector.broadcast %parallel_loop3A_414 : i32 to vector<16xi32>
        %parallel_loop3A_430 = arith.addi %parallel_loop3A_416, %parallel_loop3A_429 : vector<16xi32>
        %parallel_loop3A_431 = arith.select %parallel_loop3A_428, %parallel_loop3A_430, %parallel_loop3A_416 : vector<16xi1>, vector<16xi32>
        %parallel_loop3A_432 = arith.constant 0 : i32
        %parallel_loop3A_433 = arith.constant 0 : i32
        %parallel_loop3A_434 = arith.constant 0 : i32
        %parallel_loop3A_435 = arith.constant 0 : i32
        %parallel_loop3A_436 = tpu.memref_slice %arg9[%parallel_loop3A_240, %parallel_loop3A_432, %parallel_loop3A_433, %parallel_loop3A_434, %parallel_loop3A_435] : memref<2x2x8x8x129xf32, #tpu.memory_space<vmem>> -> memref<1x2x8x8x129xf32, #tpu.memory_space<vmem>>
        %parallel_loop3A_437 = tpu.memref_squeeze %parallel_loop3A_436 : memref<1x2x8x8x129xf32, #tpu.memory_space<vmem>> -> memref<2x8x8x129xf32, #tpu.memory_space<vmem>>
        %parallel_loop3A_438 = arith.constant 0 : i32
        %parallel_loop3A_439 = arith.constant 0 : i32
        %parallel_loop3A_440 = arith.constant 0 : i32
        %parallel_loop3A_441 = tpu.memref_slice %parallel_loop3A_437[%parallel_loop3A_241, %parallel_loop3A_438, %parallel_loop3A_439, %parallel_loop3A_440] : memref<2x8x8x129xf32, #tpu.memory_space<vmem>> -> memref<1x8x8x129xf32, #tpu.memory_space<vmem>>
        %parallel_loop3A_442 = tpu.memref_squeeze %parallel_loop3A_441 : memref<1x8x8x129xf32, #tpu.memory_space<vmem>> -> memref<8x8x129xf32, #tpu.memory_space<vmem>>
        tpu.vector_store_idx %parallel_loop3A_442[%parallel_loop3A_409, %parallel_loop3A_431, %parallel_loop3A_286], %parallel_loop3A_378 : memref<8x8x129xf32, #tpu.memory_space<vmem>>[vector<16xi32>, vector<16xi32>, vector<16xi32>], vector<16xf32>,
        %parallel_loop3A_443 = arith.constant 32 : i32
        %parallel_loop3A_444 = vector.broadcast %parallel_loop3A_443 : i32 to vector<16xi32>
        %parallel_loop3A_445 = arith.addi %parallel_loop3A_444, %iota3A : vector<16xi32>
        %parallel_loop3A_446 = arith.constant 0 : i32
        %parallel_loop3A_447 = arith.constant 0 : i32
        %parallel_loop3A_448 = tpu.memref_slice %arg8[%parallel_loop3A_239, %parallel_loop3A_446, %parallel_loop3A_447] : memref<2x256x64xf32, #tpu.memory_space<vmem>> -> memref<1x256x64xf32, #tpu.memory_space<vmem>>
        %parallel_loop3A_449 = tpu.memref_squeeze %parallel_loop3A_448 : memref<1x256x64xf32, #tpu.memory_space<vmem>> -> memref<256x64xf32, #tpu.memory_space<vmem>>
        %parallel_loop3A_450 = arith.constant 128 : i32
        %parallel_loop3A_451 = arith.constant 0 : i32
        %parallel_loop3A_452 = tpu.memref_slice %parallel_loop3A_449[%parallel_loop3A_450, %parallel_loop3A_451] : memref<256x64xf32, #tpu.memory_space<vmem>> -> memref<128x64xf32, #tpu.memory_space<vmem>>
        %parallel_loop3A_453 = arith.index_cast %parallel_loop3A_285 : i32 to index
        %parallel_loop3A_454 = arith.constant 32 : index
        %parallel_loop3A_455 = tpu.vector_load %parallel_loop3A_452[%parallel_loop3A_453, %parallel_loop3A_454] {strides = array<i32>} : memref<128x64xf32, #tpu.memory_space<vmem>>, vector<16xf32>,
        %parallel_loop3A_456 = arith.addf %parallel_loop3A_455, %get3A_232 : vector<16xf32>
        %parallel_loop3A_457 = arith.constant 8 : i32
        %parallel_loop3A_458 = vector.broadcast %parallel_loop3A_457 : i32 to vector<16xi32>
        %parallel_loop3A_459 = arith.divsi %parallel_loop3A_445, %parallel_loop3A_458 : vector<16xi32>
        %parallel_loop3A_460 = arith.constant 0 : i32
        %parallel_loop3A_461 = vector.broadcast %parallel_loop3A_460 : i32 to vector<16xi32>
        %parallel_loop3A_462 = arith.cmpi sgt, %parallel_loop3A_445, %parallel_loop3A_461 : vector<16xi32>
        %parallel_loop3A_463 = arith.extui %parallel_loop3A_462 : vector<16xi1> to vector<16xi32>
        %parallel_loop3A_464 = arith.constant 0 : i32
        %parallel_loop3A_465 = vector.broadcast %parallel_loop3A_464 : i32 to vector<16xi32>
        %parallel_loop3A_466 = arith.cmpi slt, %parallel_loop3A_445, %parallel_loop3A_465 : vector<16xi32>
        %parallel_loop3A_467 = arith.extui %parallel_loop3A_466 : vector<16xi1> to vector<16xi32>
        %parallel_loop3A_468 = arith.subi %parallel_loop3A_463, %parallel_loop3A_467 : vector<16xi32>
        %parallel_loop3A_469 = arith.constant 0 : i32
        %parallel_loop3A_470 = arith.cmpi sgt, %parallel_loop3A_457, %parallel_loop3A_469 : i32
        %parallel_loop3A_471 = arith.extui %parallel_loop3A_470 : i1 to i32
        %parallel_loop3A_472 = arith.constant 0 : i32
        %parallel_loop3A_473 = arith.cmpi slt, %parallel_loop3A_457, %parallel_loop3A_472 : i32
        %parallel_loop3A_474 = arith.extui %parallel_loop3A_473 : i1 to i32
        %parallel_loop3A_475 = arith.subi %parallel_loop3A_471, %parallel_loop3A_474 : i32
        %parallel_loop3A_476 = vector.broadcast %parallel_loop3A_475 : i32 to vector<16xi32>
        %parallel_loop3A_477 = arith.cmpi ne, %parallel_loop3A_468, %parallel_loop3A_476 : vector<16xi32>
        %parallel_loop3A_478 = vector.broadcast %parallel_loop3A_457 : i32 to vector<16xi32>
        %parallel_loop3A_479 = arith.remsi %parallel_loop3A_445, %parallel_loop3A_478 : vector<16xi32>
        %parallel_loop3A_480 = arith.constant 0 : i32
        %parallel_loop3A_481 = vector.broadcast %parallel_loop3A_480 : i32 to vector<16xi32>
        %parallel_loop3A_482 = arith.cmpi ne, %parallel_loop3A_479, %parallel_loop3A_481 : vector<16xi32>
        %parallel_loop3A_483 = arith.andi %parallel_loop3A_477, %parallel_loop3A_482 : vector<16xi1>
        %parallel_loop3A_484 = arith.constant 1 : i32
        %parallel_loop3A_485 = vector.broadcast %parallel_loop3A_484 : i32 to vector<16xi32>
        %parallel_loop3A_486 = arith.subi %parallel_loop3A_459, %parallel_loop3A_485 : vector<16xi32>
        %parallel_loop3A_487 = arith.select %parallel_loop3A_483, %parallel_loop3A_486, %parallel_loop3A_459 : vector<16xi1>, vector<16xi32>
        %parallel_loop3A_488 = arith.constant 8 : i32
        %parallel_loop3A_489 = arith.constant 0 : i32
        %parallel_loop3A_490 = arith.cmpi eq, %parallel_loop3A_488, %parallel_loop3A_489 : i32
        %parallel_loop3A_491 = arith.constant 1 : i32
        %parallel_loop3A_492 = arith.select %parallel_loop3A_490, %parallel_loop3A_491, %parallel_loop3A_488 : i32
        %parallel_loop3A_493 = vector.broadcast %parallel_loop3A_492 : i32 to vector<16xi32>
        %parallel_loop3A_494 = arith.remsi %parallel_loop3A_445, %parallel_loop3A_493 : vector<16xi32>
        %parallel_loop3A_495 = arith.constant 0 : i32
        %parallel_loop3A_496 = vector.broadcast %parallel_loop3A_495 : i32 to vector<16xi32>
        %parallel_loop3A_497 = arith.cmpi ne, %parallel_loop3A_494, %parallel_loop3A_496 : vector<16xi32>
        %parallel_loop3A_498 = arith.constant 0 : i32
        %parallel_loop3A_499 = vector.broadcast %parallel_loop3A_498 : i32 to vector<16xi32>
        %parallel_loop3A_500 = arith.cmpi slt, %parallel_loop3A_494, %parallel_loop3A_499 : vector<16xi32>
        %parallel_loop3A_501 = arith.constant 0 : i32
        %parallel_loop3A_502 = arith.cmpi slt, %parallel_loop3A_492, %parallel_loop3A_501 : i32
        %parallel_loop3A_503 = vector.broadcast %parallel_loop3A_502 : i1 to vector<16xi1>
        %parallel_loop3A_504 = vector.broadcast %parallel_loop3A_503 : vector<16xi1> to vector<16xi1>
        %parallel_loop3A_505 = arith.xori %parallel_loop3A_500, %parallel_loop3A_504 : vector<16xi1>
        %parallel_loop3A_506 = arith.andi %parallel_loop3A_505, %parallel_loop3A_497 : vector<16xi1>
        %parallel_loop3A_507 = vector.broadcast %parallel_loop3A_492 : i32 to vector<16xi32>
        %parallel_loop3A_508 = arith.addi %parallel_loop3A_494, %parallel_loop3A_507 : vector<16xi32>
        %parallel_loop3A_509 = arith.select %parallel_loop3A_506, %parallel_loop3A_508, %parallel_loop3A_494 : vector<16xi1>, vector<16xi32>
        %parallel_loop3A_510 = arith.constant 0 : i32
        %parallel_loop3A_511 = arith.constant 0 : i32
        %parallel_loop3A_512 = arith.constant 0 : i32
        %parallel_loop3A_513 = arith.constant 0 : i32
        %parallel_loop3A_514 = tpu.memref_slice %arg9[%parallel_loop3A_240, %parallel_loop3A_510, %parallel_loop3A_511, %parallel_loop3A_512, %parallel_loop3A_513] : memref<2x2x8x8x129xf32, #tpu.memory_space<vmem>> -> memref<1x2x8x8x129xf32, #tpu.memory_space<vmem>>
        %parallel_loop3A_515 = tpu.memref_squeeze %parallel_loop3A_514 : memref<1x2x8x8x129xf32, #tpu.memory_space<vmem>> -> memref<2x8x8x129xf32, #tpu.memory_space<vmem>>
        %parallel_loop3A_516 = arith.constant 0 : i32
        %parallel_loop3A_517 = arith.constant 0 : i32
        %parallel_loop3A_518 = arith.constant 0 : i32
        %parallel_loop3A_519 = tpu.memref_slice %parallel_loop3A_515[%parallel_loop3A_241, %parallel_loop3A_516, %parallel_loop3A_517, %parallel_loop3A_518] : memref<2x8x8x129xf32, #tpu.memory_space<vmem>> -> memref<1x8x8x129xf32, #tpu.memory_space<vmem>>
        %parallel_loop3A_520 = tpu.memref_squeeze %parallel_loop3A_519 : memref<1x8x8x129xf32, #tpu.memory_space<vmem>> -> memref<8x8x129xf32, #tpu.memory_space<vmem>>
        tpu.vector_store_idx %parallel_loop3A_520[%parallel_loop3A_487, %parallel_loop3A_509, %parallel_loop3A_286], %parallel_loop3A_456 : memref<8x8x129xf32, #tpu.memory_space<vmem>>[vector<16xi32>, vector<16xi32>, vector<16xi32>], vector<16xf32>,
        %parallel_loop3A_521 = arith.constant 48 : i32
        %parallel_loop3A_522 = vector.broadcast %parallel_loop3A_521 : i32 to vector<16xi32>
        %parallel_loop3A_523 = arith.addi %parallel_loop3A_522, %iota3A : vector<16xi32>
        %parallel_loop3A_524 = arith.constant 0 : i32
        %parallel_loop3A_525 = arith.constant 0 : i32
        %parallel_loop3A_526 = tpu.memref_slice %arg8[%parallel_loop3A_239, %parallel_loop3A_524, %parallel_loop3A_525] : memref<2x256x64xf32, #tpu.memory_space<vmem>> -> memref<1x256x64xf32, #tpu.memory_space<vmem>>
        %parallel_loop3A_527 = tpu.memref_squeeze %parallel_loop3A_526 : memref<1x256x64xf32, #tpu.memory_space<vmem>> -> memref<256x64xf32, #tpu.memory_space<vmem>>
        %parallel_loop3A_528 = arith.constant 128 : i32
        %parallel_loop3A_529 = arith.constant 0 : i32
        %parallel_loop3A_530 = tpu.memref_slice %parallel_loop3A_527[%parallel_loop3A_528, %parallel_loop3A_529] : memref<256x64xf32, #tpu.memory_space<vmem>> -> memref<128x64xf32, #tpu.memory_space<vmem>>
        %parallel_loop3A_531 = arith.index_cast %parallel_loop3A_285 : i32 to index
        %parallel_loop3A_532 = arith.constant 48 : index
        %parallel_loop3A_533 = tpu.vector_load %parallel_loop3A_530[%parallel_loop3A_531, %parallel_loop3A_532] {strides = array<i32>} : memref<128x64xf32, #tpu.memory_space<vmem>>, vector<16xf32>,
        %parallel_loop3A_534 = arith.addf %parallel_loop3A_533, %get3A_235 : vector<16xf32>
        %parallel_loop3A_535 = arith.constant 8 : i32
        %parallel_loop3A_536 = vector.broadcast %parallel_loop3A_535 : i32 to vector<16xi32>
        %parallel_loop3A_537 = arith.divsi %parallel_loop3A_523, %parallel_loop3A_536 : vector<16xi32>
        %parallel_loop3A_538 = arith.constant 0 : i32
        %parallel_loop3A_539 = vector.broadcast %parallel_loop3A_538 : i32 to vector<16xi32>
        %parallel_loop3A_540 = arith.cmpi sgt, %parallel_loop3A_523, %parallel_loop3A_539 : vector<16xi32>
        %parallel_loop3A_541 = arith.extui %parallel_loop3A_540 : vector<16xi1> to vector<16xi32>
        %parallel_loop3A_542 = arith.constant 0 : i32
        %parallel_loop3A_543 = vector.broadcast %parallel_loop3A_542 : i32 to vector<16xi32>
        %parallel_loop3A_544 = arith.cmpi slt, %parallel_loop3A_523, %parallel_loop3A_543 : vector<16xi32>
        %parallel_loop3A_545 = arith.extui %parallel_loop3A_544 : vector<16xi1> to vector<16xi32>
        %parallel_loop3A_546 = arith.subi %parallel_loop3A_541, %parallel_loop3A_545 : vector<16xi32>
        %parallel_loop3A_547 = arith.constant 0 : i32
        %parallel_loop3A_548 = arith.cmpi sgt, %parallel_loop3A_535, %parallel_loop3A_547 : i32
        %parallel_loop3A_549 = arith.extui %parallel_loop3A_548 : i1 to i32
        %parallel_loop3A_550 = arith.constant 0 : i32
        %parallel_loop3A_551 = arith.cmpi slt, %parallel_loop3A_535, %parallel_loop3A_550 : i32
        %parallel_loop3A_552 = arith.extui %parallel_loop3A_551 : i1 to i32
        %parallel_loop3A_553 = arith.subi %parallel_loop3A_549, %parallel_loop3A_552 : i32
        %parallel_loop3A_554 = vector.broadcast %parallel_loop3A_553 : i32 to vector<16xi32>
        %parallel_loop3A_555 = arith.cmpi ne, %parallel_loop3A_546, %parallel_loop3A_554 : vector<16xi32>
        %parallel_loop3A_556 = vector.broadcast %parallel_loop3A_535 : i32 to vector<16xi32>
        %parallel_loop3A_557 = arith.remsi %parallel_loop3A_523, %parallel_loop3A_556 : vector<16xi32>
        %parallel_loop3A_558 = arith.constant 0 : i32
        %parallel_loop3A_559 = vector.broadcast %parallel_loop3A_558 : i32 to vector<16xi32>
        %parallel_loop3A_560 = arith.cmpi ne, %parallel_loop3A_557, %parallel_loop3A_559 : vector<16xi32>
        %parallel_loop3A_561 = arith.andi %parallel_loop3A_555, %parallel_loop3A_560 : vector<16xi1>
        %parallel_loop3A_562 = arith.constant 1 : i32
        %parallel_loop3A_563 = vector.broadcast %parallel_loop3A_562 : i32 to vector<16xi32>
        %parallel_loop3A_564 = arith.subi %parallel_loop3A_537, %parallel_loop3A_563 : vector<16xi32>
        %parallel_loop3A_565 = arith.select %parallel_loop3A_561, %parallel_loop3A_564, %parallel_loop3A_537 : vector<16xi1>, vector<16xi32>
        %parallel_loop3A_566 = arith.constant 8 : i32
        %parallel_loop3A_567 = arith.constant 0 : i32
        %parallel_loop3A_568 = arith.cmpi eq, %parallel_loop3A_566, %parallel_loop3A_567 : i32
        %parallel_loop3A_569 = arith.constant 1 : i32
        %parallel_loop3A_570 = arith.select %parallel_loop3A_568, %parallel_loop3A_569, %parallel_loop3A_566 : i32
        %parallel_loop3A_571 = vector.broadcast %parallel_loop3A_570 : i32 to vector<16xi32>
        %parallel_loop3A_572 = arith.remsi %parallel_loop3A_523, %parallel_loop3A_571 : vector<16xi32>
        %parallel_loop3A_573 = arith.constant 0 : i32
        %parallel_loop3A_574 = vector.broadcast %parallel_loop3A_573 : i32 to vector<16xi32>
        %parallel_loop3A_575 = arith.cmpi ne, %parallel_loop3A_572, %parallel_loop3A_574 : vector<16xi32>
        %parallel_loop3A_576 = arith.constant 0 : i32
        %parallel_loop3A_577 = vector.broadcast %parallel_loop3A_576 : i32 to vector<16xi32>
        %parallel_loop3A_578 = arith.cmpi slt, %parallel_loop3A_572, %parallel_loop3A_577 : vector<16xi32>
        %parallel_loop3A_579 = arith.constant 0 : i32
        %parallel_loop3A_580 = arith.cmpi slt, %parallel_loop3A_570, %parallel_loop3A_579 : i32
        %parallel_loop3A_581 = vector.broadcast %parallel_loop3A_580 : i1 to vector<16xi1>
        %parallel_loop3A_582 = vector.broadcast %parallel_loop3A_581 : vector<16xi1> to vector<16xi1>
        %parallel_loop3A_583 = arith.xori %parallel_loop3A_578, %parallel_loop3A_582 : vector<16xi1>
        %parallel_loop3A_584 = arith.andi %parallel_loop3A_583, %parallel_loop3A_575 : vector<16xi1>
        %parallel_loop3A_585 = vector.broadcast %parallel_loop3A_570 : i32 to vector<16xi32>
        %parallel_loop3A_586 = arith.addi %parallel_loop3A_572, %parallel_loop3A_585 : vector<16xi32>
        %parallel_loop3A_587 = arith.select %parallel_loop3A_584, %parallel_loop3A_586, %parallel_loop3A_572 : vector<16xi1>, vector<16xi32>
        %parallel_loop3A_588 = arith.constant 0 : i32
        %parallel_loop3A_589 = arith.constant 0 : i32
        %parallel_loop3A_590 = arith.constant 0 : i32
        %parallel_loop3A_591 = arith.constant 0 : i32
        %parallel_loop3A_592 = tpu.memref_slice %arg9[%parallel_loop3A_240, %parallel_loop3A_588, %parallel_loop3A_589, %parallel_loop3A_590, %parallel_loop3A_591] : memref<2x2x8x8x129xf32, #tpu.memory_space<vmem>> -> memref<1x2x8x8x129xf32, #tpu.memory_space<vmem>>
        %parallel_loop3A_593 = tpu.memref_squeeze %parallel_loop3A_592 : memref<1x2x8x8x129xf32, #tpu.memory_space<vmem>> -> memref<2x8x8x129xf32, #tpu.memory_space<vmem>>
        %parallel_loop3A_594 = arith.constant 0 : i32
        %parallel_loop3A_595 = arith.constant 0 : i32
        %parallel_loop3A_596 = arith.constant 0 : i32
        %parallel_loop3A_597 = tpu.memref_slice %parallel_loop3A_593[%parallel_loop3A_241, %parallel_loop3A_594, %parallel_loop3A_595, %parallel_loop3A_596] : memref<2x8x8x129xf32, #tpu.memory_space<vmem>> -> memref<1x8x8x129xf32, #tpu.memory_space<vmem>>
        %parallel_loop3A_598 = tpu.memref_squeeze %parallel_loop3A_597 : memref<1x8x8x129xf32, #tpu.memory_space<vmem>> -> memref<8x8x129xf32, #tpu.memory_space<vmem>>
        tpu.vector_store_idx %parallel_loop3A_598[%parallel_loop3A_565, %parallel_loop3A_587, %parallel_loop3A_286], %parallel_loop3A_534 : memref<8x8x129xf32, #tpu.memory_space<vmem>>[vector<16xi32>, vector<16xi32>, vector<16xi32>], vector<16xf32>,
      } {sc.loop_unroll_factor = 16 : i64, sc.parallel_access}
      %add3A_242 = arith.constant 2 : i32
      %add3A_243 = arith.addi %add3A_180, %add3A_242 : i32
      %lt3A_244 = arith.constant 100 : i32
      %lt3A_245 = arith.cmpi slt, %add3A_243, %lt3A_244 : i32
      %convert_element_type3A_246 = arith.extui %lt3A_245 : i1 to i32
      %cond3A_247 = arith.constant 1 : i32
      %cond3A_248 = arith.constant 0 : i32
      %cond3A_249 = arith.cmpi ne, %convert_element_type3A_246, %cond3A_248 : i32
      scf.if %cond3A_249 {
        %add3A_285 = arith.constant 2 : i32
        %add3A_286 = arith.addi %add3A_180, %add3A_285 : i32
        %mul3A_287 = arith.constant 256 : i32
        %mul3A_288 = arith.muli %add3A_286, %mul3A_287 : i32
        %dma_start3A_289 = arith.constant 0 : i32
        %dma_start3A_290 = arith.constant 0 : i32
        %dma_start3A_291 = tpu.memref_slice %arg8[%cond3A_247, %dma_start3A_289, %dma_start3A_290] : memref<2x256x64xf32, #tpu.memory_space<vmem>> -> memref<1x256x64xf32, #tpu.memory_space<vmem>>
        %dma_start3A_292 = tpu.memref_squeeze %dma_start3A_291 : memref<1x256x64xf32, #tpu.memory_space<vmem>> -> memref<256x64xf32, #tpu.memory_space<vmem>>
        %dma_start3A_293 = tpu.memref_slice %arg6[%mul3A_288] : memref<25600xi32, #tpu.memory_space<vmem>> -> memref<256xi32, #tpu.memory_space<vmem>>
        %dma_start3A_294 = arith.constant 0 : i32
        %dma_start3A_295 = arith.constant 0 : i32
        %dma_start3A_296 = tpu.memref_slice %arg3[%dma_start3A_294, %dma_start3A_295] : memref<1000000x64xf32, #tpu.memory_space<hbm>> -> memref<1000000x64xf32, #tpu.memory_space<hbm>>
        tpu.enqueue_indirect_dma source(%dma_start3A_296 : memref<1000000x64xf32, #tpu.memory_space<hbm>>) target(%dma_start3A_292 : memref<256x64xf32, #tpu.memory_space<vmem>>) offsets(%dma_start3A_293 : memref<256xi32, #tpu.memory_space<vmem>>) semaphore(%arg11 : memref<!tpu.dma_semaphore, #tpu.memory_space<semaphore_mem>>)
      } else {
      }
      %mul3A_250 = arith.constant 2 : i32
      %mul3A_251 = arith.muli %add3A_180, %mul3A_250 : i32
      %dma_start3A_252 = arith.constant 1 : i32
      %dma_start3A_253 = arith.constant 0 : i32
      %dma_start3A_254 = arith.constant 0 : i32
      %dma_start3A_255 = arith.constant 0 : i32
      %dma_start3A_256 = arith.constant 0 : i32
      %dma_start3A_257 = tpu.memref_slice %arg9[%dma_start3A_252, %dma_start3A_253, %dma_start3A_254, %dma_start3A_255, %dma_start3A_256] : memref<2x2x8x8x129xf32, #tpu.memory_space<vmem>> -> memref<1x2x8x8x129xf32, #tpu.memory_space<vmem>>
      %dma_start3A_258 = tpu.memref_squeeze %dma_start3A_257 : memref<1x2x8x8x129xf32, #tpu.memory_space<vmem>> -> memref<2x8x8x129xf32, #tpu.memory_space<vmem>>
      %dma_start3A_259 = arith.constant 0 : i32
      %dma_start3A_260 = arith.constant 0 : i32
      %dma_start3A_261 = arith.constant 0 : i32
      %dma_start3A_262 = arith.constant 0 : i32
      %dma_start3A_263 = tpu.memref_slice %dma_start3A_258[%dma_start3A_259, %dma_start3A_260, %dma_start3A_261, %dma_start3A_262] : memref<2x8x8x129xf32, #tpu.memory_space<vmem>> -> memref<2x8x8x128xf32, #tpu.memory_space<vmem>>
      %dma_start3A_264 = arith.constant 0 : i32
      %dma_start3A_265 = arith.constant 0 : i32
      %dma_start3A_266 = arith.constant 0 : i32
      %dma_start3A_267 = tpu.memref_slice %arg5[%mul3A_251, %dma_start3A_264, %add3A, %dma_start3A_265, %dma_start3A_266] : memref<200x8x32x8x128xf32, #tpu.memory_space<hbm>> -> memref<2x8x1x8x128xf32, #tpu.memory_space<hbm>>
      %dma_start3A_268 = tpu.memref_squeeze %dma_start3A_267 : memref<2x8x1x8x128xf32, #tpu.memory_space<hbm>> -> memref<2x8x8x128xf32, #tpu.memory_space<hbm>>
      %dma_start3A_269 = arith.constant 0 : i32
      %dma_start3A_270 = arith.constant 0 : i32
      %dma_start3A_271 = arith.constant 0 : i32
      %dma_start3A_272 = tpu.memref_slice %arg5[%mul3A_251, %dma_start3A_269, %add3A, %dma_start3A_270, %dma_start3A_271] : memref<200x8x32x8x128xf32, #tpu.memory_space<hbm>> -> memref<2x8x1x8x128xf32, #tpu.memory_space<hbm>>
      %dma_start3A_273 = tpu.memref_squeeze %dma_start3A_272 : memref<2x8x1x8x128xf32, #tpu.memory_space<hbm>> -> memref<2x8x8x128xf32, #tpu.memory_space<hbm>>
      %dma_start3A_274 = arith.constant 0 : i32
      %dma_start3A_275 = arith.constant 0 : i32
      %dma_start3A_276 = arith.constant 0 : i32
      %dma_start3A_277 = arith.constant 0 : i32
      %dma_start3A_278 = tpu.memref_slice %arg9[%dma_start3A_252, %dma_start3A_274, %dma_start3A_275, %dma_start3A_276, %dma_start3A_277] : memref<2x2x8x8x129xf32, #tpu.memory_space<vmem>> -> memref<1x2x8x8x129xf32, #tpu.memory_space<vmem>>
      %dma_start3A_279 = tpu.memref_squeeze %dma_start3A_278 : memref<1x2x8x8x129xf32, #tpu.memory_space<vmem>> -> memref<2x8x8x129xf32, #tpu.memory_space<vmem>>
      %dma_start3A_280 = arith.constant 0 : i32
      %dma_start3A_281 = arith.constant 0 : i32
      %dma_start3A_282 = arith.constant 0 : i32
      %dma_start3A_283 = arith.constant 0 : i32
      %dma_start3A_284 = tpu.memref_slice %dma_start3A_279[%dma_start3A_280, %dma_start3A_281, %dma_start3A_282, %dma_start3A_283] : memref<2x8x8x129xf32, #tpu.memory_space<vmem>> -> memref<2x8x8x128xf32, #tpu.memory_space<vmem>>
      tpu.enqueue_dma source(%dma_start3A_284 : memref<2x8x8x128xf32, #tpu.memory_space<vmem>>) target(%dma_start3A_273 : memref<2x8x8x128xf32, #tpu.memory_space<hbm>>) target_semaphore(%arg13 : memref<!tpu.dma_semaphore, #tpu.memory_space<semaphore_mem>>)
    }
    %scan3A_24 = arith.constant 50 : i32
    %dma_wait3A = arith.constant 0 : i32
    %dma_wait3A_25 = arith.constant 0 : i32
    %dma_wait3A_26 = arith.constant 0 : i32
    %dma_wait3A_27 = arith.constant 0 : i32
    %dma_wait3A_28 = arith.constant 0 : i32
    %dma_wait3A_29 = tpu.memref_slice %arg9[%dma_wait3A, %dma_wait3A_25, %dma_wait3A_26, %dma_wait3A_27, %dma_wait3A_28] : memref<2x2x8x8x129xf32, #tpu.memory_space<vmem>> -> memref<1x2x8x8x128xf32, #tpu.memory_space<vmem>>
    %dma_wait3A_30 = tpu.memref_squeeze %dma_wait3A_29 : memref<1x2x8x8x128xf32, #tpu.memory_space<vmem>> -> memref<2x8x8x128xf32, #tpu.memory_space<vmem>>
    %dma_wait3A_31 = arith.constant 196 : i32
    %dma_wait3A_32 = arith.constant 0 : i32
    %dma_wait3A_33 = arith.constant 0 : i32
    %dma_wait3A_34 = arith.constant 0 : i32
    %dma_wait3A_35 = tpu.memref_slice %arg5[%dma_wait3A_31, %dma_wait3A_32, %add3A, %dma_wait3A_33, %dma_wait3A_34] : memref<200x8x32x8x128xf32, #tpu.memory_space<hbm>> -> memref<2x8x1x8x128xf32, #tpu.memory_space<hbm>>
    %dma_wait3A_36 = tpu.memref_squeeze %dma_wait3A_35 : memref<2x8x1x8x128xf32, #tpu.memory_space<hbm>> -> memref<2x8x8x128xf32, #tpu.memory_space<hbm>>
    %dma_wait3A_37 = arith.constant 196 : i32
    %dma_wait3A_38 = arith.constant 0 : i32
    %dma_wait3A_39 = arith.constant 0 : i32
    %dma_wait3A_40 = arith.constant 0 : i32
    %dma_wait3A_41 = tpu.memref_slice %arg5[%dma_wait3A_37, %dma_wait3A_38, %add3A, %dma_wait3A_39, %dma_wait3A_40] : memref<200x8x32x8x128xf32, #tpu.memory_space<hbm>> -> memref<2x8x1x8x128xf32, #tpu.memory_space<hbm>>
    %dma_wait3A_42 = tpu.memref_squeeze %dma_wait3A_41 : memref<2x8x1x8x128xf32, #tpu.memory_space<hbm>> -> memref<2x8x8x128xf32, #tpu.memory_space<hbm>>
    %dma_wait3A_43 = arith.constant 0 : i32
    %dma_wait3A_44 = arith.constant 0 : i32
    %dma_wait3A_45 = arith.constant 0 : i32
    %dma_wait3A_46 = arith.constant 0 : i32
    %dma_wait3A_47 = tpu.memref_slice %arg9[%dma_wait3A, %dma_wait3A_43, %dma_wait3A_44, %dma_wait3A_45, %dma_wait3A_46] : memref<2x2x8x8x129xf32, #tpu.memory_space<vmem>> -> memref<1x2x8x8x128xf32, #tpu.memory_space<vmem>>
    %dma_wait3A_48 = tpu.memref_squeeze %dma_wait3A_47 : memref<1x2x8x8x128xf32, #tpu.memory_space<vmem>> -> memref<2x8x8x128xf32, #tpu.memory_space<vmem>>
    tpu.wait_dma2 semaphore(%arg12 : memref<!tpu.dma_semaphore, #tpu.memory_space<semaphore_mem>>) src(%dma_wait3A_48 : memref<2x8x8x128xf32, #tpu.memory_space<vmem>>) dst(%dma_wait3A_42 : memref<2x8x8x128xf32, #tpu.memory_space<hbm>>)
    %dma_wait3A_49 = arith.constant 1 : i32
    %dma_wait3A_50 = arith.constant 0 : i32
    %dma_wait3A_51 = arith.constant 0 : i32
    %dma_wait3A_52 = arith.constant 0 : i32
    %dma_wait3A_53 = arith.constant 0 : i32
    %dma_wait3A_54 = tpu.memref_slice %arg9[%dma_wait3A_49, %dma_wait3A_50, %dma_wait3A_51, %dma_wait3A_52, %dma_wait3A_53] : memref<2x2x8x8x129xf32, #tpu.memory_space<vmem>> -> memref<1x2x8x8x128xf32, #tpu.memory_space<vmem>>
    %dma_wait3A_55 = tpu.memref_squeeze %dma_wait3A_54 : memref<1x2x8x8x128xf32, #tpu.memory_space<vmem>> -> memref<2x8x8x128xf32, #tpu.memory_space<vmem>>
    %dma_wait3A_56 = arith.constant 198 : i32
    %dma_wait3A_57 = arith.constant 0 : i32
    %dma_wait3A_58 = arith.constant 0 : i32
    %dma_wait3A_59 = arith.constant 0 : i32
    %dma_wait3A_60 = tpu.memref_slice %arg5[%dma_wait3A_56, %dma_wait3A_57, %add3A, %dma_wait3A_58, %dma_wait3A_59] : memref<200x8x32x8x128xf32, #tpu.memory_space<hbm>> -> memref<2x8x1x8x128xf32, #tpu.memory_space<hbm>>
    %dma_wait3A_61 = tpu.memref_squeeze %dma_wait3A_60 : memref<2x8x1x8x128xf32, #tpu.memory_space<hbm>> -> memref<2x8x8x128xf32, #tpu.memory_space<hbm>>
    %dma_wait3A_62 = arith.constant 198 : i32
    %dma_wait3A_63 = arith.constant 0 : i32
    %dma_wait3A_64 = arith.constant 0 : i32
    %dma_wait3A_65 = arith.constant 0 : i32
    %dma_wait3A_66 = tpu.memref_slice %arg5[%dma_wait3A_62, %dma_wait3A_63, %add3A, %dma_wait3A_64, %dma_wait3A_65] : memref<200x8x32x8x128xf32, #tpu.memory_space<hbm>> -> memref<2x8x1x8x128xf32, #tpu.memory_space<hbm>>
    %dma_wait3A_67 = tpu.memref_squeeze %dma_wait3A_66 : memref<2x8x1x8x128xf32, #tpu.memory_space<hbm>> -> memref<2x8x8x128xf32, #tpu.memory_space<hbm>>
    %dma_wait3A_68 = arith.constant 0 : i32
    %dma_wait3A_69 = arith.constant 0 : i32
    %dma_wait3A_70 = arith.constant 0 : i32
    %dma_wait3A_71 = arith.constant 0 : i32
    %dma_wait3A_72 = tpu.memref_slice %arg9[%dma_wait3A_49, %dma_wait3A_68, %dma_wait3A_69, %dma_wait3A_70, %dma_wait3A_71] : memref<2x2x8x8x129xf32, #tpu.memory_space<vmem>> -> memref<1x2x8x8x128xf32, #tpu.memory_space<vmem>>
    %dma_wait3A_73 = tpu.memref_squeeze %dma_wait3A_72 : memref<1x2x8x8x128xf32, #tpu.memory_space<vmem>> -> memref<2x8x8x128xf32, #tpu.memory_space<vmem>>
    tpu.wait_dma2 semaphore(%arg13 : memref<!tpu.dma_semaphore, #tpu.memory_space<semaphore_mem>>) src(%dma_wait3A_73 : memref<2x8x8x128xf32, #tpu.memory_space<vmem>>) dst(%dma_wait3A_67 : memref<2x8x8x128xf32, #tpu.memory_space<hbm>>)
    return
  }
}

</mosaic_0001>

<sc_bundles>
// kernel: _fused_embed.3.cloned.1.call-start
scs
__scs_entry_jumppad:
0x0: {  	(pc) =	sbr.rel $0x88, $3  }
0x1: {  	(tag) =	ssettag $0x0;
	lr =	simm.s32 $0x1  }
0x2: {  	[smem:$0x3F9E] =	sst lr;
	_ =	strace $0xD0000000  }
0x3: {  	_ = 	snop  }
0x4: {  	_ = 	snop  }
0x5: {  	_ = 	snop  }
0x6: {  	_ = 	snop  }
0x7: {  	_ = 	snop  }
__scs_overlays_trampoline_lowered:
0x8: {  	[smem:$0x3FAD] =	sst s0  }
0x9: {  	[smem:$0x3FAE] =	sst s1  }
0xa: {  	[smem:$0x3FAF] =	sst s2  }
0xb: {  	[smem:$0x3FB0] =	sst s3  }
0xc: {  	[smem:$0x3FB1] =	sst s4  }
0xd: {  	[smem:$0x3FB2] =	sst s5  }
0xe: {  	[smem:$0x3FB3] =	sst s6  }
0xf: {  	[smem:$0x3FB4] =	sst s7  }
0x10: {  	[smem:$0x3FB5] =	sst s8  }
0x11: {  	[smem:$0x3FB6] =	sst s9;
	s0 =	simm.s32 @!p0 $0x0  }
0x12: {  	s1 =	sld [smem:$0x3F9C];
	s0 =	simm.s32 @p0 $0x1  }
0x13: {  	[smem:$0x3FB7] =	sst s0;
	s0 =	simm.s32 @!p1 $0x0  }
0x14: {  	s2 =	sld [smem:$0x3F9B];
	s0 =	simm.s32 @p1 $0x1  }
0x15: {  	[smem:$0x3FB8] =	sst s0;
	s0 =	simm.s32 @!p2 $0x0  }
0x16: {  	s3 =	sld [smem:$0x3FDB];
	s0 =	simm.s32 @p2 $0x1  }
0x17: {  	s4 =	simm.s32 $0x1BF5;
	[smem:$0x3FBA] =	sst s0  }
0x18: {  	s0 =	sld [smem:$0x3F9D];
	_ =	swait.ge [sflag:s4], $0x0  }
0x19: {  	s7 =	sld [smem:$0x3F9E]  }
0x1a: {  	s8 =	sadd.s32 $0xFFFFE003, lr  }
0x1b: {  	s9 =	sadd.s32 $0xFFFFFEF7, lr;
	s5 =	simm.s32 $0xFFFFFFFF;
	p2 =	slt.u32 s8, $0xFFFFF086  }
0x1c: {  	p1 =	slt.u32 s9, $0xF7A;
	s5 =	simm.s32 @!p2 $0x0  }
0x1d: {  	s5 =	simm.s32 @p1 $0x1;
	p0 =	seq.s32 s7, s2  }
0x1e: {  	s7 =	smul.u32 @!p0 $0xF7A, s2;
	p2 =	seq.s32 @!p0 s5, $0x0  }
0x1f: {  	s9 =	smul.u32 $0xF7A, s1;
	s8 =	simm.s32 @!p0 $0x1BF5;
	p2 =	por !p2, p0  }
0x20: {  	[sflag:s8] =	ssyncset.s32 @!p0 $0xFFFFF086;
	s6 =	sadd.s32 @!p0 s3, s7;
	s7 =	simm.s32 @!p0 $0x108  }
0x21: {  	s3 =	sadd.s32 s3, s9;
	s6 =	sadd.s32 @!p0 $0x88, s6;
	s7 =	simm.s32 @p2 $0x1082  }
0x22: {  	[simem:s7], [sflag:s8] =	dma.local @!p0 [hbm:s6], $0xF7A  }
0x23: {  	s9 =	sor.u32 $0xD0000000, s2;
	s6 =	simm.s32 $0x108;
	_ =	swait.ge @!p0 [sflag:s8], $0x0  }
0x24: {  	s3 =	sadd.s32 $0x88, s3;
	s6 =	simm.s32 @!p1 $0x1082;
	[sflag:s4] =	ssyncset.s32 $0xFFFFF086  }
0x25: {  	[simem:s6], [sflag:s4] =	dma.local [hbm:s3], $0xF7A  }
0x26: {  	[smem:$0x3F9E] =	sst s1;
	(tag) =	ssettag s2;
	_ =	strace s9  }
0x27: {  	s1 =	sld [smem:$0x3FAE]  }
0x28: {  	s2 =	sld [smem:$0x3FAF]  }
0x29: {  	s4 =	sld [smem:$0x3FB1]  }
0x2a: {  	p0 =	seq.s32 s5, $0x0;
	s5 =	sld [smem:$0x3FB2]  }
0x2b: {  	s6 =	sld [smem:$0x3FB3]  }
0x2c: {  	s7 =	sld [smem:$0x3FB4]  }
0x2d: {  	s3 =	simm.s32 $0x108;
	s8 =	sld [smem:$0x3FB5]  }
0x2e: {  	s3 =	simm.s32 @!p0 $0x1082;
	s9 =	sld [smem:$0x3FB6]  }
0x2f: {  	lr =	sadd.s32 s0, s3;
	s0 =	sld [smem:$0x3FAD]  }
0x30: {  	s3 =	sld [smem:$0x3FB0]  }
0x31: {  	[smem:$0x3FB9] =	sst s10  }
0x32: {  	s10 =	sld [smem:$0x3FB7];
	_ =	sdelay $0x3  }
0x33: {  	p0 =	seq.s32 s10, $0x1;
	s10 =	sld [smem:$0x3FB9];
	_ =	sdelay $0x3  }
0x34: {  	[smem:$0x3FB9] =	sst s10  }
0x35: {  	s10 =	sld [smem:$0x3FB8];
	_ =	sdelay $0x3  }
0x36: {  	p1 =	seq.s32 s10, $0x1;
	s10 =	sld [smem:$0x3FB9];
	_ =	sdelay $0x3  }
0x37: {  	[smem:$0x3FB9] =	sst s10  }
0x38: {  	s10 =	sld [smem:$0x3FBA]  }
0x39: {  	_ = 	snop;
	(pc) =	sbr.ind lr, $3  }
0x3a: {  	_ = 	snop  }
0x3b: {  	_ = 	snop  }
0x3c: {  	p2 =	seq.s32 s10, $0x1;
	s10 =	sld [smem:$0x3FB9]  }
0x3d: {  	_ =	shalt  }
0x3e: {  	_ =	shalt  }
0x3f: {  	_ =	shalt  }
0x40: {  	_ =	shalt  }
0x41: {  	_ =	shalt  }
0x42: {  	_ =	shalt  }
0x43: {  	_ =	shalt  }
0x44: {  	_ =	shalt  }
0x45: {  	_ =	shalt  }
0x46: {  	_ =	shalt  }
0x47: {  	_ =	shalt  }
0x48: {  	_ =	shalt  }
0x49: {  	_ =	shalt  }
0x4a: {  	_ =	shalt  }
0x4b: {  	_ =	shalt  }
0x4c: {  	_ =	shalt  }
0x4d: {  	_ =	shalt  }
0x4e: {  	_ =	shalt  }
0x4f: {  	_ =	shalt  }
0x50: {  	_ =	shalt  }
0x51: {  	_ =	shalt  }
0x52: {  	_ =	shalt  }
0x53: {  	_ =	shalt  }
0x54: {  	_ =	shalt  }
0x55: {  	_ =	shalt  }
0x56: {  	_ =	shalt  }
0x57: {  	_ =	shalt  }
0x58: {  	_ =	shalt  }
0x59: {  	_ =	shalt  }
0x5a: {  	_ =	shalt  }
0x5b: {  	_ =	shalt  }
0x5c: {  	_ =	shalt  }
0x5d: {  	_ =	shalt  }
0x5e: {  	_ =	shalt  }
0x5f: {  	_ =	shalt  }
0x60: {  	_ =	shalt  }
0x61: {  	_ =	shalt  }
0x62: {  	_ =	shalt  }
0x63: {  	_ =	shalt  }
0x64: {  	_ =	shalt  }
0x65: {  	_ =	shalt  }
0x66: {  	_ =	shalt  }
0x67: {  	_ =	shalt  }
0x68: {  	_ =	shalt  }
0x69: {  	_ =	shalt  }
0x6a: {  	_ =	shalt  }
0x6b: {  	_ =	shalt  }
0x6c: {  	_ =	shalt  }
0x6d: {  	_ =	shalt  }
0x6e: {  	_ =	shalt  }
0x6f: {  	_ =	shalt  }
0x70: {  	_ =	shalt  }
0x71: {  	_ =	shalt  }
0x72: {  	_ =	shalt  }
0x73: {  	_ =	shalt  }
0x74: {  	_ =	shalt  }
0x75: {  	_ =	shalt  }
0x76: {  	_ =	shalt  }
0x77: {  	_ =	shalt  }
0x78: {  	_ =	shalt  }
0x79: {  	_ =	shalt  }
0x7a: {  	_ =	shalt  }
0x7b: {  	_ =	shalt  }
0x7c: {  	_ =	shalt  }
0x7d: {  	_ =	shalt  }
0x7e: {  	_ =	shalt  }
0x7f: {  	_ =	shalt  }
0x80: {  	_ =	shalt  }
0x81: {  	_ =	shalt  }
0x82: {  	_ =	shalt  }
0x83: {  	_ =	shalt  }
0x84: {  	_ =	shalt  }
0x85: {  	_ =	shalt  }
0x86: {  	_ =	shalt  }
0x87: {  	_ =	shalt  }
.Lfunc_end0:
.L_simem_size_0:
called_computation_lowered:
.L_overlay_start_0:
0x88: {  	s2 =	sld [smem:$0x3FD9]  }
0x89: {  	s3 =	sld [smem:$0x3FFE];
	_ =	sdelay $0x1  }
0x8a: {  	s1 =	srdreg.scid  }
0x8b: {  	s0 =	sand.u32 $0x1, s1  }
0x8c: {  	s17 =	sshll.u32 s0, $0xA;
	s2 =	sadd.s32 s3, s2  }
0x8d: {  	s2 =	sadd.s32 s2, s17  }
0x8e: {  	[smem:$0x3FC5] =	sst s2  }
0x8f: {  	_ = 	snop  }
0x90: {  	s2 =	sld [smem:$0x3FD0];
	(tm) =	ssettm $0x1  }
0x91: {  	s18 =	sld [smem:$0x3FFB];
	_ =	sdelay $0x3  }
0x92: {  	_ =	strace s18  }
0x93: {  	s3 =	sld [smem:$0x3FFC];
	_ =	sdelay $0x3  }
0x94: {  	_ =	strace s3  }
0x95: {  	s3 =	sld [smem:$0x3FFD];
	_ =	sdelay $0x3  }
0x96: {  	_ =	strace s3  }
0x97: {  	_ =	strace $0x8FFFFFFF  }
0x98: {  	s19 =	sld [smem:$0x3FDB];
	_ =	sdelay $0x1  }
0x99: {  	s4 =	simm.s32 $_scs_section_size  }
0x9a: {  	s5 =	simm.s32 $_size__tile_overlayer_lowered;
	s6 =	simm.s32 $_tile_overlayer_lowered  }
0x9b: {  	s22 =	simm.s32 $0x1BFF;
	s21 =	sshll.u32 s6, $0x1;
	s3 =	sadd.s32 s4, s19  }
0x9c: {  	s7 =	simm.s32 $0x0;
	s20 =	sshll.u32 s5, $0x1;
	s5 =	sadd.s32 s21, s3  }
0x9d: {  	[timem:s7], [sflag:s22] =	dma.local [hbm:s5], s20  }
0x9e: {  	_ =	swait.ge [sflag:s22], s20  }
0x9f: {  	s4 =	ssub.s32 $0x0, s20;
	[sflag:s22] =	ssyncset.done $0x0  }
0xa0: {  	[sflag:s22] =	ssyncadd.s32 s4;
	_ =	sdelay $0x1  }
0xa1: {  	s23 =	simm.s32 $0x1B8B  }
0xa2: {  	_ =	swait.ge [sflag:s23], $0x1  }
0xa3: {  	[sflag:s23] =	ssyncset.done $0x0  }
0xa4: {  	s25 =	simm.s32 $0x1B8E;
	s24 =	sld [smem:$0x3FFE];
	[sflag:s23] =	ssyncadd.s32 $0xFFFFFFFF  }
0xa5: {  	s26 =	simm.s32 $execute0_lowered;
	[smem:$0x3FD2] =	sst s25  }
0xa6: {  	s5 =	sshll.u32 s26, $0x1;
	_ =	strace $0x80000046;
	[dreg:$0x1] =	wrdreg $0xFFFFFFFF  }
0xa7: {  	s28 =	simm.s32 $_size_execute0_lowered;
	s3 =	sadd.s32 s3, s5;
	[dreg:$0x0] =	wrdreg $0x0  }
0xa8: {  	s5 =	sshll.u32 s28, $0x1;
	[dreg:$0x2] =	wrdreg s3  }
0xa9: {  	[dreg:$0x3] =	wrdreg s5  }
0xaa: {  	[dreg:$0x4] =	wrdreg $0xC0  }
0xab: {  	_ =	task [dreg:s7], $0x5FFFF  }
0xac: {  	[dreg:$0x1] =	wrdreg $0xFFFFFFFF  }
0xad: {  	[dreg:$0x0] =	wrdreg $0x60  }
0xae: {  	[dreg:$0x2] =	wrdreg s24  }
0xaf: {  	[dreg:$0x3] =	wrdreg s2  }
0xb0: {  	[dreg:$0x4] =	wrdreg $0x9  }
0xb1: {  	_ =	task.clear_ibuf [dreg:s7], $0x5FFFF;
	_ =	strace $0x90000046  }
0xb2: {  	s29 =	simm.s32 $0x9;
	_ =	strace $0x80000048  }
0xb3: {  	_ =	swait.ge [sflag:s29], $0x1  }
0xb4: {  	[sflag:s29] =	ssyncadd.s32 $0xFFFFFFFF  }
0xb5: {  	_ =	strace $0x90000048  }
0xb6: {  	_ =	sfence  }
0xb7: {  	s30 =	sld [smem:$0x0];
	_ =	sdelay $0x2  }
0xb8: {  	s31 =	sshll.u32 s1, $0xD;
	s1 =	sshrl.u32 s1, $0x2  }
0xb9: {  	s3 =	sand.u32 $0x4000, s31;
	s1 =	sadd.s32 s1, s30  }
0xba: {  	s0 =	sor.u32 s3, s0;
	s1 =	sshll.u32 s1, $0x11  }
0xbb: {  	s0 =	sor.u32 s1, s0  }
0xbc: {  	s0 =	sadd.s32 $0x8F2B, s0  }
0xbd: {  	[sflag:s0] =	ssyncadd.remote.s32 $0x1  }
0xbe: {  	_ =	sfence.sel $0xFFFF  }
0xbf: {  	[dreg:$0x0] =	wrdreg $0xFFFFFFFF;
	(pc) =	sbr.abs _section_cstart, $3  }
0xc0: {  	[dreg:$0x1] =	wrdreg $0xFFFFFFFF  }
0xc1: {  	_ =	task.clear_ibuf [dreg:s7], $0x2FFFF;
	_ =	strace $0x9FFFFFFF  }
0xc2: {  	(tm) =	ssettm $0x7FFFFFFF  }
0xc3: {  	_ =	shalt  }
tec
execute0_lowered:
.L_overlay_start_1:
0x0: {  	(tag) =	ssettag $0x1  }
0x1: {  	v0 =	vlaneseq.u32  }
0x2: {  	v63 =	vmul.u32 $0x88, v0;
	_ =	sdelay $0x1  }
0x3: {  	v0 =	vor.u32 $0x1, v63  }
0x4: {  	[tilespmem:$0x1FE00] =	vst v0;
	v0 =	vadd.s32 $0x881, v63  }
0x5: {  	[tilespmem:$0x1FE10] =	vst v0;
	v0 =	vadd.s32 $0x1101, v63  }
0x6: {  	s5 =	rddreg [dreg:$0x0];
	s3 =	simm.s32 $0x0;
	[tilespmem:$0x1FE20] =	vst v0;
	v0 =	vadd.s32 $0x1981, v63  }
0x7: {  	[smem:$0x7FF] =	sst s3;
	[tilespmem:$0x1FE30] =	vst v0;
	v0 =	vadd.s32 $0x1107, v63  }
0x8: {  	s2 =	rddreg [dreg:$0x1];
	_ =	strace $0x80000047;
	[tilespmem:$0x1FE40] =	vst v0  }
0x9: {  	v7 =	vadd.s32 $0x880, v63;
	[tilespmem:$0x1FE60] =	vst v63  }
0xa: {  	v8 =	vadd.s32 $0x1100, v63;
	[tilespmem:$0x1FE70] =	vst v7  }
0xb: {  	v6 =	vadd.s32 $0x1980, v63;
	[tilespmem:$0x1FE80] =	vst v8  }
0xc: {  	v14 =	vor.u32 $0x2, v63;
	[tilespmem:$0x1FE90] =	vst v6  }
0xd: {  	v15 =	vadd.s32 $0x882, v63;
	[tilespmem:$0x1FEA0] =	vst v14  }
0xe: {  	v16 =	vadd.s32 $0x1102, v63;
	[tilespmem:$0x1FEB0] =	vst v15  }
0xf: {  	v17 =	vadd.s32 $0x1982, v63;
	[tilespmem:$0x1FEC0] =	vst v16  }
0x10: {  	v18 =	vor.u32 $0x3, v63;
	[tilespmem:$0x1FED0] =	vst v17  }
0x11: {  	v19 =	vadd.s32 $0x883, v63;
	[tilespmem:$0x1FEE0] =	vst v18  }
0x12: {  	v20 =	vadd.s32 $0x1103, v63;
	[tilespmem:$0x1FEF0] =	vst v19  }
0x13: {  	v21 =	vadd.s32 $0x1983, v63;
	[tilespmem:$0x1FF00] =	vst v20  }
0x14: {  	v22 =	vor.u32 $0x4, v63;
	[tilespmem:$0x1FF10] =	vst v21  }
0x15: {  	v23 =	vadd.s32 $0x884, v63;
	[tilespmem:$0x1FF20] =	vst v22  }
0x16: {  	v24 =	vadd.s32 $0x1104, v63;
	[tilespmem:$0x1FF30] =	vst v23  }
0x17: {  	v25 =	vadd.s32 $0x1984, v63;
	[tilespmem:$0x1FF40] =	vst v24  }
0x18: {  	v26 =	vor.u32 $0x5, v63;
	[tilespmem:$0x1FF50] =	vst v25  }
0x19: {  	v27 =	vadd.s32 $0x885, v63;
	[tilespmem:$0x1FF60] =	vst v26  }
0x1a: {  	s1 =	srdreg.scid;
	s0 =	stileid.u32;
	v28 =	vadd.s32 $0x1105, v63;
	[tilespmem:$0x1FF70] =	vst v27  }
0x1b: {  	s10 =	simm.s32 $0x6400;
	s11 =	simm.s32 $0x100;
	s12 =	simm.s32 $0x9600;
	v13 =	vadd.s32 $0x1985, v63;
	[tilespmem:$0x1FF80] =	vst v28  }
0x1c: {  	s13 =	simm.s32 $0xD600;
	s14 =	simm.s32 $0x1;
	s15 =	simm.s32 $0x11600;
	v30 =	vor.u32 $0x6, v63;
	[tilespmem:$0x1FF90] =	vst v13  }
0x1d: {  	s16 =	simm.s32 $0x13800;
	s17 =	simm.s32 $0x2;
	s18 =	simm.s32 $0x15A00;
	v31 =	vadd.s32 $0x886, v63;
	[tilespmem:$0x1FFA0] =	vst v30  }
0x1e: {  	s19 =	simm.s32 $0x17C00;
	s4 =	sand.u32 $0x1, s1;
	s31 =	sshll.u32 s0, $0x1;
	v32 =	vadd.s32 $0x1106, v63;
	[tilespmem:$0x1FFB0] =	vst v31  }
0x1f: {  	s20 =	simm.s32 $0x3;
	s21 =	simm.s32 $0x4;
	s7 =	sor.u32 s4, s31;
	v5 =	vor.u32 $0x7, v63;
	[tilespmem:$0x1FFC0] =	vst v32  }
0x20: {  	s22 =	simm.s32 $0x0;
	s8 =	ssub.s32 $0x2, s4;
	s6 =	smul.u32 $0xC80, s7;
	v9 =	vadd.s32 $0x887, v63;
	[tilespmem:$0x1FFD0] =	vst v5  }
0x21: {  	s4 =	sadd.s32 $0xF42C00, s5;
	s9 =	sshrl.u32 s8, $0x1;
	s7 =	sshll.u32 s7, $0xA;
	v11 =	vadd.s32 $0x1986, v63;
	[tilespmem:$0x1FFE0] =	vst v9  }
0x22: {  	v1 =	vimm.s32 $0x0;
	vm0 =	vcmask $0x300;
	s8 =	ssub.s32 s8, s9;
	s9 =	simm.s32 $0x5;
	s6 =	sadd.s32 s6, s5;
	v0 =	vadd.s32 $0x1987, v63;
	[tilespmem:$0x1FFF0] =	vst v11  }
0x23: {  	v1 =	vsel vm0, $0x3, v1;
	s5 =	sadd.s32 $0x19800, s5;
	s8 =	smax.u32 s8, $0x1;
	s6 =	sadd.s32 $0x800, s6;
	[tilespmem:$0x1FE50] =	vst v0  }
.LBB2_1:
0x24: {  	[tilespmem:s3], [sflag:$0x5] =	stream.linear.gather [hbm4b:s6+s3], $0x6400, $0x38;
	[tilespmem:$0x19E00] =	vst v63  }
0x25: {  	_ =	swait.ge [sflag:s9], $0x6400  }
0x26: {  	[sflag:s9] =	ssyncset.done $0x0  }
0x27: {  	[sflag:s9] =	ssyncadd.s32 $0xFFFF9C00  }
0x28: {  	[tilespmem:s10], [sflag:$0x5] =	stream.linear.gather [hbm4b:s5+s3], $0x3200, $0x38;
	[tilespmem:$0x19E00] =	vst v63  }
0x29: {  	_ =	swait.ge [sflag:s9], $0x3200  }
0x2a: {  	[sflag:s9] =	ssyncset.done $0x0  }
0x2b: {  	[sflag:s9] =	ssyncadd.s32 $0xFFFFCE00  }
0x2c: {  	[tilespmem:s12], [sflag:$0x1] =	stream.indirect.gather [hbm4b:s4+s11], $0x40, s3, s11, $0xb8;
	[tilespmem:$0x19E00] =	vst v63  }
0x2d: {  	s23 =	simm.s32 $0x0  }
0x2e: {  	[tilespmem:s13], [sflag:$0x2] =	stream.indirect.gather [hbm4b:s4+s11], $0x40, s11, s11, $0xb8;
	[tilespmem:$0x19E00] =	vst v63  }
.LBB2_2:
0x2f: {  	s24 =	simm.s32 $0x0;
	s1 =	simm.s32 $0x1;
	s25 =	simm.s32 $0x2  }
0x30: {  	s26 =	simm.s32 $0x3;
	s30 =	simm.s32 $0x4;
	s31 =	simm.s32 $0x5;
	v33 =	vmov s24;
	v34 =	vmov s1;
	v35 =	vmov s25  }
0x31: {  	_ =	swait.ge [sflag:s14], $0x4000;
	v36 =	vmov s26;
	s1 =	simm.s32 $0x6;
	v37 =	vmov s30;
	v38 =	vmov s31;
	s30 =	simm.s32 $0x7  }
0x32: {  	p0 =	seq.s32 s23, $0x0;
	s31 =	simm.s32 $0x8;
	[sflag:s14] =	ssyncset.done $0x0;
	v33 =	vshrl.u32 v33, $0x3;
	v39 =	vmov s1;
	v40 =	vmov s30  }
0x33: {  	s24 =	simm.s32 @!p0 $0x3;
	s26 =	simm.s32 $0xF;
	s1 =	simm.s32 $0x9;
	v41 =	vmov s31;
	v34 =	vshrl.u32 v34, $0x3;
	v48 =	vshrl.u32 v35, $0x3  }
0x34: {  	s30 =	simm.s32 $0xA;
	s31 =	simm.s32 $0xB;
	[sflag:s14] =	ssyncadd.s32 $0xFFFFC000;
	v49 =	vshrl.u32 v36, $0x3;
	v50 =	vshrl.u32 v37, $0x3;
	v61 =	vmov s26  }
0x35: {  	v42 =	vmov s1;
	s1 =	simm.s32 $0xC;
	v43 =	vmov s30;
	v44 =	vmov s31;
	_ =	swait.ge @!p0 [sflag:s24], $0x4000  }
0x36: {  	v33 =	vshll.u32 v33, v1;
	v39 =	vshrl.u32 v39, $0x3;
	v45 =	vmov s1;
	[sflag:s24] =	ssyncset.done @!p0 $0x0;
	s1 =	sshll.u32 s23, $0x8  }
0x37: {  	v41 =	vshrl.u32 v41, $0x3;
	v51 =	vshll.u32 v34, v1;
	v48 =	vshll.u32 v48, v1;
	v2 =	vld [tilespmem:$0x1FE00];
	[sflag:s24] =	ssyncadd.s32 @!p0 $0xFFFFC000;
	s24 =	sand.u32 $0x3FFFFF00, s1  }
0x38: {  	s30 =	simm.s32 $0xD;
	s31 =	simm.s32 $0xE;
	v49 =	vshll.u32 v49, v1;
	v52 =	vshll.u32 v50, v1;
	v62 =	vshrl.u32 v61, $0x3;
	v36 =	vld [tilespmem:s24+$0x6400]  }
0x39: {  	s26 =	simm.s32 $0x9800;
	v46 =	vmov s30;
	v47 =	vmov s31;
	v50 =	vshll.u32 v62, v1;
	v35 =	vld [tilespmem:s24+$0x6410]  }
0x3a: {  	v4 =	vbroadcast v33, $0x0;
	v58 =	vshll.u32 v41, v1;
	v54 =	vbroadcast v50, $0x0;
	v41 =	vld [tilespmem:s26+$0x1C0]  }
0x3b: {  	v53 =	vshll.u32 v39, v1;
	v29 =	vbroadcast v51, $0x0;
	v45 =	vshrl.u32 v45, $0x3;
	v55 =	vld [tilespmem:s26+$0xFFFFFE00]  }
0x3c: {  	v51 =	vbroadcast v48, $0x0;
	v57 =	vld [tilespmem:s26+$0xFFFFFE40];
	v50 =	vshll.u32 v45, v1;
	v45 =	vadd.s32 v5, v54  }
0x3d: {  	v49 =	vbroadcast v49, $0x0;
	v46 =	vshrl.u32 v46, $0x3;
	v59 =	vadd.s32 v63, v4;
	v60 =	vld [tilespmem:s26+$0xFFFFFE80]  }
0x3e: {  	v3 =	vbroadcast v52, $0x0;
	v61 =	vshll.u32 v46, v1;
	v48 =	vld [tilespmem:s26+$0xFFFFFEC0];
	v46 =	vadd.s32 v2, v29  }
0x3f: {  	v37 =	vshrl.u32 v47, $0x3;
	v63 =	vadd.s32 v14, v51;
	v39 =	vld [tilespmem:s26+$0xFFFFFF00];
	v52 =	vadd.f32 v41, v36  }
0x40: {  	v34 =	vld [tilespmem:s24+$0x6420];
	v62 =	vshll.u32 v37, v1;
	v55 =	vadd.f32 v55, v36;
	v41 =	vadd.s32 v18, v49  }
0x41: {  	v33 =	vld [tilespmem:s24+$0x6430];
	v37 =	vadd.f32 v57, v36;
	v57 =	vadd.s32 v22, v3;
	[tilespmem:v45+s15+$0x0] =	vst.idx.msk $0xffff, v52  }
0x42: {  	v38 =	vshrl.u32 v38, $0x3;
	[tilespmem:v59+s15+$0x0] =	vst.idx.msk $0xffff, v55;
	v45 =	vadd.f32 v60, v36  }
0x43: {  	v47 =	vshll.u32 v38, v1;
	[tilespmem:v46+s15+$0x0] =	vst.idx.msk $0xffff, v37;
	v37 =	vadd.f32 v48, v36  }
0x44: {  	v40 =	vshrl.u32 v40, $0x3;
	v38 =	vld [tilespmem:s26+$0xFFFFFF40];
	v47 =	vbroadcast v47, $0x0;
	v39 =	vadd.f32 v39, v36;
	[tilespmem:v63+s15+$0x0] =	vst.idx.msk $0xffff, v45  }
0x45: {  	v56 =	vshll.u32 v40, v1;
	v40 =	vld [tilespmem:s26+$0xFFFFFF80];
	[tilespmem:v41+s15+$0x0] =	vst.idx.msk $0xffff, v37  }
0x46: {  	v53 =	vbroadcast v53, $0x0;
	v52 =	vadd.s32 v26, v47;
	v60 =	vld [tilespmem:s26+$0xFFFFFFC0];
	[tilespmem:v57+s15+$0x0] =	vst.idx.msk $0xffff, v39  }
0x47: {  	v42 =	vshrl.u32 v42, $0x3;
	v48 =	vbroadcast v56, $0x0;
	v0 =	vld [tilespmem:$0x1FE60]  }
0x48: {  	v43 =	vshrl.u32 v43, $0x3;
	v42 =	vshll.u32 v42, v1;
	v59 =	vadd.s32 v30, v53;
	v55 =	vld [tilespmem:s26+$0x1D0]  }
0x49: {  	v46 =	vbroadcast v42, $0x0;
	v63 =	vld [tilespmem:s26+$0x40];
	v37 =	vadd.f32 v38, v36;
	v41 =	vadd.s32 v5, v48  }
0x4a: {  	v43 =	vshll.u32 v43, v1;
	v56 =	vld [tilespmem:s26+$0x0];
	v45 =	vbroadcast v58, $0x0;
	v58 =	vadd.s32 v9, v54  }
0x4b: {  	v42 =	vbroadcast v43, $0x0;
	v38 =	vadd.f32 v40, v36;
	v39 =	vld [tilespmem:s26+$0x80];
	[tilespmem:v52+s15+$0x0] =	vst.idx.msk $0xffff, v37;
	v52 =	vadd.s32 v2, v46  }
0x4c: {  	v40 =	vadd.f32 v60, v36;
	v57 =	vadd.s32 v0, v45  }
0x4d: {  	[tilespmem:v59+s15+$0x0] =	vst.idx.msk $0xffff, v38;
	v59 =	vadd.s32 v14, v42;
	v43 =	vadd.f32 v55, v35  }
0x4e: {  	v44 =	vshrl.u32 v44, $0x3;
	[tilespmem:v41+s15+$0x0] =	vst.idx.msk $0xffff, v40;
	v41 =	vadd.f32 v63, v36  }
0x4f: {  	v44 =	vshll.u32 v44, v1;
	v10 =	vbroadcast v50, $0x0;
	v37 =	vld [tilespmem:s26+$0xC0];
	v50 =	vadd.f32 v56, v36;
	[tilespmem:v58+s15+$0x0] =	vst.idx.msk $0xffff, v43  }
0x50: {  	v44 =	vbroadcast v44, $0x0;
	v60 =	vld [tilespmem:s26+$0x100];
	v39 =	vadd.f32 v39, v36;
	[tilespmem:v52+s15+$0x0] =	vst.idx.msk $0xffff, v41  }
0x51: {  	v38 =	vld [tilespmem:s26+$0x140];
	[tilespmem:v57+s15+$0x0] =	vst.idx.msk $0xffff, v50  }
0x52: {  	v61 =	vbroadcast v61, $0x0;
	v56 =	vadd.s32 v18, v44;
	v0 =	vld [tilespmem:$0x1FE40];
	[tilespmem:v59+s15+$0x0] =	vst.idx.msk $0xffff, v39  }
0x53: {  	v18 =	vld [tilespmem:$0x1FE10]  }
0x54: {  	v43 =	vbroadcast v62, $0x0;
	v50 =	vadd.s32 v26, v61;
	v57 =	vld [tilespmem:s26+$0x180]  }
0x55: {  	v55 =	vadd.s32 v22, v10;
	v58 =	vld [tilespmem:s26+$0x1E0];
	v37 =	vadd.f32 v37, v36  }
0x56: {  	v62 =	vld [tilespmem:s26+$0xFFFFFE50];
	v59 =	vadd.s32 v30, v43  }
0x57: {  	v52 =	vld [tilespmem:s26+$0xFFFFFE90];
	[tilespmem:v56+s15+$0x0] =	vst.idx.msk $0xffff, v37;
	v37 =	vadd.f32 v38, v36;
	v41 =	vadd.s32 v0, v54  }
0x58: {  	v39 =	vadd.f32 v60, v36;
	v60 =	vadd.s32 v18, v29  }
0x59: {  	v63 =	vld [tilespmem:s26+$0xFFFFFED0];
	v38 =	vadd.s32 v15, v51;
	[tilespmem:v50+s15+$0x0] =	vst.idx.msk $0xffff, v37;
	v37 =	vadd.f32 v57, v36  }
0x5a: {  	v56 =	vld [tilespmem:s26+$0xFFFFFF10];
	[tilespmem:v55+s15+$0x0] =	vst.idx.msk $0xffff, v39;
	v39 =	vadd.f32 v58, v34  }
0x5b: {  	v55 =	vadd.s32 v19, v49;
	v58 =	vld [tilespmem:s26+$0xFFFFFF50];
	v50 =	vadd.f32 v62, v35;
	[tilespmem:v59+s15+$0x0] =	vst.idx.msk $0xffff, v37  }
0x5c: {  	v57 =	vadd.s32 v23, v3;
	v62 =	vld [tilespmem:s26+$0xFFFFFF90];
	[tilespmem:v41+s15+$0x0] =	vst.idx.msk $0xffff, v39;
	v39 =	vadd.f32 v52, v35  }
0x5d: {  	v59 =	vld [tilespmem:s26+$0xFFFFFFD0];
	v41 =	vadd.s32 v27, v47;
	[tilespmem:v60+s15+$0x0] =	vst.idx.msk $0xffff, v50  }
0x5e: {  	v52 =	vadd.s32 v31, v53;
	v60 =	vadd.f32 v63, v35;
	v63 =	vld [tilespmem:s26+$0x10];
	[tilespmem:v38+s15+$0x0] =	vst.idx.msk $0xffff, v39  }
0x5f: {  	v38 =	vadd.f32 v56, v35;
	v2 =	vld [tilespmem:$0x1FE50]  }
0x60: {  	v56 =	vld [tilespmem:s26+$0x50];
	[tilespmem:v55+s15+$0x0] =	vst.idx.msk $0xffff, v60;
	v60 =	vadd.f32 v58, v35;
	v55 =	vadd.s32 v9, v48  }
0x61: {  	v62 =	vadd.f32 v62, v35;
	v58 =	vld [tilespmem:s26+$0x90];
	[tilespmem:v57+s15+$0x0] =	vst.idx.msk $0xffff, v38;
	v57 =	vadd.s32 v7, v45  }
0x62: {  	v37 =	vld [tilespmem:s26+$0x1F0];
	[tilespmem:v41+s15+$0x0] =	vst.idx.msk $0xffff, v60;
	v41 =	vadd.s32 v18, v46  }
0x63: {  	v38 =	vadd.f32 v59, v35;
	[tilespmem:v52+s15+$0x0] =	vst.idx.msk $0xffff, v62;
	v52 =	vadd.s32 v15, v42  }
0x64: {  	v39 =	vadd.f32 v63, v35;
	v54 =	vadd.s32 v2, v54  }
0x65: {  	v50 =	vld [tilespmem:s26+$0xD0];
	v63 =	vadd.f32 v56, v35;
	[tilespmem:v55+s15+$0x0] =	vst.idx.msk $0xffff, v38  }
0x66: {  	v59 =	vld [tilespmem:s26+$0x110];
	[tilespmem:v57+s15+$0x0] =	vst.idx.msk $0xffff, v39;
	v39 =	vadd.f32 v58, v35  }
0x67: {  	v62 =	vld [tilespmem:s26+$0x150];
	v37 =	vadd.f32 v37, v33;
	[tilespmem:v41+s15+$0x0] =	vst.idx.msk $0xffff, v63  }
0x68: {  	v60 =	vadd.s32 v19, v44;
	v55 =	vld [tilespmem:s26+$0xFFFFFE10];
	[tilespmem:v52+s15+$0x0] =	vst.idx.msk $0xffff, v39  }
0x69: {  	v38 =	vadd.s32 v23, v10;
	v57 =	vld [tilespmem:s26+$0xFFFFFE60];
	[tilespmem:v54+s15+$0x0] =	vst.idx.msk $0xffff, v37  }
0x6a: {  	v12 =	vld [tilespmem:$0x1FE20]  }
0x6b: {  	v56 =	vadd.s32 v27, v61;
	v63 =	vadd.f32 v50, v35;
	v54 =	vld [tilespmem:s26+$0x190]  }
0x6c: {  	v58 =	vld [tilespmem:s26+$0xFFFFFEA0];
	v50 =	vadd.s32 v7, v4;
	v39 =	vadd.f32 v59, v35  }
0x6d: {  	v41 =	vadd.s32 v31, v43;
	v37 =	vadd.f32 v62, v35;
	v62 =	vld [tilespmem:s26+$0xFFFFFF20];
	[tilespmem:v60+s15+$0x0] =	vst.idx.msk $0xffff, v63  }
0x6e: {  	v60 =	vadd.s32 v16, v51;
	[tilespmem:v38+s15+$0x0] =	vst.idx.msk $0xffff, v39;
	v39 =	vadd.f32 v55, v35;
	v55 =	vld [tilespmem:s26+$0xFFFFFF60]  }
0x6f: {  	v59 =	vld [tilespmem:s26+$0xFFFFFEE0];
	v63 =	vadd.f32 v57, v34;
	v52 =	vadd.s32 v12, v29  }
0x70: {  	[tilespmem:v56+s15+$0x0] =	vst.idx.msk $0xffff, v37;
	v56 =	vadd.s32 v24, v3;
	v38 =	vadd.f32 v54, v35  }
0x71: {  	v57 =	vld [tilespmem:s26+$0xFFFFFFA0];
	v58 =	vadd.f32 v58, v34;
	[tilespmem:v50+s15+$0x0] =	vst.idx.msk $0xffff, v39;
	v54 =	vadd.s32 v20, v49  }
0x72: {  	v39 =	vadd.s32 v28, v47;
	v50 =	vadd.s32 v32, v53;
	[tilespmem:v41+s15+$0x0] =	vst.idx.msk $0xffff, v38;
	v41 =	vld [tilespmem:s26+$0xFFFFFFE0]  }
0x73: {  	v40 =	vadd.f32 v62, v34;
	[tilespmem:v60+s15+$0x0] =	vst.idx.msk $0xffff, v58;
	v60 =	vadd.f32 v55, v34;
	v55 =	vld [tilespmem:s26+$0xA0]  }
0x74: {  	v58 =	vadd.s32 v0, v48;
	[tilespmem:v52+s15+$0x0] =	vst.idx.msk $0xffff, v63;
	v63 =	vadd.f32 v59, v34;
	v52 =	vld [tilespmem:s26+$0x20]  }
0x75: {  	[tilespmem:v56+s15+$0x0] =	vst.idx.msk $0xffff, v40;
	v59 =	vld [tilespmem:s26+$0x60]  }
0x76: {  	v62 =	vadd.f32 v57, v34;
	v57 =	vld [tilespmem:s26+$0xE0];
	[tilespmem:v54+s15+$0x0] =	vst.idx.msk $0xffff, v63;
	v54 =	vadd.s32 v8, v45  }
0x77: {  	v56 =	vadd.s32 v12, v46;
	[tilespmem:v39+s15+$0x0] =	vst.idx.msk $0xffff, v60;
	v39 =	vld [tilespmem:s26+$0x120];
	v63 =	vadd.f32 v41, v34  }
0x78: {  	[tilespmem:v50+s15+$0x0] =	vst.idx.msk $0xffff, v62;
	v50 =	vadd.s32 v16, v42;
	v60 =	vld [tilespmem:s26+$0xFFFFFE20]  }
0x79: {  	v41 =	vld [tilespmem:s26+$0x160];
	[tilespmem:v58+s15+$0x0] =	vst.idx.msk $0xffff, v63;
	v58 =	vadd.s32 v20, v44;
	v38 =	vadd.f32 v52, v34  }
0x7a: {  	v40 =	vadd.f32 v59, v34;
	v52 =	vld [tilespmem:s26+$0x1A0];
	v59 =	vadd.s32 v24, v10  }
0x7b: {  	v62 =	vld [tilespmem:s26+$0xFFFFFEB0];
	[tilespmem:v54+s15+$0x0] =	vst.idx.msk $0xffff, v38;
	v38 =	vadd.f32 v55, v34;
	v54 =	vadd.s32 v28, v61  }
0x7c: {  	v37 =	vadd.f32 v57, v34;
	v55 =	vld [tilespmem:s26+$0xFFFFFE70];
	[tilespmem:v56+s15+$0x0] =	vst.idx.msk $0xffff, v40;
	v56 =	vadd.s32 v32, v43  }
0x7d: {  	v39 =	vadd.f32 v39, v34;
	v0 =	vld [tilespmem:$0x1FE30];
	[tilespmem:v50+s15+$0x0] =	vst.idx.msk $0xffff, v38  }
0x7e: {  	s30 =	simm.s32 $0x10;
	v57 =	vadd.s32 v8, v4;
	v40 =	vld [tilespmem:s26+$0xFFFFFEF0];
	v41 =	vadd.f32 v41, v34;
	[tilespmem:v58+s15+$0x0] =	vst.idx.msk $0xffff, v37  }
0x7f: {  	v38 =	vmov s30;
	v50 =	vadd.s32 v17, v51;
	v51 =	vld [tilespmem:s26+$0xFFFFFF30];
	v52 =	vadd.f32 v52, v34;
	[tilespmem:v59+s15+$0x0] =	vst.idx.msk $0xffff, v39  }
0x80: {  	v49 =	vadd.s32 v21, v49;
	v58 =	vld [tilespmem:s26+$0xFFFFFF70];
	s30 =	simm.s32 $0x13;
	v14 =	vshrl.u32 v38, $0x3;
	[tilespmem:v54+s15+$0x0] =	vst.idx.msk $0xffff, v41  }
0x81: {  	s31 =	simm.s32 $0x11;
	v38 =	vadd.f32 v60, v34;
	v59 =	vadd.s32 v25, v3;
	v60 =	vld [tilespmem:s26+$0xFFFFFFB0];
	[tilespmem:v56+s15+$0x0] =	vst.idx.msk $0xffff, v52;
	v56 =	vmov s30  }
0x82: {  	v54 =	vadd.f32 v62, v33;
	v62 =	vld [tilespmem:s26+$0xFFFFFFF0];
	v63 =	vadd.s32 v0, v29;
	v29 =	vmov s31;
	[tilespmem:$0x1FDE0] =	vst v56;
	s31 =	simm.s32 $0x14  }
0x83: {  	[tilespmem:v57+s15+$0x0] =	vst.idx.msk $0xffff, v38;
	v57 =	vmov s31  }
0x84: {  	v47 =	vadd.s32 v13, v47;
	v53 =	vadd.s32 v11, v53;
	v40 =	vadd.f32 v40, v33;
	v56 =	vld [tilespmem:s26+$0x30];
	[tilespmem:$0x1FDF0] =	vst v57  }
0x85: {  	v48 =	vadd.s32 v2, v48;
	v51 =	vadd.f32 v51, v33;
	[tilespmem:v50+s15+$0x0] =	vst.idx.msk $0xffff, v54  }
0x86: {  	v45 =	vadd.s32 v6, v45;
	v55 =	vadd.f32 v55, v33;
	v38 =	vld [tilespmem:s26+$0x70];
	[tilespmem:v49+s15+$0x0] =	vst.idx.msk $0xffff, v40  }
0x87: {  	v58 =	vadd.f32 v58, v33;
	v50 =	vadd.f32 v60, v33;
	v60 =	vld [tilespmem:s26+$0xF0];
	[tilespmem:v59+s15+$0x0] =	vst.idx.msk $0xffff, v51  }
0x88: {  	v46 =	vadd.s32 v0, v46;
	[tilespmem:v63+s15+$0x0] =	vst.idx.msk $0xffff, v55;
	v63 =	vld [tilespmem:s26+$0xB0]  }
0x89: {  	v44 =	vadd.s32 v21, v44;
	[tilespmem:v47+s15+$0x0] =	vst.idx.msk $0xffff, v58;
	v49 =	vadd.f32 v62, v33  }
0x8a: {  	v42 =	vadd.s32 v17, v42;
	[tilespmem:v53+s15+$0x0] =	vst.idx.msk $0xffff, v50;
	v41 =	vadd.f32 v56, v33  }
0x8b: {  	[tilespmem:v48+s15+$0x0] =	vst.idx.msk $0xffff, v49;
	v47 =	vadd.f32 v38, v33  }
0x8c: {  	v48 =	vadd.f32 v60, v33;
	[tilespmem:v45+s15+$0x0] =	vst.idx.msk $0xffff, v41  }
0x8d: {  	v62 =	vld [tilespmem:s26+$0x130];
	v50 =	vadd.f32 v63, v33;
	[tilespmem:v46+s15+$0x0] =	vst.idx.msk $0xffff, v47  }
0x8e: {  	[tilespmem:v44+s15+$0x0] =	vst.idx.msk $0xffff, v48  }
0x8f: {  	s28 =	simm.s32 $0x1E;
	s1 =	simm.s32 $0x12;
	v61 =	vadd.s32 v13, v61;
	s30 =	simm.s32 $0x16;
	v57 =	vadd.s32 v25, v10;
	v37 =	vld [tilespmem:s26+$0x1B0];
	[tilespmem:v42+s15+$0x0] =	vst.idx.msk $0xffff, v50  }
0x90: {  	v3 =	vmov s1;
	s1 =	simm.s32 $0x15;
	v52 =	vmov s28;
	s31 =	simm.s32 $0x17;
	v54 =	vmov s30;
	s30 =	simm.s32 $0x19;
	v2 =	vld [tilespmem:$0x1FDE0]  }
0x91: {  	v40 =	vmov s31;
	s31 =	simm.s32 $0x1A;
	v58 =	vmov s30;
	s30 =	simm.s32 $0x1C;
	v55 =	vmov s1;
	v56 =	vld [tilespmem:s26+$0x170]  }
0x92: {  	s1 =	simm.s32 $0x18;
	v53 =	vmov s31;
	v39 =	vmov s30;
	v49 =	vadd.f32 v62, v33  }
0x93: {  	v59 =	vmov s1;
	v39 =	vshrl.u32 v39, $0x3;
	v38 =	vld [tilespmem:s26+$0xFFFFFE30];
	v60 =	vadd.s32 v11, v43  }
0x94: {  	s31 =	simm.s32 $0x1D;
	s1 =	simm.s32 $0x1B;
	v41 =	vadd.s32 v6, v4;
	v43 =	vshrl.u32 v29, $0x3;
	v37 =	vadd.f32 v37, v33;
	[tilespmem:v57+s15+$0x0] =	vst.idx.msk $0xffff, v49  }
0x95: {  	v62 =	vmov s31;
	v63 =	vmov s1;
	v45 =	vshrl.u32 v2, $0x3;
	v2 =	vld [tilespmem:$0x1FDF0]  }
0x96: {  	v48 =	vshrl.u32 v55, $0x3;
	v47 =	vshrl.u32 v59, $0x3;
	v46 =	vadd.f32 v56, v33  }
0x97: {  	v44 =	vshrl.u32 v53, $0x3;
	v42 =	vshll.u32 v14, v1;
	v50 =	vshrl.u32 v3, $0x3  }
0x98: {  	v56 =	vadd.f32 v38, v33;
	v49 =	vshrl.u32 v54, $0x3;
	v38 =	vshrl.u32 v58, $0x3;
	[tilespmem:v61+s15+$0x0] =	vst.idx.msk $0xffff, v46  }
0x99: {  	v13 =	vmovc v0;
	v46 =	vshrl.u32 v40, $0x3;
	[tilespmem:v60+s15+$0x0] =	vst.idx.msk $0xffff, v37;
	v40 =	vshrl.u32 v63, $0x3;
	v37 =	vbroadcast v42, $0x0  }
0x9a: {  	s29 =	simm.s32 $0x1F;
	s25 =	sshll.u32 s23, $0xB;
	s28 =	simm.s32 $0x20;
	v11 =	vmovc v18;
	v14 =	vmovc v5;
	v42 =	vshrl.u32 v62, $0x3;
	v6 =	vld [tilespmem:$0x1FE60];
	[tilespmem:v41+s15+$0x0] =	vst.idx.msk $0xffff, v56;
	v41 =	vshrl.u32 v52, $0x3;
	v51 =	vshrl.u32 v2, $0x3  }
.LBB2_3:
0x9b: {  	v0 =	vld [tilespmem:$0x1FE00]  }
0x9c: {  	v29 =	vld [tilespmem:$0x1FEA0]  }
0x9d: {  	v43 =	vshll.u32 v43, v1;
	v53 =	vshll.u32 v50, v1;
	s26 =	sadd.s32 $0x400, s26;
	v18 =	vld [tilespmem:$0x1FEE0]  }
0x9e: {  	v60 =	vmov s29;
	v45 =	vshll.u32 v45, v1;
	v54 =	vshll.u32 v51, v1;
	v57 =	vld [tilespmem:s26+$0x1C0]  }
0x9f: {  	v48 =	vshll.u32 v48, v1;
	v55 =	vshll.u32 v49, v1;
	v50 =	vshrl.u32 v60, $0x3;
	v58 =	vld [tilespmem:s26+$0xFFFFFE00]  }
0xa0: {  	v46 =	vshll.u32 v46, v1;
	v59 =	vshll.u32 v44, v1;
	v44 =	vld [tilespmem:s26+$0xFFFFFE40];
	v61 =	vshll.u32 v50, v1  }
0xa1: {  	v56 =	vshll.u32 v47, v1;
	v62 =	vld [tilespmem:s26+$0xFFFFFE80];
	v51 =	vbroadcast v53, $0x0;
	v52 =	vbroadcast v61, $0x0  }
0xa2: {  	v49 =	vbroadcast v45, $0x0;
	v45 =	vld [tilespmem:s26+$0xFFFFFF00];
	v50 =	vbroadcast v43, $0x0;
	v61 =	vadd.s32 v6, v37  }
0xa3: {  	v53 =	vshll.u32 v42, v1;
	v47 =	vbroadcast v54, $0x0;
	v5 =	vld [tilespmem:s26+$0xFFFFFF80];
	v43 =	vadd.s32 v14, v52  }
0xa4: {  	v42 =	vbroadcast v48, $0x0;
	v48 =	vbroadcast v46, $0x0;
	v46 =	vld [tilespmem:s26+$0x0];
	v63 =	vadd.s32 v0, v50  }
0xa5: {  	v38 =	vshll.u32 v38, v1;
	v0 =	vld [tilespmem:s26+$0xFFFFFEC0];
	v54 =	vadd.f32 v57, v36;
	v57 =	vadd.f32 v58, v36  }
0xa6: {  	v40 =	vshll.u32 v40, v1;
	v2 =	vshll.u32 v41, v1;
	v4 =	vadd.s32 v22, v47;
	v6 =	vld [tilespmem:$0x1FE60]  }
0xa7: {  	v10 =	vld [tilespmem:$0x1FE00];
	v58 =	vadd.s32 v18, v49;
	v44 =	vadd.f32 v44, v36;
	[tilespmem:v61+s15+$0x0] =	vst.idx.msk $0xffff, v57  }
0xa8: {  	v60 =	vshll.u32 v39, v1;
	v3 =	vld [tilespmem:s26+$0xFFFFFF40];
	v39 =	vbroadcast v55, $0x0;
	v41 =	vadd.s32 v29, v51;
	[tilespmem:v43+s15+$0x0] =	vst.idx.msk $0xffff, v54  }
0xa9: {  	v61 =	vld [tilespmem:s26+$0xFFFFFFC0];
	v43 =	vadd.f32 v62, v36;
	[tilespmem:v63+s15+$0x0] =	vst.idx.msk $0xffff, v44;
	v62 =	vadd.f32 v45, v36;
	v44 =	vbroadcast v56, $0x0  }
0xaa: {  	v46 =	vadd.f32 v46, v36;
	v54 =	vadd.s32 v26, v42;
	v0 =	vadd.f32 v0, v36;
	v55 =	vld [tilespmem:s26+$0x1D0]  }
0xab: {  	[tilespmem:v4+s15+$0x0] =	vst.idx.msk $0xffff, v62;
	v4 =	vadd.f32 v5, v36;
	v5 =	vadd.s32 v6, v44;
	v62 =	vld [tilespmem:s26+$0x80]  }
0xac: {  	v40 =	vbroadcast v40, $0x0;
	v57 =	vadd.s32 v30, v39;
	v56 =	vadd.s32 v9, v52;
	[tilespmem:v58+s15+$0x0] =	vst.idx.msk $0xffff, v0;
	v58 =	vld [tilespmem:s26+$0x40]  }
0xad: {  	v45 =	vbroadcast v38, $0x0;
	[tilespmem:v41+s15+$0x0] =	vst.idx.msk $0xffff, v43;
	v0 =	vadd.f32 v3, v36;
	v43 =	vbroadcast v59, $0x0;
	v59 =	vld [tilespmem:s26+$0x100]  }
0xae: {  	v3 =	vadd.s32 v14, v48;
	v41 =	vbroadcast v60, $0x0;
	v60 =	vadd.s32 v18, v40;
	v18 =	vld [tilespmem:$0x1FE50]  }
0xaf: {  	[tilespmem:v54+s15+$0x0] =	vst.idx.msk $0xffff, v0;
	v0 =	vadd.s32 v10, v45;
	v54 =	vld [tilespmem:s26+$0xC0]  }
0xb0: {  	v55 =	vadd.f32 v55, v35;
	[tilespmem:v5+s15+$0x0] =	vst.idx.msk $0xffff, v46;
	v5 =	vadd.f32 v62, v36;
	v62 =	vld [tilespmem:$0x1FE40]  }
0xb1: {  	[tilespmem:v57+s15+$0x0] =	vst.idx.msk $0xffff, v4;
	v4 =	vadd.f32 v61, v36;
	v57 =	vadd.s32 v29, v43;
	v61 =	vld [tilespmem:s26+$0x140]  }
0xb2: {  	v38 =	vbroadcast v53, $0x0;
	v29 =	vld [tilespmem:$0x1FFF0];
	[tilespmem:v56+s15+$0x0] =	vst.idx.msk $0xffff, v55  }
0xb3: {  	[tilespmem:v3+s15+$0x0] =	vst.idx.msk $0xffff, v4;
	v3 =	vadd.f32 v58, v36;
	v4 =	vadd.s32 v22, v41;
	v53 =	vld [tilespmem:s26+$0x1E0]  }
0xb4: {  	v46 =	vbroadcast v2, $0x0;
	v55 =	vadd.s32 v26, v38;
	v56 =	vld [tilespmem:s26+$0x180]  }
0xb5: {  	v2 =	vld [tilespmem:s26+$0xFFFFFE50];
	[tilespmem:v0+s15+$0x0] =	vst.idx.msk $0xffff, v3;
	v0 =	vadd.f32 v54, v36;
	v3 =	vadd.s32 v62, v52  }
0xb6: {  	[tilespmem:v57+s15+$0x0] =	vst.idx.msk $0xffff, v5;
	v5 =	vadd.f32 v59, v36;
	v57 =	vadd.s32 v30, v46;
	v54 =	vld [tilespmem:s26+$0xFFFFFE90]  }
0xb7: {  	v58 =	vadd.s32 v11, v50;
	v59 =	vld [tilespmem:s26+$0xFFFFFED0];
	[tilespmem:v60+s15+$0x0] =	vst.idx.msk $0xffff, v0;
	v0 =	vadd.f32 v61, v36  }
0xb8: {  	v60 =	vadd.s32 v15, v51;
	v61 =	vld [tilespmem:s26+$0xFFFFFF10];
	[tilespmem:v4+s15+$0x0] =	vst.idx.msk $0xffff, v5;
	v4 =	vadd.f32 v53, v34  }
0xb9: {  	v5 =	vadd.s32 v19, v49;
	v53 =	vld [tilespmem:s26+$0xFFFFFF50];
	[tilespmem:v55+s15+$0x0] =	vst.idx.msk $0xffff, v0;
	v0 =	vadd.f32 v56, v36  }
0xba: {  	v2 =	vadd.f32 v2, v35;
	v55 =	vadd.s32 v23, v47;
	v56 =	vld [tilespmem:s26+$0xFFFFFF90];
	[tilespmem:v3+s15+$0x0] =	vst.idx.msk $0xffff, v4  }
0xbb: {  	[tilespmem:v57+s15+$0x0] =	vst.idx.msk $0xffff, v0;
	v3 =	vadd.f32 v54, v35;
	v4 =	vadd.s32 v27, v42;
	v0 =	vld [tilespmem:s26+$0x1F0]  }
0xbc: {  	v63 =	vld [tilespmem:s26+$0xFFFFFFD0];
	[tilespmem:v58+s15+$0x0] =	vst.idx.msk $0xffff, v2;
	v2 =	vadd.f32 v59, v35;
	v54 =	vadd.s32 v31, v39  }
0xbd: {  	v52 =	vadd.s32 v18, v52;
	[tilespmem:v60+s15+$0x0] =	vst.idx.msk $0xffff, v3;
	v3 =	vadd.f32 v61, v35;
	v60 =	vld [tilespmem:s26+$0x10]  }
0xbe: {  	[tilespmem:v5+s15+$0x0] =	vst.idx.msk $0xffff, v2;
	v5 =	vadd.s32 v9, v48;
	v2 =	vadd.f32 v53, v35;
	v53 =	vld [tilespmem:s26+$0x50]  }
0xbf: {  	[tilespmem:v55+s15+$0x0] =	vst.idx.msk $0xffff, v3;
	v3 =	vadd.f32 v56, v35;
	v55 =	vadd.s32 v7, v44;
	v56 =	vld [tilespmem:s26+$0x90]  }
0xc0: {  	[tilespmem:v4+s15+$0x0] =	vst.idx.msk $0xffff, v2;
	v2 =	vadd.s32 v11, v45;
	v4 =	vld [tilespmem:s26+$0xD0];
	v0 =	vadd.f32 v0, v33  }
0xc1: {  	v57 =	vld [tilespmem:s26+$0x110];
	[tilespmem:v54+s15+$0x0] =	vst.idx.msk $0xffff, v3;
	v3 =	vadd.f32 v63, v35;
	v54 =	vadd.s32 v15, v43  }
0xc2: {  	v59 =	vadd.s32 v19, v40;
	v58 =	vadd.f32 v60, v35;
	v60 =	vld [tilespmem:s26+$0x150];
	[tilespmem:v52+s15+$0x0] =	vst.idx.msk $0xffff, v0  }
0xc3: {  	[tilespmem:v5+s15+$0x0] =	vst.idx.msk $0xffff, v3;
	v0 =	vadd.f32 v53, v35;
	v3 =	vadd.s32 v23, v41;
	v5 =	vld [tilespmem:s26+$0x190]  }
0xc4: {  	v52 =	vld [tilespmem:s26+$0xFFFFFE10];
	[tilespmem:v55+s15+$0x0] =	vst.idx.msk $0xffff, v58;
	v61 =	vadd.f32 v56, v35;
	v55 =	vadd.s32 v27, v38  }
0xc5: {  	v56 =	vld [tilespmem:s26+$0xFFFFFE60];
	[tilespmem:v2+s15+$0x0] =	vst.idx.msk $0xffff, v0;
	v0 =	vadd.f32 v4, v35;
	v2 =	vadd.s32 v31, v46  }
0xc6: {  	v53 =	vadd.f32 v57, v35;
	v57 =	vld [tilespmem:s26+$0xFFFFFEE0];
	v4 =	vadd.s32 v7, v37;
	[tilespmem:v54+s15+$0x0] =	vst.idx.msk $0xffff, v61  }
0xc7: {  	v58 =	vld [tilespmem:s26+$0xFFFFFEA0];
	v54 =	vadd.s32 v12, v50;
	[tilespmem:v59+s15+$0x0] =	vst.idx.msk $0xffff, v0;
	v0 =	vadd.f32 v60, v35  }
0xc8: {  	v63 =	vld [tilespmem:s26+$0xFFFFFF60];
	[tilespmem:v3+s15+$0x0] =	vst.idx.msk $0xffff, v53;
	v3 =	vadd.f32 v5, v35  }
0xc9: {  	v61 =	vld [tilespmem:s26+$0xFFFFFFA0];
	v5 =	vadd.f32 v52, v35;
	v52 =	vadd.s32 v20, v49;
	[tilespmem:v55+s15+$0x0] =	vst.idx.msk $0xffff, v0  }
0xca: {  	v59 =	vadd.s32 v16, v51;
	v60 =	vld [tilespmem:s26+$0xFFFFFF20];
	v0 =	vadd.f32 v56, v34;
	[tilespmem:v2+s15+$0x0] =	vst.idx.msk $0xffff, v3  }
0xcb: {  	v55 =	vadd.s32 v24, v47;
	[tilespmem:v4+s15+$0x0] =	vst.idx.msk $0xffff, v5;
	v3 =	vadd.s32 v28, v42;
	v4 =	vld [tilespmem:s26+$0xFFFFFFE0]  }
0xcc: {  	v2 =	vadd.f32 v58, v34;
	v58 =	vld [tilespmem:s26+$0x60];
	[tilespmem:v54+s15+$0x0] =	vst.idx.msk $0xffff, v0;
	v0 =	vadd.f32 v57, v34  }
0xcd: {  	v5 =	vadd.s32 v32, v39;
	v54 =	vld [tilespmem:s26+$0x20];
	v57 =	vadd.s32 v62, v48  }
0xce: {  	v48 =	vadd.s32 v18, v48;
	v18 =	vld [tilespmem:$0x1FE90];
	[tilespmem:v52+s15+$0x0] =	vst.idx.msk $0xffff, v0;
	v0 =	vadd.f32 v63, v34  }
0xcf: {  	[tilespmem:v59+s15+$0x0] =	vst.idx.msk $0xffff, v2;
	v2 =	vadd.f32 v60, v34;
	v60 =	vadd.s32 v12, v45;
	v59 =	vld [tilespmem:s26+$0xFFFFFE20]  }
0xd0: {  	v62 =	vadd.s32 v8, v44;
	v63 =	vld [tilespmem:s26+$0xA0];
	[tilespmem:v3+s15+$0x0] =	vst.idx.msk $0xffff, v0;
	v0 =	vadd.f32 v4, v34  }
0xd1: {  	[tilespmem:v55+s15+$0x0] =	vst.idx.msk $0xffff, v2;
	v2 =	vadd.f32 v61, v34;
	v61 =	vld [tilespmem:s26+$0xE0]  }
0xd2: {  	v3 =	vadd.s32 v16, v43;
	v4 =	vld [tilespmem:s26+$0x120];
	[tilespmem:v57+s15+$0x0] =	vst.idx.msk $0xffff, v0;
	v0 =	vadd.f32 v58, v34  }
0xd3: {  	[tilespmem:v5+s15+$0x0] =	vst.idx.msk $0xffff, v2;
	v2 =	vadd.f32 v54, v34;
	v54 =	vld [tilespmem:s26+$0x160]  }
0xd4: {  	v49 =	vadd.s32 v21, v49;
	v5 =	vadd.s32 v20, v40;
	[tilespmem:v60+s15+$0x0] =	vst.idx.msk $0xffff, v0;
	v60 =	vld [tilespmem:s26+$0xFFFFFEB0]  }
0xd5: {  	v56 =	vadd.s32 v8, v37;
	v53 =	vld [tilespmem:s26+$0xFFFFFE70];
	[tilespmem:v62+s15+$0x0] =	vst.idx.msk $0xffff, v2;
	v2 =	vadd.f32 v63, v34  }
0xd6: {  	v52 =	vadd.s32 v28, v38;
	v55 =	vadd.s32 v32, v46;
	v57 =	vadd.s32 v24, v41;
	v58 =	vld [tilespmem:s26+$0x1A0]  }
0xd7: {  	v0 =	vadd.f32 v61, v34;
	[tilespmem:v3+s15+$0x0] =	vst.idx.msk $0xffff, v2;
	v2 =	vadd.f32 v4, v34;
	v4 =	vld [tilespmem:s26+$0xFFFFFEF0]  }
0xd8: {  	v62 =	vadd.f32 v59, v34;
	v3 =	vadd.s32 v13, v50;
	v50 =	vadd.s32 v17, v51;
	v51 =	vld [tilespmem:s26+$0xFFFFFF30]  }
0xd9: {  	[tilespmem:v5+s15+$0x0] =	vst.idx.msk $0xffff, v0;
	v0 =	vadd.f32 v54, v34;
	v54 =	vadd.f32 v60, v33;
	v60 =	vld [tilespmem:$0x1FF90]  }
0xda: {  	v47 =	vadd.s32 v25, v47;
	v45 =	vadd.s32 v13, v45;
	[tilespmem:v56+s15+$0x0] =	vst.idx.msk $0xffff, v62  }
0xdb: {  	v44 =	vadd.s32 v18, v44;
	[tilespmem:v52+s15+$0x0] =	vst.idx.msk $0xffff, v0;
	v52 =	vadd.f32 v53, v33;
	v53 =	vld [tilespmem:s26+$0xFFFFFFB0]  }
0xdc: {  	s29 =	sadd.s32 $0x1, s28;
	v37 =	vadd.s32 v18, v37;
	v5 =	vmov s28;
	[tilespmem:v57+s15+$0x0] =	vst.idx.msk $0xffff, v2;
	v2 =	vadd.f32 v58, v34;
	v57 =	vld [tilespmem:s26+$0xFFFFFF70]  }
0xdd: {  	v0 =	vmov s29;
	s29 =	sadd.s32 $0x2, s28;
	[tilespmem:v3+s15+$0x0] =	vst.idx.msk $0xffff, v52;
	v3 =	vadd.f32 v4, v33;
	v4 =	vadd.s32 v29, v39;
	v39 =	vld [tilespmem:s26+$0x30]  }
0xde: {  	[tilespmem:v55+s15+$0x0] =	vst.idx.msk $0xffff, v2;
	v2 =	vmov s29;
	s29 =	sadd.s32 $0x3, s28;
	v55 =	vld [tilespmem:s26+$0xFFFFFFF0];
	v63 =	vadd.f32 v51, v33;
	v42 =	vadd.s32 v60, v42  }
0xdf: {  	v41 =	vadd.s32 v25, v41;
	v61 =	vld [tilespmem:s26+$0x70];
	v5 =	vshrl.u32 v5, $0x3;
	v56 =	vmov s29;
	s29 =	sadd.s32 $0x4, s28;
	[tilespmem:v50+s15+$0x0] =	vst.idx.msk $0xffff, v54  }
0xe0: {  	v62 =	vld [tilespmem:s26+$0xB0];
	v5 =	vshll.u32 v5, v1;
	v52 =	vmov s29;
	s29 =	sadd.s32 $0x5, s28;
	[tilespmem:v47+s15+$0x0] =	vst.idx.msk $0xffff, v63;
	v63 =	vadd.f32 v53, v33  }
0xe1: {  	v54 =	vmov s29;
	s29 =	sadd.s32 $0x6, s28;
	[tilespmem:v49+s15+$0x0] =	vst.idx.msk $0xffff, v3;
	v3 =	vadd.f32 v57, v33;
	v51 =	vshrl.u32 v52, $0x3  }
0xe2: {  	v50 =	vld [tilespmem:s26+$0xF0];
	v57 =	vmov s29;
	s29 =	sadd.s32 $0x7, s28;
	v38 =	vadd.s32 v60, v38;
	[tilespmem:v4+s15+$0x0] =	vst.idx.msk $0xffff, v63;
	v4 =	vadd.f32 v39, v33  }
0xe3: {  	v53 =	vmov s29;
	s29 =	sadd.s32 $0x8, s28;
	[tilespmem:v42+s15+$0x0] =	vst.idx.msk $0xffff, v3;
	v3 =	vadd.f32 v55, v33;
	v42 =	vadd.s32 v17, v43;
	v43 =	vld [tilespmem:s26+$0x130]  }
0xe4: {  	v47 =	vld [tilespmem:s26+$0x1B0];
	v49 =	vshrl.u32 v57, $0x3;
	v39 =	vadd.s32 v21, v40;
	[tilespmem:v44+s15+$0x0] =	vst.idx.msk $0xffff, v4;
	v55 =	vmov s29;
	s29 =	sadd.s32 $0x9, s28  }
0xe5: {  	s30 =	sadd.s32 $0xE, s28;
	v40 =	vld [tilespmem:s26+$0x170];
	v4 =	vadd.f32 v62, v33;
	v58 =	vmov s29;
	s29 =	sadd.s32 $0xA, s28;
	[tilespmem:v48+s15+$0x0] =	vst.idx.msk $0xffff, v3;
	v3 =	vadd.f32 v61, v33  }
0xe6: {  	v44 =	vadd.s32 v29, v46;
	v62 =	vmov s30;
	v59 =	vmov s29;
	s29 =	sadd.s32 $0xB, s28;
	v48 =	vld [tilespmem:s26+$0xFFFFFE30]  }
0xe7: {  	v46 =	vshrl.u32 v53, $0x3;
	v60 =	vmov s29;
	s29 =	sadd.s32 $0xC, s28;
	[tilespmem:v45+s15+$0x0] =	vst.idx.msk $0xffff, v3;
	v3 =	vadd.f32 v50, v33  }
0xe8: {  	p1 =	slt.u32 s28, $0x70;
	v61 =	vmov s29;
	v50 =	vshrl.u32 v2, $0x3;
	[tilespmem:v42+s15+$0x0] =	vst.idx.msk $0xffff, v4;
	v4 =	vadd.f32 v43, v33  }
.Ltmp0:
0xe9: {  	s29 =	sadd.s32 $0xD, s28;
	v45 =	vshrl.u32 v56, $0x3;
	v43 =	vshrl.u32 v0, $0x3;
	v0 =	vadd.f32 v47, v33;
	[tilespmem:v39+s15+$0x0] =	vst.idx.msk $0xffff, v3;
	(pc) =	sbr.rel @p1 .LBB2_3-.Ltmp0, $4  }
0xea: {  	v42 =	vmov s29;
	v47 =	vshrl.u32 v55, $0x3;
	v3 =	vadd.f32 v40, v33;
	[tilespmem:v41+s15+$0x0] =	vst.idx.msk $0xffff, v4  }
0xeb: {  	v40 =	vshrl.u32 v60, $0x3;
	v39 =	vshrl.u32 v61, $0x3;
	v2 =	vadd.f32 v48, v33;
	[tilespmem:v44+s15+$0x0] =	vst.idx.msk $0xffff, v0  }
0xec: {  	v42 =	vshrl.u32 v42, $0x3;
	v48 =	vshrl.u32 v54, $0x3;
	v44 =	vshrl.u32 v59, $0x3;
	[tilespmem:v38+s15+$0x0] =	vst.idx.msk $0xffff, v3  }
0xed: {  	s29 =	sadd.s32 $0xF, s28;
	s28 =	sadd.s32 $0x10, s28;
	v41 =	vshrl.u32 v62, $0x3;
	v38 =	vshrl.u32 v58, $0x3;
	[tilespmem:v37+s15+$0x0] =	vst.idx.msk $0xffff, v2;
	v37 =	vbroadcast v5, $0x0  }
0xee: {  	v0 =	vmov s29  }
0xef: {  	v0 =	vshrl.u32 v0, $0x3  }
0xf0: {  	s26 =	sadd.s32 $0x400, s26;
	v0 =	vshll.u32 v0, v1  }
0xf1: {  	v2 =	vld [tilespmem:s26+$0x1C0];
	v0 =	vbroadcast v0, $0x0;
	_ =	sdelay $0x1  }
0xf2: {  	v61 =	vadd.s32 v14, v0;
	_ =	sdelay $0x2  }
0xf3: {  	v2 =	vadd.f32 v2, v36;
	_ =	sdelay $0x1  }
0xf4: {  	v4 =	vld [tilespmem:s26+$0xFFFFFE00];
	[tilespmem:v61+s15+$0x0] =	vst.idx.msk $0xffff, v2  }
0xf5: {  	v3 =	vshll.u32 v43, v1;
	v5 =	vshll.u32 v50, v1;
	v60 =	vshll.u32 v45, v1;
	v29 =	vld [tilespmem:$0x1FEA0]  }
0xf6: {  	v51 =	vshll.u32 v51, v1;
	v55 =	vshll.u32 v44, v1;
	v44 =	vadd.s32 v6, v37;
	v6 =	vld [tilespmem:$0x1FEE0]  }
0xf7: {  	v48 =	vshll.u32 v48, v1;
	v53 =	vshll.u32 v38, v1;
	v45 =	vld [tilespmem:s26+$0xFFFFFE40];
	v38 =	vbroadcast v3, $0x0  }
0xf8: {  	v49 =	vshll.u32 v49, v1;
	v56 =	vshll.u32 v40, v1;
	v52 =	vld [tilespmem:s26+$0xFFFFFE80];
	v40 =	vbroadcast v5, $0x0  }
0xf9: {  	v57 =	vshll.u32 v39, v1;
	v54 =	vld [tilespmem:s26+$0xFFFFFEC0];
	v39 =	vbroadcast v60, $0x0;
	v58 =	vadd.s32 v10, v38  }
0xfa: {  	v60 =	vshll.u32 v41, v1;
	v4 =	vadd.f32 v4, v36;
	v61 =	vld [tilespmem:s26+$0x1D0];
	v50 =	vadd.s32 v29, v40  }
0xfb: {  	v3 =	vld [tilespmem:s26+$0xFFFFFF00];
	v2 =	vshll.u32 v42, v1;
	v42 =	vbroadcast v51, $0x0;
	v51 =	vadd.s32 v6, v39  }
0xfc: {  	v5 =	vld [tilespmem:s26+$0xFFFFFF40];
	v41 =	vbroadcast v48, $0x0;
	v48 =	vadd.s32 v9, v0;
	v45 =	vadd.f32 v45, v36  }
0xfd: {  	v59 =	vld [tilespmem:s26+$0xFFFFFF80];
	v43 =	vbroadcast v49, $0x0;
	v49 =	vadd.f32 v52, v36;
	[tilespmem:v44+s15+$0x0] =	vst.idx.msk $0xffff, v4;
	v4 =	vadd.s32 v22, v42  }
0xfe: {  	v54 =	vadd.f32 v54, v36;
	[tilespmem:v58+s15+$0x0] =	vst.idx.msk $0xffff, v45;
	v58 =	vadd.s32 v26, v41  }
0xff: {  	[tilespmem:v50+s15+$0x0] =	vst.idx.msk $0xffff, v49;
	v49 =	vadd.s32 v30, v43;
	v50 =	vadd.f32 v61, v35  }
0x100: {  	v62 =	vld [tilespmem:s26+$0xFFFFFFC0];
	v61 =	vadd.f32 v3, v36;
	[tilespmem:v51+s15+$0x0] =	vst.idx.msk $0xffff, v54  }
0x101: {  	v63 =	vld [tilespmem:s26+$0x0];
	v54 =	vadd.f32 v5, v36;
	[tilespmem:v48+s15+$0x0] =	vst.idx.msk $0xffff, v50  }
0x102: {  	v50 =	vadd.f32 v59, v36;
	v5 =	vld [tilespmem:$0x1FE60];
	[tilespmem:v4+s15+$0x0] =	vst.idx.msk $0xffff, v61  }
0x103: {  	v46 =	vshll.u32 v46, v1;
	v18 =	vbroadcast v53, $0x0;
	v53 =	vld [tilespmem:s26+$0x100];
	[tilespmem:v58+s15+$0x0] =	vst.idx.msk $0xffff, v54  }
0x104: {  	v47 =	vshll.u32 v47, v1;
	v52 =	vld [tilespmem:s26+$0x40];
	v44 =	vbroadcast v46, $0x0;
	[tilespmem:v49+s15+$0x0] =	vst.idx.msk $0xffff, v50  }
0x105: {  	v45 =	vbroadcast v47, $0x0;
	v3 =	vld [tilespmem:$0x1FE40]  }
0x106: {  	v46 =	vld [tilespmem:s26+$0x80];
	v51 =	vadd.s32 v14, v44  }
0x107: {  	v55 =	vbroadcast v55, $0x0;
	v47 =	vld [tilespmem:s26+$0xC0];
	v5 =	vadd.s32 v5, v45  }
0x108: {  	v59 =	vadd.s32 v10, v18;
	v61 =	vld [tilespmem:s26+$0x1E0]  }
0x109: {  	v48 =	vld [tilespmem:s26+$0x140];
	v4 =	vbroadcast v56, $0x0;
	v54 =	vadd.f32 v62, v36;
	v56 =	vadd.s32 v29, v55  }
0x10a: {  	v58 =	vld [tilespmem:s26+$0x180];
	v49 =	vbroadcast v57, $0x0;
	v57 =	vadd.f32 v63, v36;
	v63 =	vadd.s32 v3, v0  }
0x10b: {  	v62 =	vld [tilespmem:s26+$0xFFFFFE50];
	v50 =	vbroadcast v2, $0x0;
	v2 =	vadd.f32 v52, v36;
	[tilespmem:v51+s15+$0x0] =	vst.idx.msk $0xffff, v54;
	v54 =	vadd.s32 v6, v4  }
0x10c: {  	v46 =	vadd.f32 v46, v36;
	v52 =	vld [tilespmem:s26+$0xFFFFFE90];
	v51 =	vbroadcast v60, $0x0;
	[tilespmem:v5+s15+$0x0] =	vst.idx.msk $0xffff, v57;
	v5 =	vadd.s32 v22, v49  }
0x10d: {  	[tilespmem:v59+s15+$0x0] =	vst.idx.msk $0xffff, v2;
	v2 =	vadd.s32 v26, v50;
	v59 =	vld [tilespmem:s26+$0xFFFFFF10];
	v60 =	vadd.f32 v61, v34  }
0x10e: {  	v47 =	vadd.f32 v47, v36;
	[tilespmem:v56+s15+$0x0] =	vst.idx.msk $0xffff, v46;
	v46 =	vadd.s32 v30, v51;
	v56 =	vld [tilespmem:s26+$0xFFFFFF50]  }
0x10f: {  	v53 =	vadd.f32 v53, v36;
	v57 =	vld [tilespmem:s26+$0xFFFFFED0];
	[tilespmem:v63+s15+$0x0] =	vst.idx.msk $0xffff, v60;
	v60 =	vadd.s32 v11, v38  }
0x110: {  	v63 =	vld [tilespmem:$0x1FE60];
	[tilespmem:v54+s15+$0x0] =	vst.idx.msk $0xffff, v47;
	v47 =	vadd.f32 v48, v36;
	v48 =	vadd.s32 v15, v40  }
0x111: {  	v61 =	vld [tilespmem:s26+$0xFFFFFF90];
	v36 =	vadd.f32 v58, v36;
	[tilespmem:v5+s15+$0x0] =	vst.idx.msk $0xffff, v53  }
0x112: {  	v54 =	vld [tilespmem:s26+$0x1F0];
	v5 =	vadd.s32 v19, v39;
	[tilespmem:v2+s15+$0x0] =	vst.idx.msk $0xffff, v47;
	v2 =	vadd.f32 v62, v35  }
0x113: {  	v52 =	vadd.f32 v52, v35;
	v58 =	vld [tilespmem:s26+$0x10];
	[tilespmem:v46+s15+$0x0] =	vst.idx.msk $0xffff, v36  }
0x114: {  	v53 =	vld [tilespmem:s26+$0xFFFFFFD0];
	v36 =	vadd.s32 v27, v41;
	[tilespmem:v60+s15+$0x0] =	vst.idx.msk $0xffff, v2  }
0x115: {  	v47 =	vadd.s32 v23, v42;
	v46 =	vld [tilespmem:s26+$0x50];
	v2 =	vadd.f32 v57, v35;
	[tilespmem:v48+s15+$0x0] =	vst.idx.msk $0xffff, v52  }
0x116: {  	v62 =	vadd.f32 v59, v35;
	v57 =	vadd.s32 v31, v43;
	v29 =	vld [tilespmem:$0x1FE50]  }
0x117: {  	v59 =	vld [tilespmem:s26+$0x150];
	[tilespmem:v5+s15+$0x0] =	vst.idx.msk $0xffff, v2;
	v2 =	vadd.f32 v56, v35;
	v5 =	vadd.s32 v9, v44  }
0x118: {  	v61 =	vadd.f32 v61, v35;
	v60 =	vld [tilespmem:s26+$0x90];
	v48 =	vadd.s32 v7, v45  }
0x119: {  	v52 =	vld [tilespmem:s26+$0xD0];
	v58 =	vadd.f32 v58, v35;
	[tilespmem:v36+s15+$0x0] =	vst.idx.msk $0xffff, v2;
	v2 =	vadd.s32 v11, v18  }
0x11a: {  	v56 =	vld [tilespmem:s26+$0x110];
	[tilespmem:v47+s15+$0x0] =	vst.idx.msk $0xffff, v62;
	v47 =	vadd.f32 v53, v35;
	v53 =	vadd.s32 v15, v55  }
0x11b: {  	v36 =	vadd.f32 v54, v33;
	v54 =	vld [tilespmem:s26+$0x190];
	[tilespmem:v57+s15+$0x0] =	vst.idx.msk $0xffff, v61;
	v0 =	vadd.s32 v29, v0  }
0x11c: {  	v57 =	vld [tilespmem:s26+$0xFFFFFE10];
	[tilespmem:v5+s15+$0x0] =	vst.idx.msk $0xffff, v47;
	v5 =	vadd.f32 v46, v35  }
0x11d: {  	v61 =	vadd.s32 v19, v4;
	[tilespmem:v48+s15+$0x0] =	vst.idx.msk $0xffff, v58;
	v58 =	vld [tilespmem:s26+$0xFFFFFEE0];
	v47 =	vadd.f32 v60, v35  }
0x11e: {  	v46 =	vld [tilespmem:s26+$0xFFFFFEA0];
	v60 =	vadd.s32 v7, v37;
	[tilespmem:v2+s15+$0x0] =	vst.idx.msk $0xffff, v5  }
0x11f: {  	v48 =	vadd.s32 v27, v50;
	v2 =	vadd.f32 v52, v35;
	v52 =	vld [tilespmem:s26+$0xFFFFFF20];
	[tilespmem:v53+s15+$0x0] =	vst.idx.msk $0xffff, v47  }
0x120: {  	v5 =	vadd.s32 v31, v51;
	v47 =	vadd.f32 v56, v35;
	[tilespmem:v0+s15+$0x0] =	vst.idx.msk $0xffff, v36;
	v0 =	vld [tilespmem:s26+$0xFFFFFE60]  }
0x121: {  	v53 =	vld [tilespmem:s26+$0xFFFFFF60];
	v56 =	vadd.s32 v12, v38;
	v57 =	vadd.f32 v57, v35;
	v36 =	vadd.s32 v23, v49  }
0x122: {  	v62 =	vadd.f32 v54, v35;
	[tilespmem:v61+s15+$0x0] =	vst.idx.msk $0xffff, v2;
	v2 =	vadd.f32 v59, v35;
	v59 =	vld [tilespmem:s26+$0xFFFFFFA0]  }
0x123: {  	v61 =	vadd.s32 v16, v40;
	[tilespmem:v60+s15+$0x0] =	vst.idx.msk $0xffff, v57;
	v60 =	vadd.f32 v46, v34;
	v46 =	vld [tilespmem:s26+$0xA0]  }
0x124: {  	v54 =	vadd.s32 v20, v39;
	v57 =	vld [tilespmem:s26+$0xE0];
	[tilespmem:v48+s15+$0x0] =	vst.idx.msk $0xffff, v2  }
0x125: {  	v2 =	vld [tilespmem:s26+$0x20];
	v48 =	vadd.s32 v24, v42;
	[tilespmem:v5+s15+$0x0] =	vst.idx.msk $0xffff, v62;
	v0 =	vadd.f32 v0, v34  }
0x126: {  	v62 =	vadd.f32 v52, v34;
	[tilespmem:v36+s15+$0x0] =	vst.idx.msk $0xffff, v47;
	v47 =	vld [tilespmem:s26+$0xFFFFFFE0];
	v36 =	vadd.s32 v28, v41  }
0x127: {  	v5 =	vld [tilespmem:s26+$0x60];
	[tilespmem:v56+s15+$0x0] =	vst.idx.msk $0xffff, v0;
	v0 =	vadd.f32 v58, v34;
	v56 =	vadd.s32 v32, v43  }
0x128: {  	v52 =	vadd.s32 v3, v44;
	[tilespmem:v61+s15+$0x0] =	vst.idx.msk $0xffff, v60;
	v61 =	vadd.f32 v59, v34;
	v59 =	vld [tilespmem:s26+$0x1A0]  }
0x129: {  	v60 =	vadd.s32 v8, v45;
	v58 =	vld [tilespmem:s26+$0x120];
	[tilespmem:v54+s15+$0x0] =	vst.idx.msk $0xffff, v0;
	v0 =	vadd.f32 v53, v34  }
0x12a: {  	[tilespmem:v48+s15+$0x0] =	vst.idx.msk $0xffff, v62;
	v62 =	vadd.s32 v12, v18;
	v54 =	vld [tilespmem:s26+$0x160]  }
0x12b: {  	v53 =	vld [tilespmem:s26+$0xFFFFFEF0];
	[tilespmem:v36+s15+$0x0] =	vst.idx.msk $0xffff, v0;
	v0 =	vadd.f32 v47, v34;
	v36 =	vadd.s32 v16, v55  }
0x12c: {  	v35 =	vadd.s32 v20, v4;
	v2 =	vadd.f32 v2, v34;
	v47 =	vld [tilespmem:s26+$0xFFFFFE20];
	[tilespmem:v56+s15+$0x0] =	vst.idx.msk $0xffff, v61  }
0x12d: {  	v56 =	vld [tilespmem:s26+$0xFFFFFE70];
	[tilespmem:v52+s15+$0x0] =	vst.idx.msk $0xffff, v0;
	v0 =	vadd.f32 v5, v34  }
0x12e: {  	[tilespmem:v60+s15+$0x0] =	vst.idx.msk $0xffff, v2;
	v2 =	vadd.f32 v46, v34;
	v5 =	vadd.s32 v24, v49;
	v52 =	vld [tilespmem:s26+$0xFFFFFEB0]  }
0x12f: {  	v60 =	vadd.s32 v8, v37;
	[tilespmem:v62+s15+$0x0] =	vst.idx.msk $0xffff, v0;
	v0 =	vadd.f32 v57, v34;
	v57 =	vld [tilespmem:s26+$0xFFFFFF30]  }
0x130: {  	v46 =	vadd.s32 v28, v50;
	[tilespmem:v36+s15+$0x0] =	vst.idx.msk $0xffff, v2;
	v2 =	vadd.f32 v58, v34;
	v58 =	vld [tilespmem:s26+$0xFFFFFF70]  }
0x131: {  	v48 =	vadd.s32 v32, v51;
	[tilespmem:v35+s15+$0x0] =	vst.idx.msk $0xffff, v0;
	v35 =	vld [tilespmem:s26+$0xFFFFFFB0]  }
0x132: {  	v38 =	vadd.s32 v13, v38;
	v61 =	vadd.f32 v47, v34;
	v47 =	vld [tilespmem:s26+$0xB0]  }
0x133: {  	v40 =	vadd.s32 v17, v40;
	v0 =	vadd.f32 v54, v34;
	[tilespmem:v5+s15+$0x0] =	vst.idx.msk $0xffff, v2;
	v5 =	vld [tilespmem:s26+$0xFFFFFFF0]  }
0x134: {  	v39 =	vadd.s32 v21, v39;
	v2 =	vadd.f32 v59, v34;
	[tilespmem:v60+s15+$0x0] =	vst.idx.msk $0xffff, v61;
	v54 =	vld [tilespmem:s26+$0xF0]  }
0x135: {  	v4 =	vadd.s32 v21, v4;
	v62 =	vadd.f32 v56, v33;
	[tilespmem:v46+s15+$0x0] =	vst.idx.msk $0xffff, v0;
	v0 =	vld [tilespmem:s26+$0x30]  }
0x136: {  	v42 =	vadd.s32 v25, v42;
	[tilespmem:v48+s15+$0x0] =	vst.idx.msk $0xffff, v2;
	v2 =	vld [tilespmem:s26+$0x70];
	v48 =	vadd.f32 v52, v33  }
0x137: {  	v44 =	vadd.s32 v29, v44;
	v53 =	vadd.f32 v53, v33;
	v52 =	vld [tilespmem:$0x1FF90];
	[tilespmem:v38+s15+$0x0] =	vst.idx.msk $0xffff, v62  }
0x138: {  	v3 =	vadd.s32 v13, v18;
	v56 =	vadd.f32 v57, v33;
	v6 =	vld [tilespmem:$0x1FFF0];
	[tilespmem:v40+s15+$0x0] =	vst.idx.msk $0xffff, v48  }
0x139: {  	v57 =	vld [tilespmem:s26+$0x130];
	v36 =	vadd.f32 v58, v33;
	v62 =	vadd.s32 v17, v55;
	[tilespmem:v39+s15+$0x0] =	vst.idx.msk $0xffff, v53  }
0x13a: {  	v58 =	vld [tilespmem:s26+$0x170];
	v60 =	vadd.f32 v35, v33;
	v48 =	vadd.s32 v25, v49;
	v5 =	vadd.f32 v5, v33  }
0x13b: {  	v47 =	vadd.f32 v47, v33;
	v29 =	vld [tilespmem:$0x1FE90];
	[tilespmem:v42+s15+$0x0] =	vst.idx.msk $0xffff, v56;
	v46 =	vadd.f32 v54, v33  }
0x13c: {  	s31 =	simm.s32 $0x0;
	v61 =	vld [tilespmem:s26+$0x1B0];
	v0 =	vadd.f32 v0, v33;
	[tilespmem:v44+s15+$0x0] =	vst.idx.msk $0xffff, v5;
	v41 =	vadd.s32 v52, v41  }
0x13d: {  	v55 =	vmov s31;
	v2 =	vadd.f32 v2, v33;
	[tilespmem:v4+s15+$0x0] =	vst.idx.msk $0xffff, v46;
	v49 =	vadd.s32 v52, v50  }
0x13e: {  	s1 =	simm.s32 $0x1;
	v53 =	vld [tilespmem:s26+$0xFFFFFE30];
	v56 =	vshrl.u32 v55, $0x3;
	v54 =	vadd.f32 v57, v33;
	[tilespmem:v62+s15+$0x0] =	vst.idx.msk $0xffff, v47;
	v43 =	vadd.s32 v6, v43  }
0x13f: {  	s28 =	simm.s32 $0x2;
	v35 =	vshll.u32 v56, v1;
	v5 =	vmov s1;
	v50 =	vadd.s32 v6, v51;
	[tilespmem:v3+s15+$0x0] =	vst.idx.msk $0xffff, v2  }
0x140: {  	s29 =	simm.s32 $0x3;
	v57 =	vmov s28;
	v38 =	vadd.f32 v58, v33;
	[tilespmem:v48+s15+$0x0] =	vst.idx.msk $0xffff, v54;
	v59 =	vadd.s32 v29, v45  }
0x141: {  	s1 =	simm.s32 $0xA;
	v34 =	vadd.f32 v61, v33;
	v58 =	vmov s29;
	v37 =	vadd.s32 v29, v37;
	[tilespmem:v41+s15+$0x0] =	vst.idx.msk $0xffff, v36  }
0x142: {  	s31 =	simm.s32 $0x7;
	v62 =	vmov s1;
	v5 =	vshrl.u32 v5, $0x3;
	v40 =	vshrl.u32 v57, $0x3;
	[tilespmem:v49+s15+$0x0] =	vst.idx.msk $0xffff, v38  }
0x143: {  	v33 =	vadd.f32 v53, v33;
	v2 =	vmov s31;
	v5 =	vshll.u32 v5, v1;
	[tilespmem:v43+s15+$0x0] =	vst.idx.msk $0xffff, v60  }
0x144: {  	s29 =	simm.s32 $0x6;
	v40 =	vshll.u32 v40, v1;
	v2 =	vshrl.u32 v2, $0x3;
	v41 =	vshrl.u32 v58, $0x3;
	[tilespmem:v50+s15+$0x0] =	vst.idx.msk $0xffff, v34  }
0x145: {  	s30 =	simm.s32 $0x4;
	s28 =	simm.s32 $0x5;
	v2 =	vshll.u32 v2, v1;
	v60 =	vmov s29;
	v41 =	vshll.u32 v41, v1;
	[tilespmem:v59+s15+$0x0] =	vst.idx.msk $0xffff, v0  }
0x146: {  	s29 =	simm.s32 $0x9;
	v50 =	vbroadcast v5, $0x0;
	v0 =	vmov s30;
	v59 =	vmov s28;
	[tilespmem:v37+s15+$0x0] =	vst.idx.msk $0xffff, v33  }
0x147: {  	s28 =	simm.s32 $0x8;
	v61 =	vmov s29;
	s29 =	simm.s32 $0xC;
	v55 =	vshrl.u32 v60, $0x3;
	v37 =	vbroadcast v35, $0x0;
	v36 =	vld [tilespmem:s24+$0x6440]  }
0x148: {  	v49 =	vbroadcast v41, $0x0;
	v3 =	vmov s28;
	v52 =	vmov s29;
	v35 =	vld [tilespmem:s24+$0x6450]  }
0x149: {  	s31 =	simm.s32 $0xF;
	s28 =	simm.s32 $0xB;
	v0 =	vshrl.u32 v0, $0x3;
	v54 =	vshrl.u32 v59, $0x3;
	v56 =	vshrl.u32 v61, $0x3;
	v34 =	vld [tilespmem:s24+$0x6460]  }
0x14a: {  	s26 =	simm.s32 $0xB9F0;
	v59 =	vmov s31;
	v33 =	vld [tilespmem:s24+$0x6470];
	v39 =	vshll.u32 v55, v1;
	v51 =	vmov s28  }
0x14b: {  	v48 =	vld [tilespmem:s26+$0xFFFFFFD0];
	v3 =	vshrl.u32 v3, $0x3;
	v58 =	vshrl.u32 v52, $0x3;
	v60 =	vshrl.u32 v59, $0x3  }
0x14c: {  	v18 =	vld [tilespmem:$0x1FEA0];
	s28 =	simm.s32 $0xE;
	v0 =	vshll.u32 v0, v1;
	v38 =	vshll.u32 v54, v1;
	v47 =	vshll.u32 v60, v1  }
0x14d: {  	v6 =	vld [tilespmem:$0x1FEE0];
	v43 =	vshll.u32 v56, v1;
	v53 =	vmov s28;
	v52 =	vbroadcast v47, $0x0  }
0x14e: {  	v56 =	vadd.s32 v63, v37;
	v41 =	vbroadcast v39, $0x0;
	v46 =	vshrl.u32 v53, $0x3;
	v53 =	vld [tilespmem:s26+$0xFFFFFC10]  }
0x14f: {  	v55 =	vld [tilespmem:s26+$0xFFFFFC50];
	v57 =	vshrl.u32 v51, $0x3;
	v3 =	vshll.u32 v3, v1;
	v45 =	vadd.s32 v14, v52  }
0x150: {  	v5 =	vshll.u32 v58, v1;
	v51 =	vbroadcast v40, $0x0;
	v54 =	vshll.u32 v57, v1;
	v57 =	vld [tilespmem:s26+$0xFFFFFC90]  }
0x151: {  	v40 =	vadd.s32 v10, v50;
	v58 =	vld [tilespmem:s26+$0xFFFFFCD0];
	v44 =	vbroadcast v38, $0x0;
	v47 =	vbroadcast v0, $0x0  }
0x152: {  	v60 =	vld [tilespmem:s26+$0xFFFFFD10];
	v59 =	vshll.u32 v46, v1;
	v46 =	vadd.s32 v18, v51;
	v0 =	vadd.f32 v48, v36  }
0x153: {  	v61 =	vld [tilespmem:s26+$0xFFFFFD50];
	v39 =	vadd.s32 v26, v44;
	v48 =	vadd.f32 v53, v36;
	v53 =	vadd.s32 v6, v49  }
0x154: {  	v42 =	vshrl.u32 v62, $0x3;
	v62 =	vld [tilespmem:s26+$0xFFFFFD90];
	v38 =	vadd.f32 v55, v36;
	v55 =	vadd.s32 v22, v47;
	[tilespmem:v45+s16+$0x0] =	vst.idx.msk $0xffff, v0  }
0x155: {  	[tilespmem:v56+s16+$0x0] =	vst.idx.msk $0xffff, v48;
	v0 =	vadd.f32 v57, v36;
	v48 =	vbroadcast v2, $0x0;
	v2 =	vld [tilespmem:s26+$0xFFFFFE10];
	v45 =	vbroadcast v3, $0x0  }
0x156: {  	[tilespmem:v40+s16+$0x0] =	vst.idx.msk $0xffff, v38;
	v38 =	vadd.f32 v58, v36;
	v40 =	vadd.s32 v30, v41;
	v57 =	vld [tilespmem:s26+$0xFFFFFDD0]  }
0x157: {  	v56 =	vld [tilespmem:s26+$0xFFFFFFE0];
	[tilespmem:v46+s16+$0x0] =	vst.idx.msk $0xffff, v0;
	v0 =	vadd.f32 v60, v36;
	v46 =	vbroadcast v43, $0x0;
	v43 =	vadd.s32 v63, v45  }
0x158: {  	v61 =	vadd.f32 v61, v36;
	v58 =	vld [tilespmem:s26+$0xFFFFFE50];
	[tilespmem:v53+s16+$0x0] =	vst.idx.msk $0xffff, v38;
	v53 =	vadd.s32 v14, v48  }
0x159: {  	v3 =	vadd.s32 v9, v52;
	[tilespmem:v55+s16+$0x0] =	vst.idx.msk $0xffff, v0;
	v0 =	vadd.f32 v62, v36  }
0x15a: {  	[tilespmem:v39+s16+$0x0] =	vst.idx.msk $0xffff, v61;
	v60 =	vadd.s32 v10, v46;
	v2 =	vadd.f32 v2, v36  }
0x15b: {  	[tilespmem:v40+s16+$0x0] =	vst.idx.msk $0xffff, v0;
	v0 =	vadd.f32 v57, v36  }
0x15c: {  	v42 =	vshll.u32 v42, v1;
	s30 =	simm.s32 $0xD;
	v39 =	vbroadcast v54, $0x0;
	v54 =	vadd.f32 v56, v35;
	[tilespmem:v43+s16+$0x0] =	vst.idx.msk $0xffff, v2  }
0x15d: {  	v42 =	vbroadcast v42, $0x0;
	v4 =	vmov s30;
	v55 =	vld [tilespmem:s26+$0xFFFFFE90];
	[tilespmem:v53+s16+$0x0] =	vst.idx.msk $0xffff, v0;
	v0 =	vadd.f32 v58, v36  }
0x15e: {  	v4 =	vshrl.u32 v4, $0x3;
	v61 =	vld [tilespmem:s26+$0xFFFFFED0];
	[tilespmem:v3+s16+$0x0] =	vst.idx.msk $0xffff, v54  }
0x15f: {  	v4 =	vshll.u32 v4, v1;
	v62 =	vld [tilespmem:s26+$0xFFFFFF50];
	v56 =	vadd.s32 v18, v42;
	[tilespmem:v60+s16+$0x0] =	vst.idx.msk $0xffff, v0  }
0x160: {  	v38 =	vbroadcast v4, $0x0;
	v40 =	vbroadcast v5, $0x0;
	v5 =	vadd.s32 v6, v39;
	v6 =	vld [tilespmem:$0x1FE40]  }
0x161: {  	v57 =	vld [tilespmem:s26+$0xFFFFFF10]  }
0x162: {  	v43 =	vbroadcast v59, $0x0;
	v53 =	vadd.s32 v26, v38;
	v54 =	vld [tilespmem:s26+$0xFFFFFF90];
	v2 =	vadd.f32 v55, v36  }
0x163: {  	v3 =	vadd.s32 v22, v40;
	v4 =	vld [tilespmem:s26+$0xFFFFFFF0];
	v0 =	vadd.f32 v61, v36  }
0x164: {  	v55 =	vld [tilespmem:s26+$0xFFFFFC60];
	[tilespmem:v56+s16+$0x0] =	vst.idx.msk $0xffff, v2;
	v56 =	vadd.s32 v30, v43  }
0x165: {  	v59 =	vld [tilespmem:s26+$0xFFFFFCA0];
	[tilespmem:v5+s16+$0x0] =	vst.idx.msk $0xffff, v0;
	v0 =	vadd.f32 v62, v36;
	v58 =	vadd.s32 v6, v52  }
0x166: {  	v2 =	vadd.f32 v57, v36;
	v57 =	vadd.s32 v11, v50  }
0x167: {  	v5 =	vadd.s32 v15, v51;
	[tilespmem:v53+s16+$0x0] =	vst.idx.msk $0xffff, v0;
	v0 =	vadd.f32 v54, v36  }
0x168: {  	[tilespmem:v3+s16+$0x0] =	vst.idx.msk $0xffff, v2;
	v2 =	vadd.f32 v4, v34  }
0x169: {  	v60 =	vld [tilespmem:s26+$0xFFFFFCE0];
	v62 =	vadd.f32 v55, v35;
	[tilespmem:v56+s16+$0x0] =	vst.idx.msk $0xffff, v0  }
0x16a: {  	v61 =	vld [tilespmem:s26+$0xFFFFFD20];
	[tilespmem:v58+s16+$0x0] =	vst.idx.msk $0xffff, v2;
	v2 =	vadd.f32 v59, v35  }
0x16b: {  	v3 =	vadd.s32 v19, v49;
	v4 =	vld [tilespmem:s26+$0xFFFFFD60];
	[tilespmem:v57+s16+$0x0] =	vst.idx.msk $0xffff, v62  }
0x16c: {  	v54 =	vadd.s32 v23, v47;
	v55 =	vld [tilespmem:s26+$0xFFFFFDA0];
	[tilespmem:v5+s16+$0x0] =	vst.idx.msk $0xffff, v2  }
0x16d: {  	v62 =	vld [tilespmem:$0x1FE50]  }
0x16e: {  	v53 =	vadd.f32 v60, v35;
	v56 =	vadd.s32 v31, v41;
	v57 =	vld [tilespmem:s26+$0xFFFFFDE0]  }
0x16f: {  	v58 =	vadd.s32 v27, v44;
	v2 =	vadd.f32 v61, v35;
	v5 =	vld [tilespmem:s26+$0xFFFFFE20]  }
0x170: {  	v0 =	vld [tilespmem:s26+$0x0];
	[tilespmem:v3+s16+$0x0] =	vst.idx.msk $0xffff, v53;
	v3 =	vadd.f32 v4, v35;
	v4 =	vadd.s32 v9, v48  }
0x171: {  	[tilespmem:v54+s16+$0x0] =	vst.idx.msk $0xffff, v2;
	v2 =	vadd.f32 v55, v35;
	v54 =	vadd.s32 v7, v45;
	v55 =	vld [tilespmem:s26+$0xFFFFFEA0]  }
0x172: {  	v53 =	vld [tilespmem:s26+$0xFFFFFE60];
	v52 =	vadd.s32 v62, v52  }
0x173: {  	[tilespmem:v56+s16+$0x0] =	vst.idx.msk $0xffff, v2;
	v2 =	vadd.f32 v57, v35;
	v56 =	vadd.s32 v15, v42;
	v57 =	vld [tilespmem:s26+$0xFFFFFF20]  }
0x174: {  	[tilespmem:v58+s16+$0x0] =	vst.idx.msk $0xffff, v3;
	v3 =	vadd.s32 v11, v46;
	v58 =	vld [tilespmem:s26+$0xFFFFFEE0];
	v5 =	vadd.f32 v5, v35  }
0x175: {  	v60 =	vld [tilespmem:s26+$0xFFFFFF60];
	v0 =	vadd.f32 v0, v33;
	[tilespmem:v4+s16+$0x0] =	vst.idx.msk $0xffff, v2;
	v2 =	vadd.s32 v23, v40  }
0x176: {  	v59 =	vadd.s32 v19, v39;
	v4 =	vld [tilespmem:s26+$0xFFFFFFA0];
	[tilespmem:v54+s16+$0x0] =	vst.idx.msk $0xffff, v5;
	v5 =	vadd.f32 v55, v35  }
0x177: {  	[tilespmem:v52+s16+$0x0] =	vst.idx.msk $0xffff, v0;
	v0 =	vadd.f32 v53, v35;
	v52 =	vld [tilespmem:s26+$0xFFFFFC20]  }
0x178: {  	v61 =	vld [tilespmem:s26+$0xFFFFFDB0];
	[tilespmem:v56+s16+$0x0] =	vst.idx.msk $0xffff, v5;
	v5 =	vadd.f32 v57, v35;
	v53 =	vadd.s32 v27, v38  }
0x179: {  	v54 =	vld [tilespmem:s26+$0xFFFFFC70];
	v55 =	vadd.s32 v7, v37;
	[tilespmem:v3+s16+$0x0] =	vst.idx.msk $0xffff, v0;
	v0 =	vadd.f32 v58, v35  }
0x17a: {  	[tilespmem:v2+s16+$0x0] =	vst.idx.msk $0xffff, v5;
	v3 =	vadd.s32 v31, v43;
	v58 =	vld [tilespmem:s26+$0xFFFFFCB0]  }
0x17b: {  	v56 =	vadd.s32 v12, v50;
	v57 =	vld [tilespmem:s26+$0xFFFFFCF0];
	[tilespmem:v59+s16+$0x0] =	vst.idx.msk $0xffff, v0;
	v0 =	vadd.f32 v60, v35  }
0x17c: {  	v2 =	vadd.f32 v4, v35;
	v59 =	vadd.s32 v16, v51;
	v60 =	vld [tilespmem:s26+$0xFFFFFD30];
	v4 =	vadd.f32 v52, v35  }
0x17d: {  	v5 =	vadd.s32 v20, v49;
	v52 =	vld [tilespmem:s26+$0xFFFFFD70];
	[tilespmem:v53+s16+$0x0] =	vst.idx.msk $0xffff, v0  }
0x17e: {  	v0 =	vadd.f32 v54, v34;
	v53 =	vadd.s32 v24, v47;
	[tilespmem:v55+s16+$0x0] =	vst.idx.msk $0xffff, v4;
	v4 =	vld [tilespmem:s26+$0xFFFFFDF0]  }
0x17f: {  	[tilespmem:v3+s16+$0x0] =	vst.idx.msk $0xffff, v2;
	v2 =	vadd.f32 v58, v34;
	v3 =	vadd.s32 v28, v44;
	v58 =	vld [tilespmem:s26+$0xFFFFFE70]  }
0x180: {  	v55 =	vadd.s32 v32, v41;
	[tilespmem:v56+s16+$0x0] =	vst.idx.msk $0xffff, v0;
	v0 =	vadd.f32 v57, v34;
	v56 =	vld [tilespmem:s26+$0xFFFFFE30]  }
0x181: {  	v57 =	vadd.s32 v6, v48;
	[tilespmem:v59+s16+$0x0] =	vst.idx.msk $0xffff, v2;
	v2 =	vadd.f32 v60, v34;
	v60 =	vld [tilespmem:s26+$0xFFFFFEF0]  }
0x182: {  	[tilespmem:v5+s16+$0x0] =	vst.idx.msk $0xffff, v0;
	v0 =	vadd.f32 v52, v34;
	v5 =	vadd.s32 v8, v45;
	v52 =	vld [tilespmem:s26+$0xFFFFFEB0]  }
0x183: {  	v59 =	vld [tilespmem:s26+$0xFFFFFC30];
	[tilespmem:v53+s16+$0x0] =	vst.idx.msk $0xffff, v2;
	v2 =	vadd.f32 v61, v34;
	v61 =	vadd.s32 v12, v46  }
0x184: {  	[tilespmem:v3+s16+$0x0] =	vst.idx.msk $0xffff, v0;
	v0 =	vadd.f32 v4, v34;
	v3 =	vld [tilespmem:s26+$0xFFFFFF30]  }
0x185: {  	v4 =	vld [tilespmem:s26+$0xFFFFFF70];
	[tilespmem:v55+s16+$0x0] =	vst.idx.msk $0xffff, v2;
	v2 =	vadd.f32 v56, v34;
	v55 =	vadd.s32 v16, v42  }
0x186: {  	v56 =	vld [tilespmem:s26+$0xFFFFFFB0];
	[tilespmem:v57+s16+$0x0] =	vst.idx.msk $0xffff, v0;
	v0 =	vadd.f32 v58, v34;
	v57 =	vadd.s32 v20, v39  }
0x187: {  	v58 =	vadd.s32 v24, v40;
	[tilespmem:v5+s16+$0x0] =	vst.idx.msk $0xffff, v2;
	v2 =	vadd.f32 v52, v34;
	v52 =	vld [tilespmem:s26+$0xFFFFFC80]  }
0x188: {  	v5 =	vadd.s32 v28, v38;
	[tilespmem:v61+s16+$0x0] =	vst.idx.msk $0xffff, v0;
	v0 =	vadd.f32 v60, v34;
	v60 =	vld [tilespmem:s26+$0xFFFFFCC0]  }
0x189: {  	v50 =	vadd.s32 v13, v50;
	v53 =	vadd.s32 v32, v43;
	v61 =	vld [tilespmem:s26+$0xFFFFFD00]  }
0x18a: {  	v49 =	vadd.s32 v21, v49;
	v3 =	vadd.f32 v3, v34;
	[tilespmem:v55+s16+$0x0] =	vst.idx.msk $0xffff, v2;
	v55 =	vld [tilespmem:s26+$0xFFFFFD40]  }
0x18b: {  	s28 =	simm.s32 $0x10;
	v51 =	vadd.s32 v17, v51;
	v4 =	vadd.f32 v4, v34;
	[tilespmem:v57+s16+$0x0] =	vst.idx.msk $0xffff, v0;
	v57 =	vld [tilespmem:s26+$0xFFFFFD80]  }
0x18c: {  	v54 =	vadd.s32 v8, v37;
	v2 =	vmov s28;
	v56 =	vadd.f32 v56, v34;
	[tilespmem:v58+s16+$0x0] =	vst.idx.msk $0xffff, v3;
	v58 =	vld [tilespmem:s26+$0xFFFFFDC0]  }
0x18d: {  	v47 =	vadd.s32 v25, v47;
	v0 =	vshrl.u32 v2, $0x3;
	v2 =	vadd.f32 v59, v34;
	v59 =	vld [tilespmem:s26+$0xFFFFFE00];
	[tilespmem:v5+s16+$0x0] =	vst.idx.msk $0xffff, v4  }
0x18e: {  	v37 =	vadd.s32 v29, v37;
	v48 =	vadd.s32 v62, v48;
	s28 =	simm.s32 $0x11;
	v18 =	vld [tilespmem:$0x1FF90];
	[tilespmem:v53+s16+$0x0] =	vst.idx.msk $0xffff, v56  }
0x18f: {  	v45 =	vadd.s32 v29, v45;
	v46 =	vadd.s32 v13, v46;
	v3 =	vmov s28;
	s28 =	simm.s32 $0x12;
	v6 =	vld [tilespmem:$0x1FFF0]  }
0x190: {  	v52 =	vadd.f32 v52, v33;
	v4 =	vmov s28;
	s28 =	simm.s32 $0x13;
	v5 =	vadd.f32 v60, v33;
	v60 =	vld [tilespmem:s26+$0xFFFFFE40]  }
0x191: {  	v53 =	vmov s28;
	s28 =	simm.s32 $0x14;
	v56 =	vadd.f32 v61, v33;
	[tilespmem:v54+s16+$0x0] =	vst.idx.msk $0xffff, v2;
	v61 =	vadd.f32 v55, v33;
	v55 =	vld [tilespmem:s26+$0xFFFFFE80]  }
0x192: {  	v42 =	vadd.s32 v17, v42;
	v2 =	vmov s28;
	s28 =	simm.s32 $0x15;
	[tilespmem:v50+s16+$0x0] =	vst.idx.msk $0xffff, v52;
	v50 =	vadd.f32 v57, v33;
	v57 =	vld [tilespmem:s26+$0xFFFFFEC0]  }
0x193: {  	v52 =	vmov s28;
	s28 =	simm.s32 $0x16;
	[tilespmem:v51+s16+$0x0] =	vst.idx.msk $0xffff, v5;
	v51 =	vadd.f32 v58, v33;
	v58 =	vld [tilespmem:s26+$0xFFFFFF00];
	v44 =	vadd.s32 v18, v44  }
0x194: {  	[tilespmem:v49+s16+$0x0] =	vst.idx.msk $0xffff, v56;
	v5 =	vmov s28;
	s28 =	simm.s32 $0x17;
	v49 =	vadd.f32 v59, v33;
	v59 =	vld [tilespmem:s26+$0xFFFFFF40];
	v41 =	vadd.s32 v6, v41  }
0x195: {  	v39 =	vadd.s32 v21, v39;
	v56 =	vmov s28;
	s28 =	simm.s32 $0x18;
	[tilespmem:v47+s16+$0x0] =	vst.idx.msk $0xffff, v61;
	v54 =	vadd.f32 v60, v33;
	v60 =	vld [tilespmem:s26+$0xFFFFFF80]  }
0x196: {  	v40 =	vadd.s32 v25, v40;
	v0 =	vshll.u32 v0, v1;
	v47 =	vmov s28;
	s28 =	simm.s32 $0x19;
	[tilespmem:v48+s16+$0x0] =	vst.idx.msk $0xffff, v49  }
0x197: {  	v38 =	vadd.s32 v18, v38;
	v61 =	vmov s28;
	v43 =	vadd.s32 v6, v43;
	[tilespmem:v45+s16+$0x0] =	vst.idx.msk $0xffff, v54  }
0x198: {  	v47 =	vshrl.u32 v47, $0x3;
	v62 =	vadd.f32 v55, v33;
	v55 =	vadd.f32 v57, v33;
	[tilespmem:v44+s16+$0x0] =	vst.idx.msk $0xffff, v50;
	v50 =	vld [tilespmem:s26+$0xFFFFFFC0]  }
0x199: {  	s29 =	simm.s32 $0x1E;
	v45 =	vshrl.u32 v53, $0x3;
	v48 =	vadd.f32 v58, v33;
	v49 =	vadd.f32 v59, v33;
	[tilespmem:v41+s16+$0x0] =	vst.idx.msk $0xffff, v51;
	v51 =	vld [tilespmem:s26+$0xFFFFFC40]  }
0x19a: {  	s28 =	simm.s32 $0x1A;
	v59 =	vmov s29;
	[tilespmem:v46+s16+$0x0] =	vst.idx.msk $0xffff, v62;
	v46 =	vshrl.u32 v56, $0x3;
	v62 =	vadd.f32 v60, v33  }
0x19b: {  	v44 =	vshrl.u32 v3, $0x3;
	[tilespmem:v39+s16+$0x0] =	vst.idx.msk $0xffff, v48;
	v48 =	vshrl.u32 v52, $0x3;
	v41 =	vmov s28;
	s28 =	simm.s32 $0x1B  }
0x19c: {  	[tilespmem:v40+s16+$0x0] =	vst.idx.msk $0xffff, v49;
	v49 =	vshrl.u32 v5, $0x3;
	v40 =	vshrl.u32 v59, $0x3;
	v57 =	vmov s28;
	s28 =	simm.s32 $0x1C  }
0x19d: {  	[tilespmem:v38+s16+$0x0] =	vst.idx.msk $0xffff, v62;
	v38 =	vshrl.u32 v61, $0x3;
	v54 =	vmov s28;
	s28 =	simm.s32 $0x1D;
	v3 =	vadd.f32 v50, v33  }
0x19e: {  	[tilespmem:v42+s16+$0x0] =	vst.idx.msk $0xffff, v55;
	v58 =	vmov s28;
	v50 =	vshrl.u32 v4, $0x3;
	v4 =	vadd.f32 v51, v33  }
0x19f: {  	v42 =	vshrl.u32 v41, $0x3;
	v41 =	vshrl.u32 v54, $0x3;
	v39 =	vshrl.u32 v58, $0x3;
	[tilespmem:v43+s16+$0x0] =	vst.idx.msk $0xffff, v3  }
0x1a0: {  	s29 =	simm.s32 $0x1F;
	s28 =	simm.s32 $0x20;
	v51 =	vshrl.u32 v2, $0x3;
	v43 =	vshrl.u32 v57, $0x3;
	[tilespmem:v37+s16+$0x0] =	vst.idx.msk $0xffff, v4;
	v37 =	vbroadcast v0, $0x0  }
.LBB2_5:
0x1a1: {  	v3 =	vmov s29  }
0x1a2: {  	v3 =	vshrl.u32 v3, $0x3  }
0x1a3: {  	v0 =	vshll.u32 v44, v1;
	s26 =	sadd.s32 $0x400, s26;
	v29 =	vld [tilespmem:$0x1FEA0];
	v3 =	vshll.u32 v3, v1  }
0x1a4: {  	v2 =	vshll.u32 v50, v1;
	v4 =	vshll.u32 v45, v1;
	v52 =	vbroadcast v3, $0x0;
	v3 =	vld [tilespmem:s26+$0xFFFFFC10]  }
0x1a5: {  	v5 =	vshll.u32 v51, v1;
	v44 =	vshll.u32 v48, v1;
	v45 =	vshll.u32 v49, v1;
	v18 =	vld [tilespmem:$0x1FEE0]  }
0x1a6: {  	v53 =	vshll.u32 v47, v1;
	v56 =	vadd.s32 v63, v37;
	v57 =	vld [tilespmem:s26+$0xFFFFFC90];
	v51 =	vbroadcast v2, $0x0  }
0x1a7: {  	v55 =	vshll.u32 v43, v1;
	v48 =	vld [tilespmem:s26+$0xFFFFFFD0];
	v50 =	vbroadcast v0, $0x0;
	v49 =	vbroadcast v4, $0x0  }
0x1a8: {  	v4 =	vshll.u32 v40, v1;
	v60 =	vld [tilespmem:s26+$0xFFFFFD10];
	v47 =	vbroadcast v5, $0x0;
	v40 =	vadd.s32 v29, v51  }
0x1a9: {  	v43 =	vld [tilespmem:s26+$0xFFFFFC50];
	v0 =	vshll.u32 v41, v1;
	v41 =	vadd.s32 v14, v52;
	v3 =	vadd.f32 v3, v36  }
0x1aa: {  	v46 =	vshll.u32 v46, v1;
	v63 =	vadd.s32 v22, v47  }
0x1ab: {  	v59 =	vld [tilespmem:s26+$0xFFFFFCD0];
	v58 =	vadd.s32 v10, v50;
	[tilespmem:v56+s16+$0x0] =	vst.idx.msk $0xffff, v3;
	v3 =	vadd.f32 v57, v36  }
0x1ac: {  	v54 =	vshll.u32 v42, v1;
	v62 =	vld [tilespmem:s26+$0xFFFFFD50];
	v42 =	vbroadcast v44, $0x0;
	v5 =	vadd.f32 v48, v36  }
0x1ad: {  	v6 =	vld [tilespmem:s26+$0xFFFFFD90];
	v61 =	vadd.s32 v18, v49;
	[tilespmem:v40+s16+$0x0] =	vst.idx.msk $0xffff, v3;
	v3 =	vadd.f32 v60, v36  }
0x1ae: {  	v43 =	vadd.f32 v43, v36;
	v48 =	vbroadcast v46, $0x0;
	v46 =	vld [tilespmem:s26+$0xFFFFFE10];
	[tilespmem:v41+s16+$0x0] =	vst.idx.msk $0xffff, v5;
	v5 =	vadd.s32 v26, v42  }
0x1af: {  	v2 =	vshll.u32 v39, v1;
	v39 =	vbroadcast v45, $0x0;
	[tilespmem:v63+s16+$0x0] =	vst.idx.msk $0xffff, v3;
	v63 =	vld [tilespmem:$0x1FE60]  }
0x1b0: {  	[tilespmem:v58+s16+$0x0] =	vst.idx.msk $0xffff, v43;
	v43 =	vadd.f32 v59, v36;
	v41 =	vld [tilespmem:s26+$0xFFFFFFE0]  }
0x1b1: {  	v38 =	vshll.u32 v38, v1;
	v56 =	vadd.s32 v30, v39;
	v57 =	vld [tilespmem:s26+$0xFFFFFDD0];
	v40 =	vadd.f32 v62, v36  }
0x1b2: {  	v44 =	vbroadcast v53, $0x0;
	v45 =	vbroadcast v38, $0x0;
	v53 =	vadd.s32 v9, v52;
	v59 =	vld [tilespmem:s26+$0xFFFFFE50];
	[tilespmem:v61+s16+$0x0] =	vst.idx.msk $0xffff, v43  }
0x1b3: {  	v58 =	vadd.s32 v14, v48;
	v43 =	vbroadcast v54, $0x0;
	v54 =	vld [tilespmem:s26+$0xFFFFFED0];
	[tilespmem:v5+s16+$0x0] =	vst.idx.msk $0xffff, v40;
	v40 =	vbroadcast v55, $0x0  }
0x1b4: {  	v60 =	vld [tilespmem:s26+$0xFFFFFE90];
	v3 =	vadd.f32 v6, v36;
	v6 =	vadd.s32 v63, v44  }
0x1b5: {  	v5 =	vadd.s32 v10, v45;
	v55 =	vadd.f32 v41, v35;
	v61 =	vadd.s32 v18, v40;
	v18 =	vld [tilespmem:$0x1FE40]  }
0x1b6: {  	[tilespmem:v56+s16+$0x0] =	vst.idx.msk $0xffff, v3;
	v3 =	vadd.f32 v57, v36;
	v56 =	vadd.s32 v29, v43;
	v57 =	vld [tilespmem:s26+$0xFFFFFF10];
	v41 =	vbroadcast v0, $0x0  }
0x1b7: {  	v38 =	vbroadcast v2, $0x0;
	v62 =	vld [tilespmem:s26+$0xFFFFFF50];
	v0 =	vadd.f32 v46, v36;
	[tilespmem:v53+s16+$0x0] =	vst.idx.msk $0xffff, v55  }
0x1b8: {  	v2 =	vadd.f32 v59, v36;
	[tilespmem:v58+s16+$0x0] =	vst.idx.msk $0xffff, v3;
	v3 =	vadd.s32 v22, v41;
	v53 =	vld [tilespmem:s26+$0xFFFFFFF0]  }
0x1b9: {  	v46 =	vbroadcast v4, $0x0;
	v55 =	vld [tilespmem:s26+$0xFFFFFF90];
	[tilespmem:v6+s16+$0x0] =	vst.idx.msk $0xffff, v0;
	v0 =	vadd.f32 v60, v36;
	v6 =	vadd.s32 v26, v38  }
0x1ba: {  	v4 =	vld [tilespmem:s26+$0xFFFFFC60];
	[tilespmem:v5+s16+$0x0] =	vst.idx.msk $0xffff, v2;
	v2 =	vadd.f32 v54, v36;
	v5 =	vadd.s32 v18, v52  }
0x1bb: {  	v54 =	vld [tilespmem:s26+$0xFFFFFCA0];
	[tilespmem:v56+s16+$0x0] =	vst.idx.msk $0xffff, v0;
	v0 =	vadd.f32 v57, v36;
	v56 =	vadd.s32 v30, v46  }
0x1bc: {  	v58 =	vld [tilespmem:s26+$0xFFFFFCE0];
	[tilespmem:v61+s16+$0x0] =	vst.idx.msk $0xffff, v2;
	v2 =	vadd.f32 v62, v36;
	v57 =	vadd.s32 v11, v50  }
0x1bd: {  	v59 =	vadd.s32 v15, v51;
	v60 =	vld [tilespmem:s26+$0xFFFFFD20];
	[tilespmem:v3+s16+$0x0] =	vst.idx.msk $0xffff, v0;
	v0 =	vadd.f32 v53, v34  }
0x1be: {  	v3 =	vadd.s32 v19, v49;
	v53 =	vld [tilespmem:s26+$0xFFFFFD60];
	[tilespmem:v6+s16+$0x0] =	vst.idx.msk $0xffff, v2;
	v2 =	vadd.f32 v55, v36  }
0x1bf: {  	v4 =	vadd.f32 v4, v35;
	v6 =	vadd.s32 v23, v47;
	v55 =	vld [tilespmem:s26+$0xFFFFFDA0];
	[tilespmem:v5+s16+$0x0] =	vst.idx.msk $0xffff, v0  }
0x1c0: {  	v0 =	vadd.f32 v54, v35;
	v5 =	vadd.s32 v27, v42;
	[tilespmem:v56+s16+$0x0] =	vst.idx.msk $0xffff, v2;
	v56 =	vld [tilespmem:s26+$0xFFFFFDE0]  }
0x1c1: {  	v54 =	vadd.s32 v31, v39;
	[tilespmem:v57+s16+$0x0] =	vst.idx.msk $0xffff, v4;
	v4 =	vadd.f32 v58, v35;
	v57 =	vld [tilespmem:s26+$0xFFFFFE20]  }
0x1c2: {  	[tilespmem:v59+s16+$0x0] =	vst.idx.msk $0xffff, v0;
	v0 =	vadd.f32 v60, v35;
	v60 =	vld [tilespmem:$0x1FE50]  }
0x1c3: {  	[tilespmem:v3+s16+$0x0] =	vst.idx.msk $0xffff, v4;
	v3 =	vadd.f32 v53, v35;
	v4 =	vadd.s32 v9, v48;
	v53 =	vld [tilespmem:s26+$0xFFFFFE60]  }
0x1c4: {  	v61 =	vld [tilespmem:s26+$0xFFFFFEA0];
	[tilespmem:v6+s16+$0x0] =	vst.idx.msk $0xffff, v0;
	v0 =	vadd.f32 v55, v35;
	v6 =	vadd.s32 v7, v44  }
0x1c5: {  	v2 =	vld [tilespmem:s26+$0x0];
	[tilespmem:v5+s16+$0x0] =	vst.idx.msk $0xffff, v3;
	v3 =	vadd.s32 v11, v45  }
0x1c6: {  	v5 =	vld [tilespmem:s26+$0xFFFFFEE0];
	[tilespmem:v54+s16+$0x0] =	vst.idx.msk $0xffff, v0;
	v0 =	vadd.f32 v56, v35;
	v54 =	vadd.s32 v15, v43  }
0x1c7: {  	v56 =	vld [tilespmem:s26+$0xFFFFFF20];
	v57 =	vadd.f32 v57, v35;
	v52 =	vadd.s32 v60, v52  }
0x1c8: {  	v62 =	vld [tilespmem:s26+$0xFFFFFF60];
	v58 =	vadd.s32 v19, v40;
	[tilespmem:v4+s16+$0x0] =	vst.idx.msk $0xffff, v0;
	v0 =	vadd.f32 v53, v35  }
0x1c9: {  	[tilespmem:v6+s16+$0x0] =	vst.idx.msk $0xffff, v57;
	v6 =	vadd.f32 v61, v35  }
0x1ca: {  	v2 =	vadd.f32 v2, v33;
	v53 =	vadd.s32 v27, v38;
	v61 =	vld [tilespmem:s26+$0xFFFFFC70];
	[tilespmem:v3+s16+$0x0] =	vst.idx.msk $0xffff, v0  }
0x1cb: {  	v0 =	vadd.f32 v5, v35;
	[tilespmem:v54+s16+$0x0] =	vst.idx.msk $0xffff, v6  }
0x1cc: {  	v4 =	vld [tilespmem:s26+$0xFFFFFFA0];
	v6 =	vadd.f32 v56, v35;
	v54 =	vadd.s32 v12, v50;
	[tilespmem:v52+s16+$0x0] =	vst.idx.msk $0xffff, v2  }
0x1cd: {  	v56 =	vld [tilespmem:s26+$0xFFFFFCF0];
	v2 =	vadd.s32 v23, v41;
	[tilespmem:v58+s16+$0x0] =	vst.idx.msk $0xffff, v0;
	v0 =	vadd.f32 v62, v35  }
0x1ce: {  	v52 =	vld [tilespmem:s26+$0xFFFFFC20]  }
0x1cf: {  	v59 =	vld [tilespmem:$0x1FF90];
	[tilespmem:v53+s16+$0x0] =	vst.idx.msk $0xffff, v0;
	v0 =	vadd.f32 v61, v34  }
0x1d0: {  	v55 =	vadd.s32 v8, v37;
	v57 =	vld [tilespmem:s26+$0xFFFFFCB0];
	v3 =	vadd.s32 v31, v46  }
0x1d1: {  	v5 =	vadd.s32 v7, v37;
	v58 =	vadd.s32 v16, v51;
	v62 =	vld [tilespmem:s26+$0xFFFFFD30];
	[tilespmem:v54+s16+$0x0] =	vst.idx.msk $0xffff, v0  }
0x1d2: {  	v0 =	vadd.f32 v56, v34;
	v56 =	vadd.s32 v18, v48;
	v18 =	vld [tilespmem:$0x1FE90];
	[tilespmem:v2+s16+$0x0] =	vst.idx.msk $0xffff, v6  }
0x1d3: {  	v2 =	vadd.f32 v4, v35;
	v4 =	vadd.f32 v52, v35;
	v6 =	vadd.s32 v20, v49;
	v52 =	vld [tilespmem:s26+$0xFFFFFD70]  }
0x1d4: {  	v29 =	vld [tilespmem:$0x1FFF0];
	v53 =	vadd.s32 v24, v47;
	v47 =	vadd.s32 v25, v47;
	v48 =	vadd.s32 v60, v48  }
0x1d5: {  	v61 =	vld [tilespmem:s26+$0xFFFFFDB0];
	v49 =	vadd.s32 v21, v49;
	[tilespmem:v3+s16+$0x0] =	vst.idx.msk $0xffff, v2;
	v2 =	vadd.f32 v57, v34  }
0x1d6: {  	[tilespmem:v5+s16+$0x0] =	vst.idx.msk $0xffff, v4;
	v3 =	vadd.s32 v28, v42;
	v4 =	vld [tilespmem:s26+$0xFFFFFDF0];
	v5 =	vadd.s32 v32, v39  }
0x1d7: {  	v54 =	vld [tilespmem:s26+$0xFFFFFE30];
	v42 =	vadd.s32 v59, v42;
	[tilespmem:v58+s16+$0x0] =	vst.idx.msk $0xffff, v2;
	v2 =	vadd.f32 v62, v34  }
0x1d8: {  	v62 =	vld [tilespmem:s26+$0xFFFFFE70];
	v37 =	vadd.s32 v18, v37;
	[tilespmem:v6+s16+$0x0] =	vst.idx.msk $0xffff, v0;
	v0 =	vadd.f32 v52, v34  }
0x1d9: {  	v6 =	vadd.s32 v8, v44;
	v52 =	vld [tilespmem:s26+$0xFFFFFEB0];
	v44 =	vadd.s32 v18, v44;
	[tilespmem:v53+s16+$0x0] =	vst.idx.msk $0xffff, v2  }
0x1da: {  	v2 =	vadd.f32 v61, v34;
	v53 =	vadd.s32 v12, v45;
	v61 =	vld [tilespmem:s26+$0xFFFFFEF0];
	v45 =	vadd.s32 v13, v45  }
0x1db: {  	[tilespmem:v3+s16+$0x0] =	vst.idx.msk $0xffff, v0;
	v0 =	vadd.f32 v4, v34;
	v3 =	vadd.s32 v16, v43;
	v4 =	vld [tilespmem:s26+$0xFFFFFF30]  }
0x1dc: {  	[tilespmem:v5+s16+$0x0] =	vst.idx.msk $0xffff, v2;
	v2 =	vadd.f32 v54, v34;
	v5 =	vadd.s32 v20, v40;
	v54 =	vld [tilespmem:s26+$0xFFFFFF70]  }
0x1dd: {  	v57 =	vld [tilespmem:s26+$0xFFFFFFB0];
	[tilespmem:v56+s16+$0x0] =	vst.idx.msk $0xffff, v0;
	v0 =	vadd.f32 v62, v34;
	v56 =	vadd.s32 v24, v41  }
0x1de: {  	v62 =	vld [tilespmem:s26+$0xFFFFFC30];
	[tilespmem:v6+s16+$0x0] =	vst.idx.msk $0xffff, v2;
	v2 =	vadd.f32 v52, v34;
	v6 =	vadd.s32 v28, v38  }
0x1df: {  	v52 =	vld [tilespmem:s26+$0xFFFFFC80];
	[tilespmem:v53+s16+$0x0] =	vst.idx.msk $0xffff, v0;
	v0 =	vadd.f32 v61, v34;
	v53 =	vadd.s32 v32, v46  }
0x1e0: {  	v41 =	vadd.s32 v25, v41;
	v61 =	vld [tilespmem:s26+$0xFFFFFCC0];
	[tilespmem:v3+s16+$0x0] =	vst.idx.msk $0xffff, v2;
	v2 =	vadd.f32 v4, v34  }
0x1e1: {  	v3 =	vadd.s32 v13, v50;
	v4 =	vld [tilespmem:s26+$0xFFFFFD00];
	[tilespmem:v5+s16+$0x0] =	vst.idx.msk $0xffff, v0;
	v0 =	vadd.f32 v54, v34  }
0x1e2: {  	v50 =	vadd.s32 v17, v51;
	v51 =	vld [tilespmem:s26+$0xFFFFFD40];
	[tilespmem:v56+s16+$0x0] =	vst.idx.msk $0xffff, v2;
	v2 =	vadd.f32 v57, v34  }
0x1e3: {  	s29 =	sadd.s32 $0x1, s28;
	v38 =	vadd.s32 v59, v38;
	v62 =	vadd.f32 v62, v34;
	v56 =	vld [tilespmem:s26+$0xFFFFFD80];
	[tilespmem:v6+s16+$0x0] =	vst.idx.msk $0xffff, v0  }
0x1e4: {  	v46 =	vadd.s32 v29, v46;
	v0 =	vmov s29;
	s29 =	sadd.s32 $0x2, s28;
	v6 =	vadd.f32 v52, v33;
	v52 =	vld [tilespmem:s26+$0xFFFFFDC0];
	[tilespmem:v53+s16+$0x0] =	vst.idx.msk $0xffff, v2  }
0x1e5: {  	v5 =	vmov s28;
	v54 =	vld [tilespmem:s26+$0xFFFFFE00];
	v2 =	vmov s29;
	s29 =	sadd.s32 $0x3, s28;
	[tilespmem:v55+s16+$0x0] =	vst.idx.msk $0xffff, v62;
	v61 =	vadd.f32 v61, v33  }
0x1e6: {  	v55 =	vmov s29;
	s29 =	sadd.s32 $0x4, s28;
	[tilespmem:v3+s16+$0x0] =	vst.idx.msk $0xffff, v6;
	v3 =	vadd.f32 v4, v33;
	v4 =	vadd.s32 v29, v39;
	v6 =	vld [tilespmem:s26+$0xFFFFFE40]  }
0x1e7: {  	v5 =	vshrl.u32 v5, $0x3;
	v62 =	vadd.f32 v51, v33;
	v51 =	vld [tilespmem:s26+$0xFFFFFE80];
	v39 =	vmov s29;
	s29 =	sadd.s32 $0x5, s28;
	[tilespmem:v50+s16+$0x0] =	vst.idx.msk $0xffff, v61  }
0x1e8: {  	v60 =	vld [tilespmem:s26+$0xFFFFFEC0];
	v5 =	vshll.u32 v5, v1;
	v53 =	vmov s29;
	s29 =	sadd.s32 $0x6, s28;
	[tilespmem:v49+s16+$0x0] =	vst.idx.msk $0xffff, v3;
	v3 =	vadd.f32 v56, v33  }
0x1e9: {  	v50 =	vshrl.u32 v2, $0x3;
	[tilespmem:v47+s16+$0x0] =	vst.idx.msk $0xffff, v62;
	v47 =	vld [tilespmem:s26+$0xFFFFFFC0];
	v56 =	vmov s29;
	s29 =	sadd.s32 $0x7, s28;
	v61 =	vadd.f32 v52, v33  }
0x1ea: {  	v62 =	vld [tilespmem:s26+$0xFFFFFF00];
	v52 =	vmov s29;
	s29 =	sadd.s32 $0x8, s28;
	[tilespmem:v42+s16+$0x0] =	vst.idx.msk $0xffff, v3;
	v3 =	vadd.f32 v54, v33;
	v42 =	vadd.s32 v17, v43  }
0x1eb: {  	v43 =	vld [tilespmem:s26+$0xFFFFFF40];
	v49 =	vshrl.u32 v56, $0x3;
	v54 =	vmov s29;
	s29 =	sadd.s32 $0x9, s28;
	[tilespmem:v4+s16+$0x0] =	vst.idx.msk $0xffff, v61;
	v4 =	vadd.f32 v6, v33  }
0x1ec: {  	v6 =	vadd.s32 v21, v40;
	v40 =	vld [tilespmem:s26+$0xFFFFFF80];
	v57 =	vmov s29;
	s29 =	sadd.s32 $0xA, s28;
	[tilespmem:v48+s16+$0x0] =	vst.idx.msk $0xffff, v3;
	v3 =	vadd.f32 v51, v33  }
0x1ed: {  	v48 =	vld [tilespmem:s26+$0xFFFFFC40];
	v51 =	vshrl.u32 v39, $0x3;
	v58 =	vmov s29;
	[tilespmem:v44+s16+$0x0] =	vst.idx.msk $0xffff, v4;
	v4 =	vadd.f32 v60, v33  }
0x1ee: {  	s30 =	sadd.s32 $0xE, s28;
	s29 =	sadd.s32 $0xB, s28;
	v44 =	vshrl.u32 v0, $0x3;
	v0 =	vadd.f32 v47, v33;
	v47 =	vshrl.u32 v54, $0x3;
	[tilespmem:v45+s16+$0x0] =	vst.idx.msk $0xffff, v3  }
0x1ef: {  	p1 =	slt.u32 s28, $0x70;
	v59 =	vmov s29;
	s29 =	sadd.s32 $0xC, s28;
	v3 =	vadd.f32 v62, v33;
	v62 =	vmov s30;
	[tilespmem:v42+s16+$0x0] =	vst.idx.msk $0xffff, v4  }
.Ltmp1:
0x1f0: {  	v45 =	vshrl.u32 v55, $0x3;
	v60 =	vmov s29;
	v4 =	vadd.f32 v43, v33;
	[tilespmem:v46+s16+$0x0] =	vst.idx.msk $0xffff, v0;
	(pc) =	sbr.rel @p1 .LBB2_5-.Ltmp1, $4  }
0x1f1: {  	s29 =	sadd.s32 $0xD, s28;
	v46 =	vshrl.u32 v52, $0x3;
	v42 =	vshrl.u32 v58, $0x3;
	[tilespmem:v6+s16+$0x0] =	vst.idx.msk $0xffff, v3;
	v3 =	vadd.f32 v40, v33  }
0x1f2: {  	v43 =	vshrl.u32 v59, $0x3;
	v61 =	vmov s29;
	[tilespmem:v41+s16+$0x0] =	vst.idx.msk $0xffff, v4;
	v2 =	vadd.f32 v48, v33  }
0x1f3: {  	v40 =	vshrl.u32 v62, $0x3;
	v48 =	vshrl.u32 v53, $0x3;
	v41 =	vshrl.u32 v60, $0x3;
	[tilespmem:v38+s16+$0x0] =	vst.idx.msk $0xffff, v3  }
0x1f4: {  	s29 =	sadd.s32 $0xF, s28;
	s28 =	sadd.s32 $0x10, s28;
	v39 =	vshrl.u32 v61, $0x3;
	v38 =	vshrl.u32 v57, $0x3;
	[tilespmem:v37+s16+$0x0] =	vst.idx.msk $0xffff, v2;
	v37 =	vbroadcast v5, $0x0  }
0x1f5: {  	v0 =	vshll.u32 v44, v1;
	v2 =	vshll.u32 v50, v1;
	s26 =	sadd.s32 $0x400, s26  }
0x1f6: {  	v3 =	vmov s29;
	v4 =	vshll.u32 v45, v1;
	v5 =	vshll.u32 v51, v1;
	v62 =	vld [tilespmem:s26+$0xFFFFFFD0]  }
0x1f7: {  	v6 =	vshll.u32 v48, v1;
	v44 =	vshll.u32 v49, v1;
	v45 =	vshll.u32 v46, v1;
	v18 =	vld [tilespmem:s26+$0xFFFFFC10]  }
0x1f8: {  	v46 =	vshll.u32 v47, v1;
	v49 =	vshll.u32 v38, v1;
	v51 =	vshll.u32 v43, v1  }
0x1f9: {  	v3 =	vshrl.u32 v3, $0x3;
	v60 =	vld [tilespmem:s26+$0xFFFFFC50];
	v38 =	vbroadcast v0, $0x0;
	v0 =	vshll.u32 v41, v1  }
0x1fa: {  	v53 =	vadd.s32 v63, v37;
	v41 =	vbroadcast v2, $0x0;
	v3 =	vshll.u32 v3, v1  }
0x1fb: {  	v29 =	vld [tilespmem:$0x1FEA0];
	v2 =	vshll.u32 v39, v1;
	v3 =	vbroadcast v3, $0x0;
	v55 =	vadd.s32 v10, v38  }
0x1fc: {  	v39 =	vbroadcast v4, $0x0;
	v61 =	vadd.f32 v62, v36;
	v62 =	vadd.f32 v18, v36;
	v18 =	vld [tilespmem:$0x1FEE0]  }
0x1fd: {  	v4 =	vshll.u32 v40, v1;
	v58 =	vld [tilespmem:s26+$0xFFFFFD10];
	v40 =	vbroadcast v5, $0x0;
	v52 =	vadd.s32 v14, v3  }
0x1fe: {  	v54 =	vld [tilespmem:s26+$0xFFFFFC90];
	v43 =	vbroadcast v44, $0x0;
	v44 =	vbroadcast v45, $0x0;
	v60 =	vadd.f32 v60, v36  }
0x1ff: {  	v56 =	vld [tilespmem:s26+$0xFFFFFCD0];
	v45 =	vbroadcast v46, $0x0;
	v46 =	vbroadcast v49, $0x0;
	v5 =	vadd.s32 v22, v40  }
0x200: {  	v50 =	vshll.u32 v42, v1;
	v57 =	vadd.s32 v29, v41;
	[tilespmem:v55+s16+$0x0] =	vst.idx.msk $0xffff, v60;
	v60 =	vld [tilespmem:s26+$0xFFFFFE50]  }
0x201: {  	v59 =	vld [tilespmem:s26+$0xFFFFFD50];
	v42 =	vbroadcast v6, $0x0;
	v6 =	vadd.s32 v10, v46;
	v48 =	vadd.s32 v18, v39  }
0x202: {  	v47 =	vadd.f32 v58, v36;
	v58 =	vadd.s32 v9, v3;
	[tilespmem:v52+s16+$0x0] =	vst.idx.msk $0xffff, v61;
	v52 =	vld [tilespmem:s26+$0xFFFFFD90]  }
0x203: {  	[tilespmem:v53+s16+$0x0] =	vst.idx.msk $0xffff, v62;
	v53 =	vadd.s32 v26, v42;
	v61 =	vadd.f32 v54, v36;
	v54 =	vld [tilespmem:s26+$0xFFFFFFE0]  }
0x204: {  	v62 =	vadd.f32 v56, v36;
	v55 =	vadd.s32 v30, v43;
	v56 =	vld [tilespmem:s26+$0xFFFFFDD0];
	[tilespmem:v5+s16+$0x0] =	vst.idx.msk $0xffff, v47  }
0x205: {  	v47 =	vbroadcast v50, $0x0;
	v50 =	vbroadcast v2, $0x0;
	[tilespmem:v57+s16+$0x0] =	vst.idx.msk $0xffff, v61;
	v57 =	vld [tilespmem:s26+$0xFFFFFE10];
	v2 =	vadd.f32 v60, v36  }
0x206: {  	[tilespmem:v48+s16+$0x0] =	vst.idx.msk $0xffff, v62;
	v48 =	vadd.f32 v59, v36;
	v59 =	vadd.s32 v14, v44  }
0x207: {  	[tilespmem:v6+s16+$0x0] =	vst.idx.msk $0xffff, v2;
	v14 =	vadd.f32 v52, v36;
	v52 =	vadd.s32 v63, v45  }
0x208: {  	v61 =	vld [tilespmem:s26+$0xFFFFFE90];
	v62 =	vadd.f32 v54, v35;
	[tilespmem:v53+s16+$0x0] =	vst.idx.msk $0xffff, v48  }
0x209: {  	v2 =	vld [tilespmem:s26+$0xFFFFFC60];
	[tilespmem:v55+s16+$0x0] =	vst.idx.msk $0xffff, v14;
	v14 =	vadd.f32 v56, v36  }
0x20a: {  	v49 =	vbroadcast v0, $0x0;
	v54 =	vadd.s32 v29, v47;
	v0 =	vadd.f32 v57, v36;
	v53 =	vld [tilespmem:s26+$0xFFFFFED0];
	[tilespmem:v58+s16+$0x0] =	vst.idx.msk $0xffff, v62  }
0x20b: {  	v48 =	vbroadcast v51, $0x0;
	v55 =	vld [tilespmem:s26+$0xFFFFFF10];
	[tilespmem:v59+s16+$0x0] =	vst.idx.msk $0xffff, v14  }
0x20c: {  	v62 =	vld [tilespmem:s26+$0xFFFFFF50];
	v51 =	vbroadcast v4, $0x0;
	v4 =	vadd.s32 v11, v38;
	[tilespmem:v52+s16+$0x0] =	vst.idx.msk $0xffff, v0  }
0x20d: {  	v56 =	vadd.s32 v18, v48;
	v0 =	vadd.f32 v61, v36;
	v10 =	vld [tilespmem:$0x1FE40]  }
0x20e: {  	v14 =	vadd.s32 v22, v49;
	v59 =	vld [tilespmem:s26+$0xFFFFFF90]  }
0x20f: {  	v2 =	vadd.f32 v2, v35;
	v52 =	vadd.s32 v26, v50;
	[tilespmem:v54+s16+$0x0] =	vst.idx.msk $0xffff, v0;
	v0 =	vld [tilespmem:s26+$0xFFFFFCA0]  }
0x210: {  	v58 =	vld [tilespmem:s26+$0xFFFFFFF0];
	v18 =	vadd.f32 v53, v36;
	v54 =	vadd.s32 v30, v51  }
0x211: {  	v5 =	vadd.s32 v15, v41;
	v61 =	vadd.f32 v55, v36;
	[tilespmem:v4+s16+$0x0] =	vst.idx.msk $0xffff, v2  }
0x212: {  	v62 =	vadd.f32 v62, v36;
	[tilespmem:v56+s16+$0x0] =	vst.idx.msk $0xffff, v18;
	v60 =	vadd.s32 v10, v3  }
0x213: {  	[tilespmem:v14+s16+$0x0] =	vst.idx.msk $0xffff, v61;
	v18 =	vadd.f32 v59, v36  }
0x214: {  	v55 =	vld [tilespmem:s26+$0xFFFFFCE0];
	[tilespmem:v52+s16+$0x0] =	vst.idx.msk $0xffff, v62;
	v0 =	vadd.f32 v0, v35  }
0x215: {  	v53 =	vld [tilespmem:s26+$0xFFFFFD20];
	v14 =	vadd.f32 v58, v34;
	[tilespmem:v54+s16+$0x0] =	vst.idx.msk $0xffff, v18  }
0x216: {  	v30 =	vld [tilespmem:s26+$0xFFFFFD60];
	v52 =	vadd.s32 v19, v39;
	[tilespmem:v5+s16+$0x0] =	vst.idx.msk $0xffff, v0  }
0x217: {  	v61 =	vld [tilespmem:s26+$0xFFFFFDA0];
	[tilespmem:v60+s16+$0x0] =	vst.idx.msk $0xffff, v14;
	v60 =	vadd.s32 v23, v40  }
0x218: {  	v14 =	vld [tilespmem:$0x1FE50]  }
0x219: {  	v4 =	vadd.s32 v31, v43;
	v2 =	vadd.f32 v55, v35;
	v18 =	vld [tilespmem:s26+$0xFFFFFDE0]  }
0x21a: {  	v62 =	vadd.s32 v27, v42;
	v0 =	vadd.f32 v53, v35;
	v5 =	vld [tilespmem:s26+$0xFFFFFE20]  }
0x21b: {  	v54 =	vld [tilespmem:s26+$0x0];
	[tilespmem:v52+s16+$0x0] =	vst.idx.msk $0xffff, v2;
	v2 =	vadd.f32 v30, v35;
	v52 =	vadd.s32 v9, v44  }
0x21c: {  	v30 =	vld [tilespmem:s26+$0xFFFFFE60];
	[tilespmem:v60+s16+$0x0] =	vst.idx.msk $0xffff, v0;
	v0 =	vadd.f32 v61, v35;
	v60 =	vadd.s32 v7, v45  }
0x21d: {  	v55 =	vld [tilespmem:s26+$0xFFFFFF20];
	v3 =	vadd.s32 v14, v3  }
0x21e: {  	v61 =	vld [tilespmem:s26+$0xFFFFFEA0];
	[tilespmem:v4+s16+$0x0] =	vst.idx.msk $0xffff, v0;
	v0 =	vadd.f32 v18, v35  }
0x21f: {  	[tilespmem:v62+s16+$0x0] =	vst.idx.msk $0xffff, v2;
	v2 =	vadd.s32 v11, v46;
	v62 =	vld [tilespmem:s26+$0xFFFFFEE0];
	v5 =	vadd.f32 v5, v35  }
0x220: {  	v54 =	vadd.f32 v54, v33;
	v18 =	vadd.s32 v15, v47;
	[tilespmem:v52+s16+$0x0] =	vst.idx.msk $0xffff, v0  }
0x221: {  	v53 =	vld [tilespmem:s26+$0xFFFFFFA0];
	v0 =	vadd.f32 v30, v35;
	v30 =	vadd.s32 v23, v49;
	[tilespmem:v60+s16+$0x0] =	vst.idx.msk $0xffff, v5  }
0x222: {  	v5 =	vld [tilespmem:s26+$0xFFFFFC20];
	[tilespmem:v3+s16+$0x0] =	vst.idx.msk $0xffff, v54;
	v3 =	vadd.s32 v19, v48  }
0x223: {  	v55 =	vadd.f32 v55, v35;
	v60 =	vadd.f32 v61, v35;
	v19 =	vld [tilespmem:s26+$0xFFFFFF60]  }
0x224: {  	[tilespmem:v2+s16+$0x0] =	vst.idx.msk $0xffff, v0;
	v2 =	vadd.f32 v62, v35;
	v62 =	vadd.s32 v31, v51  }
0x225: {  	v15 =	vadd.s32 v7, v37;
	v0 =	vld [tilespmem:s26+$0xFFFFFC70];
	[tilespmem:v18+s16+$0x0] =	vst.idx.msk $0xffff, v60  }
0x226: {  	v61 =	vadd.s32 v27, v50;
	v18 =	vld [tilespmem:s26+$0xFFFFFCB0];
	[tilespmem:v30+s16+$0x0] =	vst.idx.msk $0xffff, v55  }
0x227: {  	v53 =	vadd.f32 v53, v35;
	[tilespmem:v3+s16+$0x0] =	vst.idx.msk $0xffff, v2;
	v2 =	vadd.s32 v12, v38;
	v3 =	vld [tilespmem:s26+$0xFFFFFCF0]  }
0x228: {  	v30 =	vld [tilespmem:s26+$0xFFFFFD30];
	v5 =	vadd.f32 v5, v35;
	v54 =	vadd.f32 v19, v35;
	v19 =	vadd.s32 v16, v41  }
0x229: {  	v57 =	vld [tilespmem:s26+$0xFFFFFD70];
	v31 =	vadd.s32 v20, v39;
	[tilespmem:v62+s16+$0x0] =	vst.idx.msk $0xffff, v53  }
0x22a: {  	v58 =	vadd.s32 v24, v40;
	v59 =	vld [tilespmem:s26+$0xFFFFFDB0];
	v0 =	vadd.f32 v0, v34;
	[tilespmem:v15+s16+$0x0] =	vst.idx.msk $0xffff, v5  }
0x22b: {  	v62 =	vld [tilespmem:s26+$0xFFFFFDF0];
	v60 =	vadd.f32 v18, v34;
	[tilespmem:v61+s16+$0x0] =	vst.idx.msk $0xffff, v54;
	v61 =	vadd.s32 v28, v42  }
0x22c: {  	[tilespmem:v2+s16+$0x0] =	vst.idx.msk $0xffff, v0;
	v0 =	vadd.f32 v3, v34;
	v2 =	vadd.s32 v32, v43;
	v3 =	vld [tilespmem:s26+$0xFFFFFE30]  }
0x22d: {  	v18 =	vadd.s32 v10, v44;
	v15 =	vadd.f32 v30, v34;
	[tilespmem:v19+s16+$0x0] =	vst.idx.msk $0xffff, v60;
	v19 =	vld [tilespmem:s26+$0xFFFFFE70]  }
0x22e: {  	v30 =	vadd.s32 v8, v45;
	[tilespmem:v31+s16+$0x0] =	vst.idx.msk $0xffff, v0;
	v0 =	vadd.f32 v57, v34;
	v31 =	vld [tilespmem:s26+$0xFFFFFEB0]  }
0x22f: {  	v56 =	vadd.f32 v59, v34;
	[tilespmem:v58+s16+$0x0] =	vst.idx.msk $0xffff, v15;
	v58 =	vld [tilespmem:s26+$0xFFFFFEF0];
	v57 =	vadd.s32 v12, v46  }
0x230: {  	v59 =	vadd.s32 v16, v47;
	v60 =	vld [tilespmem:s26+$0xFFFFFF30];
	[tilespmem:v61+s16+$0x0] =	vst.idx.msk $0xffff, v0;
	v0 =	vadd.f32 v62, v34  }
0x231: {  	v61 =	vld [tilespmem:s26+$0xFFFFFF70];
	[tilespmem:v2+s16+$0x0] =	vst.idx.msk $0xffff, v56;
	v2 =	vadd.f32 v3, v34;
	v3 =	vadd.s32 v20, v48  }
0x232: {  	v12 =	vld [tilespmem:s26+$0xFFFFFFB0];
	v62 =	vadd.s32 v24, v49;
	[tilespmem:v18+s16+$0x0] =	vst.idx.msk $0xffff, v0;
	v0 =	vadd.f32 v19, v34  }
0x233: {  	v16 =	vadd.s32 v28, v50;
	[tilespmem:v30+s16+$0x0] =	vst.idx.msk $0xffff, v2;
	v2 =	vld [tilespmem:s26+$0xFFFFFC30];
	v15 =	vadd.f32 v31, v34  }
0x234: {  	v18 =	vadd.f32 v58, v34;
	v19 =	vadd.s32 v32, v51;
	[tilespmem:v57+s16+$0x0] =	vst.idx.msk $0xffff, v0;
	v0 =	vld [tilespmem:s26+$0xFFFFFC80]  }
0x235: {  	v6 =	vadd.f32 v60, v34;
	v30 =	vadd.s32 v8, v37;
	v31 =	vld [tilespmem:s26+$0xFFFFFCC0];
	[tilespmem:v59+s16+$0x0] =	vst.idx.msk $0xffff, v15  }
0x236: {  	v56 =	vld [tilespmem:s26+$0xFFFFFD00];
	v4 =	vadd.f32 v61, v34;
	[tilespmem:v3+s16+$0x0] =	vst.idx.msk $0xffff, v18;
	v3 =	vadd.s32 v13, v38  }
0x237: {  	v57 =	vadd.s32 v17, v41;
	[tilespmem:v62+s16+$0x0] =	vst.idx.msk $0xffff, v6;
	v59 =	vadd.f32 v12, v34  }
0x238: {  	v60 =	vadd.s32 v21, v39;
	[tilespmem:v16+s16+$0x0] =	vst.idx.msk $0xffff, v4;
	v2 =	vadd.f32 v2, v34  }
0x239: {  	[tilespmem:v19+s16+$0x0] =	vst.idx.msk $0xffff, v59;
	v0 =	vadd.f32 v0, v33  }
0x23a: {  	v58 =	vld [tilespmem:s26+$0xFFFFFD40];
	[tilespmem:v30+s16+$0x0] =	vst.idx.msk $0xffff, v2;
	v2 =	vadd.f32 v31, v33  }
0x23b: {  	v9 =	vld [tilespmem:$0x1FF90];
	[tilespmem:v3+s16+$0x0] =	vst.idx.msk $0xffff, v0;
	v0 =	vadd.f32 v56, v33  }
0x23c: {  	v8 =	vld [tilespmem:$0x1FFF0];
	[tilespmem:v57+s16+$0x0] =	vst.idx.msk $0xffff, v2  }
0x23d: {  	v61 =	vld [tilespmem:s26+$0xFFFFFD80];
	[tilespmem:v60+s16+$0x0] =	vst.idx.msk $0xffff, v0  }
0x23e: {  	v31 =	vld [tilespmem:$0x1FE90]  }
0x23f: {  	v62 =	vadd.s32 v25, v40;
	v12 =	vld [tilespmem:s26+$0xFFFFFDC0]  }
0x240: {  	v16 =	vld [tilespmem:s26+$0xFFFFFE00];
	v15 =	vadd.s32 v9, v42  }
0x241: {  	v18 =	vld [tilespmem:s26+$0xFFFFFE40];
	v3 =	vadd.s32 v8, v43  }
0x242: {  	v19 =	vadd.s32 v14, v44;
	v30 =	vld [tilespmem:s26+$0xFFFFFE80];
	v2 =	vadd.f32 v58, v33  }
0x243: {  	v54 =	vld [tilespmem:s26+$0xFFFFFF40];
	v0 =	vadd.f32 v61, v33;
	v44 =	vadd.s32 v31, v45  }
0x244: {  	v46 =	vadd.s32 v13, v46;
	v52 =	vld [tilespmem:s26+$0xFFFFFF00];
	[tilespmem:v62+s16+$0x0] =	vst.idx.msk $0xffff, v2;
	v2 =	vadd.f32 v12, v33  }
0x245: {  	v56 =	vadd.s32 v25, v49;
	v45 =	vld [tilespmem:s26+$0xFFFFFEC0];
	[tilespmem:v15+s16+$0x0] =	vst.idx.msk $0xffff, v0;
	v0 =	vadd.f32 v16, v33  }
0x246: {  	v55 =	vld [tilespmem:s26+$0xFFFFFF80];
	[tilespmem:v3+s16+$0x0] =	vst.idx.msk $0xffff, v2;
	v2 =	vadd.f32 v18, v33;
	v3 =	vadd.s32 v21, v48  }
0x247: {  	v53 =	vadd.s32 v17, v47;
	v57 =	vld [tilespmem:s26+$0xFFFFFFC0];
	[tilespmem:v19+s16+$0x0] =	vst.idx.msk $0xffff, v0;
	v0 =	vadd.f32 v30, v33  }
0x248: {  	v62 =	vadd.f32 v54, v33;
	v59 =	vadd.s32 v9, v50;
	[tilespmem:v44+s16+$0x0] =	vst.idx.msk $0xffff, v2;
	v2 =	vld [tilespmem:s26+$0xFFFFFC40]  }
0x249: {  	v60 =	vadd.s32 v8, v51;
	[tilespmem:v46+s16+$0x0] =	vst.idx.msk $0xffff, v0;
	v0 =	vadd.f32 v52, v33  }
0x24a: {  	[tilespmem:v56+s16+$0x0] =	vst.idx.msk $0xffff, v62;
	v61 =	vadd.s32 v31, v37;
	v58 =	vadd.f32 v45, v33  }
0x24b: {  	[tilespmem:v3+s16+$0x0] =	vst.idx.msk $0xffff, v0;
	v0 =	vadd.f32 v55, v33  }
0x24c: {  	[tilespmem:v53+s16+$0x0] =	vst.idx.msk $0xffff, v58;
	v3 =	vadd.f32 v57, v33  }
0x24d: {  	p1 =	seq.s32 s23, $0x31;
	[tilespmem:v59+s16+$0x0] =	vst.idx.msk $0xffff, v0;
	v0 =	vadd.f32 v2, v33  }
0x24e: {  	s1 =	sshll.u32 s23, $0x14;
	s25 =	sshrl.u32 @!p1 s25, $0x2;
	[tilespmem:v60+s16+$0x0] =	vst.idx.msk $0xffff, v3  }
0x24f: {  	s28 =	simm.s32 @!p1 $0x100;
	s29 =	simm.s32 @!p1 $0x9600;
	s26 =	sadd.s32 @!p1 $0x200, s25;
	[tilespmem:v61+s16+$0x0] =	vst.idx.msk $0xffff, v0  }
0x250: {  	[tilespmem:s29], [sflag:$0x1] =	stream.indirect.gather @!p1 [hbm4b:s4+s28], $0x40, s26, s28, $0xb8;
	[tilespmem:$0x19E00] =	vst v63  }
0x251: {  	s26 =	sor.u32 s7, s1  }
0x252: {  	s26 =	sshrl.u32 s26, $0x3  }
0x253: {  	s1 =	simm.s32 $0x11600;
	s28 =	sadd.s32 s2, s26  }
0x254: {  	[hbm4b:s28+s3] =	stream.linear.scatter [tilespmem:s1], [sflag:$0x3], $0x80, $0x38;
	[tilespmem:$0x19E00] =	vst v63  }
0x255: {  	s1 =	simm.s32 $0x11688;
	s29 =	sadd.s32 $0x10, s28  }
0x256: {  	[hbm4b:s29+s3] =	stream.linear.scatter [tilespmem:s1], [sflag:$0x3], $0x80, $0x38;
	[tilespmem:$0x19E00] =	vst v63  }
0x257: {  	s1 =	simm.s32 $0x11710;
	s29 =	sadd.s32 $0x20, s28  }
0x258: {  	[hbm4b:s29+s3] =	stream.linear.scatter [tilespmem:s1], [sflag:$0x3], $0x80, $0x38;
	[tilespmem:$0x19E00] =	vst v63  }
0x259: {  	s1 =	simm.s32 $0x11798;
	s29 =	sadd.s32 $0x30, s28  }
0x25a: {  	[hbm4b:s29+s3] =	stream.linear.scatter [tilespmem:s1], [sflag:$0x3], $0x80, $0x38;
	[tilespmem:$0x19E00] =	vst v63  }
0x25b: {  	s1 =	simm.s32 $0x11820;
	s29 =	sadd.s32 $0x40, s28  }
0x25c: {  	[hbm4b:s29+s3] =	stream.linear.scatter [tilespmem:s1], [sflag:$0x3], $0x80, $0x38;
	[tilespmem:$0x19E00] =	vst v63  }
0x25d: {  	s30 =	simm.s32 $0x119B8;
	s1 =	simm.s32 $0x118A8;
	s29 =	sadd.s32 $0x50, s28  }
0x25e: {  	[hbm4b:s29+s3] =	stream.linear.scatter [tilespmem:s1], [sflag:$0x3], $0x80, $0x38;
	[tilespmem:$0x19E00] =	vst v63  }
0x25f: {  	s26 =	simm.s32 $0x440;
	s1 =	simm.s32 $0x11930;
	s29 =	sadd.s32 $0x60, s28  }
0x260: {  	[hbm4b:s29+s3] =	stream.linear.scatter [tilespmem:s1], [sflag:$0x3], $0x80, $0x38;
	[tilespmem:$0x19E00] =	vst v63  }
0x261: {  	v23 =	vmov v10;
	v27 =	vmov v14;
	v11 =	vmov v8;
	s31 =	sadd.s32 $0x70, s28;
	s28 =	sadd.s32 $0x1000, s28;
	s29 =	simm.s32 $0x2200  }
.LBB2_7:
0x262: {  	[hbm4b:s31+s3] =	stream.linear.scatter [tilespmem:s30], [sflag:$0x3], $0x80, $0x38;
	[tilespmem:$0x19E00] =	vst v63  }
0x263: {  	s30 =	smov.u32 s26;
	s26 =	smov.u32 s29  }
0x264: {  	s1 =	sadd.s32 $0x1100, s29;
	s26 =	sshra.s32 s26, $0x2;
	s31 =	sadd.s32 $0x11600, s30  }
0x265: {  	[hbm4b:s28+s3] =	stream.linear.scatter [tilespmem:s31], [sflag:$0x3], $0x80, $0x38;
	[tilespmem:$0x19E00] =	vst v63  }
0x266: {  	p2 =	sne.s32 s29, $0xFF00;
	s29 =	sadd.s32 $0x11688, s30;
	s31 =	sadd.s32 $0x10, s28  }
0x267: {  	[hbm4b:s31+s3] =	stream.linear.scatter [tilespmem:s29], [sflag:$0x3], $0x80, $0x38;
	[tilespmem:$0x19E00] =	vst v63  }
0x268: {  	s29 =	sadd.s32 $0x11710, s30;
	s31 =	sadd.s32 $0x20, s28  }
0x269: {  	[hbm4b:s31+s3] =	stream.linear.scatter [tilespmem:s29], [sflag:$0x3], $0x80, $0x38;
	[tilespmem:$0x19E00] =	vst v63  }
0x26a: {  	s29 =	sadd.s32 $0x11798, s30;
	s31 =	sadd.s32 $0x30, s28  }
0x26b: {  	[hbm4b:s31+s3] =	stream.linear.scatter [tilespmem:s29], [sflag:$0x3], $0x80, $0x38;
	[tilespmem:$0x19E00] =	vst v63  }
0x26c: {  	s29 =	sadd.s32 $0x11820, s30;
	s31 =	sadd.s32 $0x40, s28  }
0x26d: {  	[hbm4b:s31+s3] =	stream.linear.scatter [tilespmem:s29], [sflag:$0x3], $0x80, $0x38;
	[tilespmem:$0x19E00] =	vst v63  }
.Ltmp2:
0x26e: {  	s29 =	sadd.s32 $0x118A8, s30;
	s31 =	sadd.s32 $0x50, s28;
	(pc) =	sbr.rel @p2 .LBB2_7-.Ltmp2, $4  }
0x26f: {  	[hbm4b:s31+s3] =	stream.linear.scatter [tilespmem:s29], [sflag:$0x3], $0x80, $0x38;
	[tilespmem:$0x19E00] =	vst v63  }
0x270: {  	s29 =	sadd.s32 $0x11930, s30;
	s31 =	sadd.s32 $0x60, s28;
	s30 =	sadd.s32 $0x119B8, s30  }
0x271: {  	[hbm4b:s31+s3] =	stream.linear.scatter [tilespmem:s29], [sflag:$0x3], $0x80, $0x38;
	[tilespmem:$0x19E00] =	vst v63  }
0x272: {  	s31 =	sadd.s32 $0x70, s28;
	s28 =	sadd.s32 $0x1000, s28;
	s29 =	smov.u32 s1  }
0x273: {  	[hbm4b:s31+s3] =	stream.linear.scatter [tilespmem:s30], [sflag:$0x3], $0x80, $0x38;
	[tilespmem:$0x19E00] =	vst v63  }
0x274: {  	s1 =	sadd.s32 $0x11600, s26  }
0x275: {  	[hbm4b:s28+s3] =	stream.linear.scatter [tilespmem:s1], [sflag:$0x3], $0x80, $0x38;
	[tilespmem:$0x19E00] =	vst v63  }
0x276: {  	s31 =	sadd.s32 $0x11688, s26;
	s29 =	sadd.s32 $0x10, s28  }
0x277: {  	[hbm4b:s29+s3] =	stream.linear.scatter [tilespmem:s31], [sflag:$0x3], $0x80, $0x38;
	[tilespmem:$0x19E00] =	vst v63  }
0x278: {  	s31 =	sadd.s32 $0x11710, s26;
	s29 =	sadd.s32 $0x20, s28  }
0x279: {  	[hbm4b:s29+s3] =	stream.linear.scatter [tilespmem:s31], [sflag:$0x3], $0x80, $0x38;
	[tilespmem:$0x19E00] =	vst v63  }
0x27a: {  	s31 =	sadd.s32 $0x11798, s26;
	s29 =	sadd.s32 $0x30, s28  }
0x27b: {  	[hbm4b:s29+s3] =	stream.linear.scatter [tilespmem:s31], [sflag:$0x3], $0x80, $0x38;
	[tilespmem:$0x19E00] =	vst v63  }
0x27c: {  	s31 =	sadd.s32 $0x11820, s26;
	s29 =	sadd.s32 $0x40, s28  }
0x27d: {  	[hbm4b:s29+s3] =	stream.linear.scatter [tilespmem:s31], [sflag:$0x3], $0x80, $0x38;
	[tilespmem:$0x19E00] =	vst v63  }
0x27e: {  	s31 =	sadd.s32 $0x118A8, s26;
	s29 =	sadd.s32 $0x50, s28  }
0x27f: {  	[hbm4b:s29+s3] =	stream.linear.scatter [tilespmem:s31], [sflag:$0x3], $0x80, $0x38;
	[tilespmem:$0x19E00] =	vst v63  }
0x280: {  	s31 =	sadd.s32 $0x11930, s26;
	s29 =	sadd.s32 $0x60, s28  }
0x281: {  	[hbm4b:s29+s3] =	stream.linear.scatter [tilespmem:s31], [sflag:$0x3], $0x80, $0x38;
	[tilespmem:$0x19E00] =	vst v63  }
0x282: {  	s31 =	sadd.s32 $0x70, s28;
	s28 =	simm.s32 $0x0  }
0x283: {  	s1 =	simm.s32 @!p0 $0x4;
	s26 =	sadd.s32 $0x119B8, s26;
	v0 =	vmov s28;
	s28 =	simm.s32 $0x3  }
0x284: {  	[hbm4b:s31+s3] =	stream.linear.scatter [tilespmem:s26], [sflag:$0x3], $0x80, $0x38;
	[tilespmem:$0x19E00] =	vst v63  }
0x285: {  	s26 =	simm.s32 $0x1;
	s31 =	simm.s32 $0x2;
	v4 =	vmov s28;
	s28 =	simm.s32 $0x6  }
0x286: {  	v0 =	vshrl.u32 v0, $0x3;
	v2 =	vmov s26;
	v3 =	vmov s31;
	s26 =	simm.s32 $0x4;
	s31 =	simm.s32 $0x5;
	_ =	swait.ge [sflag:s17], $0x4000  }
0x287: {  	v33 =	vmov s28;
	s28 =	simm.s32 $0x9;
	v0 =	vshll.u32 v0, v1;
	v6 =	vmov s31;
	s31 =	simm.s32 $0x8;
	[sflag:s17] =	ssyncset.done $0x0  }
0x288: {  	v4 =	vshrl.u32 v4, $0x3;
	v5 =	vmov s26;
	s26 =	simm.s32 $0x7;
	v35 =	vmov s31;
	s31 =	simm.s32 $0xB;
	[sflag:s17] =	ssyncadd.s32 $0xFFFFC000  }
0x289: {  	v36 =	vmov s28;
	v34 =	vmov s26;
	s26 =	simm.s32 $0xA;
	v38 =	vmov s31;
	s31 =	simm.s32 $0xE;
	_ =	swait.ge @!p0 [sflag:s1], $0x4000  }
0x28a: {  	v2 =	vshrl.u32 v2, $0x3;
	v37 =	vmov s26;
	s26 =	simm.s32 $0xD;
	v41 =	vmov s31;
	s31 =	sshll.u32 s23, $0x2;
	v15 =	vld [tilespmem:$0x1FFD0]  }
0x28b: {  	s28 =	simm.s32 $0xC;
	v3 =	vshrl.u32 v3, $0x3;
	v42 =	vshrl.u32 v33, $0x3;
	v40 =	vmov s26;
	v10 =	vld [tilespmem:$0x1FE00];
	s26 =	sor.u32 $0x2, s31  }
0x28c: {  	v4 =	vshll.u32 v4, v1;
	v39 =	vmov s28;
	v5 =	vshrl.u32 v5, $0x3;
	v14 =	vld [tilespmem:$0x1FEA0];
	s28 =	sshll.u32 s26, $0x6  }
0x28d: {  	v6 =	vshrl.u32 v6, $0x3;
	v45 =	vshrl.u32 v36, $0x3;
	v2 =	vshll.u32 v2, v1;
	[sflag:s1] =	ssyncset.done @!p0 $0x0;
	v18 =	vld [tilespmem:$0x1FEE0];
	s31 =	sand.u32 $0x3FFFFF80, s28;
	s28 =	simm.s32 $0xF  }
0x28e: {  	v3 =	vshll.u32 v3, v1;
	v49 =	vbroadcast v4, $0x0;
	v22 =	vld [tilespmem:$0x1FF20];
	[sflag:s1] =	ssyncadd.s32 @!p0 $0xFFFFC000;
	v59 =	vmov s28  }
0x28f: {  	v46 =	vshrl.u32 v37, $0x3;
	v37 =	vbroadcast v0, $0x0;
	v36 =	vld [tilespmem:s31+$0x6400];
	s28 =	simm.s32 $0xD9F0;
	v60 =	vshrl.u32 v59, $0x3  }
0x290: {  	v0 =	vshrl.u32 v40, $0x3;
	v40 =	vshrl.u32 v41, $0x3;
	v62 =	vld [tilespmem:s28+$0xFFFFFC10];
	v41 =	vshll.u32 v60, v1  }
0x291: {  	v43 =	vshrl.u32 v34, $0x3;
	v39 =	vshrl.u32 v39, $0x3;
	v61 =	vld [tilespmem:s28+$0xFFFFFFD0];
	v53 =	vbroadcast v41, $0x0  }
0x292: {  	v54 =	vshll.u32 v45, v1;
	v50 =	vbroadcast v2, $0x0;
	v32 =	vadd.s32 v63, v37;
	v45 =	vld [tilespmem:s28+$0xFFFFFC50]  }
0x293: {  	v44 =	vshrl.u32 v35, $0x3;
	v2 =	vshll.u32 v39, v1;
	v35 =	vld [tilespmem:s31+$0x6410];
	v39 =	vadd.s32 v15, v53  }
0x294: {  	v5 =	vshll.u32 v5, v1;
	v51 =	vbroadcast v3, $0x0;
	v34 =	vld [tilespmem:s31+$0x6420];
	v3 =	vadd.s32 v10, v50  }
0x295: {  	v6 =	vshll.u32 v6, v1;
	v52 =	vshll.u32 v44, v1;
	v48 =	vld [tilespmem:s28+$0xFFFFFC90];
	v58 =	vadd.f32 v62, v36  }
0x296: {  	v47 =	vbroadcast v5, $0x0;
	v4 =	vshll.u32 v40, v1;
	v33 =	vld [tilespmem:s31+$0x6430];
	v5 =	vadd.f32 v61, v36  }
0x297: {  	v44 =	vbroadcast v6, $0x0;
	v56 =	vld [tilespmem:s28+$0xFFFFFCD0];
	v40 =	vadd.s32 v14, v51;
	v6 =	vadd.f32 v45, v36;
	[tilespmem:v32+s18+$0x0] =	vst.idx.msk $0xffff, v58  }
0x298: {  	v57 =	vld [tilespmem:s28+$0xFFFFFD10];
	[tilespmem:v39+s18+$0x0] =	vst.idx.msk $0xffff, v5  }
0x299: {  	v26 =	vld [tilespmem:$0x1FF60];
	[tilespmem:v3+s18+$0x0] =	vst.idx.msk $0xffff, v6  }
0x29a: {  	v5 =	vadd.f32 v48, v36;
	v30 =	vld [tilespmem:$0x1FFA0]  }
0x29b: {  	v42 =	vshll.u32 v42, v1;
	v43 =	vshll.u32 v43, v1;
	v60 =	vld [tilespmem:s28+$0xFFFFFD50]  }
0x29c: {  	v38 =	vshrl.u32 v38, $0x3;
	v55 =	vshll.u32 v46, v1;
	v59 =	vadd.s32 v18, v49;
	v62 =	vld [tilespmem:s28+$0xFFFFFD90];
	[tilespmem:v40+s18+$0x0] =	vst.idx.msk $0xffff, v5  }
0x29d: {  	v38 =	vshll.u32 v38, v1;
	v41 =	vbroadcast v42, $0x0;
	v61 =	vadd.s32 v22, v47;
	v19 =	vld [tilespmem:$0x1FFE0]  }
0x29e: {  	v45 =	vbroadcast v52, $0x0;
	v48 =	vbroadcast v43, $0x0;
	v43 =	vld [tilespmem:s28+$0xFFFFFE10];
	v39 =	vadd.s32 v26, v44  }
0x29f: {  	v46 =	vbroadcast v54, $0x0;
	v3 =	vadd.f32 v56, v36;
	v56 =	vld [tilespmem:s28+$0xFFFFFDD0];
	v6 =	vadd.s32 v30, v41  }
0x2a0: {  	v0 =	vshll.u32 v0, v1;
	v54 =	vadd.s32 v63, v45;
	v58 =	vld [tilespmem:s28+$0xFFFFFFE0];
	v5 =	vadd.f32 v57, v36  }
0x2a1: {  	v42 =	vbroadcast v55, $0x0;
	v57 =	vadd.s32 v15, v48;
	[tilespmem:v59+s18+$0x0] =	vst.idx.msk $0xffff, v3;
	v3 =	vadd.f32 v60, v36;
	v59 =	vld [tilespmem:s28+$0xFFFFFE50]  }
0x2a2: {  	v32 =	vld [tilespmem:s28+$0xFFFFFE90];
	v40 =	vbroadcast v2, $0x0;
	[tilespmem:v61+s18+$0x0] =	vst.idx.msk $0xffff, v5;
	v5 =	vadd.f32 v62, v36;
	v52 =	vadd.s32 v19, v53  }
0x2a3: {  	v55 =	vld [tilespmem:s28+$0xFFFFFED0];
	v2 =	vadd.f32 v43, v36;
	[tilespmem:v39+s18+$0x0] =	vst.idx.msk $0xffff, v3;
	v3 =	vadd.s32 v10, v46;
	v39 =	vbroadcast v38, $0x0  }
0x2a4: {  	[tilespmem:v6+s18+$0x0] =	vst.idx.msk $0xffff, v5;
	v5 =	vadd.f32 v56, v36;
	v6 =	vadd.s32 v14, v42;
	v56 =	vld [tilespmem:s28+$0xFFFFFF10]  }
0x2a5: {  	v62 =	vld [tilespmem:s28+$0xFFFFFF50];
	v58 =	vadd.f32 v58, v35;
	[tilespmem:v54+s18+$0x0] =	vst.idx.msk $0xffff, v2;
	v38 =	vbroadcast v0, $0x0;
	v61 =	vadd.s32 v18, v39  }
0x2a6: {  	v0 =	vadd.f32 v59, v36;
	[tilespmem:v57+s18+$0x0] =	vst.idx.msk $0xffff, v5;
	v5 =	vadd.s32 v22, v40  }
0x2a7: {  	v43 =	vbroadcast v4, $0x0;
	v4 =	vld [tilespmem:s28+$0xFFFFFC60];
	v2 =	vadd.f32 v32, v36;
	[tilespmem:v52+s18+$0x0] =	vst.idx.msk $0xffff, v58;
	v54 =	vadd.s32 v26, v38  }
0x2a8: {  	v32 =	vld [tilespmem:s28+$0xFFFFFF90];
	[tilespmem:v3+s18+$0x0] =	vst.idx.msk $0xffff, v0;
	v0 =	vadd.f32 v55, v36  }
0x2a9: {  	v52 =	vld [tilespmem:s28+$0xFFFFFFF0];
	[tilespmem:v6+s18+$0x0] =	vst.idx.msk $0xffff, v2;
	v2 =	vadd.f32 v56, v36  }
0x2aa: {  	v8 =	vld [tilespmem:$0x1FE10];
	[tilespmem:v61+s18+$0x0] =	vst.idx.msk $0xffff, v0;
	v0 =	vadd.f32 v62, v36  }
0x2ab: {  	v9 =	vld [tilespmem:$0x1FEB0];
	[tilespmem:v5+s18+$0x0] =	vst.idx.msk $0xffff, v2  }
0x2ac: {  	v12 =	vld [tilespmem:$0x1FEF0];
	[tilespmem:v54+s18+$0x0] =	vst.idx.msk $0xffff, v0  }
0x2ad: {  	v3 =	vadd.s32 v23, v53;
	v13 =	vld [tilespmem:$0x1FF30]  }
0x2ae: {  	v55 =	vld [tilespmem:s28+$0xFFFFFCA0];
	v6 =	vadd.s32 v30, v43  }
0x2af: {  	v58 =	vld [tilespmem:s28+$0xFFFFFCE0];
	v56 =	vadd.s32 v8, v50  }
0x2b0: {  	v60 =	vld [tilespmem:s28+$0xFFFFFD20];
	v2 =	vadd.f32 v52, v34;
	v59 =	vadd.s32 v9, v51  }
0x2b1: {  	v0 =	vadd.f32 v32, v36;
	v5 =	vadd.s32 v12, v49  }
0x2b2: {  	v4 =	vadd.f32 v4, v35;
	[tilespmem:v3+s18+$0x0] =	vst.idx.msk $0xffff, v2;
	v54 =	vadd.s32 v13, v47  }
0x2b3: {  	v2 =	vadd.f32 v55, v35;
	v16 =	vld [tilespmem:$0x1FF70];
	[tilespmem:v6+s18+$0x0] =	vst.idx.msk $0xffff, v0  }
0x2b4: {  	[tilespmem:v56+s18+$0x0] =	vst.idx.msk $0xffff, v4;
	v4 =	vadd.f32 v58, v35  }
0x2b5: {  	v17 =	vld [tilespmem:$0x1FFB0];
	[tilespmem:v59+s18+$0x0] =	vst.idx.msk $0xffff, v2;
	v2 =	vadd.f32 v60, v35  }
0x2b6: {  	v62 =	vld [tilespmem:s28+$0xFFFFFD60];
	[tilespmem:v5+s18+$0x0] =	vst.idx.msk $0xffff, v4  }
0x2b7: {  	v32 =	vld [tilespmem:s28+$0xFFFFFDA0];
	[tilespmem:v54+s18+$0x0] =	vst.idx.msk $0xffff, v2  }
0x2b8: {  	v7 =	vld [tilespmem:$0x1FE70]  }
0x2b9: {  	v0 =	vld [tilespmem:s28+$0x0];
	v3 =	vadd.s32 v16, v44  }
0x2ba: {  	v55 =	vld [tilespmem:s28+$0xFFFFFDE0];
	v6 =	vadd.s32 v17, v41  }
0x2bb: {  	v53 =	vadd.s32 v27, v53;
	v61 =	vld [tilespmem:s28+$0xFFFFFE20]  }
0x2bc: {  	v4 =	vadd.f32 v62, v35;
	v5 =	vadd.s32 v19, v48;
	v62 =	vld [tilespmem:s28+$0xFFFFFE60]  }
0x2bd: {  	v60 =	vld [tilespmem:s28+$0xFFFFFEA0];
	v2 =	vadd.f32 v32, v35;
	v32 =	vadd.s32 v7, v45  }
0x2be: {  	v0 =	vadd.f32 v0, v33;
	[tilespmem:v3+s18+$0x0] =	vst.idx.msk $0xffff, v4;
	v3 =	vadd.s32 v8, v46  }
0x2bf: {  	v4 =	vld [tilespmem:s28+$0xFFFFFEE0];
	[tilespmem:v6+s18+$0x0] =	vst.idx.msk $0xffff, v2;
	v2 =	vadd.f32 v55, v35;
	v6 =	vadd.s32 v9, v42  }
0x2c0: {  	v56 =	vadd.f32 v61, v35;
	[tilespmem:v53+s18+$0x0] =	vst.idx.msk $0xffff, v0;
	v55 =	vld [tilespmem:s28+$0xFFFFFF20]  }
0x2c1: {  	v58 =	vadd.s32 v12, v39;
	v61 =	vld [tilespmem:s28+$0xFFFFFC20];
	v0 =	vadd.f32 v62, v35;
	[tilespmem:v5+s18+$0x0] =	vst.idx.msk $0xffff, v2  }
0x2c2: {  	v59 =	vld [tilespmem:s28+$0xFFFFFF60];
	v2 =	vadd.s32 v13, v40;
	[tilespmem:v32+s18+$0x0] =	vst.idx.msk $0xffff, v56;
	v32 =	vadd.f32 v60, v35  }
0x2c3: {  	v57 =	vld [tilespmem:s28+$0xFFFFFCB0];
	[tilespmem:v3+s18+$0x0] =	vst.idx.msk $0xffff, v0  }
0x2c4: {  	v0 =	vadd.f32 v4, v35;
	v5 =	vld [tilespmem:s28+$0xFFFFFFA0];
	[tilespmem:v6+s18+$0x0] =	vst.idx.msk $0xffff, v32  }
0x2c5: {  	v60 =	vadd.s32 v16, v38;
	v6 =	vadd.f32 v55, v35;
	v9 =	vld [tilespmem:$0x1FE20]  }
0x2c6: {  	v62 =	vld [tilespmem:s28+$0xFFFFFC70];
	v3 =	vadd.s32 v17, v43;
	[tilespmem:v58+s18+$0x0] =	vst.idx.msk $0xffff, v0  }
0x2c7: {  	v4 =	vadd.s32 v7, v37;
	v12 =	vld [tilespmem:$0x1FEC0];
	[tilespmem:v2+s18+$0x0] =	vst.idx.msk $0xffff, v6  }
0x2c8: {  	v0 =	vadd.f32 v59, v35;
	v13 =	vld [tilespmem:$0x1FF00]  }
0x2c9: {  	v32 =	vld [tilespmem:s28+$0xFFFFFCF0];
	v2 =	vadd.f32 v5, v35  }
0x2ca: {  	v59 =	vld [tilespmem:s28+$0xFFFFFD30];
	v5 =	vadd.f32 v61, v35;
	[tilespmem:v60+s18+$0x0] =	vst.idx.msk $0xffff, v0;
	v53 =	vadd.s32 v9, v50  }
0x2cb: {  	v24 =	vld [tilespmem:$0x1FF40];
	[tilespmem:v3+s18+$0x0] =	vst.idx.msk $0xffff, v2  }
0x2cc: {  	v61 =	vld [tilespmem:s28+$0xFFFFFD70];
	[tilespmem:v4+s18+$0x0] =	vst.idx.msk $0xffff, v5;
	v58 =	vadd.s32 v12, v51  }
0x2cd: {  	v0 =	vadd.f32 v62, v34;
	v28 =	vld [tilespmem:$0x1FF80];
	v6 =	vadd.s32 v13, v49  }
0x2ce: {  	v60 =	vld [tilespmem:s28+$0xFFFFFDB0]  }
0x2cf: {  	v2 =	vadd.f32 v57, v34;
	v4 =	vld [tilespmem:s28+$0xFFFFFDF0];
	[tilespmem:v53+s18+$0x0] =	vst.idx.msk $0xffff, v0  }
0x2d0: {  	v0 =	vadd.f32 v32, v34;
	v32 =	vld [tilespmem:$0x1FFC0]  }
0x2d1: {  	v57 =	vld [tilespmem:s28+$0xFFFFFE70];
	v62 =	vadd.s32 v24, v47;
	[tilespmem:v58+s18+$0x0] =	vst.idx.msk $0xffff, v2  }
0x2d2: {  	v3 =	vadd.s32 v28, v44;
	v53 =	vld [tilespmem:s28+$0xFFFFFE30];
	[tilespmem:v6+s18+$0x0] =	vst.idx.msk $0xffff, v0  }
0x2d3: {  	v8 =	vld [tilespmem:$0x1FE80]  }
0x2d4: {  	v55 =	vadd.s32 v23, v48;
	v2 =	vadd.f32 v59, v34;
	v58 =	vld [tilespmem:s28+$0xFFFFFC30]  }
0x2d5: {  	v52 =	vld [tilespmem:s28+$0xFFFFFC80];
	v0 =	vadd.f32 v61, v34;
	v5 =	vadd.s32 v32, v41  }
0x2d6: {  	[tilespmem:v62+s18+$0x0] =	vst.idx.msk $0xffff, v2;
	v2 =	vadd.f32 v60, v34;
	v62 =	vadd.s32 v9, v46;
	v60 =	vld [tilespmem:s28+$0xFFFFFEF0]  }
0x2d7: {  	v61 =	vld [tilespmem:s28+$0xFFFFFEB0];
	[tilespmem:v3+s18+$0x0] =	vst.idx.msk $0xffff, v0;
	v0 =	vadd.f32 v4, v34  }
0x2d8: {  	v59 =	vld [tilespmem:s28+$0xFFFFFCC0];
	v6 =	vadd.s32 v8, v45  }
0x2d9: {  	v3 =	vld [tilespmem:s28+$0xFFFFFF30];
	[tilespmem:v55+s18+$0x0] =	vst.idx.msk $0xffff, v0;
	v0 =	vadd.f32 v57, v34  }
0x2da: {  	v4 =	vld [tilespmem:s28+$0xFFFFFF70];
	[tilespmem:v5+s18+$0x0] =	vst.idx.msk $0xffff, v2;
	v5 =	vadd.s32 v12, v42  }
0x2db: {  	[tilespmem:v62+s18+$0x0] =	vst.idx.msk $0xffff, v0;
	v0 =	vadd.f32 v60, v34;
	v60 =	vld [tilespmem:s28+$0xFFFFFD00];
	v2 =	vadd.f32 v53, v34  }
0x2dc: {  	v55 =	vadd.s32 v13, v39;
	v62 =	vld [tilespmem:s28+$0xFFFFFE00]  }
0x2dd: {  	v53 =	vld [tilespmem:s28+$0xFFFFFFB0];
	[tilespmem:v6+s18+$0x0] =	vst.idx.msk $0xffff, v2;
	v2 =	vadd.f32 v61, v34  }
0x2de: {  	v57 =	vadd.s32 v24, v40;
	v61 =	vld [tilespmem:s28+$0xFFFFFDC0]  }
0x2df: {  	v13 =	vld [tilespmem:$0x1FE30];
	[tilespmem:v5+s18+$0x0] =	vst.idx.msk $0xffff, v2  }
0x2e0: {  	v6 =	vadd.s32 v28, v38;
	v17 =	vld [tilespmem:$0x1FED0]  }
0x2e1: {  	v3 =	vadd.f32 v3, v34;
	[tilespmem:v55+s18+$0x0] =	vst.idx.msk $0xffff, v0;
	v55 =	vld [tilespmem:s28+$0xFFFFFD80]  }
0x2e2: {  	s31 =	simm.s32 $0x10;
	v48 =	vadd.s32 v27, v48;
	v54 =	vadd.s32 v32, v43;
	v56 =	vadd.s32 v8, v37;
	v21 =	vld [tilespmem:$0x1FF10]  }
0x2e3: {  	v52 =	vadd.f32 v52, v33;
	v4 =	vadd.f32 v4, v34;
	v2 =	vmov s31;
	[tilespmem:v57+s18+$0x0] =	vst.idx.msk $0xffff, v3;
	v57 =	vld [tilespmem:s28+$0xFFFFFF00]  }
0x2e4: {  	v41 =	vadd.s32 v11, v41;
	v0 =	vshrl.u32 v2, $0x3;
	v2 =	vadd.f32 v58, v34;
	v25 =	vld [tilespmem:$0x1FF50]  }
0x2e5: {  	v50 =	vadd.s32 v13, v50;
	[tilespmem:v6+s18+$0x0] =	vst.idx.msk $0xffff, v4;
	v6 =	vadd.f32 v59, v33;
	v59 =	vld [tilespmem:s28+$0xFFFFFE40]  }
0x2e6: {  	v43 =	vadd.s32 v11, v43;
	v60 =	vadd.f32 v60, v33;
	v53 =	vadd.f32 v53, v34;
	v29 =	vld [tilespmem:$0x1FF90]  }
0x2e7: {  	s31 =	simm.s32 $0x11;
	v0 =	vshll.u32 v0, v1;
	[tilespmem:v56+s18+$0x0] =	vst.idx.msk $0xffff, v2;
	v56 =	vld [tilespmem:s28+$0xFFFFFE80];
	v5 =	vadd.s32 v17, v51  }
0x2e8: {  	v3 =	vmov s31;
	v46 =	vadd.s32 v13, v46;
	[tilespmem:v54+s18+$0x0] =	vst.idx.msk $0xffff, v53;
	v51 =	vld [tilespmem:s28+$0xFFFFFD40];
	v49 =	vadd.s32 v21, v49  }
0x2e9: {  	s31 =	simm.s32 $0x12;
	v58 =	vld [tilespmem:s28+$0xFFFFFF40];
	v54 =	vadd.f32 v62, v33;
	v42 =	vadd.s32 v17, v42;
	v39 =	vadd.s32 v21, v39  }
0x2ea: {  	v4 =	vmov s31;
	s31 =	simm.s32 $0x13;
	v47 =	vadd.s32 v25, v47;
	[tilespmem:v50+s18+$0x0] =	vst.idx.msk $0xffff, v52;
	v50 =	vadd.f32 v55, v33;
	v55 =	vld [tilespmem:s28+$0xFFFFFEC0]  }
0x2eb: {  	v53 =	vmov s31;
	s31 =	simm.s32 $0x14;
	v40 =	vadd.s32 v25, v40;
	v44 =	vadd.s32 v29, v44;
	v9 =	vld [tilespmem:$0x1FE90];
	[tilespmem:v48+s18+$0x0] =	vst.idx.msk $0xffff, v54  }
0x2ec: {  	v2 =	vmov s31;
	s31 =	simm.s32 $0x15;
	v62 =	vadd.f32 v56, v33;
	v48 =	vadd.f32 v57, v33;
	[tilespmem:v5+s18+$0x0] =	vst.idx.msk $0xffff, v6  }
0x2ed: {  	v52 =	vmov s31;
	s31 =	simm.s32 $0x16;
	v38 =	vadd.s32 v29, v38;
	v51 =	vadd.f32 v51, v33;
	[tilespmem:v49+s18+$0x0] =	vst.idx.msk $0xffff, v60  }
0x2ee: {  	v5 =	vmov s31;
	s31 =	simm.s32 $0x17;
	v6 =	vadd.f32 v61, v33;
	v61 =	vadd.f32 v59, v33;
	[tilespmem:v39+s18+$0x0] =	vst.idx.msk $0xffff, v48  }
0x2ef: {  	v49 =	vmov s31;
	s31 =	simm.s32 $0x18;
	v48 =	vshrl.u32 v5, $0x3;
	[tilespmem:v47+s18+$0x0] =	vst.idx.msk $0xffff, v51;
	v51 =	vld [tilespmem:s28+$0xFFFFFF80];
	v55 =	vadd.f32 v55, v33  }
0x2f0: {  	v60 =	vmov s31;
	s31 =	simm.s32 $0x19;
	v47 =	vadd.f32 v58, v33;
	v45 =	vadd.s32 v9, v45;
	[tilespmem:v44+s18+$0x0] =	vst.idx.msk $0xffff, v50;
	v50 =	vld [tilespmem:s28+$0xFFFFFFC0]  }
0x2f1: {  	[tilespmem:v41+s18+$0x0] =	vst.idx.msk $0xffff, v6;
	v41 =	vld [tilespmem:s28+$0xFFFFFC40];
	v49 =	vshrl.u32 v49, $0x3;
	v59 =	vmov s31;
	s31 =	simm.s32 $0x1A;
	v37 =	vadd.s32 v9, v37  }
0x2f2: {  	[tilespmem:v46+s18+$0x0] =	vst.idx.msk $0xffff, v62;
	v44 =	vshrl.u32 v3, $0x3;
	v46 =	vshrl.u32 v60, $0x3;
	v6 =	vmov s31;
	s31 =	simm.s32 $0x1B  }
0x2f3: {  	[tilespmem:v40+s18+$0x0] =	vst.idx.msk $0xffff, v47;
	v47 =	vshrl.u32 v52, $0x3;
	v40 =	vshrl.u32 v59, $0x3;
	v54 =	vmov s31;
	s31 =	simm.s32 $0x1C  }
0x2f4: {  	[tilespmem:v42+s18+$0x0] =	vst.idx.msk $0xffff, v55;
	v56 =	vmov s31;
	s31 =	simm.s32 $0x1D;
	v42 =	vshrl.u32 v54, $0x3;
	v62 =	vadd.f32 v51, v33  }
0x2f5: {  	v57 =	vmov s31;
	v51 =	vshrl.u32 v2, $0x3;
	[tilespmem:v45+s18+$0x0] =	vst.idx.msk $0xffff, v61;
	v3 =	vadd.f32 v50, v33  }
0x2f6: {  	s29 =	simm.s32 $0x1E;
	v39 =	vshrl.u32 v56, $0x3;
	v50 =	vshrl.u32 v4, $0x3;
	v4 =	vadd.f32 v41, v33;
	[tilespmem:v38+s18+$0x0] =	vst.idx.msk $0xffff, v62  }
0x2f7: {  	v61 =	vmov s29;
	v45 =	vshrl.u32 v53, $0x3;
	v41 =	vshrl.u32 v6, $0x3;
	[tilespmem:v43+s18+$0x0] =	vst.idx.msk $0xffff, v3  }
0x2f8: {  	s30 =	simm.s32 $0x1F;
	s29 =	simm.s32 $0x20;
	v38 =	vshrl.u32 v57, $0x3;
	[tilespmem:v37+s18+$0x0] =	vst.idx.msk $0xffff, v4;
	v37 =	vbroadcast v0, $0x0;
	v43 =	vshrl.u32 v61, $0x3  }
.LBB2_9:
0x2f9: {  	v3 =	vmov s30;
	v31 =	vld [tilespmem:$0x1FEF0]  }
0x2fa: {  	v0 =	vshll.u32 v44, v1;
	v2 =	vshll.u32 v50, v1;
	s28 =	sadd.s32 $0x400, s28;
	v12 =	vld [tilespmem:$0x1FF30];
	v3 =	vshrl.u32 v3, $0x3  }
0x2fb: {  	v4 =	vshll.u32 v45, v1;
	v54 =	vld [tilespmem:s28+$0xFFFFFC50];
	v50 =	vbroadcast v0, $0x0;
	v3 =	vshll.u32 v3, v1  }
0x2fc: {  	v5 =	vshll.u32 v51, v1;
	v6 =	vshll.u32 v47, v1;
	v62 =	vld [tilespmem:s28+$0xFFFFFFD0];
	v52 =	vbroadcast v3, $0x0  }
0x2fd: {  	v51 =	vbroadcast v2, $0x0;
	v2 =	vshll.u32 v38, v1;
	v3 =	vld [tilespmem:s28+$0xFFFFFC10];
	v38 =	vadd.s32 v10, v50  }
0x2fe: {  	v44 =	vshll.u32 v48, v1;
	v45 =	vshll.u32 v49, v1;
	v16 =	vld [tilespmem:$0x1FF70];
	v55 =	vadd.s32 v15, v52  }
0x2ff: {  	v53 =	vshll.u32 v42, v1;
	v56 =	vadd.s32 v63, v37;
	v58 =	vld [tilespmem:s28+$0xFFFFFCD0];
	v49 =	vbroadcast v4, $0x0  }
0x300: {  	v57 =	vld [tilespmem:s28+$0xFFFFFC90];
	v4 =	vshll.u32 v43, v1;
	v42 =	vbroadcast v6, $0x0;
	v6 =	vadd.f32 v54, v36  }
0x301: {  	v59 =	vld [tilespmem:s28+$0xFFFFFD10];
	v47 =	vbroadcast v5, $0x0;
	v60 =	vadd.s32 v18, v49;
	v5 =	vadd.f32 v62, v36  }
0x302: {  	v61 =	vld [tilespmem:s28+$0xFFFFFD50];
	v43 =	vadd.s32 v14, v51;
	v3 =	vadd.f32 v3, v36;
	[tilespmem:v38+s18+$0x0] =	vst.idx.msk $0xffff, v6  }
0x303: {  	v46 =	vshll.u32 v46, v1;
	v0 =	vshll.u32 v39, v1;
	v62 =	vld [tilespmem:s28+$0xFFFFFD90];
	[tilespmem:v55+s18+$0x0] =	vst.idx.msk $0xffff, v5  }
0x304: {  	v39 =	vbroadcast v44, $0x0;
	v54 =	vadd.s32 v22, v47;
	v6 =	vadd.f32 v58, v36;
	[tilespmem:v56+s18+$0x0] =	vst.idx.msk $0xffff, v3;
	v56 =	vld [tilespmem:s28+$0xFFFFFDD0]  }
0x305: {  	v40 =	vshll.u32 v40, v1;
	v3 =	vadd.f32 v57, v36;
	v5 =	vadd.s32 v26, v42;
	v55 =	vld [tilespmem:s28+$0xFFFFFFE0]  }
0x306: {  	v41 =	vshll.u32 v41, v1;
	v48 =	vbroadcast v45, $0x0;
	v38 =	vadd.s32 v30, v39;
	v57 =	vld [tilespmem:s28+$0xFFFFFE10];
	[tilespmem:v60+s18+$0x0] =	vst.idx.msk $0xffff, v6  }
0x307: {  	v44 =	vbroadcast v46, $0x0;
	v46 =	vadd.s32 v19, v52;
	v60 =	vld [tilespmem:s28+$0xFFFFFE90];
	[tilespmem:v43+s18+$0x0] =	vst.idx.msk $0xffff, v3;
	v3 =	vadd.f32 v59, v36  }
0x308: {  	v45 =	vbroadcast v40, $0x0;
	v58 =	vadd.s32 v15, v48;
	v6 =	vadd.f32 v61, v36;
	v59 =	vld [tilespmem:s28+$0xFFFFFE50]  }
0x309: {  	v61 =	vld [tilespmem:s28+$0xFFFFFF50];
	v43 =	vbroadcast v41, $0x0;
	[tilespmem:v54+s18+$0x0] =	vst.idx.msk $0xffff, v3;
	v3 =	vadd.f32 v62, v36;
	v54 =	vadd.s32 v63, v44  }
0x30a: {  	v40 =	vbroadcast v53, $0x0;
	[tilespmem:v5+s18+$0x0] =	vst.idx.msk $0xffff, v6;
	v5 =	vadd.s32 v10, v45;
	v6 =	vld [tilespmem:s28+$0xFFFFFED0];
	v53 =	vadd.f32 v55, v35  }
0x30b: {  	[tilespmem:v38+s18+$0x0] =	vst.idx.msk $0xffff, v3;
	v3 =	vadd.f32 v56, v36;
	v55 =	vadd.s32 v14, v43;
	v56 =	vld [tilespmem:s28+$0xFFFFFF10]  }
0x30c: {  	v41 =	vbroadcast v0, $0x0;
	v62 =	vld [tilespmem:$0x1FE10];
	v0 =	vadd.f32 v57, v36;
	v57 =	vadd.s32 v18, v40;
	[tilespmem:v46+s18+$0x0] =	vst.idx.msk $0xffff, v53  }
0x30d: {  	v38 =	vbroadcast v2, $0x0;
	v2 =	vadd.f32 v59, v36;
	v59 =	vld [tilespmem:s28+$0xFFFFFCE0];
	[tilespmem:v58+s18+$0x0] =	vst.idx.msk $0xffff, v3  }
0x30e: {  	v3 =	vadd.s32 v22, v41;
	v53 =	vld [tilespmem:s28+$0xFFFFFFF0];
	[tilespmem:v54+s18+$0x0] =	vst.idx.msk $0xffff, v0;
	v0 =	vadd.f32 v60, v36  }
0x30f: {  	v46 =	vbroadcast v4, $0x0;
	v4 =	vld [tilespmem:s28+$0xFFFFFC60];
	v54 =	vadd.s32 v26, v38;
	[tilespmem:v5+s18+$0x0] =	vst.idx.msk $0xffff, v2;
	v2 =	vadd.f32 v6, v36  }
0x310: {  	v58 =	vld [tilespmem:s28+$0xFFFFFF90];
	v5 =	vadd.s32 v23, v52;
	[tilespmem:v55+s18+$0x0] =	vst.idx.msk $0xffff, v0;
	v0 =	vadd.f32 v56, v36  }
0x311: {  	v56 =	vadd.s32 v62, v50;
	[tilespmem:v57+s18+$0x0] =	vst.idx.msk $0xffff, v2;
	v2 =	vadd.f32 v61, v36;
	v61 =	vld [tilespmem:$0x1FEB0]  }
0x312: {  	v20 =	vld [tilespmem:$0x1FFB0];
	v55 =	vadd.s32 v30, v46  }
0x313: {  	[tilespmem:v3+s18+$0x0] =	vst.idx.msk $0xffff, v0;
	v3 =	vadd.s32 v31, v49;
	v0 =	vadd.f32 v53, v34;
	v53 =	vld [tilespmem:s28+$0xFFFFFD60]  }
0x314: {  	v6 =	vld [tilespmem:s28+$0xFFFFFCA0];
	v4 =	vadd.f32 v4, v35;
	[tilespmem:v54+s18+$0x0] =	vst.idx.msk $0xffff, v2  }
0x315: {  	v60 =	vld [tilespmem:s28+$0xFFFFFD20];
	v2 =	vadd.f32 v58, v36;
	[tilespmem:v5+s18+$0x0] =	vst.idx.msk $0xffff, v0;
	v5 =	vadd.s32 v16, v42  }
0x316: {  	v58 =	vld [tilespmem:s28+$0xFFFFFDA0];
	[tilespmem:v56+s18+$0x0] =	vst.idx.msk $0xffff, v4;
	v4 =	vadd.f32 v59, v35;
	v57 =	vadd.s32 v61, v51  }
0x317: {  	[tilespmem:v55+s18+$0x0] =	vst.idx.msk $0xffff, v2;
	v2 =	vld [tilespmem:s28+$0x0]  }
0x318: {  	v54 =	vadd.s32 v12, v47;
	v55 =	vld [tilespmem:s28+$0xFFFFFDE0];
	[tilespmem:v3+s18+$0x0] =	vst.idx.msk $0xffff, v4;
	v3 =	vadd.f32 v53, v35  }
0x319: {  	v52 =	vadd.s32 v27, v52;
	v0 =	vadd.f32 v6, v35;
	v53 =	vld [tilespmem:s28+$0xFFFFFE60]  }
0x31a: {  	v6 =	vadd.s32 v20, v39;
	[tilespmem:v5+s18+$0x0] =	vst.idx.msk $0xffff, v3;
	v5 =	vld [tilespmem:s28+$0xFFFFFEE0]  }
0x31b: {  	[tilespmem:v57+s18+$0x0] =	vst.idx.msk $0xffff, v0;
	v0 =	vadd.f32 v60, v35;
	v60 =	vld [tilespmem:s28+$0xFFFFFE20]  }
0x31c: {  	v4 =	vadd.s32 v19, v48;
	v3 =	vadd.s32 v62, v45;
	v62 =	vld [tilespmem:s28+$0xFFFFFC70];
	v2 =	vadd.f32 v2, v33  }
0x31d: {  	v57 =	vld [tilespmem:s28+$0xFFFFFEA0];
	[tilespmem:v54+s18+$0x0] =	vst.idx.msk $0xffff, v0;
	v0 =	vadd.f32 v58, v35;
	v54 =	vadd.s32 v7, v44  }
0x31e: {  	[tilespmem:v52+s18+$0x0] =	vst.idx.msk $0xffff, v2;
	v2 =	vadd.s32 v12, v41;
	v12 =	vld [tilespmem:$0x1FE20]  }
0x31f: {  	v52 =	vld [tilespmem:s28+$0xFFFFFC20];
	[tilespmem:v6+s18+$0x0] =	vst.idx.msk $0xffff, v0;
	v0 =	vadd.f32 v55, v35  }
0x320: {  	v6 =	vadd.s32 v61, v43;
	v55 =	vld [tilespmem:s28+$0xFFFFFF20];
	v56 =	vadd.f32 v60, v35  }
0x321: {  	v58 =	vadd.s32 v31, v40;
	v60 =	vld [tilespmem:s28+$0xFFFFFF60];
	[tilespmem:v4+s18+$0x0] =	vst.idx.msk $0xffff, v0  }
0x322: {  	v61 =	vadd.f32 v57, v35;
	v0 =	vadd.f32 v53, v35;
	v4 =	vld [tilespmem:s28+$0xFFFFFFA0];
	[tilespmem:v54+s18+$0x0] =	vst.idx.msk $0xffff, v56  }
0x323: {  	v54 =	vadd.s32 v16, v38;
	v53 =	vadd.s32 v12, v50;
	v16 =	vld [tilespmem:$0x1FEC0];
	v56 =	vadd.s32 v8, v37  }
0x324: {  	[tilespmem:v3+s18+$0x0] =	vst.idx.msk $0xffff, v0;
	v0 =	vadd.f32 v5, v35;
	v3 =	vadd.s32 v20, v46;
	v20 =	vld [tilespmem:$0x1FF00]  }
0x325: {  	v57 =	vld [tilespmem:s28+$0xFFFFFCB0];
	v5 =	vadd.s32 v7, v37;
	[tilespmem:v6+s18+$0x0] =	vst.idx.msk $0xffff, v61;
	v6 =	vadd.f32 v55, v35  }
0x326: {  	v37 =	vadd.s32 v9, v37;
	[tilespmem:v58+s18+$0x0] =	vst.idx.msk $0xffff, v0;
	v0 =	vadd.f32 v60, v35  }
0x327: {  	v55 =	vld [tilespmem:s28+$0xFFFFFCF0];
	[tilespmem:v2+s18+$0x0] =	vst.idx.msk $0xffff, v6;
	v2 =	vadd.f32 v4, v35;
	v4 =	vadd.f32 v52, v35  }
0x328: {  	v60 =	vld [tilespmem:s28+$0xFFFFFD30];
	v58 =	vadd.s32 v16, v51;
	[tilespmem:v54+s18+$0x0] =	vst.idx.msk $0xffff, v0;
	v0 =	vadd.f32 v62, v34  }
0x329: {  	v61 =	vld [tilespmem:s28+$0xFFFFFD70];
	v54 =	vadd.s32 v24, v47;
	v6 =	vadd.s32 v20, v49;
	[tilespmem:v3+s18+$0x0] =	vst.idx.msk $0xffff, v2  }
0x32a: {  	v47 =	vadd.s32 v25, v47;
	[tilespmem:v5+s18+$0x0] =	vst.idx.msk $0xffff, v4;
	v2 =	vadd.f32 v57, v34  }
0x32b: {  	v62 =	vld [tilespmem:s28+$0xFFFFFDB0];
	v3 =	vadd.s32 v28, v42;
	v5 =	vadd.s32 v32, v39;
	v49 =	vadd.s32 v21, v49  }
0x32c: {  	v4 =	vld [tilespmem:s28+$0xFFFFFDF0];
	v42 =	vadd.s32 v29, v42;
	[tilespmem:v53+s18+$0x0] =	vst.idx.msk $0xffff, v0;
	v0 =	vadd.f32 v55, v34  }
0x32d: {  	v53 =	vld [tilespmem:s28+$0xFFFFFE30];
	v55 =	vadd.s32 v23, v48;
	[tilespmem:v58+s18+$0x0] =	vst.idx.msk $0xffff, v2;
	v2 =	vadd.f32 v60, v34  }
0x32e: {  	v48 =	vadd.s32 v27, v48;
	v60 =	vld [tilespmem:s28+$0xFFFFFE70];
	[tilespmem:v6+s18+$0x0] =	vst.idx.msk $0xffff, v0;
	v0 =	vadd.f32 v61, v34  }
0x32f: {  	v6 =	vadd.s32 v8, v44;
	v61 =	vld [tilespmem:s28+$0xFFFFFEB0];
	v44 =	vadd.s32 v9, v44;
	[tilespmem:v54+s18+$0x0] =	vst.idx.msk $0xffff, v2  }
0x330: {  	v2 =	vadd.f32 v62, v34;
	v54 =	vadd.s32 v12, v45;
	v62 =	vld [tilespmem:s28+$0xFFFFFEF0];
	v45 =	vadd.s32 v13, v45  }
0x331: {  	[tilespmem:v3+s18+$0x0] =	vst.idx.msk $0xffff, v0;
	v0 =	vadd.f32 v4, v34;
	v3 =	vadd.s32 v16, v43;
	v4 =	vld [tilespmem:s28+$0xFFFFFF30]  }
0x332: {  	[tilespmem:v5+s18+$0x0] =	vst.idx.msk $0xffff, v2;
	v2 =	vadd.f32 v53, v34;
	v5 =	vadd.s32 v20, v40;
	v53 =	vld [tilespmem:s28+$0xFFFFFF70]  }
0x333: {  	v57 =	vld [tilespmem:s28+$0xFFFFFFB0];
	[tilespmem:v55+s18+$0x0] =	vst.idx.msk $0xffff, v0;
	v0 =	vadd.f32 v60, v34;
	v55 =	vadd.s32 v24, v41  }
0x334: {  	v60 =	vld [tilespmem:s28+$0xFFFFFC30];
	[tilespmem:v6+s18+$0x0] =	vst.idx.msk $0xffff, v2;
	v2 =	vadd.f32 v61, v34;
	v6 =	vadd.s32 v28, v38  }
0x335: {  	v61 =	vld [tilespmem:s28+$0xFFFFFC80];
	[tilespmem:v54+s18+$0x0] =	vst.idx.msk $0xffff, v0;
	v0 =	vadd.f32 v62, v34;
	v54 =	vadd.s32 v32, v46  }
0x336: {  	v41 =	vadd.s32 v25, v41;
	v62 =	vld [tilespmem:s28+$0xFFFFFCC0];
	[tilespmem:v3+s18+$0x0] =	vst.idx.msk $0xffff, v2;
	v2 =	vadd.f32 v4, v34  }
0x337: {  	v3 =	vadd.s32 v13, v50;
	v4 =	vld [tilespmem:s28+$0xFFFFFD00];
	[tilespmem:v5+s18+$0x0] =	vst.idx.msk $0xffff, v0;
	v0 =	vadd.f32 v53, v34  }
0x338: {  	v50 =	vadd.s32 v17, v51;
	v51 =	vld [tilespmem:s28+$0xFFFFFD40];
	[tilespmem:v55+s18+$0x0] =	vst.idx.msk $0xffff, v2;
	v2 =	vadd.f32 v57, v34  }
0x339: {  	v38 =	vadd.s32 v29, v38;
	v58 =	vadd.f32 v60, v34;
	v60 =	vld [tilespmem:s28+$0xFFFFFD80];
	[tilespmem:v6+s18+$0x0] =	vst.idx.msk $0xffff, v0  }
0x33a: {  	s31 =	sadd.s32 $0x2, s29;
	v46 =	vadd.s32 v11, v46;
	v5 =	vmov s29;
	v6 =	vadd.f32 v61, v33;
	v61 =	vld [tilespmem:s28+$0xFFFFFDC0];
	[tilespmem:v54+s18+$0x0] =	vst.idx.msk $0xffff, v2  }
0x33b: {  	v5 =	vshrl.u32 v5, $0x3;
	v2 =	vmov s31;
	s31 =	sadd.s32 $0x3, s29;
	[tilespmem:v56+s18+$0x0] =	vst.idx.msk $0xffff, v58;
	v62 =	vadd.f32 v62, v33;
	v54 =	vld [tilespmem:s28+$0xFFFFFE00]  }
0x33c: {  	s1 =	sadd.s32 $0x1, s29;
	v56 =	vmov s31;
	s31 =	sadd.s32 $0x4, s29;
	[tilespmem:v3+s18+$0x0] =	vst.idx.msk $0xffff, v6;
	v3 =	vadd.f32 v4, v33;
	v4 =	vadd.s32 v11, v39;
	v6 =	vld [tilespmem:s28+$0xFFFFFE40]  }
0x33d: {  	v0 =	vmov s1;
	v59 =	vadd.f32 v51, v33;
	v51 =	vld [tilespmem:s28+$0xFFFFFE80];
	v39 =	vmov s31;
	s31 =	sadd.s32 $0x5, s29;
	[tilespmem:v50+s18+$0x0] =	vst.idx.msk $0xffff, v62  }
0x33e: {  	v5 =	vshll.u32 v5, v1;
	v53 =	vmov s31;
	s31 =	sadd.s32 $0x6, s29;
	[tilespmem:v49+s18+$0x0] =	vst.idx.msk $0xffff, v3;
	v3 =	vadd.f32 v60, v33;
	v60 =	vld [tilespmem:s28+$0xFFFFFEC0]  }
0x33f: {  	v50 =	vshrl.u32 v2, $0x3;
	[tilespmem:v47+s18+$0x0] =	vst.idx.msk $0xffff, v59;
	v47 =	vld [tilespmem:s28+$0xFFFFFFC0];
	v55 =	vmov s31;
	s31 =	sadd.s32 $0x7, s29;
	v61 =	vadd.f32 v61, v33  }
0x340: {  	v62 =	vld [tilespmem:s28+$0xFFFFFF00];
	v52 =	vmov s31;
	s31 =	sadd.s32 $0x8, s29;
	[tilespmem:v42+s18+$0x0] =	vst.idx.msk $0xffff, v3;
	v3 =	vadd.f32 v54, v33;
	v42 =	vadd.s32 v17, v43  }
0x341: {  	s30 =	sadd.s32 $0xE, s29;
	v43 =	vld [tilespmem:s28+$0xFFFFFF40];
	v54 =	vmov s31;
	[tilespmem:v4+s18+$0x0] =	vst.idx.msk $0xffff, v61;
	v4 =	vadd.f32 v6, v33;
	v6 =	vadd.s32 v21, v40  }
0x342: {  	s31 =	sadd.s32 $0x9, s29;
	v40 =	vld [tilespmem:s28+$0xFFFFFF80];
	v61 =	vmov s30;
	v49 =	vshrl.u32 v52, $0x3;
	[tilespmem:v48+s18+$0x0] =	vst.idx.msk $0xffff, v3;
	v3 =	vadd.f32 v51, v33  }
0x343: {  	v57 =	vmov s31;
	s31 =	sadd.s32 $0xA, s29;
	v48 =	vld [tilespmem:s28+$0xFFFFFC40];
	v51 =	vshrl.u32 v39, $0x3;
	[tilespmem:v44+s18+$0x0] =	vst.idx.msk $0xffff, v4;
	v4 =	vadd.f32 v60, v33  }
0x344: {  	v58 =	vmov s31;
	s31 =	sadd.s32 $0xB, s29;
	v44 =	vshrl.u32 v0, $0x3;
	v0 =	vadd.f32 v47, v33;
	[tilespmem:v45+s18+$0x0] =	vst.idx.msk $0xffff, v3  }
0x345: {  	p0 =	slt.u32 s29, $0x70;
	v47 =	vshrl.u32 v53, $0x3;
	v59 =	vmov s31;
	s31 =	sadd.s32 $0xC, s29;
	v3 =	vadd.f32 v62, v33;
	[tilespmem:v42+s18+$0x0] =	vst.idx.msk $0xffff, v4  }
.Ltmp3:
0x346: {  	v45 =	vshrl.u32 v56, $0x3;
	v60 =	vmov s31;
	v4 =	vadd.f32 v43, v33;
	[tilespmem:v46+s18+$0x0] =	vst.idx.msk $0xffff, v0;
	(pc) =	sbr.rel @p0 .LBB2_9-.Ltmp3, $4  }
0x347: {  	s31 =	sadd.s32 $0xD, s29;
	v46 =	vshrl.u32 v54, $0x3;
	v42 =	vshrl.u32 v59, $0x3;
	[tilespmem:v6+s18+$0x0] =	vst.idx.msk $0xffff, v3;
	v3 =	vadd.f32 v40, v33  }
0x348: {  	v43 =	vmov s31;
	v40 =	vshrl.u32 v57, $0x3;
	[tilespmem:v41+s18+$0x0] =	vst.idx.msk $0xffff, v4;
	v2 =	vadd.f32 v48, v33  }
0x349: {  	v39 =	vshrl.u32 v60, $0x3;
	v48 =	vshrl.u32 v55, $0x3;
	v41 =	vshrl.u32 v58, $0x3;
	[tilespmem:v38+s18+$0x0] =	vst.idx.msk $0xffff, v3  }
0x34a: {  	s30 =	sadd.s32 $0xF, s29;
	s29 =	sadd.s32 $0x10, s29;
	v38 =	vshrl.u32 v43, $0x3;
	v43 =	vshrl.u32 v61, $0x3;
	[tilespmem:v37+s18+$0x0] =	vst.idx.msk $0xffff, v2;
	v37 =	vbroadcast v5, $0x0  }
0x34b: {  	v0 =	vmov s30  }
0x34c: {  	v2 =	vshll.u32 v44, v1;
	v3 =	vshll.u32 v50, v1;
	s28 =	sadd.s32 $0x400, s28;
	v4 =	vshll.u32 v45, v1  }
0x34d: {  	v5 =	vshll.u32 v51, v1;
	v60 =	vshll.u32 v47, v1;
	v45 =	vshll.u32 v48, v1;
	v6 =	vld [tilespmem:s28+$0xFFFFFFD0]  }
0x34e: {  	v47 =	vshll.u32 v49, v1;
	v49 =	vshll.u32 v40, v1;
	v0 =	vshrl.u32 v0, $0x3;
	v61 =	vld [tilespmem:s28+$0xFFFFFC10]  }
0x34f: {  	v52 =	vshll.u32 v41, v1;
	v50 =	vld [tilespmem:s28+$0xFFFFFC50];
	v41 =	vbroadcast v2, $0x0;
	v0 =	vshll.u32 v0, v1  }
0x350: {  	v53 =	vshll.u32 v42, v1;
	v2 =	vld [tilespmem:s28+$0xFFFFFC90];
	v55 =	vadd.s32 v63, v37;
	v0 =	vbroadcast v0, $0x0  }
0x351: {  	v42 =	vbroadcast v3, $0x0;
	v3 =	vld [tilespmem:s28+$0xFFFFFCD0];
	v40 =	vbroadcast v4, $0x0;
	v56 =	vadd.s32 v10, v41  }
0x352: {  	v46 =	vshll.u32 v46, v1;
	v57 =	vshll.u32 v38, v1;
	v51 =	vadd.s32 v15, v0  }
0x353: {  	v38 =	vbroadcast v5, $0x0;
	v5 =	vld [tilespmem:s28+$0xFFFFFD50];
	v59 =	vadd.s32 v18, v40;
	v48 =	vadd.f32 v61, v36  }
0x354: {  	v54 =	vshll.u32 v39, v1;
	v4 =	vld [tilespmem:s28+$0xFFFFFD10];
	v58 =	vadd.s32 v14, v42;
	v62 =	vadd.f32 v50, v36  }
0x355: {  	v39 =	vbroadcast v60, $0x0;
	v6 =	vadd.f32 v6, v36;
	v50 =	vadd.s32 v22, v38;
	[tilespmem:v55+s18+$0x0] =	vst.idx.msk $0xffff, v48  }
0x356: {  	v44 =	vbroadcast v47, $0x0;
	v2 =	vadd.f32 v2, v36;
	v3 =	vadd.f32 v3, v36;
	v55 =	vld [tilespmem:s28+$0xFFFFFDD0];
	[tilespmem:v56+s18+$0x0] =	vst.idx.msk $0xffff, v62  }
0x357: {  	v60 =	vld [tilespmem:s28+$0xFFFFFD90];
	v48 =	vadd.s32 v26, v39;
	[tilespmem:v51+s18+$0x0] =	vst.idx.msk $0xffff, v6;
	v6 =	vshll.u32 v43, v1;
	v43 =	vbroadcast v45, $0x0  }
0x358: {  	[tilespmem:v59+s18+$0x0] =	vst.idx.msk $0xffff, v3;
	v3 =	vadd.f32 v5, v36;
	v5 =	vadd.s32 v15, v44;
	v51 =	vld [tilespmem:s28+$0xFFFFFFE0]  }
0x359: {  	v56 =	vld [tilespmem:s28+$0xFFFFFE10];
	[tilespmem:v58+s18+$0x0] =	vst.idx.msk $0xffff, v2;
	v2 =	vadd.f32 v4, v36;
	v45 =	vbroadcast v46, $0x0;
	v62 =	vadd.s32 v30, v43  }
0x35a: {  	v61 =	vadd.s32 v19, v0;
	v4 =	vld [tilespmem:s28+$0xFFFFFE50];
	v46 =	vbroadcast v49, $0x0  }
0x35b: {  	v47 =	vbroadcast v52, $0x0;
	v58 =	vld [tilespmem:s28+$0xFFFFFE90];
	[tilespmem:v50+s18+$0x0] =	vst.idx.msk $0xffff, v2;
	v2 =	vadd.s32 v63, v45;
	v55 =	vadd.f32 v55, v36  }
0x35c: {  	v60 =	vadd.f32 v60, v36;
	[tilespmem:v48+s18+$0x0] =	vst.idx.msk $0xffff, v3;
	v3 =	vadd.s32 v10, v46  }
0x35d: {  	v59 =	vadd.s32 v14, v47;
	[tilespmem:v5+s18+$0x0] =	vst.idx.msk $0xffff, v55;
	v50 =	vadd.f32 v51, v35  }
0x35e: {  	v51 =	vadd.f32 v56, v36;
	[tilespmem:v62+s18+$0x0] =	vst.idx.msk $0xffff, v60  }
0x35f: {  	v52 =	vld [tilespmem:s28+$0xFFFFFED0];
	v4 =	vadd.f32 v4, v36;
	[tilespmem:v61+s18+$0x0] =	vst.idx.msk $0xffff, v50  }
0x360: {  	v49 =	vbroadcast v54, $0x0;
	v54 =	vld [tilespmem:s28+$0xFFFFFF50];
	v48 =	vbroadcast v53, $0x0;
	[tilespmem:v2+s18+$0x0] =	vst.idx.msk $0xffff, v51;
	v2 =	vadd.f32 v58, v36  }
0x361: {  	v53 =	vld [tilespmem:s28+$0xFFFFFF10];
	[tilespmem:v3+s18+$0x0] =	vst.idx.msk $0xffff, v4  }
0x362: {  	v56 =	vadd.s32 v18, v48;
	v50 =	vbroadcast v57, $0x0;
	v60 =	vld [tilespmem:s28+$0xFFFFFFF0];
	[tilespmem:v59+s18+$0x0] =	vst.idx.msk $0xffff, v2  }
0x363: {  	v5 =	vadd.s32 v22, v49;
	v62 =	vld [tilespmem:$0x1FE10]  }
0x364: {  	v58 =	vadd.s32 v26, v50  }
0x365: {  	v55 =	vld [tilespmem:s28+$0xFFFFFF90];
	v51 =	vbroadcast v6, $0x0;
	v57 =	vadd.s32 v23, v0;
	v3 =	vadd.f32 v52, v36  }
0x366: {  	v6 =	vld [tilespmem:s28+$0xFFFFFC60];
	v2 =	vadd.f32 v53, v36  }
0x367: {  	v54 =	vadd.f32 v54, v36;
	v52 =	vadd.s32 v30, v51;
	[tilespmem:v56+s18+$0x0] =	vst.idx.msk $0xffff, v3  }
0x368: {  	v20 =	vld [tilespmem:$0x1FEB0];
	[tilespmem:v5+s18+$0x0] =	vst.idx.msk $0xffff, v2;
	v56 =	vadd.f32 v60, v34;
	v59 =	vadd.s32 v62, v41  }
0x369: {  	v61 =	vld [tilespmem:$0x1FEF0];
	[tilespmem:v58+s18+$0x0] =	vst.idx.msk $0xffff, v54  }
0x36a: {  	v4 =	vld [tilespmem:s28+$0xFFFFFCA0];
	v36 =	vadd.f32 v55, v36;
	[tilespmem:v57+s18+$0x0] =	vst.idx.msk $0xffff, v56  }
0x36b: {  	v6 =	vadd.f32 v6, v35;
	v31 =	vld [tilespmem:$0x1FF30]  }
0x36c: {  	v12 =	vld [tilespmem:$0x1FF70];
	[tilespmem:v52+s18+$0x0] =	vst.idx.msk $0xffff, v36  }
0x36d: {  	v53 =	vld [tilespmem:s28+$0xFFFFFCE0];
	[tilespmem:v59+s18+$0x0] =	vst.idx.msk $0xffff, v6  }
0x36e: {  	v16 =	vld [tilespmem:$0x1FFB0]  }
0x36f: {  	v3 =	vld [tilespmem:s28+$0xFFFFFD20];
	v5 =	vadd.s32 v61, v40  }
0x370: {  	v2 =	vld [tilespmem:s28+$0xFFFFFD60];
	v60 =	vadd.s32 v20, v42  }
0x371: {  	v55 =	vld [tilespmem:s28+$0xFFFFFDA0];
	v54 =	vadd.s32 v31, v38  }
0x372: {  	v56 =	vld [tilespmem:s28+$0x0];
	v6 =	vadd.f32 v53, v35;
	v57 =	vadd.s32 v12, v39  }
0x373: {  	v4 =	vadd.f32 v4, v35;
	v36 =	vld [tilespmem:s28+$0xFFFFFDE0];
	v52 =	vadd.s32 v16, v43  }
0x374: {  	v0 =	vadd.s32 v27, v0;
	v3 =	vadd.f32 v3, v35;
	[tilespmem:v5+s18+$0x0] =	vst.idx.msk $0xffff, v6;
	v6 =	vld [tilespmem:s28+$0xFFFFFEA0]  }
0x375: {  	v2 =	vadd.f32 v2, v35;
	[tilespmem:v60+s18+$0x0] =	vst.idx.msk $0xffff, v4;
	v4 =	vld [tilespmem:s28+$0xFFFFFE60];
	v5 =	vadd.s32 v19, v44  }
0x376: {  	v53 =	vld [tilespmem:s28+$0xFFFFFE20];
	v60 =	vadd.s32 v20, v47;
	[tilespmem:v54+s18+$0x0] =	vst.idx.msk $0xffff, v3;
	v3 =	vadd.f32 v55, v35  }
0x377: {  	v56 =	vadd.f32 v56, v33;
	v55 =	vld [tilespmem:s28+$0xFFFFFEE0];
	[tilespmem:v57+s18+$0x0] =	vst.idx.msk $0xffff, v2;
	v2 =	vadd.s32 v62, v46  }
0x378: {  	v54 =	vadd.s32 v7, v45;
	[tilespmem:v52+s18+$0x0] =	vst.idx.msk $0xffff, v3;
	v3 =	vadd.f32 v36, v35  }
0x379: {  	v58 =	vadd.s32 v61, v48;
	[tilespmem:v0+s18+$0x0] =	vst.idx.msk $0xffff, v56;
	v57 =	vld [tilespmem:s28+$0xFFFFFF20];
	v6 =	vadd.f32 v6, v35  }
0x37a: {  	v61 =	vld [tilespmem:s28+$0xFFFFFC70];
	[tilespmem:v5+s18+$0x0] =	vst.idx.msk $0xffff, v3;
	v3 =	vadd.f32 v4, v35  }
0x37b: {  	v0 =	vld [tilespmem:s28+$0xFFFFFFA0];
	v53 =	vadd.f32 v53, v35;
	[tilespmem:v60+s18+$0x0] =	vst.idx.msk $0xffff, v6;
	v4 =	vadd.s32 v31, v49  }
0x37c: {  	v5 =	vld [tilespmem:s28+$0xFFFFFC20];
	[tilespmem:v2+s18+$0x0] =	vst.idx.msk $0xffff, v3;
	v2 =	vadd.f32 v55, v35  }
0x37d: {  	v52 =	vld [tilespmem:s28+$0xFFFFFF60];
	[tilespmem:v54+s18+$0x0] =	vst.idx.msk $0xffff, v53  }
0x37e: {  	v56 =	vadd.s32 v7, v37;
	v6 =	vadd.f32 v57, v35;
	v20 =	vld [tilespmem:$0x1FE20];
	[tilespmem:v58+s18+$0x0] =	vst.idx.msk $0xffff, v2  }
0x37f: {  	v59 =	vld [tilespmem:$0x1FEC0]  }
0x380: {  	[tilespmem:v4+s18+$0x0] =	vst.idx.msk $0xffff, v6;
	v4 =	vld [tilespmem:s28+$0xFFFFFD70]  }
0x381: {  	v53 =	vadd.s32 v12, v50;
	v5 =	vadd.f32 v5, v35;
	v12 =	vld [tilespmem:$0x1FF00]  }
0x382: {  	v36 =	vld [tilespmem:s28+$0xFFFFFCF0];
	v3 =	vadd.s32 v16, v51  }
0x383: {  	v55 =	vld [tilespmem:s28+$0xFFFFFCB0];
	[tilespmem:v56+s18+$0x0] =	vst.idx.msk $0xffff, v5;
	v5 =	vadd.s32 v28, v39  }
0x384: {  	v2 =	vadd.f32 v52, v35;
	v60 =	vadd.s32 v20, v41  }
0x385: {  	v61 =	vadd.f32 v61, v34;
	v0 =	vadd.f32 v0, v35;
	v52 =	vld [tilespmem:s28+$0xFFFFFD30];
	v58 =	vadd.s32 v59, v42  }
0x386: {  	[tilespmem:v53+s18+$0x0] =	vst.idx.msk $0xffff, v2;
	v2 =	vld [tilespmem:s28+$0xFFFFFDB0];
	v4 =	vadd.f32 v4, v34;
	v6 =	vadd.s32 v12, v40  }
0x387: {  	v54 =	vld [tilespmem:s28+$0xFFFFFE30];
	v35 =	vadd.f32 v36, v34;
	v53 =	vadd.s32 v24, v38;
	[tilespmem:v3+s18+$0x0] =	vst.idx.msk $0xffff, v0  }
0x388: {  	v36 =	vadd.s32 v32, v43;
	v0 =	vld [tilespmem:s28+$0xFFFFFDF0];
	v3 =	vadd.f32 v55, v34;
	[tilespmem:v5+s18+$0x0] =	vst.idx.msk $0xffff, v4  }
0x389: {  	v56 =	vld [tilespmem:s28+$0xFFFFFEB0];
	[tilespmem:v60+s18+$0x0] =	vst.idx.msk $0xffff, v61  }
0x38a: {  	v60 =	vld [tilespmem:s28+$0xFFFFFE70];
	v61 =	vadd.s32 v23, v44;
	[tilespmem:v58+s18+$0x0] =	vst.idx.msk $0xffff, v3;
	v3 =	vadd.f32 v52, v34  }
0x38b: {  	v2 =	vadd.f32 v2, v34;
	v5 =	vld [tilespmem:s28+$0xFFFFFF70];
	[tilespmem:v6+s18+$0x0] =	vst.idx.msk $0xffff, v35;
	v6 =	vadd.s32 v8, v45  }
0x38c: {  	v35 =	vld [tilespmem:s28+$0xFFFFFEF0];
	[tilespmem:v53+s18+$0x0] =	vst.idx.msk $0xffff, v3;
	v3 =	vadd.s32 v20, v46  }
0x38d: {  	v0 =	vadd.f32 v0, v34;
	[tilespmem:v36+s18+$0x0] =	vst.idx.msk $0xffff, v2;
	v2 =	vadd.f32 v54, v34;
	v54 =	vld [tilespmem:s28+$0xFFFFFFB0]  }
0x38e: {  	v57 =	vadd.s32 v8, v37;
	v4 =	vadd.s32 v59, v47;
	v53 =	vld [tilespmem:s28+$0xFFFFFF30]  }
0x38f: {  	v36 =	vadd.s32 v12, v48;
	[tilespmem:v61+s18+$0x0] =	vst.idx.msk $0xffff, v0;
	v0 =	vadd.f32 v60, v34;
	v61 =	vld [tilespmem:s28+$0xFFFFFC30]  }
0x390: {  	v60 =	vadd.s32 v24, v49;
	[tilespmem:v6+s18+$0x0] =	vst.idx.msk $0xffff, v2;
	v2 =	vadd.f32 v56, v34;
	v56 =	vld [tilespmem:s28+$0xFFFFFC80]  }
0x391: {  	v6 =	vadd.s32 v28, v50;
	[tilespmem:v3+s18+$0x0] =	vst.idx.msk $0xffff, v0;
	v0 =	vadd.f32 v35, v34;
	v35 =	vld [tilespmem:s28+$0xFFFFFCC0]  }
0x392: {  	v37 =	vadd.s32 v9, v37;
	v55 =	vadd.s32 v11, v43;
	v3 =	vadd.s32 v32, v51;
	v52 =	vld [tilespmem:s28+$0xFFFFFE40]  }
0x393: {  	v41 =	vadd.s32 v13, v41;
	[tilespmem:v4+s18+$0x0] =	vst.idx.msk $0xffff, v2;
	v2 =	vadd.f32 v53, v34;
	v4 =	vld [tilespmem:s28+$0xFFFFFD00]  }
0x394: {  	v43 =	vadd.s32 v17, v47;
	[tilespmem:v36+s18+$0x0] =	vst.idx.msk $0xffff, v0;
	v0 =	vadd.f32 v5, v34;
	v5 =	vld [tilespmem:s28+$0xFFFFFD40]  }
0x395: {  	v59 =	vadd.s32 v17, v42;
	[tilespmem:v60+s18+$0x0] =	vst.idx.msk $0xffff, v2;
	v2 =	vadd.f32 v54, v34;
	v60 =	vld [tilespmem:s28+$0xFFFFFD80]  }
0x396: {  	v40 =	vadd.s32 v21, v40;
	[tilespmem:v6+s18+$0x0] =	vst.idx.msk $0xffff, v0;
	v0 =	vld [tilespmem:s28+$0xFFFFFDC0];
	v6 =	vadd.f32 v56, v33  }
0x397: {  	v42 =	vadd.s32 v13, v46;
	v61 =	vadd.f32 v61, v34;
	[tilespmem:v3+s18+$0x0] =	vst.idx.msk $0xffff, v2;
	v2 =	vld [tilespmem:s28+$0xFFFFFE00]  }
0x398: {  	v58 =	vadd.s32 v9, v45;
	v3 =	vadd.f32 v35, v33;
	[tilespmem:v41+s18+$0x0] =	vst.idx.msk $0xffff, v6;
	v6 =	vld [tilespmem:s28+$0xFFFFFE80]  }
0x399: {  	v47 =	vadd.s32 v25, v49;
	v53 =	vadd.s32 v25, v38;
	[tilespmem:v57+s18+$0x0] =	vst.idx.msk $0xffff, v61;
	v61 =	vld [tilespmem:s28+$0xFFFFFFC0]  }
0x39a: {  	v54 =	vadd.s32 v29, v39;
	v4 =	vadd.f32 v4, v33;
	[tilespmem:v59+s18+$0x0] =	vst.idx.msk $0xffff, v3;
	v3 =	vld [tilespmem:s28+$0xFFFFFEC0]  }
0x39b: {  	v45 =	vadd.s32 v21, v48;
	v49 =	vadd.s32 v29, v50;
	v34 =	vadd.f32 v52, v33;
	v59 =	vld [tilespmem:s28+$0xFFFFFF40]  }
0x39c: {  	s30 =	simm.s32 $0x1;
	v56 =	vadd.s32 v27, v44;
	v5 =	vadd.f32 v5, v33;
	[tilespmem:v40+s18+$0x0] =	vst.idx.msk $0xffff, v4;
	v4 =	vld [tilespmem:s28+$0xFFFFFF00]  }
0x39d: {  	s1 =	simm.s32 $0x0;
	v38 =	vmov s30;
	v35 =	vadd.s32 v11, v51;
	[tilespmem:v58+s18+$0x0] =	vst.idx.msk $0xffff, v34;
	v57 =	vadd.f32 v60, v33;
	v60 =	vld [tilespmem:s28+$0xFFFFFF80]  }
0x39e: {  	s31 =	simm.s32 $0x3;
	v52 =	vmov s1;
	v0 =	vadd.f32 v0, v33;
	[tilespmem:v53+s18+$0x0] =	vst.idx.msk $0xffff, v5;
	v5 =	vld [tilespmem:s28+$0xFFFFFC40];
	s28 =	simm.s32 $0x2;
	v2 =	vadd.f32 v2, v33  }
0x39f: {  	[tilespmem:v54+s18+$0x0] =	vst.idx.msk $0xffff, v57;
	v53 =	vmov s28;
	s28 =	simm.s32 $0x4;
	v54 =	vmov s31;
	v6 =	vadd.f32 v6, v33  }
0x3a0: {  	[tilespmem:v55+s18+$0x0] =	vst.idx.msk $0xffff, v0;
	v55 =	vmov s28;
	v58 =	vadd.f32 v61, v33;
	v53 =	vshrl.u32 v53, $0x3  }
0x3a1: {  	s30 =	simm.s32 $0x5;
	s28 =	simm.s32 $0x6;
	v39 =	vshrl.u32 v54, $0x3;
	v3 =	vadd.f32 v3, v33;
	v0 =	vadd.f32 v59, v33  }
0x3a2: {  	s31 =	simm.s32 $0x7;
	[tilespmem:v56+s18+$0x0] =	vst.idx.msk $0xffff, v2;
	v56 =	vmov s30;
	v57 =	vmov s28;
	v39 =	vshll.u32 v39, v1  }
0x3a3: {  	s28 =	simm.s32 $0x8;
	v59 =	vmov s31;
	s30 =	simm.s32 $0x9;
	s31 =	simm.s32 $0xB;
	v4 =	vadd.f32 v4, v33;
	v2 =	vadd.f32 v60, v33;
	[tilespmem:v42+s18+$0x0] =	vst.idx.msk $0xffff, v6  }
0x3a4: {  	v60 =	vmov s28;
	v6 =	vmov s30;
	v50 =	vmov s31;
	[tilespmem:v35+s18+$0x0] =	vst.idx.msk $0xffff, v58  }
0x3a5: {  	s28 =	simm.s32 $0xA;
	v54 =	vshrl.u32 v56, $0x3;
	v41 =	vshrl.u32 v59, $0x3;
	v5 =	vadd.f32 v5, v33;
	[tilespmem:v43+s18+$0x0] =	vst.idx.msk $0xffff, v3  }
0x3a6: {  	v61 =	vmov s28;
	v3 =	vshrl.u32 v52, $0x3;
	[tilespmem:v47+s18+$0x0] =	vst.idx.msk $0xffff, v0;
	v0 =	vshrl.u32 v38, $0x3  }
0x3a7: {  	s28 =	simm.s32 $0xC;
	v56 =	vshrl.u32 v60, $0x3;
	v6 =	vshrl.u32 v6, $0x3;
	v42 =	vshrl.u32 v50, $0x3;
	[tilespmem:v45+s18+$0x0] =	vst.idx.msk $0xffff, v4  }
0x3a8: {  	s30 =	simm.s32 $0xD;
	v38 =	vshll.u32 v53, v1;
	v40 =	vshll.u32 v54, v1;
	v51 =	vmov s28;
	[tilespmem:v49+s18+$0x0] =	vst.idx.msk $0xffff, v2  }
0x3a9: {  	s31 =	simm.s32 $0xF;
	v4 =	vmov s30;
	v3 =	vshll.u32 v3, v1;
	v2 =	vshrl.u32 v55, $0x3;
	[tilespmem:v37+s18+$0x0] =	vst.idx.msk $0xffff, v5  }
0x3aa: {  	v55 =	vshrl.u32 v57, $0x3;
	v0 =	vshll.u32 v0, v1;
	v57 =	vmov s31;
	v36 =	vld [tilespmem:s24+$0x64C0]  }
0x3ab: {  	v45 =	vshll.u32 v41, v1;
	v46 =	vshll.u32 v56, v1;
	v6 =	vshll.u32 v6, v1;
	v35 =	vld [tilespmem:s24+$0x64D0]  }
0x3ac: {  	s28 =	simm.s32 $0xE;
	v53 =	vshll.u32 v42, v1;
	v49 =	vbroadcast v39, $0x0;
	v58 =	vshrl.u32 v57, $0x3;
	v34 =	vld [tilespmem:s24+$0x64E0]  }
0x3ad: {  	v52 =	vmov s28;
	v37 =	vbroadcast v3, $0x0;
	v33 =	vld [tilespmem:s24+$0x64F0];
	s24 =	simm.s32 $0xF9F0;
	v59 =	vshll.u32 v58, v1  }
0x3ae: {  	v3 =	vshrl.u32 v4, $0x3;
	v4 =	vshrl.u32 v52, $0x3;
	v60 =	vld [tilespmem:s24+$0xFFFFFFD0];
	v52 =	vbroadcast v59, $0x0  }
0x3af: {  	v44 =	vbroadcast v40, $0x0;
	v5 =	vshrl.u32 v61, $0x3;
	v43 =	vshrl.u32 v51, $0x3;
	v61 =	vld [tilespmem:s24+$0xFFFFFC10]  }
0x3b0: {  	v50 =	vbroadcast v0, $0x0;
	v0 =	vshll.u32 v43, v1;
	v42 =	vld [tilespmem:s24+$0xFFFFFC50];
	v43 =	vadd.s32 v15, v52  }
0x3b1: {  	v48 =	vshll.u32 v55, v1;
	v51 =	vbroadcast v38, $0x0;
	v54 =	vadd.s32 v63, v37;
	v55 =	vld [tilespmem:s24+$0xFFFFFC90]  }
0x3b2: {  	v2 =	vshll.u32 v2, v1;
	v5 =	vshll.u32 v5, v1;
	v38 =	vadd.s32 v10, v50;
	v56 =	vld [tilespmem:s24+$0xFFFFFCD0]  }
0x3b3: {  	v47 =	vbroadcast v2, $0x0;
	v39 =	vadd.s32 v14, v51;
	v57 =	vld [tilespmem:s24+$0xFFFFFD10];
	v2 =	vadd.f32 v60, v36  }
0x3b4: {  	v3 =	vshll.u32 v3, v1;
	v59 =	vadd.s32 v18, v49;
	v58 =	vadd.f32 v61, v36;
	v60 =	vld [tilespmem:s24+$0xFFFFFD50]  }
0x3b5: {  	v41 =	vbroadcast v48, $0x0;
	v40 =	vadd.f32 v42, v36;
	v42 =	vadd.s32 v22, v47;
	v61 =	vld [tilespmem:s24+$0xFFFFFD90];
	[tilespmem:v43+s19+$0x0] =	vst.idx.msk $0xffff, v2  }
0x3b6: {  	[tilespmem:v54+s19+$0x0] =	vst.idx.msk $0xffff, v58;
	v2 =	vadd.f32 v55, v36;
	v43 =	vadd.s32 v26, v44;
	v54 =	vld [tilespmem:s24+$0xFFFFFFE0]  }
0x3b7: {  	v48 =	vbroadcast v45, $0x0;
	[tilespmem:v38+s19+$0x0] =	vst.idx.msk $0xffff, v40;
	v38 =	vadd.f32 v56, v36;
	v40 =	vadd.s32 v30, v41;
	v55 =	vld [tilespmem:s24+$0xFFFFFDD0]  }
0x3b8: {  	v45 =	vbroadcast v46, $0x0;
	v56 =	vld [tilespmem:s24+$0xFFFFFE10];
	[tilespmem:v39+s19+$0x0] =	vst.idx.msk $0xffff, v2;
	v2 =	vadd.f32 v57, v36;
	v57 =	vadd.s32 v19, v52  }
0x3b9: {  	v46 =	vbroadcast v6, $0x0;
	v58 =	vadd.s32 v15, v48;
	[tilespmem:v59+s19+$0x0] =	vst.idx.msk $0xffff, v38;
	v59 =	vld [tilespmem:s24+$0xFFFFFE50];
	v38 =	vadd.f32 v60, v36  }
0x3ba: {  	v6 =	vadd.s32 v63, v45;
	v60 =	vld [tilespmem:s24+$0xFFFFFE90];
	[tilespmem:v42+s19+$0x0] =	vst.idx.msk $0xffff, v2;
	v2 =	vadd.f32 v61, v36;
	v42 =	vbroadcast v5, $0x0  }
0x3bb: {  	v39 =	vbroadcast v53, $0x0;
	v5 =	vadd.s32 v10, v46;
	v61 =	vld [tilespmem:s24+$0xFFFFFED0];
	[tilespmem:v43+s19+$0x0] =	vst.idx.msk $0xffff, v38;
	v43 =	vadd.f32 v54, v35  }
0x3bc: {  	[tilespmem:v40+s19+$0x0] =	vst.idx.msk $0xffff, v2;
	v2 =	vadd.f32 v55, v36;
	v53 =	vadd.s32 v14, v42;
	v54 =	vld [tilespmem:s24+$0xFFFFFF10];
	v40 =	vbroadcast v0, $0x0  }
0x3bd: {  	v38 =	vbroadcast v3, $0x0;
	v0 =	vadd.f32 v56, v36;
	v55 =	vadd.s32 v18, v39;
	v56 =	vld [tilespmem:s24+$0xFFFFFF50];
	[tilespmem:v57+s19+$0x0] =	vst.idx.msk $0xffff, v43  }
0x3be: {  	[tilespmem:v58+s19+$0x0] =	vst.idx.msk $0xffff, v2;
	v2 =	vadd.f32 v59, v36;
	v3 =	vadd.s32 v22, v40;
	v57 =	vld [tilespmem:s24+$0xFFFFFFF0]  }
0x3bf: {  	[tilespmem:v6+s19+$0x0] =	vst.idx.msk $0xffff, v0;
	v0 =	vadd.f32 v60, v36;
	v6 =	vadd.s32 v26, v38  }
0x3c0: {  	v12 =	vadd.s32 v23, v52;
	[tilespmem:v5+s19+$0x0] =	vst.idx.msk $0xffff, v2;
	v2 =	vadd.f32 v61, v36  }
0x3c1: {  	v59 =	vld [tilespmem:s24+$0xFFFFFCA0];
	[tilespmem:v53+s19+$0x0] =	vst.idx.msk $0xffff, v0;
	v0 =	vadd.f32 v54, v36  }
0x3c2: {  	v58 =	vld [tilespmem:s24+$0xFFFFFF90];
	[tilespmem:v55+s19+$0x0] =	vst.idx.msk $0xffff, v2;
	v2 =	vadd.f32 v56, v36  }
0x3c3: {  	v4 =	vshll.u32 v4, v1;
	v5 =	vld [tilespmem:$0x1FEB0];
	[tilespmem:v3+s19+$0x0] =	vst.idx.msk $0xffff, v0;
	v0 =	vadd.f32 v57, v34  }
0x3c4: {  	v43 =	vbroadcast v4, $0x0;
	v61 =	vld [tilespmem:$0x1FEF0];
	[tilespmem:v6+s19+$0x0] =	vst.idx.msk $0xffff, v2  }
0x3c5: {  	v4 =	vld [tilespmem:s24+$0xFFFFFC60];
	[tilespmem:v12+s19+$0x0] =	vst.idx.msk $0xffff, v0  }
0x3c6: {  	v53 =	vadd.s32 v30, v43;
	v0 =	vadd.f32 v59, v35;
	v59 =	vld [tilespmem:$0x1FF70]  }
0x3c7: {  	v60 =	vld [tilespmem:s24+$0xFFFFFCE0];
	v54 =	vadd.s32 v62, v50  }
0x3c8: {  	v56 =	vld [tilespmem:s24+$0xFFFFFD20];
	v55 =	vadd.s32 v5, v51  }
0x3c9: {  	v57 =	vld [tilespmem:s24+$0xFFFFFD60];
	v2 =	vadd.f32 v58, v36;
	v3 =	vadd.s32 v61, v49  }
0x3ca: {  	v4 =	vadd.f32 v4, v35;
	v6 =	vadd.s32 v31, v47;
	v58 =	vld [tilespmem:s24+$0xFFFFFDA0]  }
0x3cb: {  	[tilespmem:v53+s19+$0x0] =	vst.idx.msk $0xffff, v2;
	v2 =	vld [tilespmem:s24+$0x0];
	v12 =	vadd.s32 v59, v44  }
0x3cc: {  	[tilespmem:v54+s19+$0x0] =	vst.idx.msk $0xffff, v4;
	v4 =	vadd.f32 v60, v35;
	v53 =	vadd.s32 v16, v41;
	v54 =	vld [tilespmem:s24+$0xFFFFFDE0]  }
0x3cd: {  	v52 =	vadd.s32 v27, v52;
	v60 =	vld [tilespmem:s24+$0xFFFFFE20];
	[tilespmem:v55+s19+$0x0] =	vst.idx.msk $0xffff, v0;
	v0 =	vadd.f32 v56, v35  }
0x3ce: {  	v56 =	vld [tilespmem:s24+$0xFFFFFE60];
	[tilespmem:v3+s19+$0x0] =	vst.idx.msk $0xffff, v4;
	v3 =	vadd.f32 v57, v35;
	v4 =	vadd.s32 v19, v48  }
0x3cf: {  	v57 =	vld [tilespmem:s24+$0xFFFFFEA0];
	[tilespmem:v6+s19+$0x0] =	vst.idx.msk $0xffff, v0;
	v0 =	vadd.f32 v58, v35;
	v6 =	vadd.s32 v7, v45  }
0x3d0: {  	v2 =	vadd.f32 v2, v33;
	[tilespmem:v12+s19+$0x0] =	vst.idx.msk $0xffff, v3;
	v3 =	vadd.s32 v62, v46;
	v12 =	vld [tilespmem:s24+$0xFFFFFEE0]  }
0x3d1: {  	[tilespmem:v53+s19+$0x0] =	vst.idx.msk $0xffff, v0;
	v0 =	vadd.f32 v54, v35;
	v53 =	vadd.s32 v5, v42;
	v54 =	vld [tilespmem:s24+$0xFFFFFF20]  }
0x3d2: {  	v55 =	vadd.f32 v60, v35;
	[tilespmem:v52+s19+$0x0] =	vst.idx.msk $0xffff, v2;
	v58 =	vadd.s32 v61, v39  }
0x3d3: {  	v2 =	vadd.s32 v31, v40;
	[tilespmem:v4+s19+$0x0] =	vst.idx.msk $0xffff, v0;
	v0 =	vadd.f32 v56, v35  }
0x3d4: {  	v60 =	vld [tilespmem:s24+$0xFFFFFF60];
	[tilespmem:v6+s19+$0x0] =	vst.idx.msk $0xffff, v55;
	v6 =	vadd.f32 v57, v35  }
0x3d5: {  	v61 =	vld [tilespmem:s24+$0xFFFFFC20];
	[tilespmem:v3+s19+$0x0] =	vst.idx.msk $0xffff, v0;
	v0 =	vadd.f32 v12, v35  }
0x3d6: {  	v4 =	vld [tilespmem:s24+$0xFFFFFFA0];
	[tilespmem:v53+s19+$0x0] =	vst.idx.msk $0xffff, v6;
	v6 =	vadd.f32 v54, v35  }
0x3d7: {  	v62 =	vld [tilespmem:s24+$0xFFFFFC70];
	v55 =	vadd.s32 v59, v38;
	[tilespmem:v58+s19+$0x0] =	vst.idx.msk $0xffff, v0  }
0x3d8: {  	v3 =	vadd.s32 v16, v43;
	v16 =	vld [tilespmem:$0x1FEC0];
	[tilespmem:v2+s19+$0x0] =	vst.idx.msk $0xffff, v6  }
0x3d9: {  	v5 =	vadd.s32 v7, v37;
	v56 =	vadd.s32 v8, v37;
	v12 =	vld [tilespmem:$0x1FF00]  }
0x3da: {  	v37 =	vadd.s32 v9, v37;
	v57 =	vld [tilespmem:s24+$0xFFFFFCB0];
	v53 =	vadd.s32 v20, v50;
	v0 =	vadd.f32 v60, v35  }
0x3db: {  	v59 =	vld [tilespmem:s24+$0xFFFFFD30];
	v50 =	vadd.s32 v13, v50;
	v2 =	vadd.f32 v4, v35;
	v4 =	vadd.f32 v61, v35  }
0x3dc: {  	v54 =	vld [tilespmem:s24+$0xFFFFFCF0];
	[tilespmem:v55+s19+$0x0] =	vst.idx.msk $0xffff, v0;
	v0 =	vadd.f32 v62, v34;
	v62 =	vadd.s32 v24, v47  }
0x3dd: {  	v60 =	vld [tilespmem:s24+$0xFFFFFDB0];
	v55 =	vadd.s32 v32, v43;
	v47 =	vadd.s32 v25, v47;
	v58 =	vadd.s32 v16, v51  }
0x3de: {  	v61 =	vld [tilespmem:s24+$0xFFFFFD70];
	v43 =	vadd.s32 v11, v43;
	[tilespmem:v3+s19+$0x0] =	vst.idx.msk $0xffff, v2;
	v6 =	vadd.s32 v12, v49  }
0x3df: {  	[tilespmem:v5+s19+$0x0] =	vst.idx.msk $0xffff, v4;
	v2 =	vadd.f32 v57, v34;
	v3 =	vadd.s32 v28, v44;
	v4 =	vld [tilespmem:s24+$0xFFFFFDF0]  }
0x3e0: {  	v5 =	vadd.s32 v32, v41;
	v57 =	vld [tilespmem:s24+$0xFFFFFE70];
	v44 =	vadd.s32 v29, v44;
	[tilespmem:v53+s19+$0x0] =	vst.idx.msk $0xffff, v0  }
0x3e1: {  	v41 =	vadd.s32 v11, v41;
	v0 =	vadd.f32 v54, v34;
	v54 =	vadd.s32 v23, v48;
	v52 =	vld [tilespmem:s24+$0xFFFFFC80]  }
0x3e2: {  	v53 =	vld [tilespmem:s24+$0xFFFFFE30];
	v48 =	vadd.s32 v27, v48;
	[tilespmem:v58+s19+$0x0] =	vst.idx.msk $0xffff, v2;
	v2 =	vadd.f32 v59, v34  }
0x3e3: {  	v49 =	vadd.s32 v21, v49;
	v58 =	vld [tilespmem:s24+$0xFFFFFC30];
	[tilespmem:v6+s19+$0x0] =	vst.idx.msk $0xffff, v0;
	v0 =	vadd.f32 v61, v34  }
0x3e4: {  	v6 =	vadd.s32 v8, v45;
	v61 =	vld [tilespmem:s24+$0xFFFFFEB0];
	[tilespmem:v62+s19+$0x0] =	vst.idx.msk $0xffff, v2;
	v2 =	vadd.f32 v60, v34  }
0x3e5: {  	v62 =	vadd.s32 v20, v46;
	v60 =	vld [tilespmem:s24+$0xFFFFFEF0];
	[tilespmem:v3+s19+$0x0] =	vst.idx.msk $0xffff, v0;
	v0 =	vadd.f32 v4, v34  }
0x3e6: {  	v52 =	vadd.f32 v52, v33;
	v3 =	vld [tilespmem:s24+$0xFFFFFF30];
	[tilespmem:v5+s19+$0x0] =	vst.idx.msk $0xffff, v2;
	v5 =	vadd.s32 v16, v42  }
0x3e7: {  	v4 =	vld [tilespmem:s24+$0xFFFFFF70];
	v2 =	vadd.f32 v53, v34;
	[tilespmem:v54+s19+$0x0] =	vst.idx.msk $0xffff, v0;
	v54 =	vadd.s32 v12, v39  }
0x3e8: {  	[tilespmem:v50+s19+$0x0] =	vst.idx.msk $0xffff, v52;
	v53 =	vld [tilespmem:s24+$0xFFFFFFB0];
	v0 =	vadd.f32 v57, v34;
	v57 =	vadd.s32 v24, v40  }
0x3e9: {  	v59 =	vld [tilespmem:s24+$0xFFFFFCC0];
	[tilespmem:v6+s19+$0x0] =	vst.idx.msk $0xffff, v2;
	v2 =	vadd.f32 v61, v34;
	v6 =	vadd.s32 v28, v38  }
0x3ea: {  	v45 =	vadd.s32 v9, v45;
	[tilespmem:v62+s19+$0x0] =	vst.idx.msk $0xffff, v0;
	v0 =	vadd.f32 v60, v34;
	v60 =	vld [tilespmem:s24+$0xFFFFFD00]  }
0x3eb: {  	v46 =	vadd.s32 v13, v46;
	v62 =	vld [tilespmem:s24+$0xFFFFFE40];
	v3 =	vadd.f32 v3, v34;
	[tilespmem:v5+s19+$0x0] =	vst.idx.msk $0xffff, v2  }
0x3ec: {  	s30 =	simm.s32 $0x10;
	v4 =	vadd.f32 v4, v34;
	v5 =	vadd.s32 v17, v51;
	v51 =	vld [tilespmem:s24+$0xFFFFFD40];
	[tilespmem:v54+s19+$0x0] =	vst.idx.msk $0xffff, v0  }
0x3ed: {  	v42 =	vadd.s32 v17, v42;
	v2 =	vmov s30;
	v53 =	vadd.f32 v53, v34;
	v54 =	vld [tilespmem:s24+$0xFFFFFD80];
	[tilespmem:v57+s19+$0x0] =	vst.idx.msk $0xffff, v3  }
0x3ee: {  	v39 =	vadd.s32 v21, v39;
	v0 =	vshrl.u32 v2, $0x3;
	v2 =	vadd.f32 v58, v34;
	v57 =	vld [tilespmem:s24+$0xFFFFFDC0];
	[tilespmem:v6+s19+$0x0] =	vst.idx.msk $0xffff, v4  }
0x3ef: {  	v40 =	vadd.s32 v25, v40;
	v58 =	vld [tilespmem:s24+$0xFFFFFE00];
	v6 =	vadd.f32 v59, v33;
	[tilespmem:v55+s19+$0x0] =	vst.idx.msk $0xffff, v53  }
0x3f0: {  	s31 =	simm.s32 $0x11;
	v38 =	vadd.s32 v29, v38;
	s30 =	simm.s32 $0x12;
	v61 =	vadd.f32 v60, v33;
	[tilespmem:v56+s19+$0x0] =	vst.idx.msk $0xffff, v2;
	v56 =	vld [tilespmem:s24+$0xFFFFFE80]  }
0x3f1: {  	v3 =	vmov s31;
	s31 =	simm.s32 $0x13;
	v4 =	vmov s30;
	v59 =	vld [tilespmem:s24+$0xFFFFFF80];
	v51 =	vadd.f32 v51, v33;
	[tilespmem:v5+s19+$0x0] =	vst.idx.msk $0xffff, v6  }
0x3f2: {  	v53 =	vmov s31;
	s30 =	simm.s32 $0x14;
	s31 =	simm.s32 $0x15;
	v0 =	vshll.u32 v0, v1;
	v50 =	vld [tilespmem:s24+$0xFFFFFFC0];
	[tilespmem:v49+s19+$0x0] =	vst.idx.msk $0xffff, v61;
	v60 =	vadd.f32 v54, v33  }
0x3f3: {  	v2 =	vmov s30;
	v52 =	vmov s31;
	s30 =	simm.s32 $0x16;
	s31 =	simm.s32 $0x17;
	v6 =	vadd.f32 v57, v33;
	[tilespmem:v47+s19+$0x0] =	vst.idx.msk $0xffff, v51  }
0x3f4: {  	v55 =	vmov s31;
	s31 =	simm.s32 $0x19;
	v5 =	vmov s30;
	s30 =	simm.s32 $0x18;
	v54 =	vld [tilespmem:s24+$0xFFFFFEC0];
	v49 =	vadd.f32 v58, v33;
	[tilespmem:v44+s19+$0x0] =	vst.idx.msk $0xffff, v60  }
0x3f5: {  	v57 =	vld [tilespmem:s24+$0xFFFFFF00];
	v47 =	vmov s30;
	v51 =	vadd.f32 v62, v33;
	s30 =	simm.s32 $0x1A;
	v60 =	vmov s31;
	[tilespmem:v41+s19+$0x0] =	vst.idx.msk $0xffff, v6  }
0x3f6: {  	v58 =	vld [tilespmem:s24+$0xFFFFFF40];
	v61 =	vadd.f32 v56, v33;
	v6 =	vmov s30;
	[tilespmem:v48+s19+$0x0] =	vst.idx.msk $0xffff, v49;
	v62 =	vadd.f32 v59, v33  }
0x3f7: {  	s31 =	simm.s32 $0x1B;
	v41 =	vld [tilespmem:s24+$0xFFFFFC40];
	v44 =	vshrl.u32 v3, $0x3;
	v3 =	vadd.f32 v50, v33;
	v50 =	vshrl.u32 v4, $0x3;
	[tilespmem:v45+s19+$0x0] =	vst.idx.msk $0xffff, v51  }
0x3f8: {  	s28 =	simm.s32 $0x1E;
	v47 =	vshrl.u32 v47, $0x3;
	v56 =	vmov s31;
	v45 =	vshrl.u32 v53, $0x3;
	[tilespmem:v46+s19+$0x0] =	vst.idx.msk $0xffff, v61  }
0x3f9: {  	v51 =	vshrl.u32 v2, $0x3;
	v61 =	vmov s28;
	[tilespmem:v38+s19+$0x0] =	vst.idx.msk $0xffff, v62;
	v54 =	vadd.f32 v54, v33  }
0x3fa: {  	s30 =	simm.s32 $0x1C;
	v46 =	vshrl.u32 v55, $0x3;
	v38 =	vshrl.u32 v60, $0x3;
	[tilespmem:v43+s19+$0x0] =	vst.idx.msk $0xffff, v3;
	v48 =	vadd.f32 v57, v33  }
0x3fb: {  	s31 =	simm.s32 $0x1D;
	v43 =	vshrl.u32 v56, $0x3;
	v57 =	vmov s30;
	v49 =	vadd.f32 v58, v33;
	[tilespmem:v42+s19+$0x0] =	vst.idx.msk $0xffff, v54  }
0x3fc: {  	v58 =	vmov s31;
	[tilespmem:v39+s19+$0x0] =	vst.idx.msk $0xffff, v48;
	v4 =	vadd.f32 v41, v33;
	v48 =	vshrl.u32 v52, $0x3  }
0x3fd: {  	[tilespmem:v40+s19+$0x0] =	vst.idx.msk $0xffff, v49;
	v49 =	vshrl.u32 v5, $0x3;
	v42 =	vshrl.u32 v6, $0x3;
	v41 =	vshrl.u32 v57, $0x3  }
0x3fe: {  	s29 =	simm.s32 $0x1F;
	s28 =	simm.s32 $0x20;
	v39 =	vshrl.u32 v58, $0x3;
	v40 =	vshrl.u32 v61, $0x3;
	[tilespmem:v37+s19+$0x0] =	vst.idx.msk $0xffff, v4;
	v37 =	vbroadcast v0, $0x0  }
.LBB2_11:
0x3ff: {  	v31 =	vld [tilespmem:$0x1FEF0]  }
0x400: {  	v0 =	vshll.u32 v44, v1;
	v12 =	vld [tilespmem:$0x1FF30]  }
0x401: {  	v2 =	vshll.u32 v50, v1;
	v3 =	vmov s29;
	v4 =	vshll.u32 v45, v1;
	v16 =	vld [tilespmem:$0x1FF70]  }
0x402: {  	v5 =	vshll.u32 v51, v1;
	v6 =	vshll.u32 v48, v1;
	s24 =	sadd.s32 $0x400, s24;
	v20 =	vld [tilespmem:$0x1FFB0];
	v3 =	vshrl.u32 v3, $0x3  }
0x403: {  	v54 =	vshll.u32 v43, v1;
	v43 =	vld [tilespmem:s24+$0xFFFFFC50];
	v50 =	vbroadcast v0, $0x0;
	v3 =	vshll.u32 v3, v1  }
0x404: {  	v44 =	vshll.u32 v49, v1;
	v45 =	vshll.u32 v46, v1;
	v61 =	vld [tilespmem:s24+$0xFFFFFFD0];
	v52 =	vbroadcast v3, $0x0  }
0x405: {  	v46 =	vshll.u32 v47, v1;
	v38 =	vshll.u32 v38, v1;
	v3 =	vld [tilespmem:s24+$0xFFFFFC10];
	v57 =	vadd.s32 v10, v50  }
0x406: {  	v53 =	vshll.u32 v42, v1;
	v0 =	vshll.u32 v41, v1;
	v56 =	vld [tilespmem:s24+$0xFFFFFC90];
	v41 =	vadd.s32 v15, v52  }
0x407: {  	v55 =	vadd.s32 v63, v37;
	v51 =	vbroadcast v2, $0x0;
	v58 =	vld [tilespmem:s24+$0xFFFFFCD0];
	v49 =	vbroadcast v4, $0x0  }
0x408: {  	v4 =	vshll.u32 v40, v1;
	v59 =	vld [tilespmem:s24+$0xFFFFFD10];
	v42 =	vbroadcast v6, $0x0;
	v6 =	vadd.f32 v43, v36  }
0x409: {  	v47 =	vbroadcast v5, $0x0;
	v62 =	vld [tilespmem:s24+$0xFFFFFD90];
	v40 =	vadd.s32 v14, v51;
	v5 =	vadd.f32 v61, v36  }
0x40a: {  	v60 =	vadd.s32 v18, v49;
	v61 =	vld [tilespmem:s24+$0xFFFFFD50];
	v3 =	vadd.f32 v3, v36;
	[tilespmem:v57+s19+$0x0] =	vst.idx.msk $0xffff, v6  }
0x40b: {  	v2 =	vshll.u32 v39, v1;
	v39 =	vbroadcast v44, $0x0;
	v43 =	vadd.s32 v22, v47;
	v57 =	vld [tilespmem:s24+$0xFFFFFE10];
	[tilespmem:v41+s19+$0x0] =	vst.idx.msk $0xffff, v5  }
0x40c: {  	[tilespmem:v55+s19+$0x0] =	vst.idx.msk $0xffff, v3;
	v3 =	vadd.f32 v56, v36;
	v5 =	vadd.s32 v26, v42;
	v41 =	vld [tilespmem:s24+$0xFFFFFFE0]  }
0x40d: {  	v44 =	vbroadcast v46, $0x0;
	v6 =	vadd.f32 v58, v36;
	v55 =	vadd.s32 v30, v39;
	v56 =	vld [tilespmem:s24+$0xFFFFFDD0]  }
0x40e: {  	v48 =	vbroadcast v45, $0x0;
	v46 =	vadd.s32 v19, v52;
	[tilespmem:v40+s19+$0x0] =	vst.idx.msk $0xffff, v3;
	v3 =	vadd.f32 v59, v36;
	v59 =	vld [tilespmem:s24+$0xFFFFFE50]  }
0x40f: {  	v45 =	vbroadcast v38, $0x0;
	[tilespmem:v60+s19+$0x0] =	vst.idx.msk $0xffff, v6;
	v60 =	vadd.s32 v63, v44;
	v6 =	vadd.f32 v61, v36;
	v61 =	vld [tilespmem:s24+$0xFFFFFE90]  }
0x410: {  	v58 =	vadd.s32 v15, v48;
	[tilespmem:v43+s19+$0x0] =	vst.idx.msk $0xffff, v3;
	v3 =	vadd.f32 v62, v36;
	v43 =	vbroadcast v53, $0x0;
	v62 =	vld [tilespmem:s24+$0xFFFFFF10]  }
0x411: {  	v40 =	vbroadcast v54, $0x0;
	[tilespmem:v5+s19+$0x0] =	vst.idx.msk $0xffff, v6;
	v5 =	vadd.s32 v10, v45;
	v6 =	vld [tilespmem:s24+$0xFFFFFED0];
	v53 =	vadd.f32 v41, v35  }
0x412: {  	[tilespmem:v55+s19+$0x0] =	vst.idx.msk $0xffff, v3;
	v54 =	vadd.s32 v14, v43;
	v41 =	vbroadcast v0, $0x0;
	v0 =	vadd.f32 v57, v36;
	v57 =	vld [tilespmem:s24+$0xFFFFFF50]  }
0x413: {  	v38 =	vbroadcast v2, $0x0;
	v3 =	vadd.f32 v56, v36;
	v2 =	vadd.f32 v59, v36;
	v59 =	vld [tilespmem:s24+$0xFFFFFF90];
	[tilespmem:v46+s19+$0x0] =	vst.idx.msk $0xffff, v53  }
0x414: {  	v56 =	vadd.s32 v18, v40;
	[tilespmem:v60+s19+$0x0] =	vst.idx.msk $0xffff, v0;
	v0 =	vadd.f32 v61, v36;
	v61 =	vld [tilespmem:$0x1FE10]  }
0x415: {  	[tilespmem:v58+s19+$0x0] =	vst.idx.msk $0xffff, v3;
	v3 =	vadd.s32 v22, v41;
	v53 =	vld [tilespmem:s24+$0xFFFFFFF0]  }
0x416: {  	v58 =	vadd.s32 v26, v38;
	v46 =	vbroadcast v4, $0x0;
	v4 =	vld [tilespmem:s24+$0xFFFFFC60];
	[tilespmem:v5+s19+$0x0] =	vst.idx.msk $0xffff, v2;
	v2 =	vadd.f32 v6, v36  }
0x417: {  	v5 =	vadd.s32 v23, v52;
	[tilespmem:v54+s19+$0x0] =	vst.idx.msk $0xffff, v0;
	v0 =	vadd.f32 v62, v36;
	v62 =	vld [tilespmem:$0x1FEB0]  }
0x418: {  	v60 =	vld [tilespmem:s24+$0xFFFFFCE0];
	v54 =	vadd.s32 v30, v46  }
0x419: {  	v6 =	vld [tilespmem:s24+$0xFFFFFCA0];
	[tilespmem:v56+s19+$0x0] =	vst.idx.msk $0xffff, v2;
	v2 =	vadd.f32 v57, v36;
	v55 =	vadd.s32 v61, v50  }
0x41a: {  	v57 =	vld [tilespmem:s24+$0xFFFFFD20];
	[tilespmem:v3+s19+$0x0] =	vst.idx.msk $0xffff, v0;
	v0 =	vadd.f32 v53, v34  }
0x41b: {  	v3 =	vadd.s32 v31, v49;
	v53 =	vld [tilespmem:s24+$0xFFFFFD60];
	[tilespmem:v58+s19+$0x0] =	vst.idx.msk $0xffff, v2;
	v2 =	vadd.f32 v59, v36  }
0x41c: {  	v4 =	vadd.f32 v4, v35;
	v59 =	vld [tilespmem:s24+$0xFFFFFDA0];
	v56 =	vadd.s32 v62, v51;
	[tilespmem:v5+s19+$0x0] =	vst.idx.msk $0xffff, v0  }
0x41d: {  	v5 =	vadd.s32 v16, v42;
	[tilespmem:v54+s19+$0x0] =	vst.idx.msk $0xffff, v2;
	v2 =	vld [tilespmem:s24+$0x0]  }
0x41e: {  	v58 =	vadd.s32 v12, v47;
	[tilespmem:v55+s19+$0x0] =	vst.idx.msk $0xffff, v4;
	v4 =	vadd.f32 v60, v35;
	v60 =	vld [tilespmem:s24+$0xFFFFFE20]  }
0x41f: {  	v52 =	vadd.s32 v27, v52;
	v0 =	vadd.f32 v6, v35;
	v54 =	vld [tilespmem:s24+$0xFFFFFDE0]  }
0x420: {  	v6 =	vadd.s32 v20, v39;
	[tilespmem:v3+s19+$0x0] =	vst.idx.msk $0xffff, v4;
	v3 =	vadd.f32 v53, v35;
	v53 =	vld [tilespmem:s24+$0xFFFFFE60]  }
0x421: {  	[tilespmem:v56+s19+$0x0] =	vst.idx.msk $0xffff, v0;
	v0 =	vadd.f32 v57, v35;
	v56 =	vadd.s32 v7, v44;
	v57 =	vld [tilespmem:s24+$0xFFFFFEA0]  }
0x422: {  	v4 =	vadd.s32 v19, v48;
	[tilespmem:v5+s19+$0x0] =	vst.idx.msk $0xffff, v3;
	v5 =	vld [tilespmem:s24+$0xFFFFFEE0];
	v2 =	vadd.f32 v2, v33  }
0x423: {  	[tilespmem:v58+s19+$0x0] =	vst.idx.msk $0xffff, v0;
	v0 =	vadd.f32 v59, v35;
	v55 =	vadd.f32 v60, v35;
	v60 =	vld [tilespmem:s24+$0xFFFFFF60]  }
0x424: {  	v3 =	vadd.s32 v61, v45;
	[tilespmem:v52+s19+$0x0] =	vst.idx.msk $0xffff, v2;
	v52 =	vld [tilespmem:s24+$0xFFFFFC20]  }
0x425: {  	v2 =	vadd.s32 v12, v41;
	v12 =	vld [tilespmem:$0x1FE20];
	[tilespmem:v6+s19+$0x0] =	vst.idx.msk $0xffff, v0;
	v0 =	vadd.f32 v54, v35  }
0x426: {  	v58 =	vadd.s32 v31, v40;
	v6 =	vadd.s32 v62, v43;
	v54 =	vld [tilespmem:s24+$0xFFFFFF20];
	[tilespmem:v56+s19+$0x0] =	vst.idx.msk $0xffff, v55  }
0x427: {  	v55 =	vadd.s32 v16, v38;
	v16 =	vld [tilespmem:$0x1FEC0];
	[tilespmem:v4+s19+$0x0] =	vst.idx.msk $0xffff, v0;
	v0 =	vadd.f32 v53, v35  }
0x428: {  	v4 =	vld [tilespmem:s24+$0xFFFFFFA0]  }
0x429: {  	v62 =	vld [tilespmem:s24+$0xFFFFFC70];
	v61 =	vadd.f32 v57, v35;
	v56 =	vadd.s32 v8, v37;
	[tilespmem:v3+s19+$0x0] =	vst.idx.msk $0xffff, v0  }
0x42a: {  	v57 =	vld [tilespmem:s24+$0xFFFFFCB0];
	v0 =	vadd.f32 v5, v35;
	v3 =	vadd.s32 v20, v46;
	v5 =	vadd.s32 v7, v37  }
0x42b: {  	v53 =	vadd.s32 v12, v50;
	v20 =	vld [tilespmem:$0x1FF00];
	[tilespmem:v6+s19+$0x0] =	vst.idx.msk $0xffff, v61;
	v6 =	vadd.f32 v54, v35  }
0x42c: {  	v37 =	vadd.s32 v9, v37;
	[tilespmem:v58+s19+$0x0] =	vst.idx.msk $0xffff, v0;
	v0 =	vadd.f32 v60, v35  }
0x42d: {  	v58 =	vadd.s32 v16, v51;
	v60 =	vld [tilespmem:s24+$0xFFFFFD30];
	[tilespmem:v2+s19+$0x0] =	vst.idx.msk $0xffff, v6;
	v2 =	vadd.f32 v4, v35  }
0x42e: {  	v54 =	vld [tilespmem:s24+$0xFFFFFCF0];
	v4 =	vadd.f32 v52, v35;
	[tilespmem:v55+s19+$0x0] =	vst.idx.msk $0xffff, v0;
	v0 =	vadd.f32 v62, v34  }
0x42f: {  	v55 =	vadd.s32 v24, v47;
	v62 =	vld [tilespmem:s24+$0xFFFFFDB0];
	v47 =	vadd.s32 v25, v47;
	[tilespmem:v3+s19+$0x0] =	vst.idx.msk $0xffff, v2  }
0x430: {  	v61 =	vld [tilespmem:s24+$0xFFFFFD70];
	v6 =	vadd.s32 v20, v49;
	[tilespmem:v5+s19+$0x0] =	vst.idx.msk $0xffff, v4;
	v2 =	vadd.f32 v57, v34  }
0x431: {  	v3 =	vadd.s32 v28, v42;
	v5 =	vadd.s32 v32, v39;
	v49 =	vadd.s32 v21, v49  }
0x432: {  	v4 =	vld [tilespmem:s24+$0xFFFFFDF0];
	v42 =	vadd.s32 v29, v42;
	[tilespmem:v58+s19+$0x0] =	vst.idx.msk $0xffff, v2;
	v2 =	vadd.f32 v60, v34  }
0x433: {  	[tilespmem:v53+s19+$0x0] =	vst.idx.msk $0xffff, v0;
	v0 =	vadd.f32 v54, v34;
	v53 =	vld [tilespmem:s24+$0xFFFFFE30];
	v54 =	vadd.s32 v23, v48  }
0x434: {  	v48 =	vadd.s32 v27, v48;
	v60 =	vld [tilespmem:s24+$0xFFFFFE70];
	[tilespmem:v55+s19+$0x0] =	vst.idx.msk $0xffff, v2;
	v2 =	vadd.f32 v62, v34  }
0x435: {  	[tilespmem:v6+s19+$0x0] =	vst.idx.msk $0xffff, v0;
	v0 =	vadd.f32 v61, v34;
	v6 =	vadd.s32 v8, v44;
	v61 =	vld [tilespmem:s24+$0xFFFFFEB0]  }
0x436: {  	v55 =	vadd.s32 v12, v45;
	v62 =	vld [tilespmem:s24+$0xFFFFFEF0];
	v45 =	vadd.s32 v13, v45;
	v44 =	vadd.s32 v9, v44  }
0x437: {  	[tilespmem:v3+s19+$0x0] =	vst.idx.msk $0xffff, v0;
	v0 =	vadd.f32 v4, v34;
	v3 =	vadd.s32 v16, v43;
	v4 =	vld [tilespmem:s24+$0xFFFFFF30]  }
0x438: {  	[tilespmem:v5+s19+$0x0] =	vst.idx.msk $0xffff, v2;
	v2 =	vadd.f32 v53, v34;
	v5 =	vadd.s32 v20, v40;
	v53 =	vld [tilespmem:s24+$0xFFFFFF70]  }
0x439: {  	v57 =	vld [tilespmem:s24+$0xFFFFFFB0];
	[tilespmem:v54+s19+$0x0] =	vst.idx.msk $0xffff, v0;
	v0 =	vadd.f32 v60, v34;
	v54 =	vadd.s32 v24, v41  }
0x43a: {  	v60 =	vld [tilespmem:s24+$0xFFFFFC30];
	[tilespmem:v6+s19+$0x0] =	vst.idx.msk $0xffff, v2;
	v2 =	vadd.f32 v61, v34;
	v6 =	vadd.s32 v28, v38  }
0x43b: {  	v61 =	vld [tilespmem:s24+$0xFFFFFC80];
	[tilespmem:v55+s19+$0x0] =	vst.idx.msk $0xffff, v0;
	v0 =	vadd.f32 v62, v34;
	v55 =	vadd.s32 v32, v46  }
0x43c: {  	v41 =	vadd.s32 v25, v41;
	v62 =	vld [tilespmem:s24+$0xFFFFFCC0];
	[tilespmem:v3+s19+$0x0] =	vst.idx.msk $0xffff, v2;
	v2 =	vadd.f32 v4, v34  }
0x43d: {  	v3 =	vadd.s32 v13, v50;
	v4 =	vld [tilespmem:s24+$0xFFFFFD00];
	[tilespmem:v5+s19+$0x0] =	vst.idx.msk $0xffff, v0;
	v0 =	vadd.f32 v53, v34  }
0x43e: {  	v50 =	vadd.s32 v17, v51;
	v51 =	vld [tilespmem:s24+$0xFFFFFD40];
	[tilespmem:v54+s19+$0x0] =	vst.idx.msk $0xffff, v2;
	v2 =	vadd.f32 v57, v34  }
0x43f: {  	v38 =	vadd.s32 v29, v38;
	v5 =	vmov s28;
	v58 =	vadd.f32 v60, v34;
	v60 =	vld [tilespmem:s24+$0xFFFFFD80];
	[tilespmem:v6+s19+$0x0] =	vst.idx.msk $0xffff, v0  }
0x440: {  	v46 =	vadd.s32 v11, v46;
	v5 =	vshrl.u32 v5, $0x3;
	v6 =	vadd.f32 v61, v33;
	v61 =	vld [tilespmem:s24+$0xFFFFFDC0];
	[tilespmem:v55+s19+$0x0] =	vst.idx.msk $0xffff, v2  }
0x441: {  	s1 =	sadd.s32 $0x1, s28;
	v5 =	vshll.u32 v5, v1;
	[tilespmem:v56+s19+$0x0] =	vst.idx.msk $0xffff, v58;
	v62 =	vadd.f32 v62, v33;
	v55 =	vld [tilespmem:s24+$0xFFFFFE00]  }
0x442: {  	s30 =	sadd.s32 $0x2, s28;
	s31 =	sadd.s32 $0x3, s28;
	v0 =	vmov s1;
	[tilespmem:v3+s19+$0x0] =	vst.idx.msk $0xffff, v6;
	v3 =	vadd.f32 v4, v33;
	v4 =	vadd.s32 v11, v39;
	v6 =	vld [tilespmem:s24+$0xFFFFFE40]  }
0x443: {  	v2 =	vmov s30;
	v56 =	vmov s31;
	s30 =	sadd.s32 $0x4, s28;
	s31 =	sadd.s32 $0x5, s28;
	v59 =	vadd.f32 v51, v33;
	v51 =	vld [tilespmem:s24+$0xFFFFFE80];
	[tilespmem:v50+s19+$0x0] =	vst.idx.msk $0xffff, v62  }
0x444: {  	v39 =	vmov s30;
	v53 =	vmov s31;
	s30 =	sadd.s32 $0x6, s28;
	s31 =	sadd.s32 $0x7, s28;
	[tilespmem:v49+s19+$0x0] =	vst.idx.msk $0xffff, v3;
	v3 =	vadd.f32 v60, v33;
	v60 =	vld [tilespmem:s24+$0xFFFFFEC0]  }
0x445: {  	v54 =	vmov s30;
	v52 =	vmov s31;
	[tilespmem:v47+s19+$0x0] =	vst.idx.msk $0xffff, v59;
	v47 =	vld [tilespmem:s24+$0xFFFFFFC0];
	v61 =	vadd.f32 v61, v33  }
0x446: {  	v62 =	vld [tilespmem:s24+$0xFFFFFF00];
	s31 =	sadd.s32 $0x9, s28;
	v50 =	vshrl.u32 v2, $0x3;
	[tilespmem:v42+s19+$0x0] =	vst.idx.msk $0xffff, v3;
	v3 =	vadd.f32 v55, v33;
	v42 =	vadd.s32 v17, v43  }
0x447: {  	s30 =	sadd.s32 $0x8, s28;
	v57 =	vmov s31;
	v49 =	vshrl.u32 v54, $0x3;
	v43 =	vld [tilespmem:s24+$0xFFFFFF40];
	[tilespmem:v4+s19+$0x0] =	vst.idx.msk $0xffff, v61;
	v4 =	vadd.f32 v6, v33  }
0x448: {  	s31 =	sadd.s32 $0xB, s28;
	v55 =	vmov s30;
	s30 =	sadd.s32 $0xA, s28;
	v6 =	vadd.s32 v21, v40;
	v40 =	vld [tilespmem:s24+$0xFFFFFF80];
	[tilespmem:v48+s19+$0x0] =	vst.idx.msk $0xffff, v3;
	v3 =	vadd.f32 v51, v33  }
0x449: {  	v59 =	vmov s31;
	s31 =	sadd.s32 $0xD, s28;
	v58 =	vmov s30;
	v48 =	vld [tilespmem:s24+$0xFFFFFC40];
	[tilespmem:v44+s19+$0x0] =	vst.idx.msk $0xffff, v4;
	v4 =	vadd.f32 v60, v33  }
0x44a: {  	v61 =	vmov s31;
	v44 =	vshrl.u32 v0, $0x3;
	v0 =	vadd.f32 v47, v33;
	[tilespmem:v45+s19+$0x0] =	vst.idx.msk $0xffff, v3  }
0x44b: {  	p0 =	slt.u32 s28, $0x70;
	s30 =	sadd.s32 $0xC, s28;
	v51 =	vshrl.u32 v39, $0x3;
	v39 =	vshrl.u32 v61, $0x3;
	v3 =	vadd.f32 v62, v33;
	[tilespmem:v42+s19+$0x0] =	vst.idx.msk $0xffff, v4  }
.Ltmp4:
0x44c: {  	s29 =	sadd.s32 $0xE, s28;
	v60 =	vmov s30;
	v47 =	vshrl.u32 v55, $0x3;
	v4 =	vadd.f32 v43, v33;
	[tilespmem:v46+s19+$0x0] =	vst.idx.msk $0xffff, v0;
	(pc) =	sbr.rel @p0 .LBB2_11-.Ltmp4, $4  }
0x44d: {  	v62 =	vmov s29;
	v45 =	vshrl.u32 v56, $0x3;
	[tilespmem:v6+s19+$0x0] =	vst.idx.msk $0xffff, v3;
	v3 =	vadd.f32 v40, v33  }
0x44e: {  	v46 =	vshrl.u32 v52, $0x3;
	v42 =	vshrl.u32 v58, $0x3;
	[tilespmem:v41+s19+$0x0] =	vst.idx.msk $0xffff, v4;
	v2 =	vadd.f32 v48, v33  }
0x44f: {  	v43 =	vshrl.u32 v59, $0x3;
	v40 =	vshrl.u32 v62, $0x3;
	v48 =	vshrl.u32 v53, $0x3;
	[tilespmem:v38+s19+$0x0] =	vst.idx.msk $0xffff, v3  }
0x450: {  	s29 =	sadd.s32 $0xF, s28;
	s28 =	sadd.s32 $0x10, s28;
	v41 =	vshrl.u32 v60, $0x3;
	v38 =	vshrl.u32 v57, $0x3;
	[tilespmem:v37+s19+$0x0] =	vst.idx.msk $0xffff, v2;
	v37 =	vbroadcast v5, $0x0  }
0x451: {  	v0 =	vshll.u32 v44, v1;
	v2 =	vshll.u32 v50, v1;
	v3 =	vmov s29  }
0x452: {  	v4 =	vshll.u32 v45, v1;
	v5 =	vshll.u32 v51, v1;
	v6 =	vshll.u32 v48, v1;
	s24 =	sadd.s32 $0x400, s24  }
0x453: {  	v44 =	vshll.u32 v49, v1;
	v45 =	vshll.u32 v46, v1;
	v49 =	vshll.u32 v38, v1;
	v61 =	vld [tilespmem:s24+$0xFFFFFFD0]  }
0x454: {  	v3 =	vshrl.u32 v3, $0x3;
	v62 =	vld [tilespmem:s24+$0xFFFFFC10];
	v38 =	vbroadcast v0, $0x0;
	v0 =	vshll.u32 v41, v1  }
0x455: {  	v60 =	vld [tilespmem:s24+$0xFFFFFC50];
	v53 =	vadd.s32 v63, v37;
	v41 =	vbroadcast v2, $0x0;
	v3 =	vshll.u32 v3, v1  }
0x456: {  	v2 =	vshll.u32 v39, v1;
	v39 =	vbroadcast v4, $0x0;
	v58 =	vld [tilespmem:s24+$0xFFFFFD10];
	v3 =	vbroadcast v3, $0x0  }
0x457: {  	v56 =	vld [tilespmem:s24+$0xFFFFFCD0];
	v4 =	vshll.u32 v40, v1;
	v40 =	vbroadcast v5, $0x0;
	v55 =	vadd.s32 v10, v38  }
0x458: {  	v46 =	vshll.u32 v47, v1;
	v50 =	vshll.u32 v42, v1;
	v52 =	vadd.s32 v15, v3  }
0x459: {  	v54 =	vld [tilespmem:s24+$0xFFFFFC90];
	v42 =	vbroadcast v6, $0x0;
	v5 =	vadd.s32 v22, v40;
	v62 =	vadd.f32 v62, v36  }
0x45a: {  	v59 =	vld [tilespmem:s24+$0xFFFFFD50];
	v57 =	vadd.s32 v14, v41;
	v48 =	vadd.s32 v18, v39;
	v60 =	vadd.f32 v60, v36  }
0x45b: {  	v61 =	vadd.f32 v61, v36;
	v47 =	vadd.f32 v58, v36;
	[tilespmem:v53+s19+$0x0] =	vst.idx.msk $0xffff, v62  }
0x45c: {  	v53 =	vadd.s32 v26, v42;
	[tilespmem:v55+s19+$0x0] =	vst.idx.msk $0xffff, v60;
	v62 =	vadd.f32 v56, v36;
	v56 =	vld [tilespmem:s24+$0xFFFFFDD0]  }
0x45d: {  	v51 =	vshll.u32 v43, v1;
	v43 =	vbroadcast v44, $0x0;
	v44 =	vbroadcast v45, $0x0;
	[tilespmem:v52+s19+$0x0] =	vst.idx.msk $0xffff, v61;
	v52 =	vld [tilespmem:s24+$0xFFFFFD90]  }
0x45e: {  	[tilespmem:v5+s19+$0x0] =	vst.idx.msk $0xffff, v47;
	v61 =	vadd.f32 v54, v36  }
0x45f: {  	[tilespmem:v48+s19+$0x0] =	vst.idx.msk $0xffff, v62;
	v48 =	vadd.f32 v59, v36;
	v59 =	vadd.s32 v15, v44;
	v54 =	vld [tilespmem:s24+$0xFFFFFFE0]  }
0x460: {  	v45 =	vbroadcast v46, $0x0;
	v55 =	vadd.s32 v30, v43;
	[tilespmem:v57+s19+$0x0] =	vst.idx.msk $0xffff, v61;
	v57 =	vld [tilespmem:s24+$0xFFFFFE10]  }
0x461: {  	v46 =	vbroadcast v49, $0x0;
	v58 =	vadd.s32 v19, v3;
	v60 =	vld [tilespmem:s24+$0xFFFFFE50];
	[tilespmem:v53+s19+$0x0] =	vst.idx.msk $0xffff, v48;
	v48 =	vbroadcast v51, $0x0  }
0x462: {  	v53 =	vld [tilespmem:s24+$0xFFFFFED0];
	v62 =	vadd.f32 v56, v36;
	v5 =	vadd.f32 v52, v36;
	v52 =	vadd.s32 v63, v45  }
0x463: {  	v6 =	vadd.s32 v10, v46;
	v47 =	vbroadcast v50, $0x0;
	v61 =	vld [tilespmem:s24+$0xFFFFFE90]  }
0x464: {  	v56 =	vadd.s32 v18, v48;
	[tilespmem:v59+s19+$0x0] =	vst.idx.msk $0xffff, v62;
	v50 =	vadd.f32 v54, v35  }
0x465: {  	v49 =	vbroadcast v0, $0x0;
	v54 =	vadd.s32 v14, v47;
	[tilespmem:v55+s19+$0x0] =	vst.idx.msk $0xffff, v5;
	v0 =	vadd.f32 v57, v36  }
0x466: {  	[tilespmem:v58+s19+$0x0] =	vst.idx.msk $0xffff, v50;
	v50 =	vbroadcast v2, $0x0;
	v2 =	vadd.f32 v60, v36  }
0x467: {  	v62 =	vadd.f32 v53, v36;
	[tilespmem:v52+s19+$0x0] =	vst.idx.msk $0xffff, v0  }
0x468: {  	v0 =	vadd.f32 v61, v36;
	[tilespmem:v6+s19+$0x0] =	vst.idx.msk $0xffff, v2  }
0x469: {  	v55 =	vld [tilespmem:s24+$0xFFFFFF10];
	[tilespmem:v56+s19+$0x0] =	vst.idx.msk $0xffff, v62  }
0x46a: {  	v57 =	vld [tilespmem:s24+$0xFFFFFF50];
	[tilespmem:v54+s19+$0x0] =	vst.idx.msk $0xffff, v0  }
0x46b: {  	v10 =	vld [tilespmem:$0x1FE10]  }
0x46c: {  	v5 =	vadd.s32 v22, v49;
	v58 =	vld [tilespmem:s24+$0xFFFFFFF0]  }
0x46d: {  	v51 =	vbroadcast v4, $0x0;
	v59 =	vld [tilespmem:s24+$0xFFFFFF90];
	v52 =	vadd.s32 v26, v50  }
0x46e: {  	v2 =	vld [tilespmem:s24+$0xFFFFFC60];
	v6 =	vadd.s32 v23, v3  }
0x46f: {  	v60 =	vadd.f32 v55, v36;
	v54 =	vadd.s32 v30, v51  }
0x470: {  	v0 =	vld [tilespmem:s24+$0xFFFFFCA0];
	v61 =	vadd.f32 v57, v36;
	v4 =	vadd.s32 v10, v38  }
0x471: {  	v55 =	vld [tilespmem:s24+$0xFFFFFCE0];
	[tilespmem:v5+s19+$0x0] =	vst.idx.msk $0xffff, v60;
	v62 =	vadd.f32 v58, v34  }
0x472: {  	v60 =	vadd.f32 v59, v36;
	v15 =	vld [tilespmem:$0x1FEB0];
	[tilespmem:v52+s19+$0x0] =	vst.idx.msk $0xffff, v61  }
0x473: {  	v2 =	vadd.f32 v2, v35;
	v14 =	vld [tilespmem:$0x1FEF0];
	[tilespmem:v6+s19+$0x0] =	vst.idx.msk $0xffff, v62  }
0x474: {  	v18 =	vld [tilespmem:$0x1FF30];
	[tilespmem:v54+s19+$0x0] =	vst.idx.msk $0xffff, v60  }
0x475: {  	v22 =	vld [tilespmem:$0x1FF70];
	[tilespmem:v4+s19+$0x0] =	vst.idx.msk $0xffff, v2  }
0x476: {  	v31 =	vld [tilespmem:$0x1FFB0]  }
0x477: {  	v53 =	vld [tilespmem:s24+$0xFFFFFD20];
	v5 =	vadd.s32 v15, v41  }
0x478: {  	v61 =	vld [tilespmem:s24+$0xFFFFFD60];
	v52 =	vadd.s32 v14, v39  }
0x479: {  	v62 =	vld [tilespmem:s24+$0xFFFFFDA0];
	v6 =	vadd.s32 v18, v40  }
0x47a: {  	v0 =	vadd.f32 v0, v35;
	v54 =	vld [tilespmem:s24+$0x0];
	v36 =	vadd.s32 v22, v42  }
0x47b: {  	v60 =	vld [tilespmem:s24+$0xFFFFFDE0];
	v2 =	vadd.f32 v55, v35;
	v4 =	vadd.s32 v31, v43  }
0x47c: {  	v3 =	vadd.s32 v27, v3;
	[tilespmem:v5+s19+$0x0] =	vst.idx.msk $0xffff, v0;
	v0 =	vadd.f32 v53, v35;
	v5 =	vld [tilespmem:s24+$0xFFFFFE20]  }
0x47d: {  	[tilespmem:v52+s19+$0x0] =	vst.idx.msk $0xffff, v2;
	v2 =	vadd.f32 v61, v35;
	v52 =	vadd.s32 v19, v44;
	v61 =	vld [tilespmem:s24+$0xFFFFFE60]  }
0x47e: {  	[tilespmem:v6+s19+$0x0] =	vst.idx.msk $0xffff, v0;
	v0 =	vadd.f32 v62, v35;
	v6 =	vadd.s32 v7, v45;
	v62 =	vld [tilespmem:s24+$0xFFFFFEA0]  }
0x47f: {  	v54 =	vadd.f32 v54, v33;
	[tilespmem:v36+s19+$0x0] =	vst.idx.msk $0xffff, v2;
	v2 =	vadd.s32 v10, v46;
	v36 =	vld [tilespmem:s24+$0xFFFFFEE0]  }
0x480: {  	v55 =	vld [tilespmem:s24+$0xFFFFFF20];
	[tilespmem:v4+s19+$0x0] =	vst.idx.msk $0xffff, v0;
	v0 =	vadd.f32 v60, v35;
	v60 =	vadd.s32 v15, v47  }
0x481: {  	[tilespmem:v3+s19+$0x0] =	vst.idx.msk $0xffff, v54;
	v3 =	vadd.s32 v14, v48;
	v54 =	vld [tilespmem:s24+$0xFFFFFF60];
	v5 =	vadd.f32 v5, v35  }
0x482: {  	[tilespmem:v52+s19+$0x0] =	vst.idx.msk $0xffff, v0;
	v0 =	vadd.f32 v61, v35;
	v61 =	vadd.s32 v18, v49  }
0x483: {  	v56 =	vadd.s32 v22, v50;
	[tilespmem:v6+s19+$0x0] =	vst.idx.msk $0xffff, v5;
	v62 =	vadd.f32 v62, v35  }
0x484: {  	[tilespmem:v2+s19+$0x0] =	vst.idx.msk $0xffff, v0;
	v2 =	vadd.f32 v36, v35  }
0x485: {  	v53 =	vld [tilespmem:s24+$0xFFFFFFA0];
	v55 =	vadd.f32 v55, v35;
	[tilespmem:v60+s19+$0x0] =	vst.idx.msk $0xffff, v62  }
0x486: {  	v54 =	vadd.f32 v54, v35;
	v5 =	vld [tilespmem:s24+$0xFFFFFC20];
	[tilespmem:v3+s19+$0x0] =	vst.idx.msk $0xffff, v2  }
0x487: {  	v59 =	vadd.s32 v7, v37;
	v7 =	vld [tilespmem:$0x1FE20];
	[tilespmem:v61+s19+$0x0] =	vst.idx.msk $0xffff, v55  }
0x488: {  	v16 =	vld [tilespmem:$0x1FEC0];
	[tilespmem:v56+s19+$0x0] =	vst.idx.msk $0xffff, v54  }
0x489: {  	v20 =	vld [tilespmem:$0x1FF00]  }
0x48a: {  	v58 =	vadd.s32 v31, v51;
	v0 =	vld [tilespmem:s24+$0xFFFFFC70]  }
0x48b: {  	v60 =	vld [tilespmem:s24+$0xFFFFFCB0]  }
0x48c: {  	v3 =	vld [tilespmem:s24+$0xFFFFFCF0];
	v2 =	vadd.s32 v7, v38  }
0x48d: {  	v53 =	vadd.f32 v53, v35;
	v62 =	vld [tilespmem:s24+$0xFFFFFD30];
	v61 =	vadd.s32 v16, v41  }
0x48e: {  	v5 =	vadd.f32 v5, v35;
	v54 =	vld [tilespmem:s24+$0xFFFFFD70];
	v35 =	vadd.s32 v20, v39  }
0x48f: {  	v57 =	vld [tilespmem:s24+$0xFFFFFDB0];
	v36 =	vadd.s32 v24, v40;
	v0 =	vadd.f32 v0, v34;
	[tilespmem:v58+s19+$0x0] =	vst.idx.msk $0xffff, v53  }
0x490: {  	[tilespmem:v59+s19+$0x0] =	vst.idx.msk $0xffff, v5;
	v59 =	vadd.s32 v28, v42;
	v58 =	vadd.f32 v60, v34;
	v60 =	vld [tilespmem:s24+$0xFFFFFDF0]  }
0x491: {  	[tilespmem:v2+s19+$0x0] =	vst.idx.msk $0xffff, v0;
	v0 =	vadd.f32 v3, v34;
	v2 =	vadd.s32 v32, v43;
	v3 =	vld [tilespmem:s24+$0xFFFFFE30]  }
0x492: {  	v52 =	vadd.s32 v23, v44;
	[tilespmem:v61+s19+$0x0] =	vst.idx.msk $0xffff, v58;
	v61 =	vadd.f32 v62, v34;
	v62 =	vld [tilespmem:s24+$0xFFFFFE70]  }
0x493: {  	[tilespmem:v35+s19+$0x0] =	vst.idx.msk $0xffff, v0;
	v0 =	vadd.f32 v54, v34;
	v35 =	vadd.s32 v8, v45;
	v54 =	vld [tilespmem:s24+$0xFFFFFEB0]  }
0x494: {  	v56 =	vadd.f32 v57, v34;
	v57 =	vadd.s32 v7, v46;
	v58 =	vld [tilespmem:s24+$0xFFFFFEF0];
	[tilespmem:v36+s19+$0x0] =	vst.idx.msk $0xffff, v61  }
0x495: {  	[tilespmem:v59+s19+$0x0] =	vst.idx.msk $0xffff, v0;
	v0 =	vadd.f32 v60, v34;
	v59 =	vadd.s32 v16, v47;
	v60 =	vld [tilespmem:s24+$0xFFFFFF30]  }
0x496: {  	v61 =	vld [tilespmem:s24+$0xFFFFFF70];
	[tilespmem:v2+s19+$0x0] =	vst.idx.msk $0xffff, v56;
	v2 =	vadd.f32 v3, v34;
	v3 =	vadd.s32 v20, v48  }
0x497: {  	v55 =	vld [tilespmem:s24+$0xFFFFFFB0];
	[tilespmem:v52+s19+$0x0] =	vst.idx.msk $0xffff, v0;
	v0 =	vadd.f32 v62, v34;
	v62 =	vadd.s32 v24, v49  }
0x498: {  	[tilespmem:v35+s19+$0x0] =	vst.idx.msk $0xffff, v2;
	v2 =	vld [tilespmem:s24+$0xFFFFFC30];
	v7 =	vadd.f32 v54, v34;
	v54 =	vadd.s32 v28, v50  }
0x499: {  	v56 =	vadd.f32 v58, v34;
	[tilespmem:v57+s19+$0x0] =	vst.idx.msk $0xffff, v0;
	v0 =	vld [tilespmem:s24+$0xFFFFFC80];
	v57 =	vadd.s32 v32, v51  }
0x49a: {  	v58 =	vadd.s32 v8, v37;
	[tilespmem:v59+s19+$0x0] =	vst.idx.msk $0xffff, v7;
	v59 =	vld [tilespmem:s24+$0xFFFFFCC0];
	v6 =	vadd.f32 v60, v34  }
0x49b: {  	v4 =	vadd.f32 v61, v34;
	v60 =	vld [tilespmem:s24+$0xFFFFFD00];
	[tilespmem:v3+s19+$0x0] =	vst.idx.msk $0xffff, v56;
	v3 =	vadd.s32 v13, v38  }
0x49c: {  	v52 =	vadd.f32 v55, v34;
	v61 =	vadd.s32 v17, v41;
	[tilespmem:v62+s19+$0x0] =	vst.idx.msk $0xffff, v6;
	v62 =	vld [tilespmem:s24+$0xFFFFFD40]  }
0x49d: {  	v55 =	vld [tilespmem:s24+$0xFFFFFD80];
	[tilespmem:v54+s19+$0x0] =	vst.idx.msk $0xffff, v4;
	v2 =	vadd.f32 v2, v34;
	v54 =	vadd.s32 v21, v39  }
0x49e: {  	v56 =	vadd.s32 v25, v40;
	[tilespmem:v57+s19+$0x0] =	vst.idx.msk $0xffff, v52;
	v0 =	vadd.f32 v0, v33;
	v57 =	vld [tilespmem:s24+$0xFFFFFDC0]  }
0x49f: {  	[tilespmem:v58+s19+$0x0] =	vst.idx.msk $0xffff, v2;
	v2 =	vadd.f32 v59, v33;
	v58 =	vadd.s32 v29, v42;
	v59 =	vld [tilespmem:s24+$0xFFFFFE00]  }
0x4a0: {  	[tilespmem:v3+s19+$0x0] =	vst.idx.msk $0xffff, v0;
	v0 =	vadd.f32 v60, v33;
	v3 =	vadd.s32 v11, v43;
	v60 =	vld [tilespmem:s24+$0xFFFFFE40]  }
0x4a1: {  	[tilespmem:v61+s19+$0x0] =	vst.idx.msk $0xffff, v2;
	v2 =	vadd.f32 v62, v33;
	v61 =	vadd.s32 v27, v44;
	v62 =	vld [tilespmem:s24+$0xFFFFFE80]  }
0x4a2: {  	v44 =	vadd.s32 v9, v45;
	v45 =	vld [tilespmem:s24+$0xFFFFFEC0];
	[tilespmem:v54+s19+$0x0] =	vst.idx.msk $0xffff, v0;
	v0 =	vadd.f32 v55, v33  }
0x4a3: {  	v46 =	vadd.s32 v13, v46;
	v52 =	vld [tilespmem:s24+$0xFFFFFF00];
	[tilespmem:v56+s19+$0x0] =	vst.idx.msk $0xffff, v2;
	v2 =	vadd.f32 v57, v33  }
0x4a4: {  	v53 =	vadd.s32 v17, v47;
	v54 =	vld [tilespmem:s24+$0xFFFFFF40];
	[tilespmem:v58+s19+$0x0] =	vst.idx.msk $0xffff, v0;
	v0 =	vadd.f32 v59, v33  }
0x4a5: {  	v55 =	vld [tilespmem:s24+$0xFFFFFF80];
	[tilespmem:v3+s19+$0x0] =	vst.idx.msk $0xffff, v2;
	v2 =	vadd.f32 v60, v33;
	v3 =	vadd.s32 v21, v48  }
0x4a6: {  	v56 =	vadd.s32 v25, v49;
	v57 =	vld [tilespmem:s24+$0xFFFFFFC0];
	[tilespmem:v61+s19+$0x0] =	vst.idx.msk $0xffff, v0;
	v0 =	vadd.f32 v62, v33  }
0x4a7: {  	v59 =	vadd.s32 v29, v50;
	v58 =	vadd.f32 v45, v33;
	[tilespmem:v44+s19+$0x0] =	vst.idx.msk $0xffff, v2;
	v2 =	vld [tilespmem:s24+$0xFFFFFC40]  }
0x4a8: {  	v60 =	vadd.s32 v11, v51;
	[tilespmem:v46+s19+$0x0] =	vst.idx.msk $0xffff, v0;
	v0 =	vadd.f32 v52, v33  }
0x4a9: {  	v61 =	vadd.s32 v9, v37;
	v62 =	vadd.f32 v54, v33;
	[tilespmem:v53+s19+$0x0] =	vst.idx.msk $0xffff, v58  }
0x4aa: {  	[tilespmem:v3+s19+$0x0] =	vst.idx.msk $0xffff, v0;
	v0 =	vadd.f32 v55, v33  }
0x4ab: {  	[tilespmem:v56+s19+$0x0] =	vst.idx.msk $0xffff, v62;
	v3 =	vadd.f32 v57, v33  }
0x4ac: {  	[tilespmem:v59+s19+$0x0] =	vst.idx.msk $0xffff, v0;
	v0 =	vadd.f32 v2, v33  }
0x4ad: {  	s1 =	sadd.s32 @!p1 $0x300, s25;
	[tilespmem:v60+s19+$0x0] =	vst.idx.msk $0xffff, v3  }
0x4ae: {  	s25 =	simm.s32 @!p1 $0xD600;
	s30 =	sshll.u32 s26, $0x12;
	s24 =	simm.s32 @!p1 $0x100;
	[tilespmem:v61+s19+$0x0] =	vst.idx.msk $0xffff, v0  }
0x4af: {  	[tilespmem:s25], [sflag:$0x2] =	stream.indirect.gather @!p1 [hbm4b:s4+s24], $0x40, s1, s24, $0xb8;
	[tilespmem:$0x19E00] =	vst v63  }
0x4b0: {  	s1 =	sor.u32 s7, s30  }
0x4b1: {  	s1 =	sshrl.u32 s1, $0x3  }
0x4b2: {  	s31 =	simm.s32 $0x15A00;
	s1 =	sadd.s32 s2, s1  }
0x4b3: {  	[hbm4b:s1+s3] =	stream.linear.scatter [tilespmem:s31], [sflag:$0x4], $0x80, $0x38;
	[tilespmem:$0x19E00] =	vst v63  }
0x4b4: {  	s25 =	simm.s32 $0x15A88;
	s26 =	sadd.s32 $0x10, s1  }
0x4b5: {  	[hbm4b:s26+s3] =	stream.linear.scatter [tilespmem:s25], [sflag:$0x4], $0x80, $0x38;
	[tilespmem:$0x19E00] =	vst v63  }
0x4b6: {  	s28 =	simm.s32 $0x15DB8;
	s30 =	simm.s32 $0x15B10;
	s31 =	sadd.s32 $0x20, s1  }
0x4b7: {  	[hbm4b:s31+s3] =	stream.linear.scatter [tilespmem:s30], [sflag:$0x4], $0x80, $0x38;
	[tilespmem:$0x19E00] =	vst v63  }
0x4b8: {  	s24 =	simm.s32 $0x440;
	s25 =	simm.s32 $0x15B98;
	s26 =	sadd.s32 $0x30, s1  }
0x4b9: {  	[hbm4b:s26+s3] =	stream.linear.scatter [tilespmem:s25], [sflag:$0x4], $0x80, $0x38;
	[tilespmem:$0x19E00] =	vst v63  }
0x4ba: {  	s29 =	sadd.s32 $0x70, s1;
	s30 =	simm.s32 $0x15C20;
	s31 =	sadd.s32 $0x40, s1  }
0x4bb: {  	[hbm4b:s31+s3] =	stream.linear.scatter [tilespmem:s30], [sflag:$0x4], $0x80, $0x38;
	[tilespmem:$0x19E00] =	vst v63  }
0x4bc: {  	s25 =	simm.s32 $0x15CA8;
	s26 =	sadd.s32 $0x50, s1;
	s30 =	simm.s32 $0x15D30  }
0x4bd: {  	[hbm4b:s26+s3] =	stream.linear.scatter [tilespmem:s25], [sflag:$0x4], $0x80, $0x38;
	[tilespmem:$0x19E00] =	vst v63  }
0x4be: {  	s31 =	sadd.s32 $0x60, s1;
	s26 =	simm.s32 $0x2200;
	s25 =	sadd.s32 $0x1000, s1  }
0x4bf: {  	v19 =	vmovc v14;
	v23 =	vmov v18;
	v13 =	vmov v29;
	v27 =	vmov v22;
	[hbm4b:s31+s3] =	stream.linear.scatter [tilespmem:s30], [sflag:$0x4], $0x80, $0x38;
	[tilespmem:$0x19E00] =	vst v63  }
.LBB2_13:
0x4c0: {  	[hbm4b:s29+s3] =	stream.linear.scatter [tilespmem:s28], [sflag:$0x4], $0x80, $0x38;
	[tilespmem:$0x19E00] =	vst v63  }
0x4c1: {  	s1 =	smov.u32 s24;
	s24 =	smov.u32 s26  }
0x4c2: {  	s30 =	sadd.s32 $0x1100, s26;
	s24 =	sshra.s32 s24, $0x2;
	s28 =	sadd.s32 $0x15A00, s1  }
0x4c3: {  	[hbm4b:s25+s3] =	stream.linear.scatter [tilespmem:s28], [sflag:$0x4], $0x80, $0x38;
	[tilespmem:$0x19E00] =	vst v63  }
0x4c4: {  	p0 =	sne.s32 s26, $0xFF00;
	s26 =	sadd.s32 $0x15A88, s1;
	s28 =	sadd.s32 $0x10, s25  }
0x4c5: {  	[hbm4b:s28+s3] =	stream.linear.scatter [tilespmem:s26], [sflag:$0x4], $0x80, $0x38;
	[tilespmem:$0x19E00] =	vst v63  }
0x4c6: {  	s26 =	sadd.s32 $0x15B10, s1;
	s28 =	sadd.s32 $0x20, s25  }
0x4c7: {  	[hbm4b:s28+s3] =	stream.linear.scatter [tilespmem:s26], [sflag:$0x4], $0x80, $0x38;
	[tilespmem:$0x19E00] =	vst v63  }
0x4c8: {  	s26 =	sadd.s32 $0x15B98, s1;
	s28 =	sadd.s32 $0x30, s25  }
0x4c9: {  	[hbm4b:s28+s3] =	stream.linear.scatter [tilespmem:s26], [sflag:$0x4], $0x80, $0x38;
	[tilespmem:$0x19E00] =	vst v63  }
0x4ca: {  	s26 =	sadd.s32 $0x15C20, s1;
	s28 =	sadd.s32 $0x40, s25  }
0x4cb: {  	[hbm4b:s28+s3] =	stream.linear.scatter [tilespmem:s26], [sflag:$0x4], $0x80, $0x38;
	[tilespmem:$0x19E00] =	vst v63  }
.Ltmp5:
0x4cc: {  	s26 =	sadd.s32 $0x15CA8, s1;
	s28 =	sadd.s32 $0x50, s25;
	(pc) =	sbr.rel @p0 .LBB2_13-.Ltmp5, $4  }
0x4cd: {  	[hbm4b:s28+s3] =	stream.linear.scatter [tilespmem:s26], [sflag:$0x4], $0x80, $0x38;
	[tilespmem:$0x19E00] =	vst v63  }
0x4ce: {  	s29 =	sadd.s32 $0x70, s25;
	s26 =	sadd.s32 $0x15D30, s1;
	s28 =	sadd.s32 $0x60, s25  }
0x4cf: {  	[hbm4b:s28+s3] =	stream.linear.scatter [tilespmem:s26], [sflag:$0x4], $0x80, $0x38;
	[tilespmem:$0x19E00] =	vst v63  }
0x4d0: {  	s25 =	sadd.s32 $0x1000, s25;
	s28 =	sadd.s32 $0x15DB8, s1;
	s26 =	smov.u32 s30  }
0x4d1: {  	[hbm4b:s29+s3] =	stream.linear.scatter [tilespmem:s28], [sflag:$0x4], $0x80, $0x38;
	[tilespmem:$0x19E00] =	vst v63  }
0x4d2: {  	s1 =	sadd.s32 $0x15A00, s24  }
0x4d3: {  	[hbm4b:s25+s3] =	stream.linear.scatter [tilespmem:s1], [sflag:$0x4], $0x80, $0x38;
	[tilespmem:$0x19E00] =	vst v63  }
0x4d4: {  	s31 =	sadd.s32 $0x15A88, s24;
	s26 =	sadd.s32 $0x10, s25  }
0x4d5: {  	[hbm4b:s26+s3] =	stream.linear.scatter [tilespmem:s31], [sflag:$0x4], $0x80, $0x38;
	[tilespmem:$0x19E00] =	vst v63  }
0x4d6: {  	s28 =	sadd.s32 $0x15B10, s24;
	s29 =	sadd.s32 $0x20, s25  }
0x4d7: {  	[hbm4b:s29+s3] =	stream.linear.scatter [tilespmem:s28], [sflag:$0x4], $0x80, $0x38;
	[tilespmem:$0x19E00] =	vst v63  }
0x4d8: {  	s30 =	sadd.s32 $0x15B98, s24;
	s31 =	sadd.s32 $0x30, s25  }
0x4d9: {  	v7 =	vld [tilespmem:$0x1FE70];
	[hbm4b:s31+s3] =	stream.linear.scatter [tilespmem:s30], [sflag:$0x4], $0x80, $0x38  }
0x4da: {  	s23 =	sadd.s32 $0x1, s23;
	v8 =	vld [tilespmem:$0x1FE80];
	s28 =	sadd.s32 $0x15C20, s24;
	s29 =	sadd.s32 $0x40, s25  }
0x4db: {  	v6 =	vld [tilespmem:$0x1FE90];
	[hbm4b:s29+s3] =	stream.linear.scatter [tilespmem:s28], [sflag:$0x4], $0x80, $0x38  }
0x4dc: {  	v14 =	vld [tilespmem:$0x1FEA0];
	p0 =	sne.s32 s23, $0x32;
	s30 =	sadd.s32 $0x15CA8, s24;
	s31 =	sadd.s32 $0x50, s25  }
0x4dd: {  	v18 =	vld [tilespmem:$0x1FEE0];
	[hbm4b:s31+s3] =	stream.linear.scatter [tilespmem:s30], [sflag:$0x4], $0x80, $0x38  }
.Ltmp6:
0x4de: {  	v22 =	vld [tilespmem:$0x1FF20];
	(pc) =	sbr.rel @p0 .LBB2_2-.Ltmp6, $4  }
0x4df: {  	v26 =	vld [tilespmem:$0x1FF60];
	s28 =	sadd.s32 $0x15D30, s24;
	s29 =	sadd.s32 $0x60, s25  }
0x4e0: {  	v30 =	vld [tilespmem:$0x1FFA0];
	[hbm4b:s29+s3] =	stream.linear.scatter [tilespmem:s28], [sflag:$0x4], $0x80, $0x38  }
0x4e1: {  	v5 =	vld [tilespmem:$0x1FFD0];
	s30 =	sadd.s32 $0x15DB8, s24;
	s31 =	sadd.s32 $0x70, s25  }
0x4e2: {  	v9 =	vld [tilespmem:$0x1FFE0];
	[hbm4b:s31+s3] =	stream.linear.scatter [tilespmem:s30], [sflag:$0x4], $0x80, $0x38  }
0x4e3: {  	s22 =	sadd.s32 $0x1, s22  }
0x4e4: {  	_ =	swait.ge [sflag:s20], $0x4000;
	p0 =	sne.s32 s22, s8  }
.Ltmp7:
0x4e5: {  	[sflag:s20] =	ssyncset.done $0x0;
	(pc) =	sbr.rel @p0 .LBB2_1-.Ltmp7, $4  }
0x4e6: {  	[sflag:s20] =	ssyncadd.s32 $0xFFFFC000  }
0x4e7: {  	_ =	swait.ge [sflag:s21], $0x4000  }
0x4e8: {  	[sflag:s21] =	ssyncset.done $0x0  }
0x4e9: {  	[sflag:s21] =	ssyncadd.s32 $0xFFFFC000  }
0x4ea: {  	_ =	sfence.sel $0x180000  }
0x4eb: {  	[bflag:$0x0] =	sbarrier.arrive $0xFFFF  }
0x4ec: {  	_ =	strace $0x90000047  }
0x4ed: {  	[bflag:$0x2] =	sbarrier.arrive $0xFFFF  }
0x4ee: {  	p0 =	sne.s32 s0, $0x0;
	s0 =	rddreg [dreg:$0x2]  }
0x4ef: {  	s0 =	sadd.s32 @!p0 $0x100000, s0  }
0x4f0: {  	[sflag:s0] =	ssyncadd.tile.s32 @!p0 $0x1;
	_ =	shalt  }
.Lfunc_end2:
_tile_overlayer_lowered:
.L_overlay_start_2:
0x4f1: {  	(tag) =	ssettag $0x2  }
0x4f2: {  	s0 =	rddreg [dreg:$0x0];
	s2 =	stileid.u32  }
0x4f3: {  	s1 =	rddreg [dreg:$0x1];
	p0 =	sne.s32 s2, $0x0  }
0x4f4: {  	s3 =	rddreg [dreg:$0x2];
	[bflag:$0x3] =	sbarrier.arrive $0xFFFF;
	s2 =	simm.s32 @!p0 $0x1C05  }
0x4f5: {  	[timem:s3], [sflag:s2] =	dma.local @!p0 [hbm:s0], s1  }
0x4f6: {  	s0 =	simm.s32 @!p0 $0x5  }
0x4f7: {  	_ =	swait.ge @!p0 [sflag:s0], s1  }
0x4f8: {  	s1 =	ssub.s32 @!p0 $0x0, s1;
	[sflag:s0] =	ssyncset.done @!p0 $0x0  }
0x4f9: {  	[sflag:s0] =	ssyncadd.s32 @!p0 s1  }
0x4fa: {  	[bflag:$0x3] =	sbarrier.arrive $0xFFFF  }
0x4fb: {  	_ =	shalt  }

</sc_bundles>
